<compile_context>
chip_gen: v7x
topology: tpu7x:2x2x1
jax: 0.10.2.dev20260603
libtpu: 0.0.44.dev20260713+nightly
codegen_flags: <defaults>
</compile_context>

<pallas_src>
import jax
import jax.numpy as jnp
from jax import lax
from jax.experimental import pallas as pl
from jax.experimental.pallas import tpu as pltpu
from jax.experimental.pallas import tpu_sc as plsc

N = 16000
E = 256000
IN = 128
HID = 256
LAT = 64
BATCH = 16
N_PER = 1000

NUM_TILES = 16
EDGE_CHUNK = 128
CHUNKS_PER_TILE = E // (NUM_TILES * EDGE_CHUNK)
NODES_PER_TILE = N // NUM_TILES
FLUSH_CHUNK = 125
N_FLUSH = NODES_PER_TILE // FLUSH_CHUNK


def _seg_scratch():
    return [
        pltpu.VMEM((CHUNKS_PER_TILE, EDGE_CHUNK), jnp.int32),
        pltpu.VMEM((CHUNKS_PER_TILE, EDGE_CHUNK), jnp.int32),
        pltpu.VMEM((EDGE_CHUNK, 64), jnp.float32),
        pltpu.VMEM((EDGE_CHUNK, 64), jnp.float32),
        pltpu.VMEM((EDGE_CHUNK, 64), jnp.float32),
        pltpu.VMEM((EDGE_CHUNK, 64), jnp.float32),
        pltpu.VMEM_SHARED((N, 64), jnp.float32),
        pltpu.SemaphoreType.DMA,
        pltpu.SemaphoreType.DMA,
    ]


def _seg_pass(c, s, tbl_pair, out_pair, zeros_h,
              idx_s, idx_d, rowsA, rowsB, rowsC, rowsD, accum, gsem, ssem):
    nbase = s * NODES_PER_TILE
    pltpu.sync_copy(zeros_h, accum.at[pl.ds(nbase, NODES_PER_TILE)])
    plsc.subcore_barrier()

    t0, t1 = tbl_pair
    bufs = (rowsA, rowsB, rowsC, rowsD)

    def gf(chunk, q):
        @pl.when(c == 0)
        def _():
            pltpu.async_copy(t0.at[idx_s.at[chunk]], bufs[q], gsem)

        @pl.when(c == 1)
        def _():
            pltpu.async_copy(t1.at[idx_s.at[chunk]], bufs[q], gsem)

    def gw(q):
        pltpu.make_async_copy(t0.at[idx_s.at[0]], bufs[q], gsem).wait()

    def sf(chunk, q):
        pltpu.async_copy(bufs[q], accum.at[idx_d.at[chunk]], ssem, add=True)

    def sw():
        pltpu.make_async_copy(bufs[0], accum.at[idx_d.at[0]], ssem).wait()

    gf(0, 0)
    gf(1, 1)
    gf(2, 2)
    gw(0); sf(0, 0); gf(3, 3)
    gw(1); sf(1, 1); sw(); gf(4, 0)
    gw(2); sf(2, 2); sw(); gf(5, 1)
    gw(3); sf(3, 3); sw(); gf(6, 2)

    @pl.loop(0, (CHUNKS_PER_TILE - 9) // 4)
    def _(j):
        n = 4 + 4 * j
        gw(0); sf(n, 0); sw(); gf(n + 3, 3)
        gw(1); sf(n + 1, 1); sw(); gf(n + 4, 0)
        gw(2); sf(n + 2, 2); sw(); gf(n + 5, 1)
        gw(3); sf(n + 3, 3); sw(); gf(n + 6, 2)

    gw(0); sf(CHUNKS_PER_TILE - 5, 0); sw(); gf(CHUNKS_PER_TILE - 2, 3)
    gw(1); sf(CHUNKS_PER_TILE - 4, 1); sw(); gf(CHUNKS_PER_TILE - 1, 0)
    gw(2); sf(CHUNKS_PER_TILE - 3, 2); sw()
    gw(3); sf(CHUNKS_PER_TILE - 2, 3); sw()
    gw(0); sf(CHUNKS_PER_TILE - 1, 0); sw()
    sw()

    plsc.subcore_barrier()

    o0, o1 = out_pair

    @pl.when(c == 0)
    def _():
        pltpu.sync_copy(accum.at[pl.ds(nbase, NODES_PER_TILE)],
                        o0.at[pl.ds(nbase, NODES_PER_TILE)])

    @pl.when(c == 1)
    def _():
        pltpu.sync_copy(accum.at[pl.ds(nbase, NODES_PER_TILE)],
                        o1.at[pl.ds(nbase, NODES_PER_TILE)])

    plsc.subcore_barrier()


def _stage_indices(src_h, dst_h, s, idx_s, idx_d):
    pltpu.sync_copy(src_h.at[pl.ds(s * CHUNKS_PER_TILE, CHUNKS_PER_TILE)],
                    idx_s)
    pltpu.sync_copy(dst_h.at[pl.ds(s * CHUNKS_PER_TILE, CHUNKS_PER_TILE)],
                    idx_d)


def _seg_body_gc1(src_h, dst_h, zeros_h, t0, t1, out0, out1, *scr):
    c = lax.axis_index("c")
    s = lax.axis_index("s")
    _stage_indices(src_h, dst_h, s, scr[0], scr[1])
    _seg_pass(c, s, (t0, t1), (out0, out1), zeros_h, *scr)


def _seg_gc1(src2d, dst2d, zeros_h, t0, t1):
    mesh = plsc.VectorSubcoreMesh(core_axis_name="c", subcore_axis_name="s",
                                  num_cores=2, num_subcores=NUM_TILES)
    out = jax.ShapeDtypeStruct((N, 64), jnp.float32)
    f = pl.kernel(
        _seg_body_gc1,
        out_type=(out, out),
        mesh=mesh,
        compiler_params=pltpu.CompilerParams(use_tc_tiling_on_sc=False),
        scratch_types=_seg_scratch(),
    )
    return f(src2d, dst2d, zeros_h, t0, t1)


def _seg_body_gc2(src_h, dst_h, zeros_h, t0, t1, t2, t3,
                  out0, out1, out2, out3, *scr):
    c = lax.axis_index("c")
    s = lax.axis_index("s")
    _stage_indices(src_h, dst_h, s, scr[0], scr[1])
    _seg_pass(c, s, (t0, t2), (out0, out2), zeros_h, *scr)
    _seg_pass(c, s, (t1, t3), (out1, out3), zeros_h, *scr)


def _seg_gc2(src2d, dst2d, zeros_h, t0, t1, t2, t3):
    mesh = plsc.VectorSubcoreMesh(core_axis_name="c", subcore_axis_name="s",
                                  num_cores=2, num_subcores=NUM_TILES)
    out = jax.ShapeDtypeStruct((N, 64), jnp.float32)
    f = pl.kernel(
        _seg_body_gc2,
        out_type=(out, out, out, out),
        mesh=mesh,
        compiler_params=pltpu.CompilerParams(use_tc_tiling_on_sc=False),
        scratch_types=_seg_scratch(),
    )
    return f(src2d, dst2d, zeros_h, t0, t1, t2, t3)


ROWS_A = 1000


def _gc1_body(a0, a1, xb, wr, wx, b1, h1, g0, g1, g2, g3):
    agg = jnp.concatenate([a0[...], a1[...]], axis=1)
    h = jnp.dot(agg, wr[...], preferred_element_type=jnp.float32)
    h += jnp.dot(xb[...], wx[...], preferred_element_type=jnp.float32)
    h = jnp.maximum(h + b1[...], 0.0)
    h1[...] = h
    g0[...] = h[:, 0:64]
    g1[...] = h[:, 64:128]
    g2[...] = h[:, 128:192]
    g3[...] = h[:, 192:256]


def _gc1_dense(agg0, agg1, x, W_rel1, W_root1, b1):
    g_spec = pl.BlockSpec((ROWS_A, 64), lambda i: (i, 0))
    out64 = jax.ShapeDtypeStruct((N, 64), jnp.float32)
    return pl.pallas_call(
        _gc1_body,
        grid=(N // ROWS_A,),
        in_specs=[
            g_spec,
            g_spec,
            pl.BlockSpec((ROWS_A, IN), lambda i: (i, 0)),
            pl.BlockSpec((IN, HID), lambda i: (0, 0)),
            pl.BlockSpec((IN, HID), lambda i: (0, 0)),
            pl.BlockSpec((1, HID), lambda i: (0, 0)),
        ],
        out_specs=[pl.BlockSpec((ROWS_A, HID), lambda i: (i, 0)),
                   g_spec, g_spec, g_spec, g_spec],
        out_shape=[jax.ShapeDtypeStruct((N, HID), jnp.float32),
                   out64, out64, out64, out64],
    )(agg0, agg1, x, W_rel1, W_root1, b1)


NL_B = 40
FLAT = N_PER * HID


def _gc2_heads_body(a0, a1, a2, a3, h1b, wr, wx, b2, wl, wls, bl, bls,
                    loc_ref, ls_ref):
    i = pl.program_id(0)
    agg = jnp.concatenate([a0[...], a1[...], a2[...], a3[...]],
                          axis=2).reshape(BATCH * NL_B, HID)
    h = jnp.dot(agg, wr[...], preferred_element_type=jnp.float32)
    h += jnp.dot(h1b[...].reshape(BATCH * NL_B, HID), wx[...],
                 preferred_element_type=jnp.float32)
    h2 = jnp.maximum(h + b2[...], 0.0)
    flat = h2.reshape(BATCH, NL_B * HID)

    @pl.when(i == 0)
    def _():
        loc_ref[...] = jnp.broadcast_to(bl[...], (BATCH, LAT))
        ls_ref[...] = jnp.broadcast_to(bls[...], (BATCH, LAT))

    loc_ref[...] += jnp.dot(flat, wl[...].reshape(NL_B * HID, LAT),
                            preferred_element_type=jnp.float32)
    ls_ref[...] += jnp.dot(flat, wls[...].reshape(NL_B * HID, LAT),
                           preferred_element_type=jnp.float32)


def _gc2_heads(agg2s, h1, W_rel2, W_root2, b2, W_loc, b_loc, W_ls, b_ls):
    a_spec = pl.BlockSpec((BATCH, NL_B, 64), lambda i: (0, i, 0))
    w_spec = pl.BlockSpec((NL_B, HID, LAT), lambda i: (i, 0, 0))
    out_spec = pl.BlockSpec((BATCH, LAT), lambda i: (0, 0))
    out = jax.ShapeDtypeStruct((BATCH, LAT), jnp.float32)
    a3d = [a.reshape(BATCH, N_PER, 64) for a in agg2s]
    return pl.pallas_call(
        _gc2_heads_body,
        grid=(N_PER // NL_B,),
        in_specs=[
            a_spec, a_spec, a_spec, a_spec,
            pl.BlockSpec((BATCH, NL_B, HID), lambda i: (0, i, 0)),
            pl.BlockSpec((HID, HID), lambda i: (0, 0)),
            pl.BlockSpec((HID, HID), lambda i: (0, 0)),
            pl.BlockSpec((1, HID), lambda i: (0, 0)),
            w_spec, w_spec,
            pl.BlockSpec((1, LAT), lambda i: (0, 0)),
            pl.BlockSpec((1, LAT), lambda i: (0, 0)),
        ],
        out_specs=[out_spec, out_spec],
        out_shape=[out, out],
        compiler_params=pltpu.CompilerParams(
            dimension_semantics=("arbitrary",)),
    )(*a3d, h1.reshape(BATCH, N_PER, HID), W_rel2, W_root2, b2,
      W_loc.reshape(N_PER, HID, LAT), W_ls.reshape(N_PER, HID, LAT),
      b_loc, b_ls)


@jax.jit
def kernel(x, edge_index, batch, W_rel1, b1, W_root1, W_rel2, b2, W_root2,
           W_loc, b_loc, W_ls, b_ls):
    src2d = edge_index[0].reshape(E // EDGE_CHUNK, EDGE_CHUNK)
    dst2d = edge_index[1].reshape(E // EDGE_CHUNK, EDGE_CHUNK)
    zeros_h = jnp.zeros((NODES_PER_TILE, 64), jnp.float32)
    x0 = x[:, 0:64]
    x1 = x[:, 64:128]

    agg1_0, agg1_1 = _seg_gc1(src2d, dst2d, zeros_h, x0, x1)
    h1, hg0, hg1, hg2, hg3 = _gc1_dense(
        agg1_0, agg1_1, x, W_rel1, W_root1, b1.reshape(1, HID))
    agg2s = _seg_gc2(src2d, dst2d, zeros_h, hg0, hg1, hg2, hg3)
    loc, ls = _gc2_heads(agg2s, h1, W_rel2, W_root2, b2.reshape(1, HID),
                         W_loc, b_loc.reshape(1, LAT), W_ls,
                         b_ls.reshape(1, LAT))
    return loc, ls

# --- scband reference (transcript-rebuilt; emitter-appended) ---
"""Pipeline reference for scband-encoder-conv-mlp-2594160247156 (READ-ONLY COPY).

The authoritative reference and input builder live on the scoring server;
editing this copy changes nothing except your own understanding.
"""

import jax, jax.numpy as jnp
import numpy as np

N_PER = 1000
BATCH = 16
N = N_PER * BATCH        # 16000 nodes total
E = 256000               # avg degree 16
IN = 128
HID = 256
LAT = 64


def setup_inputs(seed: int = 0) -> dict:
    key = jax.random.key(seed)
    ks = jax.random.split(key, 14)
    x = jax.random.normal(ks[0], (N, IN), dtype=jnp.float32)
    edge_index = jax.random.randint(ks[1], (2, E), 0, N, dtype=jnp.int32)
    batch = jnp.repeat(jnp.arange(BATCH, dtype=jnp.int32), N_PER)
    # GraphConv gc1: lin_rel (with bias) applied to aggregated neighbors, lin_root (no bias) to self
    W_rel1 = jax.random.normal(ks[2], (IN, HID), dtype=jnp.float32) * (1.0 / np.sqrt(IN))
    b1 = jnp.zeros((HID,), dtype=jnp.float32)
    W_root1 = jax.random.normal(ks[3], (IN, HID), dtype=jnp.float32) * (1.0 / np.sqrt(IN))
    # GraphConv gc2
    W_rel2 = jax.random.normal(ks[4], (HID, HID), dtype=jnp.float32) * (1.0 / np.sqrt(HID))
    b2 = jnp.zeros((HID,), dtype=jnp.float32)
    W_root2 = jax.random.normal(ks[5], (HID, HID), dtype=jnp.float32) * (1.0 / np.sqrt(HID))
    # loc / logscale heads over flattened per-graph features (n_nodes*hidden -> latent)
    FLAT = N_PER * HID
    W_loc = jax.random.normal(ks[6], (FLAT, LAT), dtype=jnp.float32) * (1.0 / np.sqrt(FLAT))
    b_loc = jnp.zeros((LAT,), dtype=jnp.float32)
    W_ls = jax.random.normal(ks[7], (FLAT, LAT), dtype=jnp.float32) * (1.0 / np.sqrt(FLAT))
    b_ls = jnp.zeros((LAT,), dtype=jnp.float32)
    return {
        'x': x, 'edge_index': edge_index, 'batch': batch,
        'W_rel1': W_rel1, 'b1': b1, 'W_root1': W_root1,
        'W_rel2': W_rel2, 'b2': b2, 'W_root2': W_root2,
        'W_loc': W_loc, 'b_loc': b_loc, 'W_ls': W_ls, 'b_ls': b_ls,
    }


def reference(x, edge_index, batch, W_rel1, b1, W_root1, W_rel2, b2, W_root2, W_loc, b_loc, W_ls, b_ls):
    src = edge_index[0]
    dst = edge_index[1]
    # gc1: PyG GraphConv (aggr='add'): out = lin_rel(sum_{j in N(i)} x_j) + lin_root(x_i)
    agg1 = jax.ops.segment_sum(x[src], dst, num_segments=N)
    h1 = jax.nn.relu(agg1 @ W_rel1 + b1 + x @ W_root1)  # dropout p=0.0 -> identity
    # gc2
    agg2 = jax.ops.segment_sum(h1[src], dst, num_segments=N)
    h2 = jax.nn.relu(agg2 @ W_rel2 + b2 + h1 @ W_root2)
    # batch_size = max(data.batch) + 1; statically equal to h2.size // W_loc.shape[0]
    batch_size = h2.size // W_loc.shape[0]
    flat = h2.reshape(batch_size, -1) + jnp.max(batch).astype(h2.dtype) * 0.0
    loc = flat @ W_loc + b_loc
    logscale = flat @ W_ls + b_ls
    return (jnp.squeeze(loc), jnp.squeeze(logscale))

if __name__ == "__main__":
    import jax
    _d = setup_inputs()
    print(jax.jit(kernel)(*tuple(_d.values())))

</pallas_src>

<mosaic_0001>
#map = affine_map<(d0, d1) -> (0, 0)>
module attributes {stable_mosaic.version = 14 : i64} {
  func.func @_seg_body_gc2(%arg0: i32, %arg1: i32, %arg2: memref<2000x128xi32, #tpu.memory_space<hbm>>, %arg3: memref<2000x128xi32, #tpu.memory_space<hbm>>, %arg4: memref<1000x64xf32, #tpu.memory_space<hbm>>, %arg5: memref<16000x64xf32, #tpu.memory_space<hbm>>, %arg6: memref<16000x64xf32, #tpu.memory_space<hbm>>, %arg7: memref<16000x64xf32, #tpu.memory_space<hbm>>, %arg8: memref<16000x64xf32, #tpu.memory_space<hbm>>, %arg9: memref<16000x64xf32, #tpu.memory_space<hbm>>, %arg10: memref<16000x64xf32, #tpu.memory_space<hbm>>, %arg11: memref<16000x64xf32, #tpu.memory_space<hbm>>, %arg12: memref<16000x64xf32, #tpu.memory_space<hbm>>, %arg13: memref<125x128xi32, #tpu.memory_space<vmem>>, %arg14: memref<125x128xi32, #tpu.memory_space<vmem>>, %arg15: memref<128x64xf32, #tpu.memory_space<vmem>>, %arg16: memref<128x64xf32, #tpu.memory_space<vmem>>, %arg17: memref<128x64xf32, #tpu.memory_space<vmem>>, %arg18: memref<128x64xf32, #tpu.memory_space<vmem>>, %arg19: memref<16000x64xf32, #tpu.memory_space<vmem_shared>>, %arg20: memref<!tpu.dma_semaphore, #tpu.memory_space<semaphore_mem>>, %arg21: memref<!tpu.dma_semaphore, #tpu.memory_space<semaphore_mem>>) attributes {dimension_semantics = [#tpu.dimension_semantics<core_parallel>, #tpu.dimension_semantics<subcore_parallel>], iteration_bounds = array<i64: 2, 16>, scalar_prefetch = 0 : i64, scratch_operands = 9 : i64, tpu.core_type = #tpu.core_type<sc_vector_subcore>, window_params = [{transform_indices = #map}, {transform_indices = #map}, {transform_indices = #map}, {transform_indices = #map}, {transform_indices = #map}, {transform_indices = #map}, {transform_indices = #map}, {transform_indices = #map}, {transform_indices = #map}, {transform_indices = #map}, {transform_indices = #map}]} {
    %mul3A = arith.constant 125 : i32
    %mul3A_0 = arith.muli %arg1, %mul3A : i32
    "tpu.region"() ({
      %run_scoped3A = tpu.sem_alloc : memref<!tpu.dma_semaphore, #tpu.memory_space<semaphore_mem>>
      %dma_start3A_594 = arith.constant 0 : i32
      %dma_start3A_595 = tpu.memref_slice %arg2[%mul3A_0, %dma_start3A_594] : memref<2000x128xi32, #tpu.memory_space<hbm>> -> memref<125x128xi32, #tpu.memory_space<hbm>>
      %dma_start3A_596 = arith.constant 0 : i32
      %dma_start3A_597 = tpu.memref_slice %arg2[%mul3A_0, %dma_start3A_596] : memref<2000x128xi32, #tpu.memory_space<hbm>> -> memref<125x128xi32, #tpu.memory_space<hbm>>
      tpu.enqueue_dma source(%dma_start3A_597 : memref<125x128xi32, #tpu.memory_space<hbm>>) target(%arg13 : memref<125x128xi32, #tpu.memory_space<vmem>>) target_semaphore(%run_scoped3A : memref<!tpu.dma_semaphore, #tpu.memory_space<semaphore_mem>>)
      %dma_wait3A_598 = arith.constant 0 : i32
      %dma_wait3A_599 = tpu.memref_slice %arg2[%mul3A_0, %dma_wait3A_598] : memref<2000x128xi32, #tpu.memory_space<hbm>> -> memref<125x128xi32, #tpu.memory_space<hbm>>
      %dma_wait3A_600 = arith.constant 0 : i32
      %dma_wait3A_601 = tpu.memref_slice %arg2[%mul3A_0, %dma_wait3A_600] : memref<2000x128xi32, #tpu.memory_space<hbm>> -> memref<125x128xi32, #tpu.memory_space<hbm>>
      tpu.wait_dma2 semaphore(%run_scoped3A : memref<!tpu.dma_semaphore, #tpu.memory_space<semaphore_mem>>) src(%dma_wait3A_601 : memref<125x128xi32, #tpu.memory_space<hbm>>) dst(%arg13 : memref<125x128xi32, #tpu.memory_space<vmem>>)
      tpu.yield
    }) : () -> ()
    %mul3A_1 = arith.constant 125 : i32
    %mul3A_2 = arith.muli %arg1, %mul3A_1 : i32
    "tpu.region"() ({
      %run_scoped3A = tpu.sem_alloc : memref<!tpu.dma_semaphore, #tpu.memory_space<semaphore_mem>>
      %dma_start3A_594 = arith.constant 0 : i32
      %dma_start3A_595 = tpu.memref_slice %arg3[%mul3A_2, %dma_start3A_594] : memref<2000x128xi32, #tpu.memory_space<hbm>> -> memref<125x128xi32, #tpu.memory_space<hbm>>
      %dma_start3A_596 = arith.constant 0 : i32
      %dma_start3A_597 = tpu.memref_slice %arg3[%mul3A_2, %dma_start3A_596] : memref<2000x128xi32, #tpu.memory_space<hbm>> -> memref<125x128xi32, #tpu.memory_space<hbm>>
      tpu.enqueue_dma source(%dma_start3A_597 : memref<125x128xi32, #tpu.memory_space<hbm>>) target(%arg14 : memref<125x128xi32, #tpu.memory_space<vmem>>) target_semaphore(%run_scoped3A : memref<!tpu.dma_semaphore, #tpu.memory_space<semaphore_mem>>)
      %dma_wait3A_598 = arith.constant 0 : i32
      %dma_wait3A_599 = tpu.memref_slice %arg3[%mul3A_2, %dma_wait3A_598] : memref<2000x128xi32, #tpu.memory_space<hbm>> -> memref<125x128xi32, #tpu.memory_space<hbm>>
      %dma_wait3A_600 = arith.constant 0 : i32
      %dma_wait3A_601 = tpu.memref_slice %arg3[%mul3A_2, %dma_wait3A_600] : memref<2000x128xi32, #tpu.memory_space<hbm>> -> memref<125x128xi32, #tpu.memory_space<hbm>>
      tpu.wait_dma2 semaphore(%run_scoped3A : memref<!tpu.dma_semaphore, #tpu.memory_space<semaphore_mem>>) src(%dma_wait3A_601 : memref<125x128xi32, #tpu.memory_space<hbm>>) dst(%arg14 : memref<125x128xi32, #tpu.memory_space<vmem>>)
      tpu.yield
    }) : () -> ()
    %mul3A_3 = arith.constant 1000 : i32
    %mul3A_4 = arith.muli %arg1, %mul3A_3 : i32
    "tpu.region"() ({
      %run_scoped3A = tpu.sem_alloc : memref<!tpu.dma_semaphore, #tpu.memory_space<semaphore_mem>>
      %dma_start3A_594 = arith.constant 0 : i32
      %dma_start3A_595 = tpu.memref_slice %arg19[%mul3A_4, %dma_start3A_594] : memref<16000x64xf32, #tpu.memory_space<vmem_shared>> -> memref<1000x64xf32, #tpu.memory_space<vmem_shared>>
      tpu.enqueue_dma source(%arg4 : memref<1000x64xf32, #tpu.memory_space<hbm>>) target(%dma_start3A_595 : memref<1000x64xf32, #tpu.memory_space<vmem_shared>>) target_semaphore(%run_scoped3A : memref<!tpu.dma_semaphore, #tpu.memory_space<semaphore_mem>>)
      %dma_wait3A_596 = arith.constant 0 : i32
      %dma_wait3A_597 = tpu.memref_slice %arg19[%mul3A_4, %dma_wait3A_596] : memref<16000x64xf32, #tpu.memory_space<vmem_shared>> -> memref<1000x64xf32, #tpu.memory_space<vmem_shared>>
      tpu.wait_dma2 semaphore(%run_scoped3A : memref<!tpu.dma_semaphore, #tpu.memory_space<semaphore_mem>>) src(%arg4 : memref<1000x64xf32, #tpu.memory_space<hbm>>) dst(%dma_wait3A_597 : memref<1000x64xf32, #tpu.memory_space<vmem_shared>>)
      tpu.yield
    }) : () -> ()
    %barrier3A = arith.constant 0 : index
    tpu.barrier barrier_id(%barrier3A)
    %eq3A = arith.constant 0 : i32
    %eq3A_5 = arith.cmpi eq, %arg0, %eq3A : i32
    %convert_element_type3A = arith.extui %eq3A_5 : i1 to i32
    %cond3A = arith.constant 0 : i32
    %cond3A_6 = arith.cmpi ne, %convert_element_type3A, %cond3A : i32
    scf.if %cond3A_6 {
      %dma_start3A_594 = arith.constant 0 : i32
      %dma_start3A_595 = arith.constant 0 : i32
      %dma_start3A_596 = tpu.memref_slice %arg13[%dma_start3A_594, %dma_start3A_595] : memref<125x128xi32, #tpu.memory_space<vmem>> -> memref<1x128xi32, #tpu.memory_space<vmem>>
      %dma_start3A_597 = tpu.memref_squeeze %dma_start3A_596 : memref<1x128xi32, #tpu.memory_space<vmem>> -> memref<128xi32, #tpu.memory_space<vmem>>
      %dma_start3A_598 = arith.constant 0 : i32
      %dma_start3A_599 = arith.constant 0 : i32
      %dma_start3A_600 = tpu.memref_slice %arg5[%dma_start3A_598, %dma_start3A_599] : memref<16000x64xf32, #tpu.memory_space<hbm>> -> memref<16000x64xf32, #tpu.memory_space<hbm>>
      tpu.enqueue_indirect_dma source(%dma_start3A_600 : memref<16000x64xf32, #tpu.memory_space<hbm>>) target(%arg15 : memref<128x64xf32, #tpu.memory_space<vmem>>) offsets(%dma_start3A_597 : memref<128xi32, #tpu.memory_space<vmem>>) semaphore(%arg20 : memref<!tpu.dma_semaphore, #tpu.memory_space<semaphore_mem>>)
    } else {
    }
    %eq3A_7 = arith.constant 1 : i32
    %eq3A_8 = arith.cmpi eq, %arg0, %eq3A_7 : i32
    %convert_element_type3A_9 = arith.extui %eq3A_8 : i1 to i32
    %cond3A_10 = arith.constant 0 : i32
    %cond3A_11 = arith.cmpi ne, %convert_element_type3A_9, %cond3A_10 : i32
    scf.if %cond3A_11 {
      %dma_start3A_594 = arith.constant 0 : i32
      %dma_start3A_595 = arith.constant 0 : i32
      %dma_start3A_596 = tpu.memref_slice %arg13[%dma_start3A_594, %dma_start3A_595] : memref<125x128xi32, #tpu.memory_space<vmem>> -> memref<1x128xi32, #tpu.memory_space<vmem>>
      %dma_start3A_597 = tpu.memref_squeeze %dma_start3A_596 : memref<1x128xi32, #tpu.memory_space<vmem>> -> memref<128xi32, #tpu.memory_space<vmem>>
      %dma_start3A_598 = arith.constant 0 : i32
      %dma_start3A_599 = arith.constant 0 : i32
      %dma_start3A_600 = tpu.memref_slice %arg7[%dma_start3A_598, %dma_start3A_599] : memref<16000x64xf32, #tpu.memory_space<hbm>> -> memref<16000x64xf32, #tpu.memory_space<hbm>>
      tpu.enqueue_indirect_dma source(%dma_start3A_600 : memref<16000x64xf32, #tpu.memory_space<hbm>>) target(%arg15 : memref<128x64xf32, #tpu.memory_space<vmem>>) offsets(%dma_start3A_597 : memref<128xi32, #tpu.memory_space<vmem>>) semaphore(%arg20 : memref<!tpu.dma_semaphore, #tpu.memory_space<semaphore_mem>>)
    } else {
    }
    %eq3A_12 = arith.constant 0 : i32
    %eq3A_13 = arith.cmpi eq, %arg0, %eq3A_12 : i32
    %convert_element_type3A_14 = arith.extui %eq3A_13 : i1 to i32
    %cond3A_15 = arith.constant 0 : i32
    %cond3A_16 = arith.cmpi ne, %convert_element_type3A_14, %cond3A_15 : i32
    scf.if %cond3A_16 {
      %dma_start3A_594 = arith.constant 1 : i32
      %dma_start3A_595 = arith.constant 0 : i32
      %dma_start3A_596 = tpu.memref_slice %arg13[%dma_start3A_594, %dma_start3A_595] : memref<125x128xi32, #tpu.memory_space<vmem>> -> memref<1x128xi32, #tpu.memory_space<vmem>>
      %dma_start3A_597 = tpu.memref_squeeze %dma_start3A_596 : memref<1x128xi32, #tpu.memory_space<vmem>> -> memref<128xi32, #tpu.memory_space<vmem>>
      %dma_start3A_598 = arith.constant 0 : i32
      %dma_start3A_599 = arith.constant 0 : i32
      %dma_start3A_600 = tpu.memref_slice %arg5[%dma_start3A_598, %dma_start3A_599] : memref<16000x64xf32, #tpu.memory_space<hbm>> -> memref<16000x64xf32, #tpu.memory_space<hbm>>
      tpu.enqueue_indirect_dma source(%dma_start3A_600 : memref<16000x64xf32, #tpu.memory_space<hbm>>) target(%arg16 : memref<128x64xf32, #tpu.memory_space<vmem>>) offsets(%dma_start3A_597 : memref<128xi32, #tpu.memory_space<vmem>>) semaphore(%arg20 : memref<!tpu.dma_semaphore, #tpu.memory_space<semaphore_mem>>)
    } else {
    }
    %eq3A_17 = arith.constant 1 : i32
    %eq3A_18 = arith.cmpi eq, %arg0, %eq3A_17 : i32
    %convert_element_type3A_19 = arith.extui %eq3A_18 : i1 to i32
    %cond3A_20 = arith.constant 0 : i32
    %cond3A_21 = arith.cmpi ne, %convert_element_type3A_19, %cond3A_20 : i32
    scf.if %cond3A_21 {
      %dma_start3A_594 = arith.constant 1 : i32
      %dma_start3A_595 = arith.constant 0 : i32
      %dma_start3A_596 = tpu.memref_slice %arg13[%dma_start3A_594, %dma_start3A_595] : memref<125x128xi32, #tpu.memory_space<vmem>> -> memref<1x128xi32, #tpu.memory_space<vmem>>
      %dma_start3A_597 = tpu.memref_squeeze %dma_start3A_596 : memref<1x128xi32, #tpu.memory_space<vmem>> -> memref<128xi32, #tpu.memory_space<vmem>>
      %dma_start3A_598 = arith.constant 0 : i32
      %dma_start3A_599 = arith.constant 0 : i32
      %dma_start3A_600 = tpu.memref_slice %arg7[%dma_start3A_598, %dma_start3A_599] : memref<16000x64xf32, #tpu.memory_space<hbm>> -> memref<16000x64xf32, #tpu.memory_space<hbm>>
      tpu.enqueue_indirect_dma source(%dma_start3A_600 : memref<16000x64xf32, #tpu.memory_space<hbm>>) target(%arg16 : memref<128x64xf32, #tpu.memory_space<vmem>>) offsets(%dma_start3A_597 : memref<128xi32, #tpu.memory_space<vmem>>) semaphore(%arg20 : memref<!tpu.dma_semaphore, #tpu.memory_space<semaphore_mem>>)
    } else {
    }
    %eq3A_22 = arith.constant 0 : i32
    %eq3A_23 = arith.cmpi eq, %arg0, %eq3A_22 : i32
    %convert_element_type3A_24 = arith.extui %eq3A_23 : i1 to i32
    %cond3A_25 = arith.constant 0 : i32
    %cond3A_26 = arith.cmpi ne, %convert_element_type3A_24, %cond3A_25 : i32
    scf.if %cond3A_26 {
      %dma_start3A_594 = arith.constant 2 : i32
      %dma_start3A_595 = arith.constant 0 : i32
      %dma_start3A_596 = tpu.memref_slice %arg13[%dma_start3A_594, %dma_start3A_595] : memref<125x128xi32, #tpu.memory_space<vmem>> -> memref<1x128xi32, #tpu.memory_space<vmem>>
      %dma_start3A_597 = tpu.memref_squeeze %dma_start3A_596 : memref<1x128xi32, #tpu.memory_space<vmem>> -> memref<128xi32, #tpu.memory_space<vmem>>
      %dma_start3A_598 = arith.constant 0 : i32
      %dma_start3A_599 = arith.constant 0 : i32
      %dma_start3A_600 = tpu.memref_slice %arg5[%dma_start3A_598, %dma_start3A_599] : memref<16000x64xf32, #tpu.memory_space<hbm>> -> memref<16000x64xf32, #tpu.memory_space<hbm>>
      tpu.enqueue_indirect_dma source(%dma_start3A_600 : memref<16000x64xf32, #tpu.memory_space<hbm>>) target(%arg17 : memref<128x64xf32, #tpu.memory_space<vmem>>) offsets(%dma_start3A_597 : memref<128xi32, #tpu.memory_space<vmem>>) semaphore(%arg20 : memref<!tpu.dma_semaphore, #tpu.memory_space<semaphore_mem>>)
    } else {
    }
    %eq3A_27 = arith.constant 1 : i32
    %eq3A_28 = arith.cmpi eq, %arg0, %eq3A_27 : i32
    %convert_element_type3A_29 = arith.extui %eq3A_28 : i1 to i32
    %cond3A_30 = arith.constant 0 : i32
    %cond3A_31 = arith.cmpi ne, %convert_element_type3A_29, %cond3A_30 : i32
    scf.if %cond3A_31 {
      %dma_start3A_594 = arith.constant 2 : i32
      %dma_start3A_595 = arith.constant 0 : i32
      %dma_start3A_596 = tpu.memref_slice %arg13[%dma_start3A_594, %dma_start3A_595] : memref<125x128xi32, #tpu.memory_space<vmem>> -> memref<1x128xi32, #tpu.memory_space<vmem>>
      %dma_start3A_597 = tpu.memref_squeeze %dma_start3A_596 : memref<1x128xi32, #tpu.memory_space<vmem>> -> memref<128xi32, #tpu.memory_space<vmem>>
      %dma_start3A_598 = arith.constant 0 : i32
      %dma_start3A_599 = arith.constant 0 : i32
      %dma_start3A_600 = tpu.memref_slice %arg7[%dma_start3A_598, %dma_start3A_599] : memref<16000x64xf32, #tpu.memory_space<hbm>> -> memref<16000x64xf32, #tpu.memory_space<hbm>>
      tpu.enqueue_indirect_dma source(%dma_start3A_600 : memref<16000x64xf32, #tpu.memory_space<hbm>>) target(%arg17 : memref<128x64xf32, #tpu.memory_space<vmem>>) offsets(%dma_start3A_597 : memref<128xi32, #tpu.memory_space<vmem>>) semaphore(%arg20 : memref<!tpu.dma_semaphore, #tpu.memory_space<semaphore_mem>>)
    } else {
    }
    %dma_wait3A = arith.constant 0 : i32
    %dma_wait3A_32 = arith.constant 0 : i32
    %dma_wait3A_33 = tpu.memref_slice %arg13[%dma_wait3A, %dma_wait3A_32] : memref<125x128xi32, #tpu.memory_space<vmem>> -> memref<1x128xi32, #tpu.memory_space<vmem>>
    %dma_wait3A_34 = tpu.memref_squeeze %dma_wait3A_33 : memref<1x128xi32, #tpu.memory_space<vmem>> -> memref<128xi32, #tpu.memory_space<vmem>>
    %dma_wait3A_35 = arith.constant 0 : i32
    %dma_wait3A_36 = arith.constant 0 : i32
    %dma_wait3A_37 = tpu.memref_slice %arg5[%dma_wait3A_35, %dma_wait3A_36] : memref<16000x64xf32, #tpu.memory_space<hbm>> -> memref<16000x64xf32, #tpu.memory_space<hbm>>
    tpu.wait_indirect_dma semaphore(%arg20 : memref<!tpu.dma_semaphore, #tpu.memory_space<semaphore_mem>>) src(%dma_wait3A_37 : memref<16000x64xf32, #tpu.memory_space<hbm>>) dst(%arg15 : memref<128x64xf32, #tpu.memory_space<vmem>>)
    %dma_start3A = arith.constant 0 : i32
    %dma_start3A_38 = arith.constant 0 : i32
    %dma_start3A_39 = tpu.memref_slice %arg14[%dma_start3A, %dma_start3A_38] : memref<125x128xi32, #tpu.memory_space<vmem>> -> memref<1x128xi32, #tpu.memory_space<vmem>>
    %dma_start3A_40 = tpu.memref_squeeze %dma_start3A_39 : memref<1x128xi32, #tpu.memory_space<vmem>> -> memref<128xi32, #tpu.memory_space<vmem>>
    %dma_start3A_41 = arith.constant 0 : i32
    %dma_start3A_42 = arith.constant 0 : i32
    %dma_start3A_43 = tpu.memref_slice %arg19[%dma_start3A_41, %dma_start3A_42] : memref<16000x64xf32, #tpu.memory_space<vmem_shared>> -> memref<16000x64xf32, #tpu.memory_space<vmem_shared>>
    tpu.enqueue_indirect_dma source(%arg15 : memref<128x64xf32, #tpu.memory_space<vmem>>) target(%dma_start3A_43 : memref<16000x64xf32, #tpu.memory_space<vmem_shared>>) offsets(%dma_start3A_40 : memref<128xi32, #tpu.memory_space<vmem>>) semaphore(%arg21 : memref<!tpu.dma_semaphore, #tpu.memory_space<semaphore_mem>>) {add = true}
    %eq3A_44 = arith.constant 0 : i32
    %eq3A_45 = arith.cmpi eq, %arg0, %eq3A_44 : i32
    %convert_element_type3A_46 = arith.extui %eq3A_45 : i1 to i32
    %cond3A_47 = arith.constant 0 : i32
    %cond3A_48 = arith.cmpi ne, %convert_element_type3A_46, %cond3A_47 : i32
    scf.if %cond3A_48 {
      %dma_start3A_594 = arith.constant 3 : i32
      %dma_start3A_595 = arith.constant 0 : i32
      %dma_start3A_596 = tpu.memref_slice %arg13[%dma_start3A_594, %dma_start3A_595] : memref<125x128xi32, #tpu.memory_space<vmem>> -> memref<1x128xi32, #tpu.memory_space<vmem>>
      %dma_start3A_597 = tpu.memref_squeeze %dma_start3A_596 : memref<1x128xi32, #tpu.memory_space<vmem>> -> memref<128xi32, #tpu.memory_space<vmem>>
      %dma_start3A_598 = arith.constant 0 : i32
      %dma_start3A_599 = arith.constant 0 : i32
      %dma_start3A_600 = tpu.memref_slice %arg5[%dma_start3A_598, %dma_start3A_599] : memref<16000x64xf32, #tpu.memory_space<hbm>> -> memref<16000x64xf32, #tpu.memory_space<hbm>>
      tpu.enqueue_indirect_dma source(%dma_start3A_600 : memref<16000x64xf32, #tpu.memory_space<hbm>>) target(%arg18 : memref<128x64xf32, #tpu.memory_space<vmem>>) offsets(%dma_start3A_597 : memref<128xi32, #tpu.memory_space<vmem>>) semaphore(%arg20 : memref<!tpu.dma_semaphore, #tpu.memory_space<semaphore_mem>>)
    } else {
    }
    %eq3A_49 = arith.constant 1 : i32
    %eq3A_50 = arith.cmpi eq, %arg0, %eq3A_49 : i32
    %convert_element_type3A_51 = arith.extui %eq3A_50 : i1 to i32
    %cond3A_52 = arith.constant 0 : i32
    %cond3A_53 = arith.cmpi ne, %convert_element_type3A_51, %cond3A_52 : i32
    scf.if %cond3A_53 {
      %dma_start3A_594 = arith.constant 3 : i32
      %dma_start3A_595 = arith.constant 0 : i32
      %dma_start3A_596 = tpu.memref_slice %arg13[%dma_start3A_594, %dma_start3A_595] : memref<125x128xi32, #tpu.memory_space<vmem>> -> memref<1x128xi32, #tpu.memory_space<vmem>>
      %dma_start3A_597 = tpu.memref_squeeze %dma_start3A_596 : memref<1x128xi32, #tpu.memory_space<vmem>> -> memref<128xi32, #tpu.memory_space<vmem>>
      %dma_start3A_598 = arith.constant 0 : i32
      %dma_start3A_599 = arith.constant 0 : i32
      %dma_start3A_600 = tpu.memref_slice %arg7[%dma_start3A_598, %dma_start3A_599] : memref<16000x64xf32, #tpu.memory_space<hbm>> -> memref<16000x64xf32, #tpu.memory_space<hbm>>
      tpu.enqueue_indirect_dma source(%dma_start3A_600 : memref<16000x64xf32, #tpu.memory_space<hbm>>) target(%arg18 : memref<128x64xf32, #tpu.memory_space<vmem>>) offsets(%dma_start3A_597 : memref<128xi32, #tpu.memory_space<vmem>>) semaphore(%arg20 : memref<!tpu.dma_semaphore, #tpu.memory_space<semaphore_mem>>)
    } else {
    }
    %dma_wait3A_54 = arith.constant 0 : i32
    %dma_wait3A_55 = arith.constant 0 : i32
    %dma_wait3A_56 = tpu.memref_slice %arg13[%dma_wait3A_54, %dma_wait3A_55] : memref<125x128xi32, #tpu.memory_space<vmem>> -> memref<1x128xi32, #tpu.memory_space<vmem>>
    %dma_wait3A_57 = tpu.memref_squeeze %dma_wait3A_56 : memref<1x128xi32, #tpu.memory_space<vmem>> -> memref<128xi32, #tpu.memory_space<vmem>>
    %dma_wait3A_58 = arith.constant 0 : i32
    %dma_wait3A_59 = arith.constant 0 : i32
    %dma_wait3A_60 = tpu.memref_slice %arg5[%dma_wait3A_58, %dma_wait3A_59] : memref<16000x64xf32, #tpu.memory_space<hbm>> -> memref<16000x64xf32, #tpu.memory_space<hbm>>
    tpu.wait_indirect_dma semaphore(%arg20 : memref<!tpu.dma_semaphore, #tpu.memory_space<semaphore_mem>>) src(%dma_wait3A_60 : memref<16000x64xf32, #tpu.memory_space<hbm>>) dst(%arg16 : memref<128x64xf32, #tpu.memory_space<vmem>>)
    %dma_start3A_61 = arith.constant 1 : i32
    %dma_start3A_62 = arith.constant 0 : i32
    %dma_start3A_63 = tpu.memref_slice %arg14[%dma_start3A_61, %dma_start3A_62] : memref<125x128xi32, #tpu.memory_space<vmem>> -> memref<1x128xi32, #tpu.memory_space<vmem>>
    %dma_start3A_64 = tpu.memref_squeeze %dma_start3A_63 : memref<1x128xi32, #tpu.memory_space<vmem>> -> memref<128xi32, #tpu.memory_space<vmem>>
    %dma_start3A_65 = arith.constant 0 : i32
    %dma_start3A_66 = arith.constant 0 : i32
    %dma_start3A_67 = tpu.memref_slice %arg19[%dma_start3A_65, %dma_start3A_66] : memref<16000x64xf32, #tpu.memory_space<vmem_shared>> -> memref<16000x64xf32, #tpu.memory_space<vmem_shared>>
    tpu.enqueue_indirect_dma source(%arg16 : memref<128x64xf32, #tpu.memory_space<vmem>>) target(%dma_start3A_67 : memref<16000x64xf32, #tpu.memory_space<vmem_shared>>) offsets(%dma_start3A_64 : memref<128xi32, #tpu.memory_space<vmem>>) semaphore(%arg21 : memref<!tpu.dma_semaphore, #tpu.memory_space<semaphore_mem>>) {add = true}
    %dma_wait3A_68 = arith.constant 0 : i32
    %dma_wait3A_69 = arith.constant 0 : i32
    %dma_wait3A_70 = tpu.memref_slice %arg14[%dma_wait3A_68, %dma_wait3A_69] : memref<125x128xi32, #tpu.memory_space<vmem>> -> memref<1x128xi32, #tpu.memory_space<vmem>>
    %dma_wait3A_71 = tpu.memref_squeeze %dma_wait3A_70 : memref<1x128xi32, #tpu.memory_space<vmem>> -> memref<128xi32, #tpu.memory_space<vmem>>
    %dma_wait3A_72 = arith.constant 0 : i32
    %dma_wait3A_73 = arith.constant 0 : i32
    %dma_wait3A_74 = tpu.memref_slice %arg19[%dma_wait3A_72, %dma_wait3A_73] : memref<16000x64xf32, #tpu.memory_space<vmem_shared>> -> memref<16000x64xf32, #tpu.memory_space<vmem_shared>>
    tpu.wait_indirect_dma semaphore(%arg21 : memref<!tpu.dma_semaphore, #tpu.memory_space<semaphore_mem>>) src(%arg15 : memref<128x64xf32, #tpu.memory_space<vmem>>) dst(%dma_wait3A_74 : memref<16000x64xf32, #tpu.memory_space<vmem_shared>>)
    %eq3A_75 = arith.constant 0 : i32
    %eq3A_76 = arith.cmpi eq, %arg0, %eq3A_75 : i32
    %convert_element_type3A_77 = arith.extui %eq3A_76 : i1 to i32
    %cond3A_78 = arith.constant 0 : i32
    %cond3A_79 = arith.cmpi ne, %convert_element_type3A_77, %cond3A_78 : i32
    scf.if %cond3A_79 {
      %dma_start3A_594 = arith.constant 4 : i32
      %dma_start3A_595 = arith.constant 0 : i32
      %dma_start3A_596 = tpu.memref_slice %arg13[%dma_start3A_594, %dma_start3A_595] : memref<125x128xi32, #tpu.memory_space<vmem>> -> memref<1x128xi32, #tpu.memory_space<vmem>>
      %dma_start3A_597 = tpu.memref_squeeze %dma_start3A_596 : memref<1x128xi32, #tpu.memory_space<vmem>> -> memref<128xi32, #tpu.memory_space<vmem>>
      %dma_start3A_598 = arith.constant 0 : i32
      %dma_start3A_599 = arith.constant 0 : i32
      %dma_start3A_600 = tpu.memref_slice %arg5[%dma_start3A_598, %dma_start3A_599] : memref<16000x64xf32, #tpu.memory_space<hbm>> -> memref<16000x64xf32, #tpu.memory_space<hbm>>
      tpu.enqueue_indirect_dma source(%dma_start3A_600 : memref<16000x64xf32, #tpu.memory_space<hbm>>) target(%arg15 : memref<128x64xf32, #tpu.memory_space<vmem>>) offsets(%dma_start3A_597 : memref<128xi32, #tpu.memory_space<vmem>>) semaphore(%arg20 : memref<!tpu.dma_semaphore, #tpu.memory_space<semaphore_mem>>)
    } else {
    }
    %eq3A_80 = arith.constant 1 : i32
    %eq3A_81 = arith.cmpi eq, %arg0, %eq3A_80 : i32
    %convert_element_type3A_82 = arith.extui %eq3A_81 : i1 to i32
    %cond3A_83 = arith.constant 0 : i32
    %cond3A_84 = arith.cmpi ne, %convert_element_type3A_82, %cond3A_83 : i32
    scf.if %cond3A_84 {
      %dma_start3A_594 = arith.constant 4 : i32
      %dma_start3A_595 = arith.constant 0 : i32
      %dma_start3A_596 = tpu.memref_slice %arg13[%dma_start3A_594, %dma_start3A_595] : memref<125x128xi32, #tpu.memory_space<vmem>> -> memref<1x128xi32, #tpu.memory_space<vmem>>
      %dma_start3A_597 = tpu.memref_squeeze %dma_start3A_596 : memref<1x128xi32, #tpu.memory_space<vmem>> -> memref<128xi32, #tpu.memory_space<vmem>>
      %dma_start3A_598 = arith.constant 0 : i32
      %dma_start3A_599 = arith.constant 0 : i32
      %dma_start3A_600 = tpu.memref_slice %arg7[%dma_start3A_598, %dma_start3A_599] : memref<16000x64xf32, #tpu.memory_space<hbm>> -> memref<16000x64xf32, #tpu.memory_space<hbm>>
      tpu.enqueue_indirect_dma source(%dma_start3A_600 : memref<16000x64xf32, #tpu.memory_space<hbm>>) target(%arg15 : memref<128x64xf32, #tpu.memory_space<vmem>>) offsets(%dma_start3A_597 : memref<128xi32, #tpu.memory_space<vmem>>) semaphore(%arg20 : memref<!tpu.dma_semaphore, #tpu.memory_space<semaphore_mem>>)
    } else {
    }
    %dma_wait3A_85 = arith.constant 0 : i32
    %dma_wait3A_86 = arith.constant 0 : i32
    %dma_wait3A_87 = tpu.memref_slice %arg13[%dma_wait3A_85, %dma_wait3A_86] : memref<125x128xi32, #tpu.memory_space<vmem>> -> memref<1x128xi32, #tpu.memory_space<vmem>>
    %dma_wait3A_88 = tpu.memref_squeeze %dma_wait3A_87 : memref<1x128xi32, #tpu.memory_space<vmem>> -> memref<128xi32, #tpu.memory_space<vmem>>
    %dma_wait3A_89 = arith.constant 0 : i32
    %dma_wait3A_90 = arith.constant 0 : i32
    %dma_wait3A_91 = tpu.memref_slice %arg5[%dma_wait3A_89, %dma_wait3A_90] : memref<16000x64xf32, #tpu.memory_space<hbm>> -> memref<16000x64xf32, #tpu.memory_space<hbm>>
    tpu.wait_indirect_dma semaphore(%arg20 : memref<!tpu.dma_semaphore, #tpu.memory_space<semaphore_mem>>) src(%dma_wait3A_91 : memref<16000x64xf32, #tpu.memory_space<hbm>>) dst(%arg17 : memref<128x64xf32, #tpu.memory_space<vmem>>)
    %dma_start3A_92 = arith.constant 2 : i32
    %dma_start3A_93 = arith.constant 0 : i32
    %dma_start3A_94 = tpu.memref_slice %arg14[%dma_start3A_92, %dma_start3A_93] : memref<125x128xi32, #tpu.memory_space<vmem>> -> memref<1x128xi32, #tpu.memory_space<vmem>>
    %dma_start3A_95 = tpu.memref_squeeze %dma_start3A_94 : memref<1x128xi32, #tpu.memory_space<vmem>> -> memref<128xi32, #tpu.memory_space<vmem>>
    %dma_start3A_96 = arith.constant 0 : i32
    %dma_start3A_97 = arith.constant 0 : i32
    %dma_start3A_98 = tpu.memref_slice %arg19[%dma_start3A_96, %dma_start3A_97] : memref<16000x64xf32, #tpu.memory_space<vmem_shared>> -> memref<16000x64xf32, #tpu.memory_space<vmem_shared>>
    tpu.enqueue_indirect_dma source(%arg17 : memref<128x64xf32, #tpu.memory_space<vmem>>) target(%dma_start3A_98 : memref<16000x64xf32, #tpu.memory_space<vmem_shared>>) offsets(%dma_start3A_95 : memref<128xi32, #tpu.memory_space<vmem>>) semaphore(%arg21 : memref<!tpu.dma_semaphore, #tpu.memory_space<semaphore_mem>>) {add = true}
    %dma_wait3A_99 = arith.constant 0 : i32
    %dma_wait3A_100 = arith.constant 0 : i32
    %dma_wait3A_101 = tpu.memref_slice %arg14[%dma_wait3A_99, %dma_wait3A_100] : memref<125x128xi32, #tpu.memory_space<vmem>> -> memref<1x128xi32, #tpu.memory_space<vmem>>
    %dma_wait3A_102 = tpu.memref_squeeze %dma_wait3A_101 : memref<1x128xi32, #tpu.memory_space<vmem>> -> memref<128xi32, #tpu.memory_space<vmem>>
    %dma_wait3A_103 = arith.constant 0 : i32
    %dma_wait3A_104 = arith.constant 0 : i32
    %dma_wait3A_105 = tpu.memref_slice %arg19[%dma_wait3A_103, %dma_wait3A_104] : memref<16000x64xf32, #tpu.memory_space<vmem_shared>> -> memref<16000x64xf32, #tpu.memory_space<vmem_shared>>
    tpu.wait_indirect_dma semaphore(%arg21 : memref<!tpu.dma_semaphore, #tpu.memory_space<semaphore_mem>>) src(%arg15 : memref<128x64xf32, #tpu.memory_space<vmem>>) dst(%dma_wait3A_105 : memref<16000x64xf32, #tpu.memory_space<vmem_shared>>)
    %eq3A_106 = arith.constant 0 : i32
    %eq3A_107 = arith.cmpi eq, %arg0, %eq3A_106 : i32
    %convert_element_type3A_108 = arith.extui %eq3A_107 : i1 to i32
    %cond3A_109 = arith.constant 0 : i32
    %cond3A_110 = arith.cmpi ne, %convert_element_type3A_108, %cond3A_109 : i32
    scf.if %cond3A_110 {
      %dma_start3A_594 = arith.constant 5 : i32
      %dma_start3A_595 = arith.constant 0 : i32
      %dma_start3A_596 = tpu.memref_slice %arg13[%dma_start3A_594, %dma_start3A_595] : memref<125x128xi32, #tpu.memory_space<vmem>> -> memref<1x128xi32, #tpu.memory_space<vmem>>
      %dma_start3A_597 = tpu.memref_squeeze %dma_start3A_596 : memref<1x128xi32, #tpu.memory_space<vmem>> -> memref<128xi32, #tpu.memory_space<vmem>>
      %dma_start3A_598 = arith.constant 0 : i32
      %dma_start3A_599 = arith.constant 0 : i32
      %dma_start3A_600 = tpu.memref_slice %arg5[%dma_start3A_598, %dma_start3A_599] : memref<16000x64xf32, #tpu.memory_space<hbm>> -> memref<16000x64xf32, #tpu.memory_space<hbm>>
      tpu.enqueue_indirect_dma source(%dma_start3A_600 : memref<16000x64xf32, #tpu.memory_space<hbm>>) target(%arg16 : memref<128x64xf32, #tpu.memory_space<vmem>>) offsets(%dma_start3A_597 : memref<128xi32, #tpu.memory_space<vmem>>) semaphore(%arg20 : memref<!tpu.dma_semaphore, #tpu.memory_space<semaphore_mem>>)
    } else {
    }
    %eq3A_111 = arith.constant 1 : i32
    %eq3A_112 = arith.cmpi eq, %arg0, %eq3A_111 : i32
    %convert_element_type3A_113 = arith.extui %eq3A_112 : i1 to i32
    %cond3A_114 = arith.constant 0 : i32
    %cond3A_115 = arith.cmpi ne, %convert_element_type3A_113, %cond3A_114 : i32
    scf.if %cond3A_115 {
      %dma_start3A_594 = arith.constant 5 : i32
      %dma_start3A_595 = arith.constant 0 : i32
      %dma_start3A_596 = tpu.memref_slice %arg13[%dma_start3A_594, %dma_start3A_595] : memref<125x128xi32, #tpu.memory_space<vmem>> -> memref<1x128xi32, #tpu.memory_space<vmem>>
      %dma_start3A_597 = tpu.memref_squeeze %dma_start3A_596 : memref<1x128xi32, #tpu.memory_space<vmem>> -> memref<128xi32, #tpu.memory_space<vmem>>
      %dma_start3A_598 = arith.constant 0 : i32
      %dma_start3A_599 = arith.constant 0 : i32
      %dma_start3A_600 = tpu.memref_slice %arg7[%dma_start3A_598, %dma_start3A_599] : memref<16000x64xf32, #tpu.memory_space<hbm>> -> memref<16000x64xf32, #tpu.memory_space<hbm>>
      tpu.enqueue_indirect_dma source(%dma_start3A_600 : memref<16000x64xf32, #tpu.memory_space<hbm>>) target(%arg16 : memref<128x64xf32, #tpu.memory_space<vmem>>) offsets(%dma_start3A_597 : memref<128xi32, #tpu.memory_space<vmem>>) semaphore(%arg20 : memref<!tpu.dma_semaphore, #tpu.memory_space<semaphore_mem>>)
    } else {
    }
    %dma_wait3A_116 = arith.constant 0 : i32
    %dma_wait3A_117 = arith.constant 0 : i32
    %dma_wait3A_118 = tpu.memref_slice %arg13[%dma_wait3A_116, %dma_wait3A_117] : memref<125x128xi32, #tpu.memory_space<vmem>> -> memref<1x128xi32, #tpu.memory_space<vmem>>
    %dma_wait3A_119 = tpu.memref_squeeze %dma_wait3A_118 : memref<1x128xi32, #tpu.memory_space<vmem>> -> memref<128xi32, #tpu.memory_space<vmem>>
    %dma_wait3A_120 = arith.constant 0 : i32
    %dma_wait3A_121 = arith.constant 0 : i32
    %dma_wait3A_122 = tpu.memref_slice %arg5[%dma_wait3A_120, %dma_wait3A_121] : memref<16000x64xf32, #tpu.memory_space<hbm>> -> memref<16000x64xf32, #tpu.memory_space<hbm>>
    tpu.wait_indirect_dma semaphore(%arg20 : memref<!tpu.dma_semaphore, #tpu.memory_space<semaphore_mem>>) src(%dma_wait3A_122 : memref<16000x64xf32, #tpu.memory_space<hbm>>) dst(%arg18 : memref<128x64xf32, #tpu.memory_space<vmem>>)
    %dma_start3A_123 = arith.constant 3 : i32
    %dma_start3A_124 = arith.constant 0 : i32
    %dma_start3A_125 = tpu.memref_slice %arg14[%dma_start3A_123, %dma_start3A_124] : memref<125x128xi32, #tpu.memory_space<vmem>> -> memref<1x128xi32, #tpu.memory_space<vmem>>
    %dma_start3A_126 = tpu.memref_squeeze %dma_start3A_125 : memref<1x128xi32, #tpu.memory_space<vmem>> -> memref<128xi32, #tpu.memory_space<vmem>>
    %dma_start3A_127 = arith.constant 0 : i32
    %dma_start3A_128 = arith.constant 0 : i32
    %dma_start3A_129 = tpu.memref_slice %arg19[%dma_start3A_127, %dma_start3A_128] : memref<16000x64xf32, #tpu.memory_space<vmem_shared>> -> memref<16000x64xf32, #tpu.memory_space<vmem_shared>>
    tpu.enqueue_indirect_dma source(%arg18 : memref<128x64xf32, #tpu.memory_space<vmem>>) target(%dma_start3A_129 : memref<16000x64xf32, #tpu.memory_space<vmem_shared>>) offsets(%dma_start3A_126 : memref<128xi32, #tpu.memory_space<vmem>>) semaphore(%arg21 : memref<!tpu.dma_semaphore, #tpu.memory_space<semaphore_mem>>) {add = true}
    %dma_wait3A_130 = arith.constant 0 : i32
    %dma_wait3A_131 = arith.constant 0 : i32
    %dma_wait3A_132 = tpu.memref_slice %arg14[%dma_wait3A_130, %dma_wait3A_131] : memref<125x128xi32, #tpu.memory_space<vmem>> -> memref<1x128xi32, #tpu.memory_space<vmem>>
    %dma_wait3A_133 = tpu.memref_squeeze %dma_wait3A_132 : memref<1x128xi32, #tpu.memory_space<vmem>> -> memref<128xi32, #tpu.memory_space<vmem>>
    %dma_wait3A_134 = arith.constant 0 : i32
    %dma_wait3A_135 = arith.constant 0 : i32
    %dma_wait3A_136 = tpu.memref_slice %arg19[%dma_wait3A_134, %dma_wait3A_135] : memref<16000x64xf32, #tpu.memory_space<vmem_shared>> -> memref<16000x64xf32, #tpu.memory_space<vmem_shared>>
    tpu.wait_indirect_dma semaphore(%arg21 : memref<!tpu.dma_semaphore, #tpu.memory_space<semaphore_mem>>) src(%arg15 : memref<128x64xf32, #tpu.memory_space<vmem>>) dst(%dma_wait3A_136 : memref<16000x64xf32, #tpu.memory_space<vmem_shared>>)
    %eq3A_137 = arith.constant 0 : i32
    %eq3A_138 = arith.cmpi eq, %arg0, %eq3A_137 : i32
    %convert_element_type3A_139 = arith.extui %eq3A_138 : i1 to i32
    %cond3A_140 = arith.constant 0 : i32
    %cond3A_141 = arith.cmpi ne, %convert_element_type3A_139, %cond3A_140 : i32
    scf.if %cond3A_141 {
      %dma_start3A_594 = arith.constant 6 : i32
      %dma_start3A_595 = arith.constant 0 : i32
      %dma_start3A_596 = tpu.memref_slice %arg13[%dma_start3A_594, %dma_start3A_595] : memref<125x128xi32, #tpu.memory_space<vmem>> -> memref<1x128xi32, #tpu.memory_space<vmem>>
      %dma_start3A_597 = tpu.memref_squeeze %dma_start3A_596 : memref<1x128xi32, #tpu.memory_space<vmem>> -> memref<128xi32, #tpu.memory_space<vmem>>
      %dma_start3A_598 = arith.constant 0 : i32
      %dma_start3A_599 = arith.constant 0 : i32
      %dma_start3A_600 = tpu.memref_slice %arg5[%dma_start3A_598, %dma_start3A_599] : memref<16000x64xf32, #tpu.memory_space<hbm>> -> memref<16000x64xf32, #tpu.memory_space<hbm>>
      tpu.enqueue_indirect_dma source(%dma_start3A_600 : memref<16000x64xf32, #tpu.memory_space<hbm>>) target(%arg17 : memref<128x64xf32, #tpu.memory_space<vmem>>) offsets(%dma_start3A_597 : memref<128xi32, #tpu.memory_space<vmem>>) semaphore(%arg20 : memref<!tpu.dma_semaphore, #tpu.memory_space<semaphore_mem>>)
    } else {
    }
    %eq3A_142 = arith.constant 1 : i32
    %eq3A_143 = arith.cmpi eq, %arg0, %eq3A_142 : i32
    %convert_element_type3A_144 = arith.extui %eq3A_143 : i1 to i32
    %cond3A_145 = arith.constant 0 : i32
    %cond3A_146 = arith.cmpi ne, %convert_element_type3A_144, %cond3A_145 : i32
    scf.if %cond3A_146 {
      %dma_start3A_594 = arith.constant 6 : i32
      %dma_start3A_595 = arith.constant 0 : i32
      %dma_start3A_596 = tpu.memref_slice %arg13[%dma_start3A_594, %dma_start3A_595] : memref<125x128xi32, #tpu.memory_space<vmem>> -> memref<1x128xi32, #tpu.memory_space<vmem>>
      %dma_start3A_597 = tpu.memref_squeeze %dma_start3A_596 : memref<1x128xi32, #tpu.memory_space<vmem>> -> memref<128xi32, #tpu.memory_space<vmem>>
      %dma_start3A_598 = arith.constant 0 : i32
      %dma_start3A_599 = arith.constant 0 : i32
      %dma_start3A_600 = tpu.memref_slice %arg7[%dma_start3A_598, %dma_start3A_599] : memref<16000x64xf32, #tpu.memory_space<hbm>> -> memref<16000x64xf32, #tpu.memory_space<hbm>>
      tpu.enqueue_indirect_dma source(%dma_start3A_600 : memref<16000x64xf32, #tpu.memory_space<hbm>>) target(%arg17 : memref<128x64xf32, #tpu.memory_space<vmem>>) offsets(%dma_start3A_597 : memref<128xi32, #tpu.memory_space<vmem>>) semaphore(%arg20 : memref<!tpu.dma_semaphore, #tpu.memory_space<semaphore_mem>>)
    } else {
    }
    %scan3A = arith.constant 0 : i32
    %scan3A_147 = arith.constant 29 : i32
    %scan3A_148 = arith.addi %scan3A, %scan3A_147 : i32
    %scan3A_149 = arith.constant 1 : i32
    scf.for %scan3A_594 = %scan3A to %scan3A_148 step %scan3A_149  : i32 {
      %mul3A_595 = arith.constant 1 : i32
      %mul3A_596 = arith.muli %scan3A_594, %mul3A_595 : i32
      %add3A = arith.constant 0 : i32
      %add3A_597 = arith.addi %add3A, %mul3A_596 : i32
      %mul3A_598 = arith.constant 4 : i32
      %mul3A_599 = arith.muli %mul3A_598, %add3A_597 : i32
      %add3A_600 = arith.constant 4 : i32
      %add3A_601 = arith.addi %add3A_600, %mul3A_599 : i32
      %dma_wait3A_602 = arith.constant 0 : i32
      %dma_wait3A_603 = arith.constant 0 : i32
      %dma_wait3A_604 = tpu.memref_slice %arg13[%dma_wait3A_602, %dma_wait3A_603] : memref<125x128xi32, #tpu.memory_space<vmem>> -> memref<1x128xi32, #tpu.memory_space<vmem>>
      %dma_wait3A_605 = tpu.memref_squeeze %dma_wait3A_604 : memref<1x128xi32, #tpu.memory_space<vmem>> -> memref<128xi32, #tpu.memory_space<vmem>>
      %dma_wait3A_606 = arith.constant 0 : i32
      %dma_wait3A_607 = arith.constant 0 : i32
      %dma_wait3A_608 = tpu.memref_slice %arg5[%dma_wait3A_606, %dma_wait3A_607] : memref<16000x64xf32, #tpu.memory_space<hbm>> -> memref<16000x64xf32, #tpu.memory_space<hbm>>
      tpu.wait_indirect_dma semaphore(%arg20 : memref<!tpu.dma_semaphore, #tpu.memory_space<semaphore_mem>>) src(%dma_wait3A_608 : memref<16000x64xf32, #tpu.memory_space<hbm>>) dst(%arg15 : memref<128x64xf32, #tpu.memory_space<vmem>>)
      %dma_start3A_609 = arith.constant 0 : i32
      %dma_start3A_610 = tpu.memref_slice %arg14[%add3A_601, %dma_start3A_609] : memref<125x128xi32, #tpu.memory_space<vmem>> -> memref<1x128xi32, #tpu.memory_space<vmem>>
      %dma_start3A_611 = tpu.memref_squeeze %dma_start3A_610 : memref<1x128xi32, #tpu.memory_space<vmem>> -> memref<128xi32, #tpu.memory_space<vmem>>
      %dma_start3A_612 = arith.constant 0 : i32
      %dma_start3A_613 = arith.constant 0 : i32
      %dma_start3A_614 = tpu.memref_slice %arg19[%dma_start3A_612, %dma_start3A_613] : memref<16000x64xf32, #tpu.memory_space<vmem_shared>> -> memref<16000x64xf32, #tpu.memory_space<vmem_shared>>
      tpu.enqueue_indirect_dma source(%arg15 : memref<128x64xf32, #tpu.memory_space<vmem>>) target(%dma_start3A_614 : memref<16000x64xf32, #tpu.memory_space<vmem_shared>>) offsets(%dma_start3A_611 : memref<128xi32, #tpu.memory_space<vmem>>) semaphore(%arg21 : memref<!tpu.dma_semaphore, #tpu.memory_space<semaphore_mem>>) {add = true}
      %dma_wait3A_615 = arith.constant 0 : i32
      %dma_wait3A_616 = arith.constant 0 : i32
      %dma_wait3A_617 = tpu.memref_slice %arg14[%dma_wait3A_615, %dma_wait3A_616] : memref<125x128xi32, #tpu.memory_space<vmem>> -> memref<1x128xi32, #tpu.memory_space<vmem>>
      %dma_wait3A_618 = tpu.memref_squeeze %dma_wait3A_617 : memref<1x128xi32, #tpu.memory_space<vmem>> -> memref<128xi32, #tpu.memory_space<vmem>>
      %dma_wait3A_619 = arith.constant 0 : i32
      %dma_wait3A_620 = arith.constant 0 : i32
      %dma_wait3A_621 = tpu.memref_slice %arg19[%dma_wait3A_619, %dma_wait3A_620] : memref<16000x64xf32, #tpu.memory_space<vmem_shared>> -> memref<16000x64xf32, #tpu.memory_space<vmem_shared>>
      tpu.wait_indirect_dma semaphore(%arg21 : memref<!tpu.dma_semaphore, #tpu.memory_space<semaphore_mem>>) src(%arg15 : memref<128x64xf32, #tpu.memory_space<vmem>>) dst(%dma_wait3A_621 : memref<16000x64xf32, #tpu.memory_space<vmem_shared>>)
      %add3A_622 = arith.constant 3 : i32
      %add3A_623 = arith.addi %add3A_601, %add3A_622 : i32
      %eq3A_624 = arith.constant 0 : i32
      %eq3A_625 = arith.cmpi eq, %arg0, %eq3A_624 : i32
      %convert_element_type3A_626 = arith.extui %eq3A_625 : i1 to i32
      %cond3A_627 = arith.constant 0 : i32
      %cond3A_628 = arith.cmpi ne, %convert_element_type3A_626, %cond3A_627 : i32
      scf.if %cond3A_628 {
        %dma_start3A_736 = arith.constant 0 : i32
        %dma_start3A_737 = tpu.memref_slice %arg13[%add3A_623, %dma_start3A_736] : memref<125x128xi32, #tpu.memory_space<vmem>> -> memref<1x128xi32, #tpu.memory_space<vmem>>
        %dma_start3A_738 = tpu.memref_squeeze %dma_start3A_737 : memref<1x128xi32, #tpu.memory_space<vmem>> -> memref<128xi32, #tpu.memory_space<vmem>>
        %dma_start3A_739 = arith.constant 0 : i32
        %dma_start3A_740 = arith.constant 0 : i32
        %dma_start3A_741 = tpu.memref_slice %arg5[%dma_start3A_739, %dma_start3A_740] : memref<16000x64xf32, #tpu.memory_space<hbm>> -> memref<16000x64xf32, #tpu.memory_space<hbm>>
        tpu.enqueue_indirect_dma source(%dma_start3A_741 : memref<16000x64xf32, #tpu.memory_space<hbm>>) target(%arg18 : memref<128x64xf32, #tpu.memory_space<vmem>>) offsets(%dma_start3A_738 : memref<128xi32, #tpu.memory_space<vmem>>) semaphore(%arg20 : memref<!tpu.dma_semaphore, #tpu.memory_space<semaphore_mem>>)
      } else {
      }
      %eq3A_629 = arith.constant 1 : i32
      %eq3A_630 = arith.cmpi eq, %arg0, %eq3A_629 : i32
      %convert_element_type3A_631 = arith.extui %eq3A_630 : i1 to i32
      %cond3A_632 = arith.constant 0 : i32
      %cond3A_633 = arith.cmpi ne, %convert_element_type3A_631, %cond3A_632 : i32
      scf.if %cond3A_633 {
        %dma_start3A_736 = arith.constant 0 : i32
        %dma_start3A_737 = tpu.memref_slice %arg13[%add3A_623, %dma_start3A_736] : memref<125x128xi32, #tpu.memory_space<vmem>> -> memref<1x128xi32, #tpu.memory_space<vmem>>
        %dma_start3A_738 = tpu.memref_squeeze %dma_start3A_737 : memref<1x128xi32, #tpu.memory_space<vmem>> -> memref<128xi32, #tpu.memory_space<vmem>>
        %dma_start3A_739 = arith.constant 0 : i32
        %dma_start3A_740 = arith.constant 0 : i32
        %dma_start3A_741 = tpu.memref_slice %arg7[%dma_start3A_739, %dma_start3A_740] : memref<16000x64xf32, #tpu.memory_space<hbm>> -> memref<16000x64xf32, #tpu.memory_space<hbm>>
        tpu.enqueue_indirect_dma source(%dma_start3A_741 : memref<16000x64xf32, #tpu.memory_space<hbm>>) target(%arg18 : memref<128x64xf32, #tpu.memory_space<vmem>>) offsets(%dma_start3A_738 : memref<128xi32, #tpu.memory_space<vmem>>) semaphore(%arg20 : memref<!tpu.dma_semaphore, #tpu.memory_space<semaphore_mem>>)
      } else {
      }
      %dma_wait3A_634 = arith.constant 0 : i32
      %dma_wait3A_635 = arith.constant 0 : i32
      %dma_wait3A_636 = tpu.memref_slice %arg13[%dma_wait3A_634, %dma_wait3A_635] : memref<125x128xi32, #tpu.memory_space<vmem>> -> memref<1x128xi32, #tpu.memory_space<vmem>>
      %dma_wait3A_637 = tpu.memref_squeeze %dma_wait3A_636 : memref<1x128xi32, #tpu.memory_space<vmem>> -> memref<128xi32, #tpu.memory_space<vmem>>
      %dma_wait3A_638 = arith.constant 0 : i32
      %dma_wait3A_639 = arith.constant 0 : i32
      %dma_wait3A_640 = tpu.memref_slice %arg5[%dma_wait3A_638, %dma_wait3A_639] : memref<16000x64xf32, #tpu.memory_space<hbm>> -> memref<16000x64xf32, #tpu.memory_space<hbm>>
      tpu.wait_indirect_dma semaphore(%arg20 : memref<!tpu.dma_semaphore, #tpu.memory_space<semaphore_mem>>) src(%dma_wait3A_640 : memref<16000x64xf32, #tpu.memory_space<hbm>>) dst(%arg16 : memref<128x64xf32, #tpu.memory_space<vmem>>)
      %add3A_641 = arith.constant 1 : i32
      %add3A_642 = arith.addi %add3A_601, %add3A_641 : i32
      %dma_start3A_643 = arith.constant 0 : i32
      %dma_start3A_644 = tpu.memref_slice %arg14[%add3A_642, %dma_start3A_643] : memref<125x128xi32, #tpu.memory_space<vmem>> -> memref<1x128xi32, #tpu.memory_space<vmem>>
      %dma_start3A_645 = tpu.memref_squeeze %dma_start3A_644 : memref<1x128xi32, #tpu.memory_space<vmem>> -> memref<128xi32, #tpu.memory_space<vmem>>
      %dma_start3A_646 = arith.constant 0 : i32
      %dma_start3A_647 = arith.constant 0 : i32
      %dma_start3A_648 = tpu.memref_slice %arg19[%dma_start3A_646, %dma_start3A_647] : memref<16000x64xf32, #tpu.memory_space<vmem_shared>> -> memref<16000x64xf32, #tpu.memory_space<vmem_shared>>
      tpu.enqueue_indirect_dma source(%arg16 : memref<128x64xf32, #tpu.memory_space<vmem>>) target(%dma_start3A_648 : memref<16000x64xf32, #tpu.memory_space<vmem_shared>>) offsets(%dma_start3A_645 : memref<128xi32, #tpu.memory_space<vmem>>) semaphore(%arg21 : memref<!tpu.dma_semaphore, #tpu.memory_space<semaphore_mem>>) {add = true}
      %dma_wait3A_649 = arith.constant 0 : i32
      %dma_wait3A_650 = arith.constant 0 : i32
      %dma_wait3A_651 = tpu.memref_slice %arg14[%dma_wait3A_649, %dma_wait3A_650] : memref<125x128xi32, #tpu.memory_space<vmem>> -> memref<1x128xi32, #tpu.memory_space<vmem>>
      %dma_wait3A_652 = tpu.memref_squeeze %dma_wait3A_651 : memref<1x128xi32, #tpu.memory_space<vmem>> -> memref<128xi32, #tpu.memory_space<vmem>>
      %dma_wait3A_653 = arith.constant 0 : i32
      %dma_wait3A_654 = arith.constant 0 : i32
      %dma_wait3A_655 = tpu.memref_slice %arg19[%dma_wait3A_653, %dma_wait3A_654] : memref<16000x64xf32, #tpu.memory_space<vmem_shared>> -> memref<16000x64xf32, #tpu.memory_space<vmem_shared>>
      tpu.wait_indirect_dma semaphore(%arg21 : memref<!tpu.dma_semaphore, #tpu.memory_space<semaphore_mem>>) src(%arg15 : memref<128x64xf32, #tpu.memory_space<vmem>>) dst(%dma_wait3A_655 : memref<16000x64xf32, #tpu.memory_space<vmem_shared>>)
      %add3A_656 = arith.constant 4 : i32
      %add3A_657 = arith.addi %add3A_601, %add3A_656 : i32
      %eq3A_658 = arith.constant 0 : i32
      %eq3A_659 = arith.cmpi eq, %arg0, %eq3A_658 : i32
      %convert_element_type3A_660 = arith.extui %eq3A_659 : i1 to i32
      %cond3A_661 = arith.constant 0 : i32
      %cond3A_662 = arith.cmpi ne, %convert_element_type3A_660, %cond3A_661 : i32
      scf.if %cond3A_662 {
        %dma_start3A_736 = arith.constant 0 : i32
        %dma_start3A_737 = tpu.memref_slice %arg13[%add3A_657, %dma_start3A_736] : memref<125x128xi32, #tpu.memory_space<vmem>> -> memref<1x128xi32, #tpu.memory_space<vmem>>
        %dma_start3A_738 = tpu.memref_squeeze %dma_start3A_737 : memref<1x128xi32, #tpu.memory_space<vmem>> -> memref<128xi32, #tpu.memory_space<vmem>>
        %dma_start3A_739 = arith.constant 0 : i32
        %dma_start3A_740 = arith.constant 0 : i32
        %dma_start3A_741 = tpu.memref_slice %arg5[%dma_start3A_739, %dma_start3A_740] : memref<16000x64xf32, #tpu.memory_space<hbm>> -> memref<16000x64xf32, #tpu.memory_space<hbm>>
        tpu.enqueue_indirect_dma source(%dma_start3A_741 : memref<16000x64xf32, #tpu.memory_space<hbm>>) target(%arg15 : memref<128x64xf32, #tpu.memory_space<vmem>>) offsets(%dma_start3A_738 : memref<128xi32, #tpu.memory_space<vmem>>) semaphore(%arg20 : memref<!tpu.dma_semaphore, #tpu.memory_space<semaphore_mem>>)
      } else {
      }
      %eq3A_663 = arith.constant 1 : i32
      %eq3A_664 = arith.cmpi eq, %arg0, %eq3A_663 : i32
      %convert_element_type3A_665 = arith.extui %eq3A_664 : i1 to i32
      %cond3A_666 = arith.constant 0 : i32
      %cond3A_667 = arith.cmpi ne, %convert_element_type3A_665, %cond3A_666 : i32
      scf.if %cond3A_667 {
        %dma_start3A_736 = arith.constant 0 : i32
        %dma_start3A_737 = tpu.memref_slice %arg13[%add3A_657, %dma_start3A_736] : memref<125x128xi32, #tpu.memory_space<vmem>> -> memref<1x128xi32, #tpu.memory_space<vmem>>
        %dma_start3A_738 = tpu.memref_squeeze %dma_start3A_737 : memref<1x128xi32, #tpu.memory_space<vmem>> -> memref<128xi32, #tpu.memory_space<vmem>>
        %dma_start3A_739 = arith.constant 0 : i32
        %dma_start3A_740 = arith.constant 0 : i32
        %dma_start3A_741 = tpu.memref_slice %arg7[%dma_start3A_739, %dma_start3A_740] : memref<16000x64xf32, #tpu.memory_space<hbm>> -> memref<16000x64xf32, #tpu.memory_space<hbm>>
        tpu.enqueue_indirect_dma source(%dma_start3A_741 : memref<16000x64xf32, #tpu.memory_space<hbm>>) target(%arg15 : memref<128x64xf32, #tpu.memory_space<vmem>>) offsets(%dma_start3A_738 : memref<128xi32, #tpu.memory_space<vmem>>) semaphore(%arg20 : memref<!tpu.dma_semaphore, #tpu.memory_space<semaphore_mem>>)
      } else {
      }
      %dma_wait3A_668 = arith.constant 0 : i32
      %dma_wait3A_669 = arith.constant 0 : i32
      %dma_wait3A_670 = tpu.memref_slice %arg13[%dma_wait3A_668, %dma_wait3A_669] : memref<125x128xi32, #tpu.memory_space<vmem>> -> memref<1x128xi32, #tpu.memory_space<vmem>>
      %dma_wait3A_671 = tpu.memref_squeeze %dma_wait3A_670 : memref<1x128xi32, #tpu.memory_space<vmem>> -> memref<128xi32, #tpu.memory_space<vmem>>
      %dma_wait3A_672 = arith.constant 0 : i32
      %dma_wait3A_673 = arith.constant 0 : i32
      %dma_wait3A_674 = tpu.memref_slice %arg5[%dma_wait3A_672, %dma_wait3A_673] : memref<16000x64xf32, #tpu.memory_space<hbm>> -> memref<16000x64xf32, #tpu.memory_space<hbm>>
      tpu.wait_indirect_dma semaphore(%arg20 : memref<!tpu.dma_semaphore, #tpu.memory_space<semaphore_mem>>) src(%dma_wait3A_674 : memref<16000x64xf32, #tpu.memory_space<hbm>>) dst(%arg17 : memref<128x64xf32, #tpu.memory_space<vmem>>)
      %add3A_675 = arith.constant 2 : i32
      %add3A_676 = arith.addi %add3A_601, %add3A_675 : i32
      %dma_start3A_677 = arith.constant 0 : i32
      %dma_start3A_678 = tpu.memref_slice %arg14[%add3A_676, %dma_start3A_677] : memref<125x128xi32, #tpu.memory_space<vmem>> -> memref<1x128xi32, #tpu.memory_space<vmem>>
      %dma_start3A_679 = tpu.memref_squeeze %dma_start3A_678 : memref<1x128xi32, #tpu.memory_space<vmem>> -> memref<128xi32, #tpu.memory_space<vmem>>
      %dma_start3A_680 = arith.constant 0 : i32
      %dma_start3A_681 = arith.constant 0 : i32
      %dma_start3A_682 = tpu.memref_slice %arg19[%dma_start3A_680, %dma_start3A_681] : memref<16000x64xf32, #tpu.memory_space<vmem_shared>> -> memref<16000x64xf32, #tpu.memory_space<vmem_shared>>
      tpu.enqueue_indirect_dma source(%arg17 : memref<128x64xf32, #tpu.memory_space<vmem>>) target(%dma_start3A_682 : memref<16000x64xf32, #tpu.memory_space<vmem_shared>>) offsets(%dma_start3A_679 : memref<128xi32, #tpu.memory_space<vmem>>) semaphore(%arg21 : memref<!tpu.dma_semaphore, #tpu.memory_space<semaphore_mem>>) {add = true}
      %dma_wait3A_683 = arith.constant 0 : i32
      %dma_wait3A_684 = arith.constant 0 : i32
      %dma_wait3A_685 = tpu.memref_slice %arg14[%dma_wait3A_683, %dma_wait3A_684] : memref<125x128xi32, #tpu.memory_space<vmem>> -> memref<1x128xi32, #tpu.memory_space<vmem>>
      %dma_wait3A_686 = tpu.memref_squeeze %dma_wait3A_685 : memref<1x128xi32, #tpu.memory_space<vmem>> -> memref<128xi32, #tpu.memory_space<vmem>>
      %dma_wait3A_687 = arith.constant 0 : i32
      %dma_wait3A_688 = arith.constant 0 : i32
      %dma_wait3A_689 = tpu.memref_slice %arg19[%dma_wait3A_687, %dma_wait3A_688] : memref<16000x64xf32, #tpu.memory_space<vmem_shared>> -> memref<16000x64xf32, #tpu.memory_space<vmem_shared>>
      tpu.wait_indirect_dma semaphore(%arg21 : memref<!tpu.dma_semaphore, #tpu.memory_space<semaphore_mem>>) src(%arg15 : memref<128x64xf32, #tpu.memory_space<vmem>>) dst(%dma_wait3A_689 : memref<16000x64xf32, #tpu.memory_space<vmem_shared>>)
      %add3A_690 = arith.constant 5 : i32
      %add3A_691 = arith.addi %add3A_601, %add3A_690 : i32
      %eq3A_692 = arith.constant 0 : i32
      %eq3A_693 = arith.cmpi eq, %arg0, %eq3A_692 : i32
      %convert_element_type3A_694 = arith.extui %eq3A_693 : i1 to i32
      %cond3A_695 = arith.constant 0 : i32
      %cond3A_696 = arith.cmpi ne, %convert_element_type3A_694, %cond3A_695 : i32
      scf.if %cond3A_696 {
        %dma_start3A_736 = arith.constant 0 : i32
        %dma_start3A_737 = tpu.memref_slice %arg13[%add3A_691, %dma_start3A_736] : memref<125x128xi32, #tpu.memory_space<vmem>> -> memref<1x128xi32, #tpu.memory_space<vmem>>
        %dma_start3A_738 = tpu.memref_squeeze %dma_start3A_737 : memref<1x128xi32, #tpu.memory_space<vmem>> -> memref<128xi32, #tpu.memory_space<vmem>>
        %dma_start3A_739 = arith.constant 0 : i32
        %dma_start3A_740 = arith.constant 0 : i32
        %dma_start3A_741 = tpu.memref_slice %arg5[%dma_start3A_739, %dma_start3A_740] : memref<16000x64xf32, #tpu.memory_space<hbm>> -> memref<16000x64xf32, #tpu.memory_space<hbm>>
        tpu.enqueue_indirect_dma source(%dma_start3A_741 : memref<16000x64xf32, #tpu.memory_space<hbm>>) target(%arg16 : memref<128x64xf32, #tpu.memory_space<vmem>>) offsets(%dma_start3A_738 : memref<128xi32, #tpu.memory_space<vmem>>) semaphore(%arg20 : memref<!tpu.dma_semaphore, #tpu.memory_space<semaphore_mem>>)
      } else {
      }
      %eq3A_697 = arith.constant 1 : i32
      %eq3A_698 = arith.cmpi eq, %arg0, %eq3A_697 : i32
      %convert_element_type3A_699 = arith.extui %eq3A_698 : i1 to i32
      %cond3A_700 = arith.constant 0 : i32
      %cond3A_701 = arith.cmpi ne, %convert_element_type3A_699, %cond3A_700 : i32
      scf.if %cond3A_701 {
        %dma_start3A_736 = arith.constant 0 : i32
        %dma_start3A_737 = tpu.memref_slice %arg13[%add3A_691, %dma_start3A_736] : memref<125x128xi32, #tpu.memory_space<vmem>> -> memref<1x128xi32, #tpu.memory_space<vmem>>
        %dma_start3A_738 = tpu.memref_squeeze %dma_start3A_737 : memref<1x128xi32, #tpu.memory_space<vmem>> -> memref<128xi32, #tpu.memory_space<vmem>>
        %dma_start3A_739 = arith.constant 0 : i32
        %dma_start3A_740 = arith.constant 0 : i32
        %dma_start3A_741 = tpu.memref_slice %arg7[%dma_start3A_739, %dma_start3A_740] : memref<16000x64xf32, #tpu.memory_space<hbm>> -> memref<16000x64xf32, #tpu.memory_space<hbm>>
        tpu.enqueue_indirect_dma source(%dma_start3A_741 : memref<16000x64xf32, #tpu.memory_space<hbm>>) target(%arg16 : memref<128x64xf32, #tpu.memory_space<vmem>>) offsets(%dma_start3A_738 : memref<128xi32, #tpu.memory_space<vmem>>) semaphore(%arg20 : memref<!tpu.dma_semaphore, #tpu.memory_space<semaphore_mem>>)
      } else {
      }
      %dma_wait3A_702 = arith.constant 0 : i32
      %dma_wait3A_703 = arith.constant 0 : i32
      %dma_wait3A_704 = tpu.memref_slice %arg13[%dma_wait3A_702, %dma_wait3A_703] : memref<125x128xi32, #tpu.memory_space<vmem>> -> memref<1x128xi32, #tpu.memory_space<vmem>>
      %dma_wait3A_705 = tpu.memref_squeeze %dma_wait3A_704 : memref<1x128xi32, #tpu.memory_space<vmem>> -> memref<128xi32, #tpu.memory_space<vmem>>
      %dma_wait3A_706 = arith.constant 0 : i32
      %dma_wait3A_707 = arith.constant 0 : i32
      %dma_wait3A_708 = tpu.memref_slice %arg5[%dma_wait3A_706, %dma_wait3A_707] : memref<16000x64xf32, #tpu.memory_space<hbm>> -> memref<16000x64xf32, #tpu.memory_space<hbm>>
      tpu.wait_indirect_dma semaphore(%arg20 : memref<!tpu.dma_semaphore, #tpu.memory_space<semaphore_mem>>) src(%dma_wait3A_708 : memref<16000x64xf32, #tpu.memory_space<hbm>>) dst(%arg18 : memref<128x64xf32, #tpu.memory_space<vmem>>)
      %add3A_709 = arith.constant 3 : i32
      %add3A_710 = arith.addi %add3A_601, %add3A_709 : i32
      %dma_start3A_711 = arith.constant 0 : i32
      %dma_start3A_712 = tpu.memref_slice %arg14[%add3A_710, %dma_start3A_711] : memref<125x128xi32, #tpu.memory_space<vmem>> -> memref<1x128xi32, #tpu.memory_space<vmem>>
      %dma_start3A_713 = tpu.memref_squeeze %dma_start3A_712 : memref<1x128xi32, #tpu.memory_space<vmem>> -> memref<128xi32, #tpu.memory_space<vmem>>
      %dma_start3A_714 = arith.constant 0 : i32
      %dma_start3A_715 = arith.constant 0 : i32
      %dma_start3A_716 = tpu.memref_slice %arg19[%dma_start3A_714, %dma_start3A_715] : memref<16000x64xf32, #tpu.memory_space<vmem_shared>> -> memref<16000x64xf32, #tpu.memory_space<vmem_shared>>
      tpu.enqueue_indirect_dma source(%arg18 : memref<128x64xf32, #tpu.memory_space<vmem>>) target(%dma_start3A_716 : memref<16000x64xf32, #tpu.memory_space<vmem_shared>>) offsets(%dma_start3A_713 : memref<128xi32, #tpu.memory_space<vmem>>) semaphore(%arg21 : memref<!tpu.dma_semaphore, #tpu.memory_space<semaphore_mem>>) {add = true}
      %dma_wait3A_717 = arith.constant 0 : i32
      %dma_wait3A_718 = arith.constant 0 : i32
      %dma_wait3A_719 = tpu.memref_slice %arg14[%dma_wait3A_717, %dma_wait3A_718] : memref<125x128xi32, #tpu.memory_space<vmem>> -> memref<1x128xi32, #tpu.memory_space<vmem>>
      %dma_wait3A_720 = tpu.memref_squeeze %dma_wait3A_719 : memref<1x128xi32, #tpu.memory_space<vmem>> -> memref<128xi32, #tpu.memory_space<vmem>>
      %dma_wait3A_721 = arith.constant 0 : i32
      %dma_wait3A_722 = arith.constant 0 : i32
      %dma_wait3A_723 = tpu.memref_slice %arg19[%dma_wait3A_721, %dma_wait3A_722] : memref<16000x64xf32, #tpu.memory_space<vmem_shared>> -> memref<16000x64xf32, #tpu.memory_space<vmem_shared>>
      tpu.wait_indirect_dma semaphore(%arg21 : memref<!tpu.dma_semaphore, #tpu.memory_space<semaphore_mem>>) src(%arg15 : memref<128x64xf32, #tpu.memory_space<vmem>>) dst(%dma_wait3A_723 : memref<16000x64xf32, #tpu.memory_space<vmem_shared>>)
      %add3A_724 = arith.constant 6 : i32
      %add3A_725 = arith.addi %add3A_601, %add3A_724 : i32
      %eq3A_726 = arith.constant 0 : i32
      %eq3A_727 = arith.cmpi eq, %arg0, %eq3A_726 : i32
      %convert_element_type3A_728 = arith.extui %eq3A_727 : i1 to i32
      %cond3A_729 = arith.constant 0 : i32
      %cond3A_730 = arith.cmpi ne, %convert_element_type3A_728, %cond3A_729 : i32
      scf.if %cond3A_730 {
        %dma_start3A_736 = arith.constant 0 : i32
        %dma_start3A_737 = tpu.memref_slice %arg13[%add3A_725, %dma_start3A_736] : memref<125x128xi32, #tpu.memory_space<vmem>> -> memref<1x128xi32, #tpu.memory_space<vmem>>
        %dma_start3A_738 = tpu.memref_squeeze %dma_start3A_737 : memref<1x128xi32, #tpu.memory_space<vmem>> -> memref<128xi32, #tpu.memory_space<vmem>>
        %dma_start3A_739 = arith.constant 0 : i32
        %dma_start3A_740 = arith.constant 0 : i32
        %dma_start3A_741 = tpu.memref_slice %arg5[%dma_start3A_739, %dma_start3A_740] : memref<16000x64xf32, #tpu.memory_space<hbm>> -> memref<16000x64xf32, #tpu.memory_space<hbm>>
        tpu.enqueue_indirect_dma source(%dma_start3A_741 : memref<16000x64xf32, #tpu.memory_space<hbm>>) target(%arg17 : memref<128x64xf32, #tpu.memory_space<vmem>>) offsets(%dma_start3A_738 : memref<128xi32, #tpu.memory_space<vmem>>) semaphore(%arg20 : memref<!tpu.dma_semaphore, #tpu.memory_space<semaphore_mem>>)
      } else {
      }
      %eq3A_731 = arith.constant 1 : i32
      %eq3A_732 = arith.cmpi eq, %arg0, %eq3A_731 : i32
      %convert_element_type3A_733 = arith.extui %eq3A_732 : i1 to i32
      %cond3A_734 = arith.constant 0 : i32
      %cond3A_735 = arith.cmpi ne, %convert_element_type3A_733, %cond3A_734 : i32
      scf.if %cond3A_735 {
        %dma_start3A_736 = arith.constant 0 : i32
        %dma_start3A_737 = tpu.memref_slice %arg13[%add3A_725, %dma_start3A_736] : memref<125x128xi32, #tpu.memory_space<vmem>> -> memref<1x128xi32, #tpu.memory_space<vmem>>
        %dma_start3A_738 = tpu.memref_squeeze %dma_start3A_737 : memref<1x128xi32, #tpu.memory_space<vmem>> -> memref<128xi32, #tpu.memory_space<vmem>>
        %dma_start3A_739 = arith.constant 0 : i32
        %dma_start3A_740 = arith.constant 0 : i32
        %dma_start3A_741 = tpu.memref_slice %arg7[%dma_start3A_739, %dma_start3A_740] : memref<16000x64xf32, #tpu.memory_space<hbm>> -> memref<16000x64xf32, #tpu.memory_space<hbm>>
        tpu.enqueue_indirect_dma source(%dma_start3A_741 : memref<16000x64xf32, #tpu.memory_space<hbm>>) target(%arg17 : memref<128x64xf32, #tpu.memory_space<vmem>>) offsets(%dma_start3A_738 : memref<128xi32, #tpu.memory_space<vmem>>) semaphore(%arg20 : memref<!tpu.dma_semaphore, #tpu.memory_space<semaphore_mem>>)
      } else {
      }
    }
    %scan3A_150 = arith.constant 29 : i32
    %dma_wait3A_151 = arith.constant 0 : i32
    %dma_wait3A_152 = arith.constant 0 : i32
    %dma_wait3A_153 = tpu.memref_slice %arg13[%dma_wait3A_151, %dma_wait3A_152] : memref<125x128xi32, #tpu.memory_space<vmem>> -> memref<1x128xi32, #tpu.memory_space<vmem>>
    %dma_wait3A_154 = tpu.memref_squeeze %dma_wait3A_153 : memref<1x128xi32, #tpu.memory_space<vmem>> -> memref<128xi32, #tpu.memory_space<vmem>>
    %dma_wait3A_155 = arith.constant 0 : i32
    %dma_wait3A_156 = arith.constant 0 : i32
    %dma_wait3A_157 = tpu.memref_slice %arg5[%dma_wait3A_155, %dma_wait3A_156] : memref<16000x64xf32, #tpu.memory_space<hbm>> -> memref<16000x64xf32, #tpu.memory_space<hbm>>
    tpu.wait_indirect_dma semaphore(%arg20 : memref<!tpu.dma_semaphore, #tpu.memory_space<semaphore_mem>>) src(%dma_wait3A_157 : memref<16000x64xf32, #tpu.memory_space<hbm>>) dst(%arg15 : memref<128x64xf32, #tpu.memory_space<vmem>>)
    %dma_start3A_158 = arith.constant 120 : i32
    %dma_start3A_159 = arith.constant 0 : i32
    %dma_start3A_160 = tpu.memref_slice %arg14[%dma_start3A_158, %dma_start3A_159] : memref<125x128xi32, #tpu.memory_space<vmem>> -> memref<1x128xi32, #tpu.memory_space<vmem>>
    %dma_start3A_161 = tpu.memref_squeeze %dma_start3A_160 : memref<1x128xi32, #tpu.memory_space<vmem>> -> memref<128xi32, #tpu.memory_space<vmem>>
    %dma_start3A_162 = arith.constant 0 : i32
    %dma_start3A_163 = arith.constant 0 : i32
    %dma_start3A_164 = tpu.memref_slice %arg19[%dma_start3A_162, %dma_start3A_163] : memref<16000x64xf32, #tpu.memory_space<vmem_shared>> -> memref<16000x64xf32, #tpu.memory_space<vmem_shared>>
    tpu.enqueue_indirect_dma source(%arg15 : memref<128x64xf32, #tpu.memory_space<vmem>>) target(%dma_start3A_164 : memref<16000x64xf32, #tpu.memory_space<vmem_shared>>) offsets(%dma_start3A_161 : memref<128xi32, #tpu.memory_space<vmem>>) semaphore(%arg21 : memref<!tpu.dma_semaphore, #tpu.memory_space<semaphore_mem>>) {add = true}
    %dma_wait3A_165 = arith.constant 0 : i32
    %dma_wait3A_166 = arith.constant 0 : i32
    %dma_wait3A_167 = tpu.memref_slice %arg14[%dma_wait3A_165, %dma_wait3A_166] : memref<125x128xi32, #tpu.memory_space<vmem>> -> memref<1x128xi32, #tpu.memory_space<vmem>>
    %dma_wait3A_168 = tpu.memref_squeeze %dma_wait3A_167 : memref<1x128xi32, #tpu.memory_space<vmem>> -> memref<128xi32, #tpu.memory_space<vmem>>
    %dma_wait3A_169 = arith.constant 0 : i32
    %dma_wait3A_170 = arith.constant 0 : i32
    %dma_wait3A_171 = tpu.memref_slice %arg19[%dma_wait3A_169, %dma_wait3A_170] : memref<16000x64xf32, #tpu.memory_space<vmem_shared>> -> memref<16000x64xf32, #tpu.memory_space<vmem_shared>>
    tpu.wait_indirect_dma semaphore(%arg21 : memref<!tpu.dma_semaphore, #tpu.memory_space<semaphore_mem>>) src(%arg15 : memref<128x64xf32, #tpu.memory_space<vmem>>) dst(%dma_wait3A_171 : memref<16000x64xf32, #tpu.memory_space<vmem_shared>>)
    %eq3A_172 = arith.constant 0 : i32
    %eq3A_173 = arith.cmpi eq, %arg0, %eq3A_172 : i32
    %convert_element_type3A_174 = arith.extui %eq3A_173 : i1 to i32
    %cond3A_175 = arith.constant 0 : i32
    %cond3A_176 = arith.cmpi ne, %convert_element_type3A_174, %cond3A_175 : i32
    scf.if %cond3A_176 {
      %dma_start3A_594 = arith.constant 123 : i32
      %dma_start3A_595 = arith.constant 0 : i32
      %dma_start3A_596 = tpu.memref_slice %arg13[%dma_start3A_594, %dma_start3A_595] : memref<125x128xi32, #tpu.memory_space<vmem>> -> memref<1x128xi32, #tpu.memory_space<vmem>>
      %dma_start3A_597 = tpu.memref_squeeze %dma_start3A_596 : memref<1x128xi32, #tpu.memory_space<vmem>> -> memref<128xi32, #tpu.memory_space<vmem>>
      %dma_start3A_598 = arith.constant 0 : i32
      %dma_start3A_599 = arith.constant 0 : i32
      %dma_start3A_600 = tpu.memref_slice %arg5[%dma_start3A_598, %dma_start3A_599] : memref<16000x64xf32, #tpu.memory_space<hbm>> -> memref<16000x64xf32, #tpu.memory_space<hbm>>
      tpu.enqueue_indirect_dma source(%dma_start3A_600 : memref<16000x64xf32, #tpu.memory_space<hbm>>) target(%arg18 : memref<128x64xf32, #tpu.memory_space<vmem>>) offsets(%dma_start3A_597 : memref<128xi32, #tpu.memory_space<vmem>>) semaphore(%arg20 : memref<!tpu.dma_semaphore, #tpu.memory_space<semaphore_mem>>)
    } else {
    }
    %eq3A_177 = arith.constant 1 : i32
    %eq3A_178 = arith.cmpi eq, %arg0, %eq3A_177 : i32
    %convert_element_type3A_179 = arith.extui %eq3A_178 : i1 to i32
    %cond3A_180 = arith.constant 0 : i32
    %cond3A_181 = arith.cmpi ne, %convert_element_type3A_179, %cond3A_180 : i32
    scf.if %cond3A_181 {
      %dma_start3A_594 = arith.constant 123 : i32
      %dma_start3A_595 = arith.constant 0 : i32
      %dma_start3A_596 = tpu.memref_slice %arg13[%dma_start3A_594, %dma_start3A_595] : memref<125x128xi32, #tpu.memory_space<vmem>> -> memref<1x128xi32, #tpu.memory_space<vmem>>
      %dma_start3A_597 = tpu.memref_squeeze %dma_start3A_596 : memref<1x128xi32, #tpu.memory_space<vmem>> -> memref<128xi32, #tpu.memory_space<vmem>>
      %dma_start3A_598 = arith.constant 0 : i32
      %dma_start3A_599 = arith.constant 0 : i32
      %dma_start3A_600 = tpu.memref_slice %arg7[%dma_start3A_598, %dma_start3A_599] : memref<16000x64xf32, #tpu.memory_space<hbm>> -> memref<16000x64xf32, #tpu.memory_space<hbm>>
      tpu.enqueue_indirect_dma source(%dma_start3A_600 : memref<16000x64xf32, #tpu.memory_space<hbm>>) target(%arg18 : memref<128x64xf32, #tpu.memory_space<vmem>>) offsets(%dma_start3A_597 : memref<128xi32, #tpu.memory_space<vmem>>) semaphore(%arg20 : memref<!tpu.dma_semaphore, #tpu.memory_space<semaphore_mem>>)
    } else {
    }
    %dma_wait3A_182 = arith.constant 0 : i32
    %dma_wait3A_183 = arith.constant 0 : i32
    %dma_wait3A_184 = tpu.memref_slice %arg13[%dma_wait3A_182, %dma_wait3A_183] : memref<125x128xi32, #tpu.memory_space<vmem>> -> memref<1x128xi32, #tpu.memory_space<vmem>>
    %dma_wait3A_185 = tpu.memref_squeeze %dma_wait3A_184 : memref<1x128xi32, #tpu.memory_space<vmem>> -> memref<128xi32, #tpu.memory_space<vmem>>
    %dma_wait3A_186 = arith.constant 0 : i32
    %dma_wait3A_187 = arith.constant 0 : i32
    %dma_wait3A_188 = tpu.memref_slice %arg5[%dma_wait3A_186, %dma_wait3A_187] : memref<16000x64xf32, #tpu.memory_space<hbm>> -> memref<16000x64xf32, #tpu.memory_space<hbm>>
    tpu.wait_indirect_dma semaphore(%arg20 : memref<!tpu.dma_semaphore, #tpu.memory_space<semaphore_mem>>) src(%dma_wait3A_188 : memref<16000x64xf32, #tpu.memory_space<hbm>>) dst(%arg16 : memref<128x64xf32, #tpu.memory_space<vmem>>)
    %dma_start3A_189 = arith.constant 121 : i32
    %dma_start3A_190 = arith.constant 0 : i32
    %dma_start3A_191 = tpu.memref_slice %arg14[%dma_start3A_189, %dma_start3A_190] : memref<125x128xi32, #tpu.memory_space<vmem>> -> memref<1x128xi32, #tpu.memory_space<vmem>>
    %dma_start3A_192 = tpu.memref_squeeze %dma_start3A_191 : memref<1x128xi32, #tpu.memory_space<vmem>> -> memref<128xi32, #tpu.memory_space<vmem>>
    %dma_start3A_193 = arith.constant 0 : i32
    %dma_start3A_194 = arith.constant 0 : i32
    %dma_start3A_195 = tpu.memref_slice %arg19[%dma_start3A_193, %dma_start3A_194] : memref<16000x64xf32, #tpu.memory_space<vmem_shared>> -> memref<16000x64xf32, #tpu.memory_space<vmem_shared>>
    tpu.enqueue_indirect_dma source(%arg16 : memref<128x64xf32, #tpu.memory_space<vmem>>) target(%dma_start3A_195 : memref<16000x64xf32, #tpu.memory_space<vmem_shared>>) offsets(%dma_start3A_192 : memref<128xi32, #tpu.memory_space<vmem>>) semaphore(%arg21 : memref<!tpu.dma_semaphore, #tpu.memory_space<semaphore_mem>>) {add = true}
    %dma_wait3A_196 = arith.constant 0 : i32
    %dma_wait3A_197 = arith.constant 0 : i32
    %dma_wait3A_198 = tpu.memref_slice %arg14[%dma_wait3A_196, %dma_wait3A_197] : memref<125x128xi32, #tpu.memory_space<vmem>> -> memref<1x128xi32, #tpu.memory_space<vmem>>
    %dma_wait3A_199 = tpu.memref_squeeze %dma_wait3A_198 : memref<1x128xi32, #tpu.memory_space<vmem>> -> memref<128xi32, #tpu.memory_space<vmem>>
    %dma_wait3A_200 = arith.constant 0 : i32
    %dma_wait3A_201 = arith.constant 0 : i32
    %dma_wait3A_202 = tpu.memref_slice %arg19[%dma_wait3A_200, %dma_wait3A_201] : memref<16000x64xf32, #tpu.memory_space<vmem_shared>> -> memref<16000x64xf32, #tpu.memory_space<vmem_shared>>
    tpu.wait_indirect_dma semaphore(%arg21 : memref<!tpu.dma_semaphore, #tpu.memory_space<semaphore_mem>>) src(%arg15 : memref<128x64xf32, #tpu.memory_space<vmem>>) dst(%dma_wait3A_202 : memref<16000x64xf32, #tpu.memory_space<vmem_shared>>)
    %eq3A_203 = arith.constant 0 : i32
    %eq3A_204 = arith.cmpi eq, %arg0, %eq3A_203 : i32
    %convert_element_type3A_205 = arith.extui %eq3A_204 : i1 to i32
    %cond3A_206 = arith.constant 0 : i32
    %cond3A_207 = arith.cmpi ne, %convert_element_type3A_205, %cond3A_206 : i32
    scf.if %cond3A_207 {
      %dma_start3A_594 = arith.constant 124 : i32
      %dma_start3A_595 = arith.constant 0 : i32
      %dma_start3A_596 = tpu.memref_slice %arg13[%dma_start3A_594, %dma_start3A_595] : memref<125x128xi32, #tpu.memory_space<vmem>> -> memref<1x128xi32, #tpu.memory_space<vmem>>
      %dma_start3A_597 = tpu.memref_squeeze %dma_start3A_596 : memref<1x128xi32, #tpu.memory_space<vmem>> -> memref<128xi32, #tpu.memory_space<vmem>>
      %dma_start3A_598 = arith.constant 0 : i32
      %dma_start3A_599 = arith.constant 0 : i32
      %dma_start3A_600 = tpu.memref_slice %arg5[%dma_start3A_598, %dma_start3A_599] : memref<16000x64xf32, #tpu.memory_space<hbm>> -> memref<16000x64xf32, #tpu.memory_space<hbm>>
      tpu.enqueue_indirect_dma source(%dma_start3A_600 : memref<16000x64xf32, #tpu.memory_space<hbm>>) target(%arg15 : memref<128x64xf32, #tpu.memory_space<vmem>>) offsets(%dma_start3A_597 : memref<128xi32, #tpu.memory_space<vmem>>) semaphore(%arg20 : memref<!tpu.dma_semaphore, #tpu.memory_space<semaphore_mem>>)
    } else {
    }
    %eq3A_208 = arith.constant 1 : i32
    %eq3A_209 = arith.cmpi eq, %arg0, %eq3A_208 : i32
    %convert_element_type3A_210 = arith.extui %eq3A_209 : i1 to i32
    %cond3A_211 = arith.constant 0 : i32
    %cond3A_212 = arith.cmpi ne, %convert_element_type3A_210, %cond3A_211 : i32
    scf.if %cond3A_212 {
      %dma_start3A_594 = arith.constant 124 : i32
      %dma_start3A_595 = arith.constant 0 : i32
      %dma_start3A_596 = tpu.memref_slice %arg13[%dma_start3A_594, %dma_start3A_595] : memref<125x128xi32, #tpu.memory_space<vmem>> -> memref<1x128xi32, #tpu.memory_space<vmem>>
      %dma_start3A_597 = tpu.memref_squeeze %dma_start3A_596 : memref<1x128xi32, #tpu.memory_space<vmem>> -> memref<128xi32, #tpu.memory_space<vmem>>
      %dma_start3A_598 = arith.constant 0 : i32
      %dma_start3A_599 = arith.constant 0 : i32
      %dma_start3A_600 = tpu.memref_slice %arg7[%dma_start3A_598, %dma_start3A_599] : memref<16000x64xf32, #tpu.memory_space<hbm>> -> memref<16000x64xf32, #tpu.memory_space<hbm>>
      tpu.enqueue_indirect_dma source(%dma_start3A_600 : memref<16000x64xf32, #tpu.memory_space<hbm>>) target(%arg15 : memref<128x64xf32, #tpu.memory_space<vmem>>) offsets(%dma_start3A_597 : memref<128xi32, #tpu.memory_space<vmem>>) semaphore(%arg20 : memref<!tpu.dma_semaphore, #tpu.memory_space<semaphore_mem>>)
    } else {
    }
    %dma_wait3A_213 = arith.constant 0 : i32
    %dma_wait3A_214 = arith.constant 0 : i32
    %dma_wait3A_215 = tpu.memref_slice %arg13[%dma_wait3A_213, %dma_wait3A_214] : memref<125x128xi32, #tpu.memory_space<vmem>> -> memref<1x128xi32, #tpu.memory_space<vmem>>
    %dma_wait3A_216 = tpu.memref_squeeze %dma_wait3A_215 : memref<1x128xi32, #tpu.memory_space<vmem>> -> memref<128xi32, #tpu.memory_space<vmem>>
    %dma_wait3A_217 = arith.constant 0 : i32
    %dma_wait3A_218 = arith.constant 0 : i32
    %dma_wait3A_219 = tpu.memref_slice %arg5[%dma_wait3A_217, %dma_wait3A_218] : memref<16000x64xf32, #tpu.memory_space<hbm>> -> memref<16000x64xf32, #tpu.memory_space<hbm>>
    tpu.wait_indirect_dma semaphore(%arg20 : memref<!tpu.dma_semaphore, #tpu.memory_space<semaphore_mem>>) src(%dma_wait3A_219 : memref<16000x64xf32, #tpu.memory_space<hbm>>) dst(%arg17 : memref<128x64xf32, #tpu.memory_space<vmem>>)
    %dma_start3A_220 = arith.constant 122 : i32
    %dma_start3A_221 = arith.constant 0 : i32
    %dma_start3A_222 = tpu.memref_slice %arg14[%dma_start3A_220, %dma_start3A_221] : memref<125x128xi32, #tpu.memory_space<vmem>> -> memref<1x128xi32, #tpu.memory_space<vmem>>
    %dma_start3A_223 = tpu.memref_squeeze %dma_start3A_222 : memref<1x128xi32, #tpu.memory_space<vmem>> -> memref<128xi32, #tpu.memory_space<vmem>>
    %dma_start3A_224 = arith.constant 0 : i32
    %dma_start3A_225 = arith.constant 0 : i32
    %dma_start3A_226 = tpu.memref_slice %arg19[%dma_start3A_224, %dma_start3A_225] : memref<16000x64xf32, #tpu.memory_space<vmem_shared>> -> memref<16000x64xf32, #tpu.memory_space<vmem_shared>>
    tpu.enqueue_indirect_dma source(%arg17 : memref<128x64xf32, #tpu.memory_space<vmem>>) target(%dma_start3A_226 : memref<16000x64xf32, #tpu.memory_space<vmem_shared>>) offsets(%dma_start3A_223 : memref<128xi32, #tpu.memory_space<vmem>>) semaphore(%arg21 : memref<!tpu.dma_semaphore, #tpu.memory_space<semaphore_mem>>) {add = true}
    %dma_wait3A_227 = arith.constant 0 : i32
    %dma_wait3A_228 = arith.constant 0 : i32
    %dma_wait3A_229 = tpu.memref_slice %arg14[%dma_wait3A_227, %dma_wait3A_228] : memref<125x128xi32, #tpu.memory_space<vmem>> -> memref<1x128xi32, #tpu.memory_space<vmem>>
    %dma_wait3A_230 = tpu.memref_squeeze %dma_wait3A_229 : memref<1x128xi32, #tpu.memory_space<vmem>> -> memref<128xi32, #tpu.memory_space<vmem>>
    %dma_wait3A_231 = arith.constant 0 : i32
    %dma_wait3A_232 = arith.constant 0 : i32
    %dma_wait3A_233 = tpu.memref_slice %arg19[%dma_wait3A_231, %dma_wait3A_232] : memref<16000x64xf32, #tpu.memory_space<vmem_shared>> -> memref<16000x64xf32, #tpu.memory_space<vmem_shared>>
    tpu.wait_indirect_dma semaphore(%arg21 : memref<!tpu.dma_semaphore, #tpu.memory_space<semaphore_mem>>) src(%arg15 : memref<128x64xf32, #tpu.memory_space<vmem>>) dst(%dma_wait3A_233 : memref<16000x64xf32, #tpu.memory_space<vmem_shared>>)
    %dma_wait3A_234 = arith.constant 0 : i32
    %dma_wait3A_235 = arith.constant 0 : i32
    %dma_wait3A_236 = tpu.memref_slice %arg13[%dma_wait3A_234, %dma_wait3A_235] : memref<125x128xi32, #tpu.memory_space<vmem>> -> memref<1x128xi32, #tpu.memory_space<vmem>>
    %dma_wait3A_237 = tpu.memref_squeeze %dma_wait3A_236 : memref<1x128xi32, #tpu.memory_space<vmem>> -> memref<128xi32, #tpu.memory_space<vmem>>
    %dma_wait3A_238 = arith.constant 0 : i32
    %dma_wait3A_239 = arith.constant 0 : i32
    %dma_wait3A_240 = tpu.memref_slice %arg5[%dma_wait3A_238, %dma_wait3A_239] : memref<16000x64xf32, #tpu.memory_space<hbm>> -> memref<16000x64xf32, #tpu.memory_space<hbm>>
    tpu.wait_indirect_dma semaphore(%arg20 : memref<!tpu.dma_semaphore, #tpu.memory_space<semaphore_mem>>) src(%dma_wait3A_240 : memref<16000x64xf32, #tpu.memory_space<hbm>>) dst(%arg18 : memref<128x64xf32, #tpu.memory_space<vmem>>)
    %dma_start3A_241 = arith.constant 123 : i32
    %dma_start3A_242 = arith.constant 0 : i32
    %dma_start3A_243 = tpu.memref_slice %arg14[%dma_start3A_241, %dma_start3A_242] : memref<125x128xi32, #tpu.memory_space<vmem>> -> memref<1x128xi32, #tpu.memory_space<vmem>>
    %dma_start3A_244 = tpu.memref_squeeze %dma_start3A_243 : memref<1x128xi32, #tpu.memory_space<vmem>> -> memref<128xi32, #tpu.memory_space<vmem>>
    %dma_start3A_245 = arith.constant 0 : i32
    %dma_start3A_246 = arith.constant 0 : i32
    %dma_start3A_247 = tpu.memref_slice %arg19[%dma_start3A_245, %dma_start3A_246] : memref<16000x64xf32, #tpu.memory_space<vmem_shared>> -> memref<16000x64xf32, #tpu.memory_space<vmem_shared>>
    tpu.enqueue_indirect_dma source(%arg18 : memref<128x64xf32, #tpu.memory_space<vmem>>) target(%dma_start3A_247 : memref<16000x64xf32, #tpu.memory_space<vmem_shared>>) offsets(%dma_start3A_244 : memref<128xi32, #tpu.memory_space<vmem>>) semaphore(%arg21 : memref<!tpu.dma_semaphore, #tpu.memory_space<semaphore_mem>>) {add = true}
    %dma_wait3A_248 = arith.constant 0 : i32
    %dma_wait3A_249 = arith.constant 0 : i32
    %dma_wait3A_250 = tpu.memref_slice %arg14[%dma_wait3A_248, %dma_wait3A_249] : memref<125x128xi32, #tpu.memory_space<vmem>> -> memref<1x128xi32, #tpu.memory_space<vmem>>
    %dma_wait3A_251 = tpu.memref_squeeze %dma_wait3A_250 : memref<1x128xi32, #tpu.memory_space<vmem>> -> memref<128xi32, #tpu.memory_space<vmem>>
    %dma_wait3A_252 = arith.constant 0 : i32
    %dma_wait3A_253 = arith.constant 0 : i32
    %dma_wait3A_254 = tpu.memref_slice %arg19[%dma_wait3A_252, %dma_wait3A_253] : memref<16000x64xf32, #tpu.memory_space<vmem_shared>> -> memref<16000x64xf32, #tpu.memory_space<vmem_shared>>
    tpu.wait_indirect_dma semaphore(%arg21 : memref<!tpu.dma_semaphore, #tpu.memory_space<semaphore_mem>>) src(%arg15 : memref<128x64xf32, #tpu.memory_space<vmem>>) dst(%dma_wait3A_254 : memref<16000x64xf32, #tpu.memory_space<vmem_shared>>)
    %dma_wait3A_255 = arith.constant 0 : i32
    %dma_wait3A_256 = arith.constant 0 : i32
    %dma_wait3A_257 = tpu.memref_slice %arg13[%dma_wait3A_255, %dma_wait3A_256] : memref<125x128xi32, #tpu.memory_space<vmem>> -> memref<1x128xi32, #tpu.memory_space<vmem>>
    %dma_wait3A_258 = tpu.memref_squeeze %dma_wait3A_257 : memref<1x128xi32, #tpu.memory_space<vmem>> -> memref<128xi32, #tpu.memory_space<vmem>>
    %dma_wait3A_259 = arith.constant 0 : i32
    %dma_wait3A_260 = arith.constant 0 : i32
    %dma_wait3A_261 = tpu.memref_slice %arg5[%dma_wait3A_259, %dma_wait3A_260] : memref<16000x64xf32, #tpu.memory_space<hbm>> -> memref<16000x64xf32, #tpu.memory_space<hbm>>
    tpu.wait_indirect_dma semaphore(%arg20 : memref<!tpu.dma_semaphore, #tpu.memory_space<semaphore_mem>>) src(%dma_wait3A_261 : memref<16000x64xf32, #tpu.memory_space<hbm>>) dst(%arg15 : memref<128x64xf32, #tpu.memory_space<vmem>>)
    %dma_start3A_262 = arith.constant 124 : i32
    %dma_start3A_263 = arith.constant 0 : i32
    %dma_start3A_264 = tpu.memref_slice %arg14[%dma_start3A_262, %dma_start3A_263] : memref<125x128xi32, #tpu.memory_space<vmem>> -> memref<1x128xi32, #tpu.memory_space<vmem>>
    %dma_start3A_265 = tpu.memref_squeeze %dma_start3A_264 : memref<1x128xi32, #tpu.memory_space<vmem>> -> memref<128xi32, #tpu.memory_space<vmem>>
    %dma_start3A_266 = arith.constant 0 : i32
    %dma_start3A_267 = arith.constant 0 : i32
    %dma_start3A_268 = tpu.memref_slice %arg19[%dma_start3A_266, %dma_start3A_267] : memref<16000x64xf32, #tpu.memory_space<vmem_shared>> -> memref<16000x64xf32, #tpu.memory_space<vmem_shared>>
    tpu.enqueue_indirect_dma source(%arg15 : memref<128x64xf32, #tpu.memory_space<vmem>>) target(%dma_start3A_268 : memref<16000x64xf32, #tpu.memory_space<vmem_shared>>) offsets(%dma_start3A_265 : memref<128xi32, #tpu.memory_space<vmem>>) semaphore(%arg21 : memref<!tpu.dma_semaphore, #tpu.memory_space<semaphore_mem>>) {add = true}
    %dma_wait3A_269 = arith.constant 0 : i32
    %dma_wait3A_270 = arith.constant 0 : i32
    %dma_wait3A_271 = tpu.memref_slice %arg14[%dma_wait3A_269, %dma_wait3A_270] : memref<125x128xi32, #tpu.memory_space<vmem>> -> memref<1x128xi32, #tpu.memory_space<vmem>>
    %dma_wait3A_272 = tpu.memref_squeeze %dma_wait3A_271 : memref<1x128xi32, #tpu.memory_space<vmem>> -> memref<128xi32, #tpu.memory_space<vmem>>
    %dma_wait3A_273 = arith.constant 0 : i32
    %dma_wait3A_274 = arith.constant 0 : i32
    %dma_wait3A_275 = tpu.memref_slice %arg19[%dma_wait3A_273, %dma_wait3A_274] : memref<16000x64xf32, #tpu.memory_space<vmem_shared>> -> memref<16000x64xf32, #tpu.memory_space<vmem_shared>>
    tpu.wait_indirect_dma semaphore(%arg21 : memref<!tpu.dma_semaphore, #tpu.memory_space<semaphore_mem>>) src(%arg15 : memref<128x64xf32, #tpu.memory_space<vmem>>) dst(%dma_wait3A_275 : memref<16000x64xf32, #tpu.memory_space<vmem_shared>>)
    %dma_wait3A_276 = arith.constant 0 : i32
    %dma_wait3A_277 = arith.constant 0 : i32
    %dma_wait3A_278 = tpu.memref_slice %arg14[%dma_wait3A_276, %dma_wait3A_277] : memref<125x128xi32, #tpu.memory_space<vmem>> -> memref<1x128xi32, #tpu.memory_space<vmem>>
    %dma_wait3A_279 = tpu.memref_squeeze %dma_wait3A_278 : memref<1x128xi32, #tpu.memory_space<vmem>> -> memref<128xi32, #tpu.memory_space<vmem>>
    %dma_wait3A_280 = arith.constant 0 : i32
    %dma_wait3A_281 = arith.constant 0 : i32
    %dma_wait3A_282 = tpu.memref_slice %arg19[%dma_wait3A_280, %dma_wait3A_281] : memref<16000x64xf32, #tpu.memory_space<vmem_shared>> -> memref<16000x64xf32, #tpu.memory_space<vmem_shared>>
    tpu.wait_indirect_dma semaphore(%arg21 : memref<!tpu.dma_semaphore, #tpu.memory_space<semaphore_mem>>) src(%arg15 : memref<128x64xf32, #tpu.memory_space<vmem>>) dst(%dma_wait3A_282 : memref<16000x64xf32, #tpu.memory_space<vmem_shared>>)
    %barrier3A_283 = arith.constant 0 : index
    tpu.barrier barrier_id(%barrier3A_283)
    %eq3A_284 = arith.constant 0 : i32
    %eq3A_285 = arith.cmpi eq, %arg0, %eq3A_284 : i32
    %convert_element_type3A_286 = arith.extui %eq3A_285 : i1 to i32
    %cond3A_287 = arith.constant 0 : i32
    %cond3A_288 = arith.cmpi ne, %convert_element_type3A_286, %cond3A_287 : i32
    scf.if %cond3A_288 {
      "tpu.region"() ({
        %run_scoped3A = tpu.sem_alloc : memref<!tpu.dma_semaphore, #tpu.memory_space<semaphore_mem>>
        %dma_start3A_594 = arith.constant 0 : i32
        %dma_start3A_595 = tpu.memref_slice %arg9[%mul3A_4, %dma_start3A_594] : memref<16000x64xf32, #tpu.memory_space<hbm>> -> memref<1000x64xf32, #tpu.memory_space<hbm>>
        %dma_start3A_596 = arith.constant 0 : i32
        %dma_start3A_597 = tpu.memref_slice %arg19[%mul3A_4, %dma_start3A_596] : memref<16000x64xf32, #tpu.memory_space<vmem_shared>> -> memref<1000x64xf32, #tpu.memory_space<vmem_shared>>
        tpu.enqueue_dma source(%dma_start3A_597 : memref<1000x64xf32, #tpu.memory_space<vmem_shared>>) target(%dma_start3A_595 : memref<1000x64xf32, #tpu.memory_space<hbm>>) target_semaphore(%run_scoped3A : memref<!tpu.dma_semaphore, #tpu.memory_space<semaphore_mem>>)
        %dma_wait3A_598 = arith.constant 0 : i32
        %dma_wait3A_599 = tpu.memref_slice %arg9[%mul3A_4, %dma_wait3A_598] : memref<16000x64xf32, #tpu.memory_space<hbm>> -> memref<1000x64xf32, #tpu.memory_space<hbm>>
        %dma_wait3A_600 = arith.constant 0 : i32
        %dma_wait3A_601 = tpu.memref_slice %arg19[%mul3A_4, %dma_wait3A_600] : memref<16000x64xf32, #tpu.memory_space<vmem_shared>> -> memref<1000x64xf32, #tpu.memory_space<vmem_shared>>
        tpu.wait_dma2 semaphore(%run_scoped3A : memref<!tpu.dma_semaphore, #tpu.memory_space<semaphore_mem>>) src(%dma_wait3A_601 : memref<1000x64xf32, #tpu.memory_space<vmem_shared>>) dst(%dma_wait3A_599 : memref<1000x64xf32, #tpu.memory_space<hbm>>)
        tpu.yield
      }) : () -> ()
    } else {
    }
    %eq3A_289 = arith.constant 1 : i32
    %eq3A_290 = arith.cmpi eq, %arg0, %eq3A_289 : i32
    %convert_element_type3A_291 = arith.extui %eq3A_290 : i1 to i32
    %cond3A_292 = arith.constant 0 : i32
    %cond3A_293 = arith.cmpi ne, %convert_element_type3A_291, %cond3A_292 : i32
    scf.if %cond3A_293 {
      "tpu.region"() ({
        %run_scoped3A = tpu.sem_alloc : memref<!tpu.dma_semaphore, #tpu.memory_space<semaphore_mem>>
        %dma_start3A_594 = arith.constant 0 : i32
        %dma_start3A_595 = tpu.memref_slice %arg11[%mul3A_4, %dma_start3A_594] : memref<16000x64xf32, #tpu.memory_space<hbm>> -> memref<1000x64xf32, #tpu.memory_space<hbm>>
        %dma_start3A_596 = arith.constant 0 : i32
        %dma_start3A_597 = tpu.memref_slice %arg19[%mul3A_4, %dma_start3A_596] : memref<16000x64xf32, #tpu.memory_space<vmem_shared>> -> memref<1000x64xf32, #tpu.memory_space<vmem_shared>>
        tpu.enqueue_dma source(%dma_start3A_597 : memref<1000x64xf32, #tpu.memory_space<vmem_shared>>) target(%dma_start3A_595 : memref<1000x64xf32, #tpu.memory_space<hbm>>) target_semaphore(%run_scoped3A : memref<!tpu.dma_semaphore, #tpu.memory_space<semaphore_mem>>)
        %dma_wait3A_598 = arith.constant 0 : i32
        %dma_wait3A_599 = tpu.memref_slice %arg11[%mul3A_4, %dma_wait3A_598] : memref<16000x64xf32, #tpu.memory_space<hbm>> -> memref<1000x64xf32, #tpu.memory_space<hbm>>
        %dma_wait3A_600 = arith.constant 0 : i32
        %dma_wait3A_601 = tpu.memref_slice %arg19[%mul3A_4, %dma_wait3A_600] : memref<16000x64xf32, #tpu.memory_space<vmem_shared>> -> memref<1000x64xf32, #tpu.memory_space<vmem_shared>>
        tpu.wait_dma2 semaphore(%run_scoped3A : memref<!tpu.dma_semaphore, #tpu.memory_space<semaphore_mem>>) src(%dma_wait3A_601 : memref<1000x64xf32, #tpu.memory_space<vmem_shared>>) dst(%dma_wait3A_599 : memref<1000x64xf32, #tpu.memory_space<hbm>>)
        tpu.yield
      }) : () -> ()
    } else {
    }
    %barrier3A_294 = arith.constant 0 : index
    tpu.barrier barrier_id(%barrier3A_294)
    %mul3A_295 = arith.constant 1000 : i32
    %mul3A_296 = arith.muli %arg1, %mul3A_295 : i32
    "tpu.region"() ({
      %run_scoped3A = tpu.sem_alloc : memref<!tpu.dma_semaphore, #tpu.memory_space<semaphore_mem>>
      %dma_start3A_594 = arith.constant 0 : i32
      %dma_start3A_595 = tpu.memref_slice %arg19[%mul3A_296, %dma_start3A_594] : memref<16000x64xf32, #tpu.memory_space<vmem_shared>> -> memref<1000x64xf32, #tpu.memory_space<vmem_shared>>
      tpu.enqueue_dma source(%arg4 : memref<1000x64xf32, #tpu.memory_space<hbm>>) target(%dma_start3A_595 : memref<1000x64xf32, #tpu.memory_space<vmem_shared>>) target_semaphore(%run_scoped3A : memref<!tpu.dma_semaphore, #tpu.memory_space<semaphore_mem>>)
      %dma_wait3A_596 = arith.constant 0 : i32
      %dma_wait3A_597 = tpu.memref_slice %arg19[%mul3A_296, %dma_wait3A_596] : memref<16000x64xf32, #tpu.memory_space<vmem_shared>> -> memref<1000x64xf32, #tpu.memory_space<vmem_shared>>
      tpu.wait_dma2 semaphore(%run_scoped3A : memref<!tpu.dma_semaphore, #tpu.memory_space<semaphore_mem>>) src(%arg4 : memref<1000x64xf32, #tpu.memory_space<hbm>>) dst(%dma_wait3A_597 : memref<1000x64xf32, #tpu.memory_space<vmem_shared>>)
      tpu.yield
    }) : () -> ()
    %barrier3A_297 = arith.constant 0 : index
    tpu.barrier barrier_id(%barrier3A_297)
    %eq3A_298 = arith.constant 0 : i32
    %eq3A_299 = arith.cmpi eq, %arg0, %eq3A_298 : i32
    %convert_element_type3A_300 = arith.extui %eq3A_299 : i1 to i32
    %cond3A_301 = arith.constant 0 : i32
    %cond3A_302 = arith.cmpi ne, %convert_element_type3A_300, %cond3A_301 : i32
    scf.if %cond3A_302 {
      %dma_start3A_594 = arith.constant 0 : i32
      %dma_start3A_595 = arith.constant 0 : i32
      %dma_start3A_596 = tpu.memref_slice %arg13[%dma_start3A_594, %dma_start3A_595] : memref<125x128xi32, #tpu.memory_space<vmem>> -> memref<1x128xi32, #tpu.memory_space<vmem>>
      %dma_start3A_597 = tpu.memref_squeeze %dma_start3A_596 : memref<1x128xi32, #tpu.memory_space<vmem>> -> memref<128xi32, #tpu.memory_space<vmem>>
      %dma_start3A_598 = arith.constant 0 : i32
      %dma_start3A_599 = arith.constant 0 : i32
      %dma_start3A_600 = tpu.memref_slice %arg6[%dma_start3A_598, %dma_start3A_599] : memref<16000x64xf32, #tpu.memory_space<hbm>> -> memref<16000x64xf32, #tpu.memory_space<hbm>>
      tpu.enqueue_indirect_dma source(%dma_start3A_600 : memref<16000x64xf32, #tpu.memory_space<hbm>>) target(%arg15 : memref<128x64xf32, #tpu.memory_space<vmem>>) offsets(%dma_start3A_597 : memref<128xi32, #tpu.memory_space<vmem>>) semaphore(%arg20 : memref<!tpu.dma_semaphore, #tpu.memory_space<semaphore_mem>>)
    } else {
    }
    %eq3A_303 = arith.constant 1 : i32
    %eq3A_304 = arith.cmpi eq, %arg0, %eq3A_303 : i32
    %convert_element_type3A_305 = arith.extui %eq3A_304 : i1 to i32
    %cond3A_306 = arith.constant 0 : i32
    %cond3A_307 = arith.cmpi ne, %convert_element_type3A_305, %cond3A_306 : i32
    scf.if %cond3A_307 {
      %dma_start3A_594 = arith.constant 0 : i32
      %dma_start3A_595 = arith.constant 0 : i32
      %dma_start3A_596 = tpu.memref_slice %arg13[%dma_start3A_594, %dma_start3A_595] : memref<125x128xi32, #tpu.memory_space<vmem>> -> memref<1x128xi32, #tpu.memory_space<vmem>>
      %dma_start3A_597 = tpu.memref_squeeze %dma_start3A_596 : memref<1x128xi32, #tpu.memory_space<vmem>> -> memref<128xi32, #tpu.memory_space<vmem>>
      %dma_start3A_598 = arith.constant 0 : i32
      %dma_start3A_599 = arith.constant 0 : i32
      %dma_start3A_600 = tpu.memref_slice %arg8[%dma_start3A_598, %dma_start3A_599] : memref<16000x64xf32, #tpu.memory_space<hbm>> -> memref<16000x64xf32, #tpu.memory_space<hbm>>
      tpu.enqueue_indirect_dma source(%dma_start3A_600 : memref<16000x64xf32, #tpu.memory_space<hbm>>) target(%arg15 : memref<128x64xf32, #tpu.memory_space<vmem>>) offsets(%dma_start3A_597 : memref<128xi32, #tpu.memory_space<vmem>>) semaphore(%arg20 : memref<!tpu.dma_semaphore, #tpu.memory_space<semaphore_mem>>)
    } else {
    }
    %eq3A_308 = arith.constant 0 : i32
    %eq3A_309 = arith.cmpi eq, %arg0, %eq3A_308 : i32
    %convert_element_type3A_310 = arith.extui %eq3A_309 : i1 to i32
    %cond3A_311 = arith.constant 0 : i32
    %cond3A_312 = arith.cmpi ne, %convert_element_type3A_310, %cond3A_311 : i32
    scf.if %cond3A_312 {
      %dma_start3A_594 = arith.constant 1 : i32
      %dma_start3A_595 = arith.constant 0 : i32
      %dma_start3A_596 = tpu.memref_slice %arg13[%dma_start3A_594, %dma_start3A_595] : memref<125x128xi32, #tpu.memory_space<vmem>> -> memref<1x128xi32, #tpu.memory_space<vmem>>
      %dma_start3A_597 = tpu.memref_squeeze %dma_start3A_596 : memref<1x128xi32, #tpu.memory_space<vmem>> -> memref<128xi32, #tpu.memory_space<vmem>>
      %dma_start3A_598 = arith.constant 0 : i32
      %dma_start3A_599 = arith.constant 0 : i32
      %dma_start3A_600 = tpu.memref_slice %arg6[%dma_start3A_598, %dma_start3A_599] : memref<16000x64xf32, #tpu.memory_space<hbm>> -> memref<16000x64xf32, #tpu.memory_space<hbm>>
      tpu.enqueue_indirect_dma source(%dma_start3A_600 : memref<16000x64xf32, #tpu.memory_space<hbm>>) target(%arg16 : memref<128x64xf32, #tpu.memory_space<vmem>>) offsets(%dma_start3A_597 : memref<128xi32, #tpu.memory_space<vmem>>) semaphore(%arg20 : memref<!tpu.dma_semaphore, #tpu.memory_space<semaphore_mem>>)
    } else {
    }
    %eq3A_313 = arith.constant 1 : i32
    %eq3A_314 = arith.cmpi eq, %arg0, %eq3A_313 : i32
    %convert_element_type3A_315 = arith.extui %eq3A_314 : i1 to i32
    %cond3A_316 = arith.constant 0 : i32
    %cond3A_317 = arith.cmpi ne, %convert_element_type3A_315, %cond3A_316 : i32
    scf.if %cond3A_317 {
      %dma_start3A_594 = arith.constant 1 : i32
      %dma_start3A_595 = arith.constant 0 : i32
      %dma_start3A_596 = tpu.memref_slice %arg13[%dma_start3A_594, %dma_start3A_595] : memref<125x128xi32, #tpu.memory_space<vmem>> -> memref<1x128xi32, #tpu.memory_space<vmem>>
      %dma_start3A_597 = tpu.memref_squeeze %dma_start3A_596 : memref<1x128xi32, #tpu.memory_space<vmem>> -> memref<128xi32, #tpu.memory_space<vmem>>
      %dma_start3A_598 = arith.constant 0 : i32
      %dma_start3A_599 = arith.constant 0 : i32
      %dma_start3A_600 = tpu.memref_slice %arg8[%dma_start3A_598, %dma_start3A_599] : memref<16000x64xf32, #tpu.memory_space<hbm>> -> memref<16000x64xf32, #tpu.memory_space<hbm>>
      tpu.enqueue_indirect_dma source(%dma_start3A_600 : memref<16000x64xf32, #tpu.memory_space<hbm>>) target(%arg16 : memref<128x64xf32, #tpu.memory_space<vmem>>) offsets(%dma_start3A_597 : memref<128xi32, #tpu.memory_space<vmem>>) semaphore(%arg20 : memref<!tpu.dma_semaphore, #tpu.memory_space<semaphore_mem>>)
    } else {
    }
    %eq3A_318 = arith.constant 0 : i32
    %eq3A_319 = arith.cmpi eq, %arg0, %eq3A_318 : i32
    %convert_element_type3A_320 = arith.extui %eq3A_319 : i1 to i32
    %cond3A_321 = arith.constant 0 : i32
    %cond3A_322 = arith.cmpi ne, %convert_element_type3A_320, %cond3A_321 : i32
    scf.if %cond3A_322 {
      %dma_start3A_594 = arith.constant 2 : i32
      %dma_start3A_595 = arith.constant 0 : i32
      %dma_start3A_596 = tpu.memref_slice %arg13[%dma_start3A_594, %dma_start3A_595] : memref<125x128xi32, #tpu.memory_space<vmem>> -> memref<1x128xi32, #tpu.memory_space<vmem>>
      %dma_start3A_597 = tpu.memref_squeeze %dma_start3A_596 : memref<1x128xi32, #tpu.memory_space<vmem>> -> memref<128xi32, #tpu.memory_space<vmem>>
      %dma_start3A_598 = arith.constant 0 : i32
      %dma_start3A_599 = arith.constant 0 : i32
      %dma_start3A_600 = tpu.memref_slice %arg6[%dma_start3A_598, %dma_start3A_599] : memref<16000x64xf32, #tpu.memory_space<hbm>> -> memref<16000x64xf32, #tpu.memory_space<hbm>>
      tpu.enqueue_indirect_dma source(%dma_start3A_600 : memref<16000x64xf32, #tpu.memory_space<hbm>>) target(%arg17 : memref<128x64xf32, #tpu.memory_space<vmem>>) offsets(%dma_start3A_597 : memref<128xi32, #tpu.memory_space<vmem>>) semaphore(%arg20 : memref<!tpu.dma_semaphore, #tpu.memory_space<semaphore_mem>>)
    } else {
    }
    %eq3A_323 = arith.constant 1 : i32
    %eq3A_324 = arith.cmpi eq, %arg0, %eq3A_323 : i32
    %convert_element_type3A_325 = arith.extui %eq3A_324 : i1 to i32
    %cond3A_326 = arith.constant 0 : i32
    %cond3A_327 = arith.cmpi ne, %convert_element_type3A_325, %cond3A_326 : i32
    scf.if %cond3A_327 {
      %dma_start3A_594 = arith.constant 2 : i32
      %dma_start3A_595 = arith.constant 0 : i32
      %dma_start3A_596 = tpu.memref_slice %arg13[%dma_start3A_594, %dma_start3A_595] : memref<125x128xi32, #tpu.memory_space<vmem>> -> memref<1x128xi32, #tpu.memory_space<vmem>>
      %dma_start3A_597 = tpu.memref_squeeze %dma_start3A_596 : memref<1x128xi32, #tpu.memory_space<vmem>> -> memref<128xi32, #tpu.memory_space<vmem>>
      %dma_start3A_598 = arith.constant 0 : i32
      %dma_start3A_599 = arith.constant 0 : i32
      %dma_start3A_600 = tpu.memref_slice %arg8[%dma_start3A_598, %dma_start3A_599] : memref<16000x64xf32, #tpu.memory_space<hbm>> -> memref<16000x64xf32, #tpu.memory_space<hbm>>
      tpu.enqueue_indirect_dma source(%dma_start3A_600 : memref<16000x64xf32, #tpu.memory_space<hbm>>) target(%arg17 : memref<128x64xf32, #tpu.memory_space<vmem>>) offsets(%dma_start3A_597 : memref<128xi32, #tpu.memory_space<vmem>>) semaphore(%arg20 : memref<!tpu.dma_semaphore, #tpu.memory_space<semaphore_mem>>)
    } else {
    }
    %dma_wait3A_328 = arith.constant 0 : i32
    %dma_wait3A_329 = arith.constant 0 : i32
    %dma_wait3A_330 = tpu.memref_slice %arg13[%dma_wait3A_328, %dma_wait3A_329] : memref<125x128xi32, #tpu.memory_space<vmem>> -> memref<1x128xi32, #tpu.memory_space<vmem>>
    %dma_wait3A_331 = tpu.memref_squeeze %dma_wait3A_330 : memref<1x128xi32, #tpu.memory_space<vmem>> -> memref<128xi32, #tpu.memory_space<vmem>>
    %dma_wait3A_332 = arith.constant 0 : i32
    %dma_wait3A_333 = arith.constant 0 : i32
    %dma_wait3A_334 = tpu.memref_slice %arg6[%dma_wait3A_332, %dma_wait3A_333] : memref<16000x64xf32, #tpu.memory_space<hbm>> -> memref<16000x64xf32, #tpu.memory_space<hbm>>
    tpu.wait_indirect_dma semaphore(%arg20 : memref<!tpu.dma_semaphore, #tpu.memory_space<semaphore_mem>>) src(%dma_wait3A_334 : memref<16000x64xf32, #tpu.memory_space<hbm>>) dst(%arg15 : memref<128x64xf32, #tpu.memory_space<vmem>>)
    %dma_start3A_335 = arith.constant 0 : i32
    %dma_start3A_336 = arith.constant 0 : i32
    %dma_start3A_337 = tpu.memref_slice %arg14[%dma_start3A_335, %dma_start3A_336] : memref<125x128xi32, #tpu.memory_space<vmem>> -> memref<1x128xi32, #tpu.memory_space<vmem>>
    %dma_start3A_338 = tpu.memref_squeeze %dma_start3A_337 : memref<1x128xi32, #tpu.memory_space<vmem>> -> memref<128xi32, #tpu.memory_space<vmem>>
    %dma_start3A_339 = arith.constant 0 : i32
    %dma_start3A_340 = arith.constant 0 : i32
    %dma_start3A_341 = tpu.memref_slice %arg19[%dma_start3A_339, %dma_start3A_340] : memref<16000x64xf32, #tpu.memory_space<vmem_shared>> -> memref<16000x64xf32, #tpu.memory_space<vmem_shared>>
    tpu.enqueue_indirect_dma source(%arg15 : memref<128x64xf32, #tpu.memory_space<vmem>>) target(%dma_start3A_341 : memref<16000x64xf32, #tpu.memory_space<vmem_shared>>) offsets(%dma_start3A_338 : memref<128xi32, #tpu.memory_space<vmem>>) semaphore(%arg21 : memref<!tpu.dma_semaphore, #tpu.memory_space<semaphore_mem>>) {add = true}
    %eq3A_342 = arith.constant 0 : i32
    %eq3A_343 = arith.cmpi eq, %arg0, %eq3A_342 : i32
    %convert_element_type3A_344 = arith.extui %eq3A_343 : i1 to i32
    %cond3A_345 = arith.constant 0 : i32
    %cond3A_346 = arith.cmpi ne, %convert_element_type3A_344, %cond3A_345 : i32
    scf.if %cond3A_346 {
      %dma_start3A_594 = arith.constant 3 : i32
      %dma_start3A_595 = arith.constant 0 : i32
      %dma_start3A_596 = tpu.memref_slice %arg13[%dma_start3A_594, %dma_start3A_595] : memref<125x128xi32, #tpu.memory_space<vmem>> -> memref<1x128xi32, #tpu.memory_space<vmem>>
      %dma_start3A_597 = tpu.memref_squeeze %dma_start3A_596 : memref<1x128xi32, #tpu.memory_space<vmem>> -> memref<128xi32, #tpu.memory_space<vmem>>
      %dma_start3A_598 = arith.constant 0 : i32
      %dma_start3A_599 = arith.constant 0 : i32
      %dma_start3A_600 = tpu.memref_slice %arg6[%dma_start3A_598, %dma_start3A_599] : memref<16000x64xf32, #tpu.memory_space<hbm>> -> memref<16000x64xf32, #tpu.memory_space<hbm>>
      tpu.enqueue_indirect_dma source(%dma_start3A_600 : memref<16000x64xf32, #tpu.memory_space<hbm>>) target(%arg18 : memref<128x64xf32, #tpu.memory_space<vmem>>) offsets(%dma_start3A_597 : memref<128xi32, #tpu.memory_space<vmem>>) semaphore(%arg20 : memref<!tpu.dma_semaphore, #tpu.memory_space<semaphore_mem>>)
    } else {
    }
    %eq3A_347 = arith.constant 1 : i32
    %eq3A_348 = arith.cmpi eq, %arg0, %eq3A_347 : i32
    %convert_element_type3A_349 = arith.extui %eq3A_348 : i1 to i32
    %cond3A_350 = arith.constant 0 : i32
    %cond3A_351 = arith.cmpi ne, %convert_element_type3A_349, %cond3A_350 : i32
    scf.if %cond3A_351 {
      %dma_start3A_594 = arith.constant 3 : i32
      %dma_start3A_595 = arith.constant 0 : i32
      %dma_start3A_596 = tpu.memref_slice %arg13[%dma_start3A_594, %dma_start3A_595] : memref<125x128xi32, #tpu.memory_space<vmem>> -> memref<1x128xi32, #tpu.memory_space<vmem>>
      %dma_start3A_597 = tpu.memref_squeeze %dma_start3A_596 : memref<1x128xi32, #tpu.memory_space<vmem>> -> memref<128xi32, #tpu.memory_space<vmem>>
      %dma_start3A_598 = arith.constant 0 : i32
      %dma_start3A_599 = arith.constant 0 : i32
      %dma_start3A_600 = tpu.memref_slice %arg8[%dma_start3A_598, %dma_start3A_599] : memref<16000x64xf32, #tpu.memory_space<hbm>> -> memref<16000x64xf32, #tpu.memory_space<hbm>>
      tpu.enqueue_indirect_dma source(%dma_start3A_600 : memref<16000x64xf32, #tpu.memory_space<hbm>>) target(%arg18 : memref<128x64xf32, #tpu.memory_space<vmem>>) offsets(%dma_start3A_597 : memref<128xi32, #tpu.memory_space<vmem>>) semaphore(%arg20 : memref<!tpu.dma_semaphore, #tpu.memory_space<semaphore_mem>>)
    } else {
    }
    %dma_wait3A_352 = arith.constant 0 : i32
    %dma_wait3A_353 = arith.constant 0 : i32
    %dma_wait3A_354 = tpu.memref_slice %arg13[%dma_wait3A_352, %dma_wait3A_353] : memref<125x128xi32, #tpu.memory_space<vmem>> -> memref<1x128xi32, #tpu.memory_space<vmem>>
    %dma_wait3A_355 = tpu.memref_squeeze %dma_wait3A_354 : memref<1x128xi32, #tpu.memory_space<vmem>> -> memref<128xi32, #tpu.memory_space<vmem>>
    %dma_wait3A_356 = arith.constant 0 : i32
    %dma_wait3A_357 = arith.constant 0 : i32
    %dma_wait3A_358 = tpu.memref_slice %arg6[%dma_wait3A_356, %dma_wait3A_357] : memref<16000x64xf32, #tpu.memory_space<hbm>> -> memref<16000x64xf32, #tpu.memory_space<hbm>>
    tpu.wait_indirect_dma semaphore(%arg20 : memref<!tpu.dma_semaphore, #tpu.memory_space<semaphore_mem>>) src(%dma_wait3A_358 : memref<16000x64xf32, #tpu.memory_space<hbm>>) dst(%arg16 : memref<128x64xf32, #tpu.memory_space<vmem>>)
    %dma_start3A_359 = arith.constant 1 : i32
    %dma_start3A_360 = arith.constant 0 : i32
    %dma_start3A_361 = tpu.memref_slice %arg14[%dma_start3A_359, %dma_start3A_360] : memref<125x128xi32, #tpu.memory_space<vmem>> -> memref<1x128xi32, #tpu.memory_space<vmem>>
    %dma_start3A_362 = tpu.memref_squeeze %dma_start3A_361 : memref<1x128xi32, #tpu.memory_space<vmem>> -> memref<128xi32, #tpu.memory_space<vmem>>
    %dma_start3A_363 = arith.constant 0 : i32
    %dma_start3A_364 = arith.constant 0 : i32
    %dma_start3A_365 = tpu.memref_slice %arg19[%dma_start3A_363, %dma_start3A_364] : memref<16000x64xf32, #tpu.memory_space<vmem_shared>> -> memref<16000x64xf32, #tpu.memory_space<vmem_shared>>
    tpu.enqueue_indirect_dma source(%arg16 : memref<128x64xf32, #tpu.memory_space<vmem>>) target(%dma_start3A_365 : memref<16000x64xf32, #tpu.memory_space<vmem_shared>>) offsets(%dma_start3A_362 : memref<128xi32, #tpu.memory_space<vmem>>) semaphore(%arg21 : memref<!tpu.dma_semaphore, #tpu.memory_space<semaphore_mem>>) {add = true}
    %dma_wait3A_366 = arith.constant 0 : i32
    %dma_wait3A_367 = arith.constant 0 : i32
    %dma_wait3A_368 = tpu.memref_slice %arg14[%dma_wait3A_366, %dma_wait3A_367] : memref<125x128xi32, #tpu.memory_space<vmem>> -> memref<1x128xi32, #tpu.memory_space<vmem>>
    %dma_wait3A_369 = tpu.memref_squeeze %dma_wait3A_368 : memref<1x128xi32, #tpu.memory_space<vmem>> -> memref<128xi32, #tpu.memory_space<vmem>>
    %dma_wait3A_370 = arith.constant 0 : i32
    %dma_wait3A_371 = arith.constant 0 : i32
    %dma_wait3A_372 = tpu.memref_slice %arg19[%dma_wait3A_370, %dma_wait3A_371] : memref<16000x64xf32, #tpu.memory_space<vmem_shared>> -> memref<16000x64xf32, #tpu.memory_space<vmem_shared>>
    tpu.wait_indirect_dma semaphore(%arg21 : memref<!tpu.dma_semaphore, #tpu.memory_space<semaphore_mem>>) src(%arg15 : memref<128x64xf32, #tpu.memory_space<vmem>>) dst(%dma_wait3A_372 : memref<16000x64xf32, #tpu.memory_space<vmem_shared>>)
    %eq3A_373 = arith.constant 0 : i32
    %eq3A_374 = arith.cmpi eq, %arg0, %eq3A_373 : i32
    %convert_element_type3A_375 = arith.extui %eq3A_374 : i1 to i32
    %cond3A_376 = arith.constant 0 : i32
    %cond3A_377 = arith.cmpi ne, %convert_element_type3A_375, %cond3A_376 : i32
    scf.if %cond3A_377 {
      %dma_start3A_594 = arith.constant 4 : i32
      %dma_start3A_595 = arith.constant 0 : i32
      %dma_start3A_596 = tpu.memref_slice %arg13[%dma_start3A_594, %dma_start3A_595] : memref<125x128xi32, #tpu.memory_space<vmem>> -> memref<1x128xi32, #tpu.memory_space<vmem>>
      %dma_start3A_597 = tpu.memref_squeeze %dma_start3A_596 : memref<1x128xi32, #tpu.memory_space<vmem>> -> memref<128xi32, #tpu.memory_space<vmem>>
      %dma_start3A_598 = arith.constant 0 : i32
      %dma_start3A_599 = arith.constant 0 : i32
      %dma_start3A_600 = tpu.memref_slice %arg6[%dma_start3A_598, %dma_start3A_599] : memref<16000x64xf32, #tpu.memory_space<hbm>> -> memref<16000x64xf32, #tpu.memory_space<hbm>>
      tpu.enqueue_indirect_dma source(%dma_start3A_600 : memref<16000x64xf32, #tpu.memory_space<hbm>>) target(%arg15 : memref<128x64xf32, #tpu.memory_space<vmem>>) offsets(%dma_start3A_597 : memref<128xi32, #tpu.memory_space<vmem>>) semaphore(%arg20 : memref<!tpu.dma_semaphore, #tpu.memory_space<semaphore_mem>>)
    } else {
    }
    %eq3A_378 = arith.constant 1 : i32
    %eq3A_379 = arith.cmpi eq, %arg0, %eq3A_378 : i32
    %convert_element_type3A_380 = arith.extui %eq3A_379 : i1 to i32
    %cond3A_381 = arith.constant 0 : i32
    %cond3A_382 = arith.cmpi ne, %convert_element_type3A_380, %cond3A_381 : i32
    scf.if %cond3A_382 {
      %dma_start3A_594 = arith.constant 4 : i32
      %dma_start3A_595 = arith.constant 0 : i32
      %dma_start3A_596 = tpu.memref_slice %arg13[%dma_start3A_594, %dma_start3A_595] : memref<125x128xi32, #tpu.memory_space<vmem>> -> memref<1x128xi32, #tpu.memory_space<vmem>>
      %dma_start3A_597 = tpu.memref_squeeze %dma_start3A_596 : memref<1x128xi32, #tpu.memory_space<vmem>> -> memref<128xi32, #tpu.memory_space<vmem>>
      %dma_start3A_598 = arith.constant 0 : i32
      %dma_start3A_599 = arith.constant 0 : i32
      %dma_start3A_600 = tpu.memref_slice %arg8[%dma_start3A_598, %dma_start3A_599] : memref<16000x64xf32, #tpu.memory_space<hbm>> -> memref<16000x64xf32, #tpu.memory_space<hbm>>
      tpu.enqueue_indirect_dma source(%dma_start3A_600 : memref<16000x64xf32, #tpu.memory_space<hbm>>) target(%arg15 : memref<128x64xf32, #tpu.memory_space<vmem>>) offsets(%dma_start3A_597 : memref<128xi32, #tpu.memory_space<vmem>>) semaphore(%arg20 : memref<!tpu.dma_semaphore, #tpu.memory_space<semaphore_mem>>)
    } else {
    }
    %dma_wait3A_383 = arith.constant 0 : i32
    %dma_wait3A_384 = arith.constant 0 : i32
    %dma_wait3A_385 = tpu.memref_slice %arg13[%dma_wait3A_383, %dma_wait3A_384] : memref<125x128xi32, #tpu.memory_space<vmem>> -> memref<1x128xi32, #tpu.memory_space<vmem>>
    %dma_wait3A_386 = tpu.memref_squeeze %dma_wait3A_385 : memref<1x128xi32, #tpu.memory_space<vmem>> -> memref<128xi32, #tpu.memory_space<vmem>>
    %dma_wait3A_387 = arith.constant 0 : i32
    %dma_wait3A_388 = arith.constant 0 : i32
    %dma_wait3A_389 = tpu.memref_slice %arg6[%dma_wait3A_387, %dma_wait3A_388] : memref<16000x64xf32, #tpu.memory_space<hbm>> -> memref<16000x64xf32, #tpu.memory_space<hbm>>
    tpu.wait_indirect_dma semaphore(%arg20 : memref<!tpu.dma_semaphore, #tpu.memory_space<semaphore_mem>>) src(%dma_wait3A_389 : memref<16000x64xf32, #tpu.memory_space<hbm>>) dst(%arg17 : memref<128x64xf32, #tpu.memory_space<vmem>>)
    %dma_start3A_390 = arith.constant 2 : i32
    %dma_start3A_391 = arith.constant 0 : i32
    %dma_start3A_392 = tpu.memref_slice %arg14[%dma_start3A_390, %dma_start3A_391] : memref<125x128xi32, #tpu.memory_space<vmem>> -> memref<1x128xi32, #tpu.memory_space<vmem>>
    %dma_start3A_393 = tpu.memref_squeeze %dma_start3A_392 : memref<1x128xi32, #tpu.memory_space<vmem>> -> memref<128xi32, #tpu.memory_space<vmem>>
    %dma_start3A_394 = arith.constant 0 : i32
    %dma_start3A_395 = arith.constant 0 : i32
    %dma_start3A_396 = tpu.memref_slice %arg19[%dma_start3A_394, %dma_start3A_395] : memref<16000x64xf32, #tpu.memory_space<vmem_shared>> -> memref<16000x64xf32, #tpu.memory_space<vmem_shared>>
    tpu.enqueue_indirect_dma source(%arg17 : memref<128x64xf32, #tpu.memory_space<vmem>>) target(%dma_start3A_396 : memref<16000x64xf32, #tpu.memory_space<vmem_shared>>) offsets(%dma_start3A_393 : memref<128xi32, #tpu.memory_space<vmem>>) semaphore(%arg21 : memref<!tpu.dma_semaphore, #tpu.memory_space<semaphore_mem>>) {add = true}
    %dma_wait3A_397 = arith.constant 0 : i32
    %dma_wait3A_398 = arith.constant 0 : i32
    %dma_wait3A_399 = tpu.memref_slice %arg14[%dma_wait3A_397, %dma_wait3A_398] : memref<125x128xi32, #tpu.memory_space<vmem>> -> memref<1x128xi32, #tpu.memory_space<vmem>>
    %dma_wait3A_400 = tpu.memref_squeeze %dma_wait3A_399 : memref<1x128xi32, #tpu.memory_space<vmem>> -> memref<128xi32, #tpu.memory_space<vmem>>
    %dma_wait3A_401 = arith.constant 0 : i32
    %dma_wait3A_402 = arith.constant 0 : i32
    %dma_wait3A_403 = tpu.memref_slice %arg19[%dma_wait3A_401, %dma_wait3A_402] : memref<16000x64xf32, #tpu.memory_space<vmem_shared>> -> memref<16000x64xf32, #tpu.memory_space<vmem_shared>>
    tpu.wait_indirect_dma semaphore(%arg21 : memref<!tpu.dma_semaphore, #tpu.memory_space<semaphore_mem>>) src(%arg15 : memref<128x64xf32, #tpu.memory_space<vmem>>) dst(%dma_wait3A_403 : memref<16000x64xf32, #tpu.memory_space<vmem_shared>>)
    %eq3A_404 = arith.constant 0 : i32
    %eq3A_405 = arith.cmpi eq, %arg0, %eq3A_404 : i32
    %convert_element_type3A_406 = arith.extui %eq3A_405 : i1 to i32
    %cond3A_407 = arith.constant 0 : i32
    %cond3A_408 = arith.cmpi ne, %convert_element_type3A_406, %cond3A_407 : i32
    scf.if %cond3A_408 {
      %dma_start3A_594 = arith.constant 5 : i32
      %dma_start3A_595 = arith.constant 0 : i32
      %dma_start3A_596 = tpu.memref_slice %arg13[%dma_start3A_594, %dma_start3A_595] : memref<125x128xi32, #tpu.memory_space<vmem>> -> memref<1x128xi32, #tpu.memory_space<vmem>>
      %dma_start3A_597 = tpu.memref_squeeze %dma_start3A_596 : memref<1x128xi32, #tpu.memory_space<vmem>> -> memref<128xi32, #tpu.memory_space<vmem>>
      %dma_start3A_598 = arith.constant 0 : i32
      %dma_start3A_599 = arith.constant 0 : i32
      %dma_start3A_600 = tpu.memref_slice %arg6[%dma_start3A_598, %dma_start3A_599] : memref<16000x64xf32, #tpu.memory_space<hbm>> -> memref<16000x64xf32, #tpu.memory_space<hbm>>
      tpu.enqueue_indirect_dma source(%dma_start3A_600 : memref<16000x64xf32, #tpu.memory_space<hbm>>) target(%arg16 : memref<128x64xf32, #tpu.memory_space<vmem>>) offsets(%dma_start3A_597 : memref<128xi32, #tpu.memory_space<vmem>>) semaphore(%arg20 : memref<!tpu.dma_semaphore, #tpu.memory_space<semaphore_mem>>)
    } else {
    }
    %eq3A_409 = arith.constant 1 : i32
    %eq3A_410 = arith.cmpi eq, %arg0, %eq3A_409 : i32
    %convert_element_type3A_411 = arith.extui %eq3A_410 : i1 to i32
    %cond3A_412 = arith.constant 0 : i32
    %cond3A_413 = arith.cmpi ne, %convert_element_type3A_411, %cond3A_412 : i32
    scf.if %cond3A_413 {
      %dma_start3A_594 = arith.constant 5 : i32
      %dma_start3A_595 = arith.constant 0 : i32
      %dma_start3A_596 = tpu.memref_slice %arg13[%dma_start3A_594, %dma_start3A_595] : memref<125x128xi32, #tpu.memory_space<vmem>> -> memref<1x128xi32, #tpu.memory_space<vmem>>
      %dma_start3A_597 = tpu.memref_squeeze %dma_start3A_596 : memref<1x128xi32, #tpu.memory_space<vmem>> -> memref<128xi32, #tpu.memory_space<vmem>>
      %dma_start3A_598 = arith.constant 0 : i32
      %dma_start3A_599 = arith.constant 0 : i32
      %dma_start3A_600 = tpu.memref_slice %arg8[%dma_start3A_598, %dma_start3A_599] : memref<16000x64xf32, #tpu.memory_space<hbm>> -> memref<16000x64xf32, #tpu.memory_space<hbm>>
      tpu.enqueue_indirect_dma source(%dma_start3A_600 : memref<16000x64xf32, #tpu.memory_space<hbm>>) target(%arg16 : memref<128x64xf32, #tpu.memory_space<vmem>>) offsets(%dma_start3A_597 : memref<128xi32, #tpu.memory_space<vmem>>) semaphore(%arg20 : memref<!tpu.dma_semaphore, #tpu.memory_space<semaphore_mem>>)
    } else {
    }
    %dma_wait3A_414 = arith.constant 0 : i32
    %dma_wait3A_415 = arith.constant 0 : i32
    %dma_wait3A_416 = tpu.memref_slice %arg13[%dma_wait3A_414, %dma_wait3A_415] : memref<125x128xi32, #tpu.memory_space<vmem>> -> memref<1x128xi32, #tpu.memory_space<vmem>>
    %dma_wait3A_417 = tpu.memref_squeeze %dma_wait3A_416 : memref<1x128xi32, #tpu.memory_space<vmem>> -> memref<128xi32, #tpu.memory_space<vmem>>
    %dma_wait3A_418 = arith.constant 0 : i32
    %dma_wait3A_419 = arith.constant 0 : i32
    %dma_wait3A_420 = tpu.memref_slice %arg6[%dma_wait3A_418, %dma_wait3A_419] : memref<16000x64xf32, #tpu.memory_space<hbm>> -> memref<16000x64xf32, #tpu.memory_space<hbm>>
    tpu.wait_indirect_dma semaphore(%arg20 : memref<!tpu.dma_semaphore, #tpu.memory_space<semaphore_mem>>) src(%dma_wait3A_420 : memref<16000x64xf32, #tpu.memory_space<hbm>>) dst(%arg18 : memref<128x64xf32, #tpu.memory_space<vmem>>)
    %dma_start3A_421 = arith.constant 3 : i32
    %dma_start3A_422 = arith.constant 0 : i32
    %dma_start3A_423 = tpu.memref_slice %arg14[%dma_start3A_421, %dma_start3A_422] : memref<125x128xi32, #tpu.memory_space<vmem>> -> memref<1x128xi32, #tpu.memory_space<vmem>>
    %dma_start3A_424 = tpu.memref_squeeze %dma_start3A_423 : memref<1x128xi32, #tpu.memory_space<vmem>> -> memref<128xi32, #tpu.memory_space<vmem>>
    %dma_start3A_425 = arith.constant 0 : i32
    %dma_start3A_426 = arith.constant 0 : i32
    %dma_start3A_427 = tpu.memref_slice %arg19[%dma_start3A_425, %dma_start3A_426] : memref<16000x64xf32, #tpu.memory_space<vmem_shared>> -> memref<16000x64xf32, #tpu.memory_space<vmem_shared>>
    tpu.enqueue_indirect_dma source(%arg18 : memref<128x64xf32, #tpu.memory_space<vmem>>) target(%dma_start3A_427 : memref<16000x64xf32, #tpu.memory_space<vmem_shared>>) offsets(%dma_start3A_424 : memref<128xi32, #tpu.memory_space<vmem>>) semaphore(%arg21 : memref<!tpu.dma_semaphore, #tpu.memory_space<semaphore_mem>>) {add = true}
    %dma_wait3A_428 = arith.constant 0 : i32
    %dma_wait3A_429 = arith.constant 0 : i32
    %dma_wait3A_430 = tpu.memref_slice %arg14[%dma_wait3A_428, %dma_wait3A_429] : memref<125x128xi32, #tpu.memory_space<vmem>> -> memref<1x128xi32, #tpu.memory_space<vmem>>
    %dma_wait3A_431 = tpu.memref_squeeze %dma_wait3A_430 : memref<1x128xi32, #tpu.memory_space<vmem>> -> memref<128xi32, #tpu.memory_space<vmem>>
    %dma_wait3A_432 = arith.constant 0 : i32
    %dma_wait3A_433 = arith.constant 0 : i32
    %dma_wait3A_434 = tpu.memref_slice %arg19[%dma_wait3A_432, %dma_wait3A_433] : memref<16000x64xf32, #tpu.memory_space<vmem_shared>> -> memref<16000x64xf32, #tpu.memory_space<vmem_shared>>
    tpu.wait_indirect_dma semaphore(%arg21 : memref<!tpu.dma_semaphore, #tpu.memory_space<semaphore_mem>>) src(%arg15 : memref<128x64xf32, #tpu.memory_space<vmem>>) dst(%dma_wait3A_434 : memref<16000x64xf32, #tpu.memory_space<vmem_shared>>)
    %eq3A_435 = arith.constant 0 : i32
    %eq3A_436 = arith.cmpi eq, %arg0, %eq3A_435 : i32
    %convert_element_type3A_437 = arith.extui %eq3A_436 : i1 to i32
    %cond3A_438 = arith.constant 0 : i32
    %cond3A_439 = arith.cmpi ne, %convert_element_type3A_437, %cond3A_438 : i32
    scf.if %cond3A_439 {
      %dma_start3A_594 = arith.constant 6 : i32
      %dma_start3A_595 = arith.constant 0 : i32
      %dma_start3A_596 = tpu.memref_slice %arg13[%dma_start3A_594, %dma_start3A_595] : memref<125x128xi32, #tpu.memory_space<vmem>> -> memref<1x128xi32, #tpu.memory_space<vmem>>
      %dma_start3A_597 = tpu.memref_squeeze %dma_start3A_596 : memref<1x128xi32, #tpu.memory_space<vmem>> -> memref<128xi32, #tpu.memory_space<vmem>>
      %dma_start3A_598 = arith.constant 0 : i32
      %dma_start3A_599 = arith.constant 0 : i32
      %dma_start3A_600 = tpu.memref_slice %arg6[%dma_start3A_598, %dma_start3A_599] : memref<16000x64xf32, #tpu.memory_space<hbm>> -> memref<16000x64xf32, #tpu.memory_space<hbm>>
      tpu.enqueue_indirect_dma source(%dma_start3A_600 : memref<16000x64xf32, #tpu.memory_space<hbm>>) target(%arg17 : memref<128x64xf32, #tpu.memory_space<vmem>>) offsets(%dma_start3A_597 : memref<128xi32, #tpu.memory_space<vmem>>) semaphore(%arg20 : memref<!tpu.dma_semaphore, #tpu.memory_space<semaphore_mem>>)
    } else {
    }
    %eq3A_440 = arith.constant 1 : i32
    %eq3A_441 = arith.cmpi eq, %arg0, %eq3A_440 : i32
    %convert_element_type3A_442 = arith.extui %eq3A_441 : i1 to i32
    %cond3A_443 = arith.constant 0 : i32
    %cond3A_444 = arith.cmpi ne, %convert_element_type3A_442, %cond3A_443 : i32
    scf.if %cond3A_444 {
      %dma_start3A_594 = arith.constant 6 : i32
      %dma_start3A_595 = arith.constant 0 : i32
      %dma_start3A_596 = tpu.memref_slice %arg13[%dma_start3A_594, %dma_start3A_595] : memref<125x128xi32, #tpu.memory_space<vmem>> -> memref<1x128xi32, #tpu.memory_space<vmem>>
      %dma_start3A_597 = tpu.memref_squeeze %dma_start3A_596 : memref<1x128xi32, #tpu.memory_space<vmem>> -> memref<128xi32, #tpu.memory_space<vmem>>
      %dma_start3A_598 = arith.constant 0 : i32
      %dma_start3A_599 = arith.constant 0 : i32
      %dma_start3A_600 = tpu.memref_slice %arg8[%dma_start3A_598, %dma_start3A_599] : memref<16000x64xf32, #tpu.memory_space<hbm>> -> memref<16000x64xf32, #tpu.memory_space<hbm>>
      tpu.enqueue_indirect_dma source(%dma_start3A_600 : memref<16000x64xf32, #tpu.memory_space<hbm>>) target(%arg17 : memref<128x64xf32, #tpu.memory_space<vmem>>) offsets(%dma_start3A_597 : memref<128xi32, #tpu.memory_space<vmem>>) semaphore(%arg20 : memref<!tpu.dma_semaphore, #tpu.memory_space<semaphore_mem>>)
    } else {
    }
    %scan3A_445 = arith.constant 0 : i32
    %scan3A_446 = arith.constant 29 : i32
    %scan3A_447 = arith.addi %scan3A_445, %scan3A_446 : i32
    %scan3A_448 = arith.constant 1 : i32
    scf.for %scan3A_594 = %scan3A_445 to %scan3A_447 step %scan3A_448  : i32 {
      %mul3A_595 = arith.constant 1 : i32
      %mul3A_596 = arith.muli %scan3A_594, %mul3A_595 : i32
      %add3A = arith.constant 0 : i32
      %add3A_597 = arith.addi %add3A, %mul3A_596 : i32
      %mul3A_598 = arith.constant 4 : i32
      %mul3A_599 = arith.muli %mul3A_598, %add3A_597 : i32
      %add3A_600 = arith.constant 4 : i32
      %add3A_601 = arith.addi %add3A_600, %mul3A_599 : i32
      %dma_wait3A_602 = arith.constant 0 : i32
      %dma_wait3A_603 = arith.constant 0 : i32
      %dma_wait3A_604 = tpu.memref_slice %arg13[%dma_wait3A_602, %dma_wait3A_603] : memref<125x128xi32, #tpu.memory_space<vmem>> -> memref<1x128xi32, #tpu.memory_space<vmem>>
      %dma_wait3A_605 = tpu.memref_squeeze %dma_wait3A_604 : memref<1x128xi32, #tpu.memory_space<vmem>> -> memref<128xi32, #tpu.memory_space<vmem>>
      %dma_wait3A_606 = arith.constant 0 : i32
      %dma_wait3A_607 = arith.constant 0 : i32
      %dma_wait3A_608 = tpu.memref_slice %arg6[%dma_wait3A_606, %dma_wait3A_607] : memref<16000x64xf32, #tpu.memory_space<hbm>> -> memref<16000x64xf32, #tpu.memory_space<hbm>>
      tpu.wait_indirect_dma semaphore(%arg20 : memref<!tpu.dma_semaphore, #tpu.memory_space<semaphore_mem>>) src(%dma_wait3A_608 : memref<16000x64xf32, #tpu.memory_space<hbm>>) dst(%arg15 : memref<128x64xf32, #tpu.memory_space<vmem>>)
      %dma_start3A_609 = arith.constant 0 : i32
      %dma_start3A_610 = tpu.memref_slice %arg14[%add3A_601, %dma_start3A_609] : memref<125x128xi32, #tpu.memory_space<vmem>> -> memref<1x128xi32, #tpu.memory_space<vmem>>
      %dma_start3A_611 = tpu.memref_squeeze %dma_start3A_610 : memref<1x128xi32, #tpu.memory_space<vmem>> -> memref<128xi32, #tpu.memory_space<vmem>>
      %dma_start3A_612 = arith.constant 0 : i32
      %dma_start3A_613 = arith.constant 0 : i32
      %dma_start3A_614 = tpu.memref_slice %arg19[%dma_start3A_612, %dma_start3A_613] : memref<16000x64xf32, #tpu.memory_space<vmem_shared>> -> memref<16000x64xf32, #tpu.memory_space<vmem_shared>>
      tpu.enqueue_indirect_dma source(%arg15 : memref<128x64xf32, #tpu.memory_space<vmem>>) target(%dma_start3A_614 : memref<16000x64xf32, #tpu.memory_space<vmem_shared>>) offsets(%dma_start3A_611 : memref<128xi32, #tpu.memory_space<vmem>>) semaphore(%arg21 : memref<!tpu.dma_semaphore, #tpu.memory_space<semaphore_mem>>) {add = true}
      %dma_wait3A_615 = arith.constant 0 : i32
      %dma_wait3A_616 = arith.constant 0 : i32
      %dma_wait3A_617 = tpu.memref_slice %arg14[%dma_wait3A_615, %dma_wait3A_616] : memref<125x128xi32, #tpu.memory_space<vmem>> -> memref<1x128xi32, #tpu.memory_space<vmem>>
      %dma_wait3A_618 = tpu.memref_squeeze %dma_wait3A_617 : memref<1x128xi32, #tpu.memory_space<vmem>> -> memref<128xi32, #tpu.memory_space<vmem>>
      %dma_wait3A_619 = arith.constant 0 : i32
      %dma_wait3A_620 = arith.constant 0 : i32
      %dma_wait3A_621 = tpu.memref_slice %arg19[%dma_wait3A_619, %dma_wait3A_620] : memref<16000x64xf32, #tpu.memory_space<vmem_shared>> -> memref<16000x64xf32, #tpu.memory_space<vmem_shared>>
      tpu.wait_indirect_dma semaphore(%arg21 : memref<!tpu.dma_semaphore, #tpu.memory_space<semaphore_mem>>) src(%arg15 : memref<128x64xf32, #tpu.memory_space<vmem>>) dst(%dma_wait3A_621 : memref<16000x64xf32, #tpu.memory_space<vmem_shared>>)
      %add3A_622 = arith.constant 3 : i32
      %add3A_623 = arith.addi %add3A_601, %add3A_622 : i32
      %eq3A_624 = arith.constant 0 : i32
      %eq3A_625 = arith.cmpi eq, %arg0, %eq3A_624 : i32
      %convert_element_type3A_626 = arith.extui %eq3A_625 : i1 to i32
      %cond3A_627 = arith.constant 0 : i32
      %cond3A_628 = arith.cmpi ne, %convert_element_type3A_626, %cond3A_627 : i32
      scf.if %cond3A_628 {
        %dma_start3A_736 = arith.constant 0 : i32
        %dma_start3A_737 = tpu.memref_slice %arg13[%add3A_623, %dma_start3A_736] : memref<125x128xi32, #tpu.memory_space<vmem>> -> memref<1x128xi32, #tpu.memory_space<vmem>>
        %dma_start3A_738 = tpu.memref_squeeze %dma_start3A_737 : memref<1x128xi32, #tpu.memory_space<vmem>> -> memref<128xi32, #tpu.memory_space<vmem>>
        %dma_start3A_739 = arith.constant 0 : i32
        %dma_start3A_740 = arith.constant 0 : i32
        %dma_start3A_741 = tpu.memref_slice %arg6[%dma_start3A_739, %dma_start3A_740] : memref<16000x64xf32, #tpu.memory_space<hbm>> -> memref<16000x64xf32, #tpu.memory_space<hbm>>
        tpu.enqueue_indirect_dma source(%dma_start3A_741 : memref<16000x64xf32, #tpu.memory_space<hbm>>) target(%arg18 : memref<128x64xf32, #tpu.memory_space<vmem>>) offsets(%dma_start3A_738 : memref<128xi32, #tpu.memory_space<vmem>>) semaphore(%arg20 : memref<!tpu.dma_semaphore, #tpu.memory_space<semaphore_mem>>)
      } else {
      }
      %eq3A_629 = arith.constant 1 : i32
      %eq3A_630 = arith.cmpi eq, %arg0, %eq3A_629 : i32
      %convert_element_type3A_631 = arith.extui %eq3A_630 : i1 to i32
      %cond3A_632 = arith.constant 0 : i32
      %cond3A_633 = arith.cmpi ne, %convert_element_type3A_631, %cond3A_632 : i32
      scf.if %cond3A_633 {
        %dma_start3A_736 = arith.constant 0 : i32
        %dma_start3A_737 = tpu.memref_slice %arg13[%add3A_623, %dma_start3A_736] : memref<125x128xi32, #tpu.memory_space<vmem>> -> memref<1x128xi32, #tpu.memory_space<vmem>>
        %dma_start3A_738 = tpu.memref_squeeze %dma_start3A_737 : memref<1x128xi32, #tpu.memory_space<vmem>> -> memref<128xi32, #tpu.memory_space<vmem>>
        %dma_start3A_739 = arith.constant 0 : i32
        %dma_start3A_740 = arith.constant 0 : i32
        %dma_start3A_741 = tpu.memref_slice %arg8[%dma_start3A_739, %dma_start3A_740] : memref<16000x64xf32, #tpu.memory_space<hbm>> -> memref<16000x64xf32, #tpu.memory_space<hbm>>
        tpu.enqueue_indirect_dma source(%dma_start3A_741 : memref<16000x64xf32, #tpu.memory_space<hbm>>) target(%arg18 : memref<128x64xf32, #tpu.memory_space<vmem>>) offsets(%dma_start3A_738 : memref<128xi32, #tpu.memory_space<vmem>>) semaphore(%arg20 : memref<!tpu.dma_semaphore, #tpu.memory_space<semaphore_mem>>)
      } else {
      }
      %dma_wait3A_634 = arith.constant 0 : i32
      %dma_wait3A_635 = arith.constant 0 : i32
      %dma_wait3A_636 = tpu.memref_slice %arg13[%dma_wait3A_634, %dma_wait3A_635] : memref<125x128xi32, #tpu.memory_space<vmem>> -> memref<1x128xi32, #tpu.memory_space<vmem>>
      %dma_wait3A_637 = tpu.memref_squeeze %dma_wait3A_636 : memref<1x128xi32, #tpu.memory_space<vmem>> -> memref<128xi32, #tpu.memory_space<vmem>>
      %dma_wait3A_638 = arith.constant 0 : i32
      %dma_wait3A_639 = arith.constant 0 : i32
      %dma_wait3A_640 = tpu.memref_slice %arg6[%dma_wait3A_638, %dma_wait3A_639] : memref<16000x64xf32, #tpu.memory_space<hbm>> -> memref<16000x64xf32, #tpu.memory_space<hbm>>
      tpu.wait_indirect_dma semaphore(%arg20 : memref<!tpu.dma_semaphore, #tpu.memory_space<semaphore_mem>>) src(%dma_wait3A_640 : memref<16000x64xf32, #tpu.memory_space<hbm>>) dst(%arg16 : memref<128x64xf32, #tpu.memory_space<vmem>>)
      %add3A_641 = arith.constant 1 : i32
      %add3A_642 = arith.addi %add3A_601, %add3A_641 : i32
      %dma_start3A_643 = arith.constant 0 : i32
      %dma_start3A_644 = tpu.memref_slice %arg14[%add3A_642, %dma_start3A_643] : memref<125x128xi32, #tpu.memory_space<vmem>> -> memref<1x128xi32, #tpu.memory_space<vmem>>
      %dma_start3A_645 = tpu.memref_squeeze %dma_start3A_644 : memref<1x128xi32, #tpu.memory_space<vmem>> -> memref<128xi32, #tpu.memory_space<vmem>>
      %dma_start3A_646 = arith.constant 0 : i32
      %dma_start3A_647 = arith.constant 0 : i32
      %dma_start3A_648 = tpu.memref_slice %arg19[%dma_start3A_646, %dma_start3A_647] : memref<16000x64xf32, #tpu.memory_space<vmem_shared>> -> memref<16000x64xf32, #tpu.memory_space<vmem_shared>>
      tpu.enqueue_indirect_dma source(%arg16 : memref<128x64xf32, #tpu.memory_space<vmem>>) target(%dma_start3A_648 : memref<16000x64xf32, #tpu.memory_space<vmem_shared>>) offsets(%dma_start3A_645 : memref<128xi32, #tpu.memory_space<vmem>>) semaphore(%arg21 : memref<!tpu.dma_semaphore, #tpu.memory_space<semaphore_mem>>) {add = true}
      %dma_wait3A_649 = arith.constant 0 : i32
      %dma_wait3A_650 = arith.constant 0 : i32
      %dma_wait3A_651 = tpu.memref_slice %arg14[%dma_wait3A_649, %dma_wait3A_650] : memref<125x128xi32, #tpu.memory_space<vmem>> -> memref<1x128xi32, #tpu.memory_space<vmem>>
      %dma_wait3A_652 = tpu.memref_squeeze %dma_wait3A_651 : memref<1x128xi32, #tpu.memory_space<vmem>> -> memref<128xi32, #tpu.memory_space<vmem>>
      %dma_wait3A_653 = arith.constant 0 : i32
      %dma_wait3A_654 = arith.constant 0 : i32
      %dma_wait3A_655 = tpu.memref_slice %arg19[%dma_wait3A_653, %dma_wait3A_654] : memref<16000x64xf32, #tpu.memory_space<vmem_shared>> -> memref<16000x64xf32, #tpu.memory_space<vmem_shared>>
      tpu.wait_indirect_dma semaphore(%arg21 : memref<!tpu.dma_semaphore, #tpu.memory_space<semaphore_mem>>) src(%arg15 : memref<128x64xf32, #tpu.memory_space<vmem>>) dst(%dma_wait3A_655 : memref<16000x64xf32, #tpu.memory_space<vmem_shared>>)
      %add3A_656 = arith.constant 4 : i32
      %add3A_657 = arith.addi %add3A_601, %add3A_656 : i32
      %eq3A_658 = arith.constant 0 : i32
      %eq3A_659 = arith.cmpi eq, %arg0, %eq3A_658 : i32
      %convert_element_type3A_660 = arith.extui %eq3A_659 : i1 to i32
      %cond3A_661 = arith.constant 0 : i32
      %cond3A_662 = arith.cmpi ne, %convert_element_type3A_660, %cond3A_661 : i32
      scf.if %cond3A_662 {
        %dma_start3A_736 = arith.constant 0 : i32
        %dma_start3A_737 = tpu.memref_slice %arg13[%add3A_657, %dma_start3A_736] : memref<125x128xi32, #tpu.memory_space<vmem>> -> memref<1x128xi32, #tpu.memory_space<vmem>>
        %dma_start3A_738 = tpu.memref_squeeze %dma_start3A_737 : memref<1x128xi32, #tpu.memory_space<vmem>> -> memref<128xi32, #tpu.memory_space<vmem>>
        %dma_start3A_739 = arith.constant 0 : i32
        %dma_start3A_740 = arith.constant 0 : i32
        %dma_start3A_741 = tpu.memref_slice %arg6[%dma_start3A_739, %dma_start3A_740] : memref<16000x64xf32, #tpu.memory_space<hbm>> -> memref<16000x64xf32, #tpu.memory_space<hbm>>
        tpu.enqueue_indirect_dma source(%dma_start3A_741 : memref<16000x64xf32, #tpu.memory_space<hbm>>) target(%arg15 : memref<128x64xf32, #tpu.memory_space<vmem>>) offsets(%dma_start3A_738 : memref<128xi32, #tpu.memory_space<vmem>>) semaphore(%arg20 : memref<!tpu.dma_semaphore, #tpu.memory_space<semaphore_mem>>)
      } else {
      }
      %eq3A_663 = arith.constant 1 : i32
      %eq3A_664 = arith.cmpi eq, %arg0, %eq3A_663 : i32
      %convert_element_type3A_665 = arith.extui %eq3A_664 : i1 to i32
      %cond3A_666 = arith.constant 0 : i32
      %cond3A_667 = arith.cmpi ne, %convert_element_type3A_665, %cond3A_666 : i32
      scf.if %cond3A_667 {
        %dma_start3A_736 = arith.constant 0 : i32
        %dma_start3A_737 = tpu.memref_slice %arg13[%add3A_657, %dma_start3A_736] : memref<125x128xi32, #tpu.memory_space<vmem>> -> memref<1x128xi32, #tpu.memory_space<vmem>>
        %dma_start3A_738 = tpu.memref_squeeze %dma_start3A_737 : memref<1x128xi32, #tpu.memory_space<vmem>> -> memref<128xi32, #tpu.memory_space<vmem>>
        %dma_start3A_739 = arith.constant 0 : i32
        %dma_start3A_740 = arith.constant 0 : i32
        %dma_start3A_741 = tpu.memref_slice %arg8[%dma_start3A_739, %dma_start3A_740] : memref<16000x64xf32, #tpu.memory_space<hbm>> -> memref<16000x64xf32, #tpu.memory_space<hbm>>
        tpu.enqueue_indirect_dma source(%dma_start3A_741 : memref<16000x64xf32, #tpu.memory_space<hbm>>) target(%arg15 : memref<128x64xf32, #tpu.memory_space<vmem>>) offsets(%dma_start3A_738 : memref<128xi32, #tpu.memory_space<vmem>>) semaphore(%arg20 : memref<!tpu.dma_semaphore, #tpu.memory_space<semaphore_mem>>)
      } else {
      }
      %dma_wait3A_668 = arith.constant 0 : i32
      %dma_wait3A_669 = arith.constant 0 : i32
      %dma_wait3A_670 = tpu.memref_slice %arg13[%dma_wait3A_668, %dma_wait3A_669] : memref<125x128xi32, #tpu.memory_space<vmem>> -> memref<1x128xi32, #tpu.memory_space<vmem>>
      %dma_wait3A_671 = tpu.memref_squeeze %dma_wait3A_670 : memref<1x128xi32, #tpu.memory_space<vmem>> -> memref<128xi32, #tpu.memory_space<vmem>>
      %dma_wait3A_672 = arith.constant 0 : i32
      %dma_wait3A_673 = arith.constant 0 : i32
      %dma_wait3A_674 = tpu.memref_slice %arg6[%dma_wait3A_672, %dma_wait3A_673] : memref<16000x64xf32, #tpu.memory_space<hbm>> -> memref<16000x64xf32, #tpu.memory_space<hbm>>
      tpu.wait_indirect_dma semaphore(%arg20 : memref<!tpu.dma_semaphore, #tpu.memory_space<semaphore_mem>>) src(%dma_wait3A_674 : memref<16000x64xf32, #tpu.memory_space<hbm>>) dst(%arg17 : memref<128x64xf32, #tpu.memory_space<vmem>>)
      %add3A_675 = arith.constant 2 : i32
      %add3A_676 = arith.addi %add3A_601, %add3A_675 : i32
      %dma_start3A_677 = arith.constant 0 : i32
      %dma_start3A_678 = tpu.memref_slice %arg14[%add3A_676, %dma_start3A_677] : memref<125x128xi32, #tpu.memory_space<vmem>> -> memref<1x128xi32, #tpu.memory_space<vmem>>
      %dma_start3A_679 = tpu.memref_squeeze %dma_start3A_678 : memref<1x128xi32, #tpu.memory_space<vmem>> -> memref<128xi32, #tpu.memory_space<vmem>>
      %dma_start3A_680 = arith.constant 0 : i32
      %dma_start3A_681 = arith.constant 0 : i32
      %dma_start3A_682 = tpu.memref_slice %arg19[%dma_start3A_680, %dma_start3A_681] : memref<16000x64xf32, #tpu.memory_space<vmem_shared>> -> memref<16000x64xf32, #tpu.memory_space<vmem_shared>>
      tpu.enqueue_indirect_dma source(%arg17 : memref<128x64xf32, #tpu.memory_space<vmem>>) target(%dma_start3A_682 : memref<16000x64xf32, #tpu.memory_space<vmem_shared>>) offsets(%dma_start3A_679 : memref<128xi32, #tpu.memory_space<vmem>>) semaphore(%arg21 : memref<!tpu.dma_semaphore, #tpu.memory_space<semaphore_mem>>) {add = true}
      %dma_wait3A_683 = arith.constant 0 : i32
      %dma_wait3A_684 = arith.constant 0 : i32
      %dma_wait3A_685 = tpu.memref_slice %arg14[%dma_wait3A_683, %dma_wait3A_684] : memref<125x128xi32, #tpu.memory_space<vmem>> -> memref<1x128xi32, #tpu.memory_space<vmem>>
      %dma_wait3A_686 = tpu.memref_squeeze %dma_wait3A_685 : memref<1x128xi32, #tpu.memory_space<vmem>> -> memref<128xi32, #tpu.memory_space<vmem>>
      %dma_wait3A_687 = arith.constant 0 : i32
      %dma_wait3A_688 = arith.constant 0 : i32
      %dma_wait3A_689 = tpu.memref_slice %arg19[%dma_wait3A_687, %dma_wait3A_688] : memref<16000x64xf32, #tpu.memory_space<vmem_shared>> -> memref<16000x64xf32, #tpu.memory_space<vmem_shared>>
      tpu.wait_indirect_dma semaphore(%arg21 : memref<!tpu.dma_semaphore, #tpu.memory_space<semaphore_mem>>) src(%arg15 : memref<128x64xf32, #tpu.memory_space<vmem>>) dst(%dma_wait3A_689 : memref<16000x64xf32, #tpu.memory_space<vmem_shared>>)
      %add3A_690 = arith.constant 5 : i32
      %add3A_691 = arith.addi %add3A_601, %add3A_690 : i32
      %eq3A_692 = arith.constant 0 : i32
      %eq3A_693 = arith.cmpi eq, %arg0, %eq3A_692 : i32
      %convert_element_type3A_694 = arith.extui %eq3A_693 : i1 to i32
      %cond3A_695 = arith.constant 0 : i32
      %cond3A_696 = arith.cmpi ne, %convert_element_type3A_694, %cond3A_695 : i32
      scf.if %cond3A_696 {
        %dma_start3A_736 = arith.constant 0 : i32
        %dma_start3A_737 = tpu.memref_slice %arg13[%add3A_691, %dma_start3A_736] : memref<125x128xi32, #tpu.memory_space<vmem>> -> memref<1x128xi32, #tpu.memory_space<vmem>>
        %dma_start3A_738 = tpu.memref_squeeze %dma_start3A_737 : memref<1x128xi32, #tpu.memory_space<vmem>> -> memref<128xi32, #tpu.memory_space<vmem>>
        %dma_start3A_739 = arith.constant 0 : i32
        %dma_start3A_740 = arith.constant 0 : i32
        %dma_start3A_741 = tpu.memref_slice %arg6[%dma_start3A_739, %dma_start3A_740] : memref<16000x64xf32, #tpu.memory_space<hbm>> -> memref<16000x64xf32, #tpu.memory_space<hbm>>
        tpu.enqueue_indirect_dma source(%dma_start3A_741 : memref<16000x64xf32, #tpu.memory_space<hbm>>) target(%arg16 : memref<128x64xf32, #tpu.memory_space<vmem>>) offsets(%dma_start3A_738 : memref<128xi32, #tpu.memory_space<vmem>>) semaphore(%arg20 : memref<!tpu.dma_semaphore, #tpu.memory_space<semaphore_mem>>)
      } else {
      }
      %eq3A_697 = arith.constant 1 : i32
      %eq3A_698 = arith.cmpi eq, %arg0, %eq3A_697 : i32
      %convert_element_type3A_699 = arith.extui %eq3A_698 : i1 to i32
      %cond3A_700 = arith.constant 0 : i32
      %cond3A_701 = arith.cmpi ne, %convert_element_type3A_699, %cond3A_700 : i32
      scf.if %cond3A_701 {
        %dma_start3A_736 = arith.constant 0 : i32
        %dma_start3A_737 = tpu.memref_slice %arg13[%add3A_691, %dma_start3A_736] : memref<125x128xi32, #tpu.memory_space<vmem>> -> memref<1x128xi32, #tpu.memory_space<vmem>>
        %dma_start3A_738 = tpu.memref_squeeze %dma_start3A_737 : memref<1x128xi32, #tpu.memory_space<vmem>> -> memref<128xi32, #tpu.memory_space<vmem>>
        %dma_start3A_739 = arith.constant 0 : i32
        %dma_start3A_740 = arith.constant 0 : i32
        %dma_start3A_741 = tpu.memref_slice %arg8[%dma_start3A_739, %dma_start3A_740] : memref<16000x64xf32, #tpu.memory_space<hbm>> -> memref<16000x64xf32, #tpu.memory_space<hbm>>
        tpu.enqueue_indirect_dma source(%dma_start3A_741 : memref<16000x64xf32, #tpu.memory_space<hbm>>) target(%arg16 : memref<128x64xf32, #tpu.memory_space<vmem>>) offsets(%dma_start3A_738 : memref<128xi32, #tpu.memory_space<vmem>>) semaphore(%arg20 : memref<!tpu.dma_semaphore, #tpu.memory_space<semaphore_mem>>)
      } else {
      }
      %dma_wait3A_702 = arith.constant 0 : i32
      %dma_wait3A_703 = arith.constant 0 : i32
      %dma_wait3A_704 = tpu.memref_slice %arg13[%dma_wait3A_702, %dma_wait3A_703] : memref<125x128xi32, #tpu.memory_space<vmem>> -> memref<1x128xi32, #tpu.memory_space<vmem>>
      %dma_wait3A_705 = tpu.memref_squeeze %dma_wait3A_704 : memref<1x128xi32, #tpu.memory_space<vmem>> -> memref<128xi32, #tpu.memory_space<vmem>>
      %dma_wait3A_706 = arith.constant 0 : i32
      %dma_wait3A_707 = arith.constant 0 : i32
      %dma_wait3A_708 = tpu.memref_slice %arg6[%dma_wait3A_706, %dma_wait3A_707] : memref<16000x64xf32, #tpu.memory_space<hbm>> -> memref<16000x64xf32, #tpu.memory_space<hbm>>
      tpu.wait_indirect_dma semaphore(%arg20 : memref<!tpu.dma_semaphore, #tpu.memory_space<semaphore_mem>>) src(%dma_wait3A_708 : memref<16000x64xf32, #tpu.memory_space<hbm>>) dst(%arg18 : memref<128x64xf32, #tpu.memory_space<vmem>>)
      %add3A_709 = arith.constant 3 : i32
      %add3A_710 = arith.addi %add3A_601, %add3A_709 : i32
      %dma_start3A_711 = arith.constant 0 : i32
      %dma_start3A_712 = tpu.memref_slice %arg14[%add3A_710, %dma_start3A_711] : memref<125x128xi32, #tpu.memory_space<vmem>> -> memref<1x128xi32, #tpu.memory_space<vmem>>
      %dma_start3A_713 = tpu.memref_squeeze %dma_start3A_712 : memref<1x128xi32, #tpu.memory_space<vmem>> -> memref<128xi32, #tpu.memory_space<vmem>>
      %dma_start3A_714 = arith.constant 0 : i32
      %dma_start3A_715 = arith.constant 0 : i32
      %dma_start3A_716 = tpu.memref_slice %arg19[%dma_start3A_714, %dma_start3A_715] : memref<16000x64xf32, #tpu.memory_space<vmem_shared>> -> memref<16000x64xf32, #tpu.memory_space<vmem_shared>>
      tpu.enqueue_indirect_dma source(%arg18 : memref<128x64xf32, #tpu.memory_space<vmem>>) target(%dma_start3A_716 : memref<16000x64xf32, #tpu.memory_space<vmem_shared>>) offsets(%dma_start3A_713 : memref<128xi32, #tpu.memory_space<vmem>>) semaphore(%arg21 : memref<!tpu.dma_semaphore, #tpu.memory_space<semaphore_mem>>) {add = true}
      %dma_wait3A_717 = arith.constant 0 : i32
      %dma_wait3A_718 = arith.constant 0 : i32
      %dma_wait3A_719 = tpu.memref_slice %arg14[%dma_wait3A_717, %dma_wait3A_718] : memref<125x128xi32, #tpu.memory_space<vmem>> -> memref<1x128xi32, #tpu.memory_space<vmem>>
      %dma_wait3A_720 = tpu.memref_squeeze %dma_wait3A_719 : memref<1x128xi32, #tpu.memory_space<vmem>> -> memref<128xi32, #tpu.memory_space<vmem>>
      %dma_wait3A_721 = arith.constant 0 : i32
      %dma_wait3A_722 = arith.constant 0 : i32
      %dma_wait3A_723 = tpu.memref_slice %arg19[%dma_wait3A_721, %dma_wait3A_722] : memref<16000x64xf32, #tpu.memory_space<vmem_shared>> -> memref<16000x64xf32, #tpu.memory_space<vmem_shared>>
      tpu.wait_indirect_dma semaphore(%arg21 : memref<!tpu.dma_semaphore, #tpu.memory_space<semaphore_mem>>) src(%arg15 : memref<128x64xf32, #tpu.memory_space<vmem>>) dst(%dma_wait3A_723 : memref<16000x64xf32, #tpu.memory_space<vmem_shared>>)
      %add3A_724 = arith.constant 6 : i32
      %add3A_725 = arith.addi %add3A_601, %add3A_724 : i32
      %eq3A_726 = arith.constant 0 : i32
      %eq3A_727 = arith.cmpi eq, %arg0, %eq3A_726 : i32
      %convert_element_type3A_728 = arith.extui %eq3A_727 : i1 to i32
      %cond3A_729 = arith.constant 0 : i32
      %cond3A_730 = arith.cmpi ne, %convert_element_type3A_728, %cond3A_729 : i32
      scf.if %cond3A_730 {
        %dma_start3A_736 = arith.constant 0 : i32
        %dma_start3A_737 = tpu.memref_slice %arg13[%add3A_725, %dma_start3A_736] : memref<125x128xi32, #tpu.memory_space<vmem>> -> memref<1x128xi32, #tpu.memory_space<vmem>>
        %dma_start3A_738 = tpu.memref_squeeze %dma_start3A_737 : memref<1x128xi32, #tpu.memory_space<vmem>> -> memref<128xi32, #tpu.memory_space<vmem>>
        %dma_start3A_739 = arith.constant 0 : i32
        %dma_start3A_740 = arith.constant 0 : i32
        %dma_start3A_741 = tpu.memref_slice %arg6[%dma_start3A_739, %dma_start3A_740] : memref<16000x64xf32, #tpu.memory_space<hbm>> -> memref<16000x64xf32, #tpu.memory_space<hbm>>
        tpu.enqueue_indirect_dma source(%dma_start3A_741 : memref<16000x64xf32, #tpu.memory_space<hbm>>) target(%arg17 : memref<128x64xf32, #tpu.memory_space<vmem>>) offsets(%dma_start3A_738 : memref<128xi32, #tpu.memory_space<vmem>>) semaphore(%arg20 : memref<!tpu.dma_semaphore, #tpu.memory_space<semaphore_mem>>)
      } else {
      }
      %eq3A_731 = arith.constant 1 : i32
      %eq3A_732 = arith.cmpi eq, %arg0, %eq3A_731 : i32
      %convert_element_type3A_733 = arith.extui %eq3A_732 : i1 to i32
      %cond3A_734 = arith.constant 0 : i32
      %cond3A_735 = arith.cmpi ne, %convert_element_type3A_733, %cond3A_734 : i32
      scf.if %cond3A_735 {
        %dma_start3A_736 = arith.constant 0 : i32
        %dma_start3A_737 = tpu.memref_slice %arg13[%add3A_725, %dma_start3A_736] : memref<125x128xi32, #tpu.memory_space<vmem>> -> memref<1x128xi32, #tpu.memory_space<vmem>>
        %dma_start3A_738 = tpu.memref_squeeze %dma_start3A_737 : memref<1x128xi32, #tpu.memory_space<vmem>> -> memref<128xi32, #tpu.memory_space<vmem>>
        %dma_start3A_739 = arith.constant 0 : i32
        %dma_start3A_740 = arith.constant 0 : i32
        %dma_start3A_741 = tpu.memref_slice %arg8[%dma_start3A_739, %dma_start3A_740] : memref<16000x64xf32, #tpu.memory_space<hbm>> -> memref<16000x64xf32, #tpu.memory_space<hbm>>
        tpu.enqueue_indirect_dma source(%dma_start3A_741 : memref<16000x64xf32, #tpu.memory_space<hbm>>) target(%arg17 : memref<128x64xf32, #tpu.memory_space<vmem>>) offsets(%dma_start3A_738 : memref<128xi32, #tpu.memory_space<vmem>>) semaphore(%arg20 : memref<!tpu.dma_semaphore, #tpu.memory_space<semaphore_mem>>)
      } else {
      }
    }
    %scan3A_449 = arith.constant 29 : i32
    %dma_wait3A_450 = arith.constant 0 : i32
    %dma_wait3A_451 = arith.constant 0 : i32
    %dma_wait3A_452 = tpu.memref_slice %arg13[%dma_wait3A_450, %dma_wait3A_451] : memref<125x128xi32, #tpu.memory_space<vmem>> -> memref<1x128xi32, #tpu.memory_space<vmem>>
    %dma_wait3A_453 = tpu.memref_squeeze %dma_wait3A_452 : memref<1x128xi32, #tpu.memory_space<vmem>> -> memref<128xi32, #tpu.memory_space<vmem>>
    %dma_wait3A_454 = arith.constant 0 : i32
    %dma_wait3A_455 = arith.constant 0 : i32
    %dma_wait3A_456 = tpu.memref_slice %arg6[%dma_wait3A_454, %dma_wait3A_455] : memref<16000x64xf32, #tpu.memory_space<hbm>> -> memref<16000x64xf32, #tpu.memory_space<hbm>>
    tpu.wait_indirect_dma semaphore(%arg20 : memref<!tpu.dma_semaphore, #tpu.memory_space<semaphore_mem>>) src(%dma_wait3A_456 : memref<16000x64xf32, #tpu.memory_space<hbm>>) dst(%arg15 : memref<128x64xf32, #tpu.memory_space<vmem>>)
    %dma_start3A_457 = arith.constant 120 : i32
    %dma_start3A_458 = arith.constant 0 : i32
    %dma_start3A_459 = tpu.memref_slice %arg14[%dma_start3A_457, %dma_start3A_458] : memref<125x128xi32, #tpu.memory_space<vmem>> -> memref<1x128xi32, #tpu.memory_space<vmem>>
    %dma_start3A_460 = tpu.memref_squeeze %dma_start3A_459 : memref<1x128xi32, #tpu.memory_space<vmem>> -> memref<128xi32, #tpu.memory_space<vmem>>
    %dma_start3A_461 = arith.constant 0 : i32
    %dma_start3A_462 = arith.constant 0 : i32
    %dma_start3A_463 = tpu.memref_slice %arg19[%dma_start3A_461, %dma_start3A_462] : memref<16000x64xf32, #tpu.memory_space<vmem_shared>> -> memref<16000x64xf32, #tpu.memory_space<vmem_shared>>
    tpu.enqueue_indirect_dma source(%arg15 : memref<128x64xf32, #tpu.memory_space<vmem>>) target(%dma_start3A_463 : memref<16000x64xf32, #tpu.memory_space<vmem_shared>>) offsets(%dma_start3A_460 : memref<128xi32, #tpu.memory_space<vmem>>) semaphore(%arg21 : memref<!tpu.dma_semaphore, #tpu.memory_space<semaphore_mem>>) {add = true}
    %dma_wait3A_464 = arith.constant 0 : i32
    %dma_wait3A_465 = arith.constant 0 : i32
    %dma_wait3A_466 = tpu.memref_slice %arg14[%dma_wait3A_464, %dma_wait3A_465] : memref<125x128xi32, #tpu.memory_space<vmem>> -> memref<1x128xi32, #tpu.memory_space<vmem>>
    %dma_wait3A_467 = tpu.memref_squeeze %dma_wait3A_466 : memref<1x128xi32, #tpu.memory_space<vmem>> -> memref<128xi32, #tpu.memory_space<vmem>>
    %dma_wait3A_468 = arith.constant 0 : i32
    %dma_wait3A_469 = arith.constant 0 : i32
    %dma_wait3A_470 = tpu.memref_slice %arg19[%dma_wait3A_468, %dma_wait3A_469] : memref<16000x64xf32, #tpu.memory_space<vmem_shared>> -> memref<16000x64xf32, #tpu.memory_space<vmem_shared>>
    tpu.wait_indirect_dma semaphore(%arg21 : memref<!tpu.dma_semaphore, #tpu.memory_space<semaphore_mem>>) src(%arg15 : memref<128x64xf32, #tpu.memory_space<vmem>>) dst(%dma_wait3A_470 : memref<16000x64xf32, #tpu.memory_space<vmem_shared>>)
    %eq3A_471 = arith.constant 0 : i32
    %eq3A_472 = arith.cmpi eq, %arg0, %eq3A_471 : i32
    %convert_element_type3A_473 = arith.extui %eq3A_472 : i1 to i32
    %cond3A_474 = arith.constant 0 : i32
    %cond3A_475 = arith.cmpi ne, %convert_element_type3A_473, %cond3A_474 : i32
    scf.if %cond3A_475 {
      %dma_start3A_594 = arith.constant 123 : i32
      %dma_start3A_595 = arith.constant 0 : i32
      %dma_start3A_596 = tpu.memref_slice %arg13[%dma_start3A_594, %dma_start3A_595] : memref<125x128xi32, #tpu.memory_space<vmem>> -> memref<1x128xi32, #tpu.memory_space<vmem>>
      %dma_start3A_597 = tpu.memref_squeeze %dma_start3A_596 : memref<1x128xi32, #tpu.memory_space<vmem>> -> memref<128xi32, #tpu.memory_space<vmem>>
      %dma_start3A_598 = arith.constant 0 : i32
      %dma_start3A_599 = arith.constant 0 : i32
      %dma_start3A_600 = tpu.memref_slice %arg6[%dma_start3A_598, %dma_start3A_599] : memref<16000x64xf32, #tpu.memory_space<hbm>> -> memref<16000x64xf32, #tpu.memory_space<hbm>>
      tpu.enqueue_indirect_dma source(%dma_start3A_600 : memref<16000x64xf32, #tpu.memory_space<hbm>>) target(%arg18 : memref<128x64xf32, #tpu.memory_space<vmem>>) offsets(%dma_start3A_597 : memref<128xi32, #tpu.memory_space<vmem>>) semaphore(%arg20 : memref<!tpu.dma_semaphore, #tpu.memory_space<semaphore_mem>>)
    } else {
    }
    %eq3A_476 = arith.constant 1 : i32
    %eq3A_477 = arith.cmpi eq, %arg0, %eq3A_476 : i32
    %convert_element_type3A_478 = arith.extui %eq3A_477 : i1 to i32
    %cond3A_479 = arith.constant 0 : i32
    %cond3A_480 = arith.cmpi ne, %convert_element_type3A_478, %cond3A_479 : i32
    scf.if %cond3A_480 {
      %dma_start3A_594 = arith.constant 123 : i32
      %dma_start3A_595 = arith.constant 0 : i32
      %dma_start3A_596 = tpu.memref_slice %arg13[%dma_start3A_594, %dma_start3A_595] : memref<125x128xi32, #tpu.memory_space<vmem>> -> memref<1x128xi32, #tpu.memory_space<vmem>>
      %dma_start3A_597 = tpu.memref_squeeze %dma_start3A_596 : memref<1x128xi32, #tpu.memory_space<vmem>> -> memref<128xi32, #tpu.memory_space<vmem>>
      %dma_start3A_598 = arith.constant 0 : i32
      %dma_start3A_599 = arith.constant 0 : i32
      %dma_start3A_600 = tpu.memref_slice %arg8[%dma_start3A_598, %dma_start3A_599] : memref<16000x64xf32, #tpu.memory_space<hbm>> -> memref<16000x64xf32, #tpu.memory_space<hbm>>
      tpu.enqueue_indirect_dma source(%dma_start3A_600 : memref<16000x64xf32, #tpu.memory_space<hbm>>) target(%arg18 : memref<128x64xf32, #tpu.memory_space<vmem>>) offsets(%dma_start3A_597 : memref<128xi32, #tpu.memory_space<vmem>>) semaphore(%arg20 : memref<!tpu.dma_semaphore, #tpu.memory_space<semaphore_mem>>)
    } else {
    }
    %dma_wait3A_481 = arith.constant 0 : i32
    %dma_wait3A_482 = arith.constant 0 : i32
    %dma_wait3A_483 = tpu.memref_slice %arg13[%dma_wait3A_481, %dma_wait3A_482] : memref<125x128xi32, #tpu.memory_space<vmem>> -> memref<1x128xi32, #tpu.memory_space<vmem>>
    %dma_wait3A_484 = tpu.memref_squeeze %dma_wait3A_483 : memref<1x128xi32, #tpu.memory_space<vmem>> -> memref<128xi32, #tpu.memory_space<vmem>>
    %dma_wait3A_485 = arith.constant 0 : i32
    %dma_wait3A_486 = arith.constant 0 : i32
    %dma_wait3A_487 = tpu.memref_slice %arg6[%dma_wait3A_485, %dma_wait3A_486] : memref<16000x64xf32, #tpu.memory_space<hbm>> -> memref<16000x64xf32, #tpu.memory_space<hbm>>
    tpu.wait_indirect_dma semaphore(%arg20 : memref<!tpu.dma_semaphore, #tpu.memory_space<semaphore_mem>>) src(%dma_wait3A_487 : memref<16000x64xf32, #tpu.memory_space<hbm>>) dst(%arg16 : memref<128x64xf32, #tpu.memory_space<vmem>>)
    %dma_start3A_488 = arith.constant 121 : i32
    %dma_start3A_489 = arith.constant 0 : i32
    %dma_start3A_490 = tpu.memref_slice %arg14[%dma_start3A_488, %dma_start3A_489] : memref<125x128xi32, #tpu.memory_space<vmem>> -> memref<1x128xi32, #tpu.memory_space<vmem>>
    %dma_start3A_491 = tpu.memref_squeeze %dma_start3A_490 : memref<1x128xi32, #tpu.memory_space<vmem>> -> memref<128xi32, #tpu.memory_space<vmem>>
    %dma_start3A_492 = arith.constant 0 : i32
    %dma_start3A_493 = arith.constant 0 : i32
    %dma_start3A_494 = tpu.memref_slice %arg19[%dma_start3A_492, %dma_start3A_493] : memref<16000x64xf32, #tpu.memory_space<vmem_shared>> -> memref<16000x64xf32, #tpu.memory_space<vmem_shared>>
    tpu.enqueue_indirect_dma source(%arg16 : memref<128x64xf32, #tpu.memory_space<vmem>>) target(%dma_start3A_494 : memref<16000x64xf32, #tpu.memory_space<vmem_shared>>) offsets(%dma_start3A_491 : memref<128xi32, #tpu.memory_space<vmem>>) semaphore(%arg21 : memref<!tpu.dma_semaphore, #tpu.memory_space<semaphore_mem>>) {add = true}
    %dma_wait3A_495 = arith.constant 0 : i32
    %dma_wait3A_496 = arith.constant 0 : i32
    %dma_wait3A_497 = tpu.memref_slice %arg14[%dma_wait3A_495, %dma_wait3A_496] : memref<125x128xi32, #tpu.memory_space<vmem>> -> memref<1x128xi32, #tpu.memory_space<vmem>>
    %dma_wait3A_498 = tpu.memref_squeeze %dma_wait3A_497 : memref<1x128xi32, #tpu.memory_space<vmem>> -> memref<128xi32, #tpu.memory_space<vmem>>
    %dma_wait3A_499 = arith.constant 0 : i32
    %dma_wait3A_500 = arith.constant 0 : i32
    %dma_wait3A_501 = tpu.memref_slice %arg19[%dma_wait3A_499, %dma_wait3A_500] : memref<16000x64xf32, #tpu.memory_space<vmem_shared>> -> memref<16000x64xf32, #tpu.memory_space<vmem_shared>>
    tpu.wait_indirect_dma semaphore(%arg21 : memref<!tpu.dma_semaphore, #tpu.memory_space<semaphore_mem>>) src(%arg15 : memref<128x64xf32, #tpu.memory_space<vmem>>) dst(%dma_wait3A_501 : memref<16000x64xf32, #tpu.memory_space<vmem_shared>>)
    %eq3A_502 = arith.constant 0 : i32
    %eq3A_503 = arith.cmpi eq, %arg0, %eq3A_502 : i32
    %convert_element_type3A_504 = arith.extui %eq3A_503 : i1 to i32
    %cond3A_505 = arith.constant 0 : i32
    %cond3A_506 = arith.cmpi ne, %convert_element_type3A_504, %cond3A_505 : i32
    scf.if %cond3A_506 {
      %dma_start3A_594 = arith.constant 124 : i32
      %dma_start3A_595 = arith.constant 0 : i32
      %dma_start3A_596 = tpu.memref_slice %arg13[%dma_start3A_594, %dma_start3A_595] : memref<125x128xi32, #tpu.memory_space<vmem>> -> memref<1x128xi32, #tpu.memory_space<vmem>>
      %dma_start3A_597 = tpu.memref_squeeze %dma_start3A_596 : memref<1x128xi32, #tpu.memory_space<vmem>> -> memref<128xi32, #tpu.memory_space<vmem>>
      %dma_start3A_598 = arith.constant 0 : i32
      %dma_start3A_599 = arith.constant 0 : i32
      %dma_start3A_600 = tpu.memref_slice %arg6[%dma_start3A_598, %dma_start3A_599] : memref<16000x64xf32, #tpu.memory_space<hbm>> -> memref<16000x64xf32, #tpu.memory_space<hbm>>
      tpu.enqueue_indirect_dma source(%dma_start3A_600 : memref<16000x64xf32, #tpu.memory_space<hbm>>) target(%arg15 : memref<128x64xf32, #tpu.memory_space<vmem>>) offsets(%dma_start3A_597 : memref<128xi32, #tpu.memory_space<vmem>>) semaphore(%arg20 : memref<!tpu.dma_semaphore, #tpu.memory_space<semaphore_mem>>)
    } else {
    }
    %eq3A_507 = arith.constant 1 : i32
    %eq3A_508 = arith.cmpi eq, %arg0, %eq3A_507 : i32
    %convert_element_type3A_509 = arith.extui %eq3A_508 : i1 to i32
    %cond3A_510 = arith.constant 0 : i32
    %cond3A_511 = arith.cmpi ne, %convert_element_type3A_509, %cond3A_510 : i32
    scf.if %cond3A_511 {
      %dma_start3A_594 = arith.constant 124 : i32
      %dma_start3A_595 = arith.constant 0 : i32
      %dma_start3A_596 = tpu.memref_slice %arg13[%dma_start3A_594, %dma_start3A_595] : memref<125x128xi32, #tpu.memory_space<vmem>> -> memref<1x128xi32, #tpu.memory_space<vmem>>
      %dma_start3A_597 = tpu.memref_squeeze %dma_start3A_596 : memref<1x128xi32, #tpu.memory_space<vmem>> -> memref<128xi32, #tpu.memory_space<vmem>>
      %dma_start3A_598 = arith.constant 0 : i32
      %dma_start3A_599 = arith.constant 0 : i32
      %dma_start3A_600 = tpu.memref_slice %arg8[%dma_start3A_598, %dma_start3A_599] : memref<16000x64xf32, #tpu.memory_space<hbm>> -> memref<16000x64xf32, #tpu.memory_space<hbm>>
      tpu.enqueue_indirect_dma source(%dma_start3A_600 : memref<16000x64xf32, #tpu.memory_space<hbm>>) target(%arg15 : memref<128x64xf32, #tpu.memory_space<vmem>>) offsets(%dma_start3A_597 : memref<128xi32, #tpu.memory_space<vmem>>) semaphore(%arg20 : memref<!tpu.dma_semaphore, #tpu.memory_space<semaphore_mem>>)
    } else {
    }
    %dma_wait3A_512 = arith.constant 0 : i32
    %dma_wait3A_513 = arith.constant 0 : i32
    %dma_wait3A_514 = tpu.memref_slice %arg13[%dma_wait3A_512, %dma_wait3A_513] : memref<125x128xi32, #tpu.memory_space<vmem>> -> memref<1x128xi32, #tpu.memory_space<vmem>>
    %dma_wait3A_515 = tpu.memref_squeeze %dma_wait3A_514 : memref<1x128xi32, #tpu.memory_space<vmem>> -> memref<128xi32, #tpu.memory_space<vmem>>
    %dma_wait3A_516 = arith.constant 0 : i32
    %dma_wait3A_517 = arith.constant 0 : i32
    %dma_wait3A_518 = tpu.memref_slice %arg6[%dma_wait3A_516, %dma_wait3A_517] : memref<16000x64xf32, #tpu.memory_space<hbm>> -> memref<16000x64xf32, #tpu.memory_space<hbm>>
    tpu.wait_indirect_dma semaphore(%arg20 : memref<!tpu.dma_semaphore, #tpu.memory_space<semaphore_mem>>) src(%dma_wait3A_518 : memref<16000x64xf32, #tpu.memory_space<hbm>>) dst(%arg17 : memref<128x64xf32, #tpu.memory_space<vmem>>)
    %dma_start3A_519 = arith.constant 122 : i32
    %dma_start3A_520 = arith.constant 0 : i32
    %dma_start3A_521 = tpu.memref_slice %arg14[%dma_start3A_519, %dma_start3A_520] : memref<125x128xi32, #tpu.memory_space<vmem>> -> memref<1x128xi32, #tpu.memory_space<vmem>>
    %dma_start3A_522 = tpu.memref_squeeze %dma_start3A_521 : memref<1x128xi32, #tpu.memory_space<vmem>> -> memref<128xi32, #tpu.memory_space<vmem>>
    %dma_start3A_523 = arith.constant 0 : i32
    %dma_start3A_524 = arith.constant 0 : i32
    %dma_start3A_525 = tpu.memref_slice %arg19[%dma_start3A_523, %dma_start3A_524] : memref<16000x64xf32, #tpu.memory_space<vmem_shared>> -> memref<16000x64xf32, #tpu.memory_space<vmem_shared>>
    tpu.enqueue_indirect_dma source(%arg17 : memref<128x64xf32, #tpu.memory_space<vmem>>) target(%dma_start3A_525 : memref<16000x64xf32, #tpu.memory_space<vmem_shared>>) offsets(%dma_start3A_522 : memref<128xi32, #tpu.memory_space<vmem>>) semaphore(%arg21 : memref<!tpu.dma_semaphore, #tpu.memory_space<semaphore_mem>>) {add = true}
    %dma_wait3A_526 = arith.constant 0 : i32
    %dma_wait3A_527 = arith.constant 0 : i32
    %dma_wait3A_528 = tpu.memref_slice %arg14[%dma_wait3A_526, %dma_wait3A_527] : memref<125x128xi32, #tpu.memory_space<vmem>> -> memref<1x128xi32, #tpu.memory_space<vmem>>
    %dma_wait3A_529 = tpu.memref_squeeze %dma_wait3A_528 : memref<1x128xi32, #tpu.memory_space<vmem>> -> memref<128xi32, #tpu.memory_space<vmem>>
    %dma_wait3A_530 = arith.constant 0 : i32
    %dma_wait3A_531 = arith.constant 0 : i32
    %dma_wait3A_532 = tpu.memref_slice %arg19[%dma_wait3A_530, %dma_wait3A_531] : memref<16000x64xf32, #tpu.memory_space<vmem_shared>> -> memref<16000x64xf32, #tpu.memory_space<vmem_shared>>
    tpu.wait_indirect_dma semaphore(%arg21 : memref<!tpu.dma_semaphore, #tpu.memory_space<semaphore_mem>>) src(%arg15 : memref<128x64xf32, #tpu.memory_space<vmem>>) dst(%dma_wait3A_532 : memref<16000x64xf32, #tpu.memory_space<vmem_shared>>)
    %dma_wait3A_533 = arith.constant 0 : i32
    %dma_wait3A_534 = arith.constant 0 : i32
    %dma_wait3A_535 = tpu.memref_slice %arg13[%dma_wait3A_533, %dma_wait3A_534] : memref<125x128xi32, #tpu.memory_space<vmem>> -> memref<1x128xi32, #tpu.memory_space<vmem>>
    %dma_wait3A_536 = tpu.memref_squeeze %dma_wait3A_535 : memref<1x128xi32, #tpu.memory_space<vmem>> -> memref<128xi32, #tpu.memory_space<vmem>>
    %dma_wait3A_537 = arith.constant 0 : i32
    %dma_wait3A_538 = arith.constant 0 : i32
    %dma_wait3A_539 = tpu.memref_slice %arg6[%dma_wait3A_537, %dma_wait3A_538] : memref<16000x64xf32, #tpu.memory_space<hbm>> -> memref<16000x64xf32, #tpu.memory_space<hbm>>
    tpu.wait_indirect_dma semaphore(%arg20 : memref<!tpu.dma_semaphore, #tpu.memory_space<semaphore_mem>>) src(%dma_wait3A_539 : memref<16000x64xf32, #tpu.memory_space<hbm>>) dst(%arg18 : memref<128x64xf32, #tpu.memory_space<vmem>>)
    %dma_start3A_540 = arith.constant 123 : i32
    %dma_start3A_541 = arith.constant 0 : i32
    %dma_start3A_542 = tpu.memref_slice %arg14[%dma_start3A_540, %dma_start3A_541] : memref<125x128xi32, #tpu.memory_space<vmem>> -> memref<1x128xi32, #tpu.memory_space<vmem>>
    %dma_start3A_543 = tpu.memref_squeeze %dma_start3A_542 : memref<1x128xi32, #tpu.memory_space<vmem>> -> memref<128xi32, #tpu.memory_space<vmem>>
    %dma_start3A_544 = arith.constant 0 : i32
    %dma_start3A_545 = arith.constant 0 : i32
    %dma_start3A_546 = tpu.memref_slice %arg19[%dma_start3A_544, %dma_start3A_545] : memref<16000x64xf32, #tpu.memory_space<vmem_shared>> -> memref<16000x64xf32, #tpu.memory_space<vmem_shared>>
    tpu.enqueue_indirect_dma source(%arg18 : memref<128x64xf32, #tpu.memory_space<vmem>>) target(%dma_start3A_546 : memref<16000x64xf32, #tpu.memory_space<vmem_shared>>) offsets(%dma_start3A_543 : memref<128xi32, #tpu.memory_space<vmem>>) semaphore(%arg21 : memref<!tpu.dma_semaphore, #tpu.memory_space<semaphore_mem>>) {add = true}
    %dma_wait3A_547 = arith.constant 0 : i32
    %dma_wait3A_548 = arith.constant 0 : i32
    %dma_wait3A_549 = tpu.memref_slice %arg14[%dma_wait3A_547, %dma_wait3A_548] : memref<125x128xi32, #tpu.memory_space<vmem>> -> memref<1x128xi32, #tpu.memory_space<vmem>>
    %dma_wait3A_550 = tpu.memref_squeeze %dma_wait3A_549 : memref<1x128xi32, #tpu.memory_space<vmem>> -> memref<128xi32, #tpu.memory_space<vmem>>
    %dma_wait3A_551 = arith.constant 0 : i32
    %dma_wait3A_552 = arith.constant 0 : i32
    %dma_wait3A_553 = tpu.memref_slice %arg19[%dma_wait3A_551, %dma_wait3A_552] : memref<16000x64xf32, #tpu.memory_space<vmem_shared>> -> memref<16000x64xf32, #tpu.memory_space<vmem_shared>>
    tpu.wait_indirect_dma semaphore(%arg21 : memref<!tpu.dma_semaphore, #tpu.memory_space<semaphore_mem>>) src(%arg15 : memref<128x64xf32, #tpu.memory_space<vmem>>) dst(%dma_wait3A_553 : memref<16000x64xf32, #tpu.memory_space<vmem_shared>>)
    %dma_wait3A_554 = arith.constant 0 : i32
    %dma_wait3A_555 = arith.constant 0 : i32
    %dma_wait3A_556 = tpu.memref_slice %arg13[%dma_wait3A_554, %dma_wait3A_555] : memref<125x128xi32, #tpu.memory_space<vmem>> -> memref<1x128xi32, #tpu.memory_space<vmem>>
    %dma_wait3A_557 = tpu.memref_squeeze %dma_wait3A_556 : memref<1x128xi32, #tpu.memory_space<vmem>> -> memref<128xi32, #tpu.memory_space<vmem>>
    %dma_wait3A_558 = arith.constant 0 : i32
    %dma_wait3A_559 = arith.constant 0 : i32
    %dma_wait3A_560 = tpu.memref_slice %arg6[%dma_wait3A_558, %dma_wait3A_559] : memref<16000x64xf32, #tpu.memory_space<hbm>> -> memref<16000x64xf32, #tpu.memory_space<hbm>>
    tpu.wait_indirect_dma semaphore(%arg20 : memref<!tpu.dma_semaphore, #tpu.memory_space<semaphore_mem>>) src(%dma_wait3A_560 : memref<16000x64xf32, #tpu.memory_space<hbm>>) dst(%arg15 : memref<128x64xf32, #tpu.memory_space<vmem>>)
    %dma_start3A_561 = arith.constant 124 : i32
    %dma_start3A_562 = arith.constant 0 : i32
    %dma_start3A_563 = tpu.memref_slice %arg14[%dma_start3A_561, %dma_start3A_562] : memref<125x128xi32, #tpu.memory_space<vmem>> -> memref<1x128xi32, #tpu.memory_space<vmem>>
    %dma_start3A_564 = tpu.memref_squeeze %dma_start3A_563 : memref<1x128xi32, #tpu.memory_space<vmem>> -> memref<128xi32, #tpu.memory_space<vmem>>
    %dma_start3A_565 = arith.constant 0 : i32
    %dma_start3A_566 = arith.constant 0 : i32
    %dma_start3A_567 = tpu.memref_slice %arg19[%dma_start3A_565, %dma_start3A_566] : memref<16000x64xf32, #tpu.memory_space<vmem_shared>> -> memref<16000x64xf32, #tpu.memory_space<vmem_shared>>
    tpu.enqueue_indirect_dma source(%arg15 : memref<128x64xf32, #tpu.memory_space<vmem>>) target(%dma_start3A_567 : memref<16000x64xf32, #tpu.memory_space<vmem_shared>>) offsets(%dma_start3A_564 : memref<128xi32, #tpu.memory_space<vmem>>) semaphore(%arg21 : memref<!tpu.dma_semaphore, #tpu.memory_space<semaphore_mem>>) {add = true}
    %dma_wait3A_568 = arith.constant 0 : i32
    %dma_wait3A_569 = arith.constant 0 : i32
    %dma_wait3A_570 = tpu.memref_slice %arg14[%dma_wait3A_568, %dma_wait3A_569] : memref<125x128xi32, #tpu.memory_space<vmem>> -> memref<1x128xi32, #tpu.memory_space<vmem>>
    %dma_wait3A_571 = tpu.memref_squeeze %dma_wait3A_570 : memref<1x128xi32, #tpu.memory_space<vmem>> -> memref<128xi32, #tpu.memory_space<vmem>>
    %dma_wait3A_572 = arith.constant 0 : i32
    %dma_wait3A_573 = arith.constant 0 : i32
    %dma_wait3A_574 = tpu.memref_slice %arg19[%dma_wait3A_572, %dma_wait3A_573] : memref<16000x64xf32, #tpu.memory_space<vmem_shared>> -> memref<16000x64xf32, #tpu.memory_space<vmem_shared>>
    tpu.wait_indirect_dma semaphore(%arg21 : memref<!tpu.dma_semaphore, #tpu.memory_space<semaphore_mem>>) src(%arg15 : memref<128x64xf32, #tpu.memory_space<vmem>>) dst(%dma_wait3A_574 : memref<16000x64xf32, #tpu.memory_space<vmem_shared>>)
    %dma_wait3A_575 = arith.constant 0 : i32
    %dma_wait3A_576 = arith.constant 0 : i32
    %dma_wait3A_577 = tpu.memref_slice %arg14[%dma_wait3A_575, %dma_wait3A_576] : memref<125x128xi32, #tpu.memory_space<vmem>> -> memref<1x128xi32, #tpu.memory_space<vmem>>
    %dma_wait3A_578 = tpu.memref_squeeze %dma_wait3A_577 : memref<1x128xi32, #tpu.memory_space<vmem>> -> memref<128xi32, #tpu.memory_space<vmem>>
    %dma_wait3A_579 = arith.constant 0 : i32
    %dma_wait3A_580 = arith.constant 0 : i32
    %dma_wait3A_581 = tpu.memref_slice %arg19[%dma_wait3A_579, %dma_wait3A_580] : memref<16000x64xf32, #tpu.memory_space<vmem_shared>> -> memref<16000x64xf32, #tpu.memory_space<vmem_shared>>
    tpu.wait_indirect_dma semaphore(%arg21 : memref<!tpu.dma_semaphore, #tpu.memory_space<semaphore_mem>>) src(%arg15 : memref<128x64xf32, #tpu.memory_space<vmem>>) dst(%dma_wait3A_581 : memref<16000x64xf32, #tpu.memory_space<vmem_shared>>)
    %barrier3A_582 = arith.constant 0 : index
    tpu.barrier barrier_id(%barrier3A_582)
    %eq3A_583 = arith.constant 0 : i32
    %eq3A_584 = arith.cmpi eq, %arg0, %eq3A_583 : i32
    %convert_element_type3A_585 = arith.extui %eq3A_584 : i1 to i32
    %cond3A_586 = arith.constant 0 : i32
    %cond3A_587 = arith.cmpi ne, %convert_element_type3A_585, %cond3A_586 : i32
    scf.if %cond3A_587 {
      "tpu.region"() ({
        %run_scoped3A = tpu.sem_alloc : memref<!tpu.dma_semaphore, #tpu.memory_space<semaphore_mem>>
        %dma_start3A_594 = arith.constant 0 : i32
        %dma_start3A_595 = tpu.memref_slice %arg10[%mul3A_296, %dma_start3A_594] : memref<16000x64xf32, #tpu.memory_space<hbm>> -> memref<1000x64xf32, #tpu.memory_space<hbm>>
        %dma_start3A_596 = arith.constant 0 : i32
        %dma_start3A_597 = tpu.memref_slice %arg19[%mul3A_296, %dma_start3A_596] : memref<16000x64xf32, #tpu.memory_space<vmem_shared>> -> memref<1000x64xf32, #tpu.memory_space<vmem_shared>>
        tpu.enqueue_dma source(%dma_start3A_597 : memref<1000x64xf32, #tpu.memory_space<vmem_shared>>) target(%dma_start3A_595 : memref<1000x64xf32, #tpu.memory_space<hbm>>) target_semaphore(%run_scoped3A : memref<!tpu.dma_semaphore, #tpu.memory_space<semaphore_mem>>)
        %dma_wait3A_598 = arith.constant 0 : i32
        %dma_wait3A_599 = tpu.memref_slice %arg10[%mul3A_296, %dma_wait3A_598] : memref<16000x64xf32, #tpu.memory_space<hbm>> -> memref<1000x64xf32, #tpu.memory_space<hbm>>
        %dma_wait3A_600 = arith.constant 0 : i32
        %dma_wait3A_601 = tpu.memref_slice %arg19[%mul3A_296, %dma_wait3A_600] : memref<16000x64xf32, #tpu.memory_space<vmem_shared>> -> memref<1000x64xf32, #tpu.memory_space<vmem_shared>>
        tpu.wait_dma2 semaphore(%run_scoped3A : memref<!tpu.dma_semaphore, #tpu.memory_space<semaphore_mem>>) src(%dma_wait3A_601 : memref<1000x64xf32, #tpu.memory_space<vmem_shared>>) dst(%dma_wait3A_599 : memref<1000x64xf32, #tpu.memory_space<hbm>>)
        tpu.yield
      }) : () -> ()
    } else {
    }
    %eq3A_588 = arith.constant 1 : i32
    %eq3A_589 = arith.cmpi eq, %arg0, %eq3A_588 : i32
    %convert_element_type3A_590 = arith.extui %eq3A_589 : i1 to i32
    %cond3A_591 = arith.constant 0 : i32
    %cond3A_592 = arith.cmpi ne, %convert_element_type3A_590, %cond3A_591 : i32
    scf.if %cond3A_592 {
      "tpu.region"() ({
        %run_scoped3A = tpu.sem_alloc : memref<!tpu.dma_semaphore, #tpu.memory_space<semaphore_mem>>
        %dma_start3A_594 = arith.constant 0 : i32
        %dma_start3A_595 = tpu.memref_slice %arg12[%mul3A_296, %dma_start3A_594] : memref<16000x64xf32, #tpu.memory_space<hbm>> -> memref<1000x64xf32, #tpu.memory_space<hbm>>
        %dma_start3A_596 = arith.constant 0 : i32
        %dma_start3A_597 = tpu.memref_slice %arg19[%mul3A_296, %dma_start3A_596] : memref<16000x64xf32, #tpu.memory_space<vmem_shared>> -> memref<1000x64xf32, #tpu.memory_space<vmem_shared>>
        tpu.enqueue_dma source(%dma_start3A_597 : memref<1000x64xf32, #tpu.memory_space<vmem_shared>>) target(%dma_start3A_595 : memref<1000x64xf32, #tpu.memory_space<hbm>>) target_semaphore(%run_scoped3A : memref<!tpu.dma_semaphore, #tpu.memory_space<semaphore_mem>>)
        %dma_wait3A_598 = arith.constant 0 : i32
        %dma_wait3A_599 = tpu.memref_slice %arg12[%mul3A_296, %dma_wait3A_598] : memref<16000x64xf32, #tpu.memory_space<hbm>> -> memref<1000x64xf32, #tpu.memory_space<hbm>>
        %dma_wait3A_600 = arith.constant 0 : i32
        %dma_wait3A_601 = tpu.memref_slice %arg19[%mul3A_296, %dma_wait3A_600] : memref<16000x64xf32, #tpu.memory_space<vmem_shared>> -> memref<1000x64xf32, #tpu.memory_space<vmem_shared>>
        tpu.wait_dma2 semaphore(%run_scoped3A : memref<!tpu.dma_semaphore, #tpu.memory_space<semaphore_mem>>) src(%dma_wait3A_601 : memref<1000x64xf32, #tpu.memory_space<vmem_shared>>) dst(%dma_wait3A_599 : memref<1000x64xf32, #tpu.memory_space<hbm>>)
        tpu.yield
      }) : () -> ()
    } else {
    }
    %barrier3A_593 = arith.constant 0 : index
    tpu.barrier barrier_id(%barrier3A_593)
    return
  }
}

#map = affine_map<(d0, d1) -> (0, 0)>
module attributes {stable_mosaic.version = 14 : i64} {
  func.func @_seg_body_gc1(%arg0: i32, %arg1: i32, %arg2: memref<2000x128xi32, #tpu.memory_space<hbm>>, %arg3: memref<2000x128xi32, #tpu.memory_space<hbm>>, %arg4: memref<1000x64xf32, #tpu.memory_space<hbm>>, %arg5: memref<16000x64xf32, #tpu.memory_space<hbm>>, %arg6: memref<16000x64xf32, #tpu.memory_space<hbm>>, %arg7: memref<16000x64xf32, #tpu.memory_space<hbm>>, %arg8: memref<16000x64xf32, #tpu.memory_space<hbm>>, %arg9: memref<125x128xi32, #tpu.memory_space<vmem>>, %arg10: memref<125x128xi32, #tpu.memory_space<vmem>>, %arg11: memref<128x64xf32, #tpu.memory_space<vmem>>, %arg12: memref<128x64xf32, #tpu.memory_space<vmem>>, %arg13: memref<128x64xf32, #tpu.memory_space<vmem>>, %arg14: memref<128x64xf32, #tpu.memory_space<vmem>>, %arg15: memref<16000x64xf32, #tpu.memory_space<vmem_shared>>, %arg16: memref<!tpu.dma_semaphore, #tpu.memory_space<semaphore_mem>>, %arg17: memref<!tpu.dma_semaphore, #tpu.memory_space<semaphore_mem>>) attributes {dimension_semantics = [#tpu.dimension_semantics<core_parallel>, #tpu.dimension_semantics<subcore_parallel>], iteration_bounds = array<i64: 2, 16>, scalar_prefetch = 0 : i64, scratch_operands = 9 : i64, tpu.core_type = #tpu.core_type<sc_vector_subcore>, window_params = [{transform_indices = #map}, {transform_indices = #map}, {transform_indices = #map}, {transform_indices = #map}, {transform_indices = #map}, {transform_indices = #map}, {transform_indices = #map}]} {
    %mul3A = arith.constant 125 : i32
    %mul3A_0 = arith.muli %arg1, %mul3A : i32
    "tpu.region"() ({
      %run_scoped3A = tpu.sem_alloc : memref<!tpu.dma_semaphore, #tpu.memory_space<semaphore_mem>>
      %dma_start3A_295 = arith.constant 0 : i32
      %dma_start3A_296 = tpu.memref_slice %arg2[%mul3A_0, %dma_start3A_295] : memref<2000x128xi32, #tpu.memory_space<hbm>> -> memref<125x128xi32, #tpu.memory_space<hbm>>
      %dma_start3A_297 = arith.constant 0 : i32
      %dma_start3A_298 = tpu.memref_slice %arg2[%mul3A_0, %dma_start3A_297] : memref<2000x128xi32, #tpu.memory_space<hbm>> -> memref<125x128xi32, #tpu.memory_space<hbm>>
      tpu.enqueue_dma source(%dma_start3A_298 : memref<125x128xi32, #tpu.memory_space<hbm>>) target(%arg9 : memref<125x128xi32, #tpu.memory_space<vmem>>) target_semaphore(%run_scoped3A : memref<!tpu.dma_semaphore, #tpu.memory_space<semaphore_mem>>)
      %dma_wait3A_299 = arith.constant 0 : i32
      %dma_wait3A_300 = tpu.memref_slice %arg2[%mul3A_0, %dma_wait3A_299] : memref<2000x128xi32, #tpu.memory_space<hbm>> -> memref<125x128xi32, #tpu.memory_space<hbm>>
      %dma_wait3A_301 = arith.constant 0 : i32
      %dma_wait3A_302 = tpu.memref_slice %arg2[%mul3A_0, %dma_wait3A_301] : memref<2000x128xi32, #tpu.memory_space<hbm>> -> memref<125x128xi32, #tpu.memory_space<hbm>>
      tpu.wait_dma2 semaphore(%run_scoped3A : memref<!tpu.dma_semaphore, #tpu.memory_space<semaphore_mem>>) src(%dma_wait3A_302 : memref<125x128xi32, #tpu.memory_space<hbm>>) dst(%arg9 : memref<125x128xi32, #tpu.memory_space<vmem>>)
      tpu.yield
    }) : () -> ()
    %mul3A_1 = arith.constant 125 : i32
    %mul3A_2 = arith.muli %arg1, %mul3A_1 : i32
    "tpu.region"() ({
      %run_scoped3A = tpu.sem_alloc : memref<!tpu.dma_semaphore, #tpu.memory_space<semaphore_mem>>
      %dma_start3A_295 = arith.constant 0 : i32
      %dma_start3A_296 = tpu.memref_slice %arg3[%mul3A_2, %dma_start3A_295] : memref<2000x128xi32, #tpu.memory_space<hbm>> -> memref<125x128xi32, #tpu.memory_space<hbm>>
      %dma_start3A_297 = arith.constant 0 : i32
      %dma_start3A_298 = tpu.memref_slice %arg3[%mul3A_2, %dma_start3A_297] : memref<2000x128xi32, #tpu.memory_space<hbm>> -> memref<125x128xi32, #tpu.memory_space<hbm>>
      tpu.enqueue_dma source(%dma_start3A_298 : memref<125x128xi32, #tpu.memory_space<hbm>>) target(%arg10 : memref<125x128xi32, #tpu.memory_space<vmem>>) target_semaphore(%run_scoped3A : memref<!tpu.dma_semaphore, #tpu.memory_space<semaphore_mem>>)
      %dma_wait3A_299 = arith.constant 0 : i32
      %dma_wait3A_300 = tpu.memref_slice %arg3[%mul3A_2, %dma_wait3A_299] : memref<2000x128xi32, #tpu.memory_space<hbm>> -> memref<125x128xi32, #tpu.memory_space<hbm>>
      %dma_wait3A_301 = arith.constant 0 : i32
      %dma_wait3A_302 = tpu.memref_slice %arg3[%mul3A_2, %dma_wait3A_301] : memref<2000x128xi32, #tpu.memory_space<hbm>> -> memref<125x128xi32, #tpu.memory_space<hbm>>
      tpu.wait_dma2 semaphore(%run_scoped3A : memref<!tpu.dma_semaphore, #tpu.memory_space<semaphore_mem>>) src(%dma_wait3A_302 : memref<125x128xi32, #tpu.memory_space<hbm>>) dst(%arg10 : memref<125x128xi32, #tpu.memory_space<vmem>>)
      tpu.yield
    }) : () -> ()
    %mul3A_3 = arith.constant 1000 : i32
    %mul3A_4 = arith.muli %arg1, %mul3A_3 : i32
    "tpu.region"() ({
      %run_scoped3A = tpu.sem_alloc : memref<!tpu.dma_semaphore, #tpu.memory_space<semaphore_mem>>
      %dma_start3A_295 = arith.constant 0 : i32
      %dma_start3A_296 = tpu.memref_slice %arg15[%mul3A_4, %dma_start3A_295] : memref<16000x64xf32, #tpu.memory_space<vmem_shared>> -> memref<1000x64xf32, #tpu.memory_space<vmem_shared>>
      tpu.enqueue_dma source(%arg4 : memref<1000x64xf32, #tpu.memory_space<hbm>>) target(%dma_start3A_296 : memref<1000x64xf32, #tpu.memory_space<vmem_shared>>) target_semaphore(%run_scoped3A : memref<!tpu.dma_semaphore, #tpu.memory_space<semaphore_mem>>)
      %dma_wait3A_297 = arith.constant 0 : i32
      %dma_wait3A_298 = tpu.memref_slice %arg15[%mul3A_4, %dma_wait3A_297] : memref<16000x64xf32, #tpu.memory_space<vmem_shared>> -> memref<1000x64xf32, #tpu.memory_space<vmem_shared>>
      tpu.wait_dma2 semaphore(%run_scoped3A : memref<!tpu.dma_semaphore, #tpu.memory_space<semaphore_mem>>) src(%arg4 : memref<1000x64xf32, #tpu.memory_space<hbm>>) dst(%dma_wait3A_298 : memref<1000x64xf32, #tpu.memory_space<vmem_shared>>)
      tpu.yield
    }) : () -> ()
    %barrier3A = arith.constant 0 : index
    tpu.barrier barrier_id(%barrier3A)
    %eq3A = arith.constant 0 : i32
    %eq3A_5 = arith.cmpi eq, %arg0, %eq3A : i32
    %convert_element_type3A = arith.extui %eq3A_5 : i1 to i32
    %cond3A = arith.constant 0 : i32
    %cond3A_6 = arith.cmpi ne, %convert_element_type3A, %cond3A : i32
    scf.if %cond3A_6 {
      %dma_start3A_295 = arith.constant 0 : i32
      %dma_start3A_296 = arith.constant 0 : i32
      %dma_start3A_297 = tpu.memref_slice %arg9[%dma_start3A_295, %dma_start3A_296] : memref<125x128xi32, #tpu.memory_space<vmem>> -> memref<1x128xi32, #tpu.memory_space<vmem>>
      %dma_start3A_298 = tpu.memref_squeeze %dma_start3A_297 : memref<1x128xi32, #tpu.memory_space<vmem>> -> memref<128xi32, #tpu.memory_space<vmem>>
      %dma_start3A_299 = arith.constant 0 : i32
      %dma_start3A_300 = arith.constant 0 : i32
      %dma_start3A_301 = tpu.memref_slice %arg5[%dma_start3A_299, %dma_start3A_300] : memref<16000x64xf32, #tpu.memory_space<hbm>> -> memref<16000x64xf32, #tpu.memory_space<hbm>>
      tpu.enqueue_indirect_dma source(%dma_start3A_301 : memref<16000x64xf32, #tpu.memory_space<hbm>>) target(%arg11 : memref<128x64xf32, #tpu.memory_space<vmem>>) offsets(%dma_start3A_298 : memref<128xi32, #tpu.memory_space<vmem>>) semaphore(%arg16 : memref<!tpu.dma_semaphore, #tpu.memory_space<semaphore_mem>>)
    } else {
    }
    %eq3A_7 = arith.constant 1 : i32
    %eq3A_8 = arith.cmpi eq, %arg0, %eq3A_7 : i32
    %convert_element_type3A_9 = arith.extui %eq3A_8 : i1 to i32
    %cond3A_10 = arith.constant 0 : i32
    %cond3A_11 = arith.cmpi ne, %convert_element_type3A_9, %cond3A_10 : i32
    scf.if %cond3A_11 {
      %dma_start3A_295 = arith.constant 0 : i32
      %dma_start3A_296 = arith.constant 0 : i32
      %dma_start3A_297 = tpu.memref_slice %arg9[%dma_start3A_295, %dma_start3A_296] : memref<125x128xi32, #tpu.memory_space<vmem>> -> memref<1x128xi32, #tpu.memory_space<vmem>>
      %dma_start3A_298 = tpu.memref_squeeze %dma_start3A_297 : memref<1x128xi32, #tpu.memory_space<vmem>> -> memref<128xi32, #tpu.memory_space<vmem>>
      %dma_start3A_299 = arith.constant 0 : i32
      %dma_start3A_300 = arith.constant 0 : i32
      %dma_start3A_301 = tpu.memref_slice %arg6[%dma_start3A_299, %dma_start3A_300] : memref<16000x64xf32, #tpu.memory_space<hbm>> -> memref<16000x64xf32, #tpu.memory_space<hbm>>
      tpu.enqueue_indirect_dma source(%dma_start3A_301 : memref<16000x64xf32, #tpu.memory_space<hbm>>) target(%arg11 : memref<128x64xf32, #tpu.memory_space<vmem>>) offsets(%dma_start3A_298 : memref<128xi32, #tpu.memory_space<vmem>>) semaphore(%arg16 : memref<!tpu.dma_semaphore, #tpu.memory_space<semaphore_mem>>)
    } else {
    }
    %eq3A_12 = arith.constant 0 : i32
    %eq3A_13 = arith.cmpi eq, %arg0, %eq3A_12 : i32
    %convert_element_type3A_14 = arith.extui %eq3A_13 : i1 to i32
    %cond3A_15 = arith.constant 0 : i32
    %cond3A_16 = arith.cmpi ne, %convert_element_type3A_14, %cond3A_15 : i32
    scf.if %cond3A_16 {
      %dma_start3A_295 = arith.constant 1 : i32
      %dma_start3A_296 = arith.constant 0 : i32
      %dma_start3A_297 = tpu.memref_slice %arg9[%dma_start3A_295, %dma_start3A_296] : memref<125x128xi32, #tpu.memory_space<vmem>> -> memref<1x128xi32, #tpu.memory_space<vmem>>
      %dma_start3A_298 = tpu.memref_squeeze %dma_start3A_297 : memref<1x128xi32, #tpu.memory_space<vmem>> -> memref<128xi32, #tpu.memory_space<vmem>>
      %dma_start3A_299 = arith.constant 0 : i32
      %dma_start3A_300 = arith.constant 0 : i32
      %dma_start3A_301 = tpu.memref_slice %arg5[%dma_start3A_299, %dma_start3A_300] : memref<16000x64xf32, #tpu.memory_space<hbm>> -> memref<16000x64xf32, #tpu.memory_space<hbm>>
      tpu.enqueue_indirect_dma source(%dma_start3A_301 : memref<16000x64xf32, #tpu.memory_space<hbm>>) target(%arg12 : memref<128x64xf32, #tpu.memory_space<vmem>>) offsets(%dma_start3A_298 : memref<128xi32, #tpu.memory_space<vmem>>) semaphore(%arg16 : memref<!tpu.dma_semaphore, #tpu.memory_space<semaphore_mem>>)
    } else {
    }
    %eq3A_17 = arith.constant 1 : i32
    %eq3A_18 = arith.cmpi eq, %arg0, %eq3A_17 : i32
    %convert_element_type3A_19 = arith.extui %eq3A_18 : i1 to i32
    %cond3A_20 = arith.constant 0 : i32
    %cond3A_21 = arith.cmpi ne, %convert_element_type3A_19, %cond3A_20 : i32
    scf.if %cond3A_21 {
      %dma_start3A_295 = arith.constant 1 : i32
      %dma_start3A_296 = arith.constant 0 : i32
      %dma_start3A_297 = tpu.memref_slice %arg9[%dma_start3A_295, %dma_start3A_296] : memref<125x128xi32, #tpu.memory_space<vmem>> -> memref<1x128xi32, #tpu.memory_space<vmem>>
      %dma_start3A_298 = tpu.memref_squeeze %dma_start3A_297 : memref<1x128xi32, #tpu.memory_space<vmem>> -> memref<128xi32, #tpu.memory_space<vmem>>
      %dma_start3A_299 = arith.constant 0 : i32
      %dma_start3A_300 = arith.constant 0 : i32
      %dma_start3A_301 = tpu.memref_slice %arg6[%dma_start3A_299, %dma_start3A_300] : memref<16000x64xf32, #tpu.memory_space<hbm>> -> memref<16000x64xf32, #tpu.memory_space<hbm>>
      tpu.enqueue_indirect_dma source(%dma_start3A_301 : memref<16000x64xf32, #tpu.memory_space<hbm>>) target(%arg12 : memref<128x64xf32, #tpu.memory_space<vmem>>) offsets(%dma_start3A_298 : memref<128xi32, #tpu.memory_space<vmem>>) semaphore(%arg16 : memref<!tpu.dma_semaphore, #tpu.memory_space<semaphore_mem>>)
    } else {
    }
    %eq3A_22 = arith.constant 0 : i32
    %eq3A_23 = arith.cmpi eq, %arg0, %eq3A_22 : i32
    %convert_element_type3A_24 = arith.extui %eq3A_23 : i1 to i32
    %cond3A_25 = arith.constant 0 : i32
    %cond3A_26 = arith.cmpi ne, %convert_element_type3A_24, %cond3A_25 : i32
    scf.if %cond3A_26 {
      %dma_start3A_295 = arith.constant 2 : i32
      %dma_start3A_296 = arith.constant 0 : i32
      %dma_start3A_297 = tpu.memref_slice %arg9[%dma_start3A_295, %dma_start3A_296] : memref<125x128xi32, #tpu.memory_space<vmem>> -> memref<1x128xi32, #tpu.memory_space<vmem>>
      %dma_start3A_298 = tpu.memref_squeeze %dma_start3A_297 : memref<1x128xi32, #tpu.memory_space<vmem>> -> memref<128xi32, #tpu.memory_space<vmem>>
      %dma_start3A_299 = arith.constant 0 : i32
      %dma_start3A_300 = arith.constant 0 : i32
      %dma_start3A_301 = tpu.memref_slice %arg5[%dma_start3A_299, %dma_start3A_300] : memref<16000x64xf32, #tpu.memory_space<hbm>> -> memref<16000x64xf32, #tpu.memory_space<hbm>>
      tpu.enqueue_indirect_dma source(%dma_start3A_301 : memref<16000x64xf32, #tpu.memory_space<hbm>>) target(%arg13 : memref<128x64xf32, #tpu.memory_space<vmem>>) offsets(%dma_start3A_298 : memref<128xi32, #tpu.memory_space<vmem>>) semaphore(%arg16 : memref<!tpu.dma_semaphore, #tpu.memory_space<semaphore_mem>>)
    } else {
    }
    %eq3A_27 = arith.constant 1 : i32
    %eq3A_28 = arith.cmpi eq, %arg0, %eq3A_27 : i32
    %convert_element_type3A_29 = arith.extui %eq3A_28 : i1 to i32
    %cond3A_30 = arith.constant 0 : i32
    %cond3A_31 = arith.cmpi ne, %convert_element_type3A_29, %cond3A_30 : i32
    scf.if %cond3A_31 {
      %dma_start3A_295 = arith.constant 2 : i32
      %dma_start3A_296 = arith.constant 0 : i32
      %dma_start3A_297 = tpu.memref_slice %arg9[%dma_start3A_295, %dma_start3A_296] : memref<125x128xi32, #tpu.memory_space<vmem>> -> memref<1x128xi32, #tpu.memory_space<vmem>>
      %dma_start3A_298 = tpu.memref_squeeze %dma_start3A_297 : memref<1x128xi32, #tpu.memory_space<vmem>> -> memref<128xi32, #tpu.memory_space<vmem>>
      %dma_start3A_299 = arith.constant 0 : i32
      %dma_start3A_300 = arith.constant 0 : i32
      %dma_start3A_301 = tpu.memref_slice %arg6[%dma_start3A_299, %dma_start3A_300] : memref<16000x64xf32, #tpu.memory_space<hbm>> -> memref<16000x64xf32, #tpu.memory_space<hbm>>
      tpu.enqueue_indirect_dma source(%dma_start3A_301 : memref<16000x64xf32, #tpu.memory_space<hbm>>) target(%arg13 : memref<128x64xf32, #tpu.memory_space<vmem>>) offsets(%dma_start3A_298 : memref<128xi32, #tpu.memory_space<vmem>>) semaphore(%arg16 : memref<!tpu.dma_semaphore, #tpu.memory_space<semaphore_mem>>)
    } else {
    }
    %dma_wait3A = arith.constant 0 : i32
    %dma_wait3A_32 = arith.constant 0 : i32
    %dma_wait3A_33 = tpu.memref_slice %arg9[%dma_wait3A, %dma_wait3A_32] : memref<125x128xi32, #tpu.memory_space<vmem>> -> memref<1x128xi32, #tpu.memory_space<vmem>>
    %dma_wait3A_34 = tpu.memref_squeeze %dma_wait3A_33 : memref<1x128xi32, #tpu.memory_space<vmem>> -> memref<128xi32, #tpu.memory_space<vmem>>
    %dma_wait3A_35 = arith.constant 0 : i32
    %dma_wait3A_36 = arith.constant 0 : i32
    %dma_wait3A_37 = tpu.memref_slice %arg5[%dma_wait3A_35, %dma_wait3A_36] : memref<16000x64xf32, #tpu.memory_space<hbm>> -> memref<16000x64xf32, #tpu.memory_space<hbm>>
    tpu.wait_indirect_dma semaphore(%arg16 : memref<!tpu.dma_semaphore, #tpu.memory_space<semaphore_mem>>) src(%dma_wait3A_37 : memref<16000x64xf32, #tpu.memory_space<hbm>>) dst(%arg11 : memref<128x64xf32, #tpu.memory_space<vmem>>)
    %dma_start3A = arith.constant 0 : i32
    %dma_start3A_38 = arith.constant 0 : i32
    %dma_start3A_39 = tpu.memref_slice %arg10[%dma_start3A, %dma_start3A_38] : memref<125x128xi32, #tpu.memory_space<vmem>> -> memref<1x128xi32, #tpu.memory_space<vmem>>
    %dma_start3A_40 = tpu.memref_squeeze %dma_start3A_39 : memref<1x128xi32, #tpu.memory_space<vmem>> -> memref<128xi32, #tpu.memory_space<vmem>>
    %dma_start3A_41 = arith.constant 0 : i32
    %dma_start3A_42 = arith.constant 0 : i32
    %dma_start3A_43 = tpu.memref_slice %arg15[%dma_start3A_41, %dma_start3A_42] : memref<16000x64xf32, #tpu.memory_space<vmem_shared>> -> memref<16000x64xf32, #tpu.memory_space<vmem_shared>>
    tpu.enqueue_indirect_dma source(%arg11 : memref<128x64xf32, #tpu.memory_space<vmem>>) target(%dma_start3A_43 : memref<16000x64xf32, #tpu.memory_space<vmem_shared>>) offsets(%dma_start3A_40 : memref<128xi32, #tpu.memory_space<vmem>>) semaphore(%arg17 : memref<!tpu.dma_semaphore, #tpu.memory_space<semaphore_mem>>) {add = true}
    %eq3A_44 = arith.constant 0 : i32
    %eq3A_45 = arith.cmpi eq, %arg0, %eq3A_44 : i32
    %convert_element_type3A_46 = arith.extui %eq3A_45 : i1 to i32
    %cond3A_47 = arith.constant 0 : i32
    %cond3A_48 = arith.cmpi ne, %convert_element_type3A_46, %cond3A_47 : i32
    scf.if %cond3A_48 {
      %dma_start3A_295 = arith.constant 3 : i32
      %dma_start3A_296 = arith.constant 0 : i32
      %dma_start3A_297 = tpu.memref_slice %arg9[%dma_start3A_295, %dma_start3A_296] : memref<125x128xi32, #tpu.memory_space<vmem>> -> memref<1x128xi32, #tpu.memory_space<vmem>>
      %dma_start3A_298 = tpu.memref_squeeze %dma_start3A_297 : memref<1x128xi32, #tpu.memory_space<vmem>> -> memref<128xi32, #tpu.memory_space<vmem>>
      %dma_start3A_299 = arith.constant 0 : i32
      %dma_start3A_300 = arith.constant 0 : i32
      %dma_start3A_301 = tpu.memref_slice %arg5[%dma_start3A_299, %dma_start3A_300] : memref<16000x64xf32, #tpu.memory_space<hbm>> -> memref<16000x64xf32, #tpu.memory_space<hbm>>
      tpu.enqueue_indirect_dma source(%dma_start3A_301 : memref<16000x64xf32, #tpu.memory_space<hbm>>) target(%arg14 : memref<128x64xf32, #tpu.memory_space<vmem>>) offsets(%dma_start3A_298 : memref<128xi32, #tpu.memory_space<vmem>>) semaphore(%arg16 : memref<!tpu.dma_semaphore, #tpu.memory_space<semaphore_mem>>)
    } else {
    }
    %eq3A_49 = arith.constant 1 : i32
    %eq3A_50 = arith.cmpi eq, %arg0, %eq3A_49 : i32
    %convert_element_type3A_51 = arith.extui %eq3A_50 : i1 to i32
    %cond3A_52 = arith.constant 0 : i32
    %cond3A_53 = arith.cmpi ne, %convert_element_type3A_51, %cond3A_52 : i32
    scf.if %cond3A_53 {
      %dma_start3A_295 = arith.constant 3 : i32
      %dma_start3A_296 = arith.constant 0 : i32
      %dma_start3A_297 = tpu.memref_slice %arg9[%dma_start3A_295, %dma_start3A_296] : memref<125x128xi32, #tpu.memory_space<vmem>> -> memref<1x128xi32, #tpu.memory_space<vmem>>
      %dma_start3A_298 = tpu.memref_squeeze %dma_start3A_297 : memref<1x128xi32, #tpu.memory_space<vmem>> -> memref<128xi32, #tpu.memory_space<vmem>>
      %dma_start3A_299 = arith.constant 0 : i32
      %dma_start3A_300 = arith.constant 0 : i32
      %dma_start3A_301 = tpu.memref_slice %arg6[%dma_start3A_299, %dma_start3A_300] : memref<16000x64xf32, #tpu.memory_space<hbm>> -> memref<16000x64xf32, #tpu.memory_space<hbm>>
      tpu.enqueue_indirect_dma source(%dma_start3A_301 : memref<16000x64xf32, #tpu.memory_space<hbm>>) target(%arg14 : memref<128x64xf32, #tpu.memory_space<vmem>>) offsets(%dma_start3A_298 : memref<128xi32, #tpu.memory_space<vmem>>) semaphore(%arg16 : memref<!tpu.dma_semaphore, #tpu.memory_space<semaphore_mem>>)
    } else {
    }
    %dma_wait3A_54 = arith.constant 0 : i32
    %dma_wait3A_55 = arith.constant 0 : i32
    %dma_wait3A_56 = tpu.memref_slice %arg9[%dma_wait3A_54, %dma_wait3A_55] : memref<125x128xi32, #tpu.memory_space<vmem>> -> memref<1x128xi32, #tpu.memory_space<vmem>>
    %dma_wait3A_57 = tpu.memref_squeeze %dma_wait3A_56 : memref<1x128xi32, #tpu.memory_space<vmem>> -> memref<128xi32, #tpu.memory_space<vmem>>
    %dma_wait3A_58 = arith.constant 0 : i32
    %dma_wait3A_59 = arith.constant 0 : i32
    %dma_wait3A_60 = tpu.memref_slice %arg5[%dma_wait3A_58, %dma_wait3A_59] : memref<16000x64xf32, #tpu.memory_space<hbm>> -> memref<16000x64xf32, #tpu.memory_space<hbm>>
    tpu.wait_indirect_dma semaphore(%arg16 : memref<!tpu.dma_semaphore, #tpu.memory_space<semaphore_mem>>) src(%dma_wait3A_60 : memref<16000x64xf32, #tpu.memory_space<hbm>>) dst(%arg12 : memref<128x64xf32, #tpu.memory_space<vmem>>)
    %dma_start3A_61 = arith.constant 1 : i32
    %dma_start3A_62 = arith.constant 0 : i32
    %dma_start3A_63 = tpu.memref_slice %arg10[%dma_start3A_61, %dma_start3A_62] : memref<125x128xi32, #tpu.memory_space<vmem>> -> memref<1x128xi32, #tpu.memory_space<vmem>>
    %dma_start3A_64 = tpu.memref_squeeze %dma_start3A_63 : memref<1x128xi32, #tpu.memory_space<vmem>> -> memref<128xi32, #tpu.memory_space<vmem>>
    %dma_start3A_65 = arith.constant 0 : i32
    %dma_start3A_66 = arith.constant 0 : i32
    %dma_start3A_67 = tpu.memref_slice %arg15[%dma_start3A_65, %dma_start3A_66] : memref<16000x64xf32, #tpu.memory_space<vmem_shared>> -> memref<16000x64xf32, #tpu.memory_space<vmem_shared>>
    tpu.enqueue_indirect_dma source(%arg12 : memref<128x64xf32, #tpu.memory_space<vmem>>) target(%dma_start3A_67 : memref<16000x64xf32, #tpu.memory_space<vmem_shared>>) offsets(%dma_start3A_64 : memref<128xi32, #tpu.memory_space<vmem>>) semaphore(%arg17 : memref<!tpu.dma_semaphore, #tpu.memory_space<semaphore_mem>>) {add = true}
    %dma_wait3A_68 = arith.constant 0 : i32
    %dma_wait3A_69 = arith.constant 0 : i32
    %dma_wait3A_70 = tpu.memref_slice %arg10[%dma_wait3A_68, %dma_wait3A_69] : memref<125x128xi32, #tpu.memory_space<vmem>> -> memref<1x128xi32, #tpu.memory_space<vmem>>
    %dma_wait3A_71 = tpu.memref_squeeze %dma_wait3A_70 : memref<1x128xi32, #tpu.memory_space<vmem>> -> memref<128xi32, #tpu.memory_space<vmem>>
    %dma_wait3A_72 = arith.constant 0 : i32
    %dma_wait3A_73 = arith.constant 0 : i32
    %dma_wait3A_74 = tpu.memref_slice %arg15[%dma_wait3A_72, %dma_wait3A_73] : memref<16000x64xf32, #tpu.memory_space<vmem_shared>> -> memref<16000x64xf32, #tpu.memory_space<vmem_shared>>
    tpu.wait_indirect_dma semaphore(%arg17 : memref<!tpu.dma_semaphore, #tpu.memory_space<semaphore_mem>>) src(%arg11 : memref<128x64xf32, #tpu.memory_space<vmem>>) dst(%dma_wait3A_74 : memref<16000x64xf32, #tpu.memory_space<vmem_shared>>)
    %eq3A_75 = arith.constant 0 : i32
    %eq3A_76 = arith.cmpi eq, %arg0, %eq3A_75 : i32
    %convert_element_type3A_77 = arith.extui %eq3A_76 : i1 to i32
    %cond3A_78 = arith.constant 0 : i32
    %cond3A_79 = arith.cmpi ne, %convert_element_type3A_77, %cond3A_78 : i32
    scf.if %cond3A_79 {
      %dma_start3A_295 = arith.constant 4 : i32
      %dma_start3A_296 = arith.constant 0 : i32
      %dma_start3A_297 = tpu.memref_slice %arg9[%dma_start3A_295, %dma_start3A_296] : memref<125x128xi32, #tpu.memory_space<vmem>> -> memref<1x128xi32, #tpu.memory_space<vmem>>
      %dma_start3A_298 = tpu.memref_squeeze %dma_start3A_297 : memref<1x128xi32, #tpu.memory_space<vmem>> -> memref<128xi32, #tpu.memory_space<vmem>>
      %dma_start3A_299 = arith.constant 0 : i32
      %dma_start3A_300 = arith.constant 0 : i32
      %dma_start3A_301 = tpu.memref_slice %arg5[%dma_start3A_299, %dma_start3A_300] : memref<16000x64xf32, #tpu.memory_space<hbm>> -> memref<16000x64xf32, #tpu.memory_space<hbm>>
      tpu.enqueue_indirect_dma source(%dma_start3A_301 : memref<16000x64xf32, #tpu.memory_space<hbm>>) target(%arg11 : memref<128x64xf32, #tpu.memory_space<vmem>>) offsets(%dma_start3A_298 : memref<128xi32, #tpu.memory_space<vmem>>) semaphore(%arg16 : memref<!tpu.dma_semaphore, #tpu.memory_space<semaphore_mem>>)
    } else {
    }
    %eq3A_80 = arith.constant 1 : i32
    %eq3A_81 = arith.cmpi eq, %arg0, %eq3A_80 : i32
    %convert_element_type3A_82 = arith.extui %eq3A_81 : i1 to i32
    %cond3A_83 = arith.constant 0 : i32
    %cond3A_84 = arith.cmpi ne, %convert_element_type3A_82, %cond3A_83 : i32
    scf.if %cond3A_84 {
      %dma_start3A_295 = arith.constant 4 : i32
      %dma_start3A_296 = arith.constant 0 : i32
      %dma_start3A_297 = tpu.memref_slice %arg9[%dma_start3A_295, %dma_start3A_296] : memref<125x128xi32, #tpu.memory_space<vmem>> -> memref<1x128xi32, #tpu.memory_space<vmem>>
      %dma_start3A_298 = tpu.memref_squeeze %dma_start3A_297 : memref<1x128xi32, #tpu.memory_space<vmem>> -> memref<128xi32, #tpu.memory_space<vmem>>
      %dma_start3A_299 = arith.constant 0 : i32
      %dma_start3A_300 = arith.constant 0 : i32
      %dma_start3A_301 = tpu.memref_slice %arg6[%dma_start3A_299, %dma_start3A_300] : memref<16000x64xf32, #tpu.memory_space<hbm>> -> memref<16000x64xf32, #tpu.memory_space<hbm>>
      tpu.enqueue_indirect_dma source(%dma_start3A_301 : memref<16000x64xf32, #tpu.memory_space<hbm>>) target(%arg11 : memref<128x64xf32, #tpu.memory_space<vmem>>) offsets(%dma_start3A_298 : memref<128xi32, #tpu.memory_space<vmem>>) semaphore(%arg16 : memref<!tpu.dma_semaphore, #tpu.memory_space<semaphore_mem>>)
    } else {
    }
    %dma_wait3A_85 = arith.constant 0 : i32
    %dma_wait3A_86 = arith.constant 0 : i32
    %dma_wait3A_87 = tpu.memref_slice %arg9[%dma_wait3A_85, %dma_wait3A_86] : memref<125x128xi32, #tpu.memory_space<vmem>> -> memref<1x128xi32, #tpu.memory_space<vmem>>
    %dma_wait3A_88 = tpu.memref_squeeze %dma_wait3A_87 : memref<1x128xi32, #tpu.memory_space<vmem>> -> memref<128xi32, #tpu.memory_space<vmem>>
    %dma_wait3A_89 = arith.constant 0 : i32
    %dma_wait3A_90 = arith.constant 0 : i32
    %dma_wait3A_91 = tpu.memref_slice %arg5[%dma_wait3A_89, %dma_wait3A_90] : memref<16000x64xf32, #tpu.memory_space<hbm>> -> memref<16000x64xf32, #tpu.memory_space<hbm>>
    tpu.wait_indirect_dma semaphore(%arg16 : memref<!tpu.dma_semaphore, #tpu.memory_space<semaphore_mem>>) src(%dma_wait3A_91 : memref<16000x64xf32, #tpu.memory_space<hbm>>) dst(%arg13 : memref<128x64xf32, #tpu.memory_space<vmem>>)
    %dma_start3A_92 = arith.constant 2 : i32
    %dma_start3A_93 = arith.constant 0 : i32
    %dma_start3A_94 = tpu.memref_slice %arg10[%dma_start3A_92, %dma_start3A_93] : memref<125x128xi32, #tpu.memory_space<vmem>> -> memref<1x128xi32, #tpu.memory_space<vmem>>
    %dma_start3A_95 = tpu.memref_squeeze %dma_start3A_94 : memref<1x128xi32, #tpu.memory_space<vmem>> -> memref<128xi32, #tpu.memory_space<vmem>>
    %dma_start3A_96 = arith.constant 0 : i32
    %dma_start3A_97 = arith.constant 0 : i32
    %dma_start3A_98 = tpu.memref_slice %arg15[%dma_start3A_96, %dma_start3A_97] : memref<16000x64xf32, #tpu.memory_space<vmem_shared>> -> memref<16000x64xf32, #tpu.memory_space<vmem_shared>>
    tpu.enqueue_indirect_dma source(%arg13 : memref<128x64xf32, #tpu.memory_space<vmem>>) target(%dma_start3A_98 : memref<16000x64xf32, #tpu.memory_space<vmem_shared>>) offsets(%dma_start3A_95 : memref<128xi32, #tpu.memory_space<vmem>>) semaphore(%arg17 : memref<!tpu.dma_semaphore, #tpu.memory_space<semaphore_mem>>) {add = true}
    %dma_wait3A_99 = arith.constant 0 : i32
    %dma_wait3A_100 = arith.constant 0 : i32
    %dma_wait3A_101 = tpu.memref_slice %arg10[%dma_wait3A_99, %dma_wait3A_100] : memref<125x128xi32, #tpu.memory_space<vmem>> -> memref<1x128xi32, #tpu.memory_space<vmem>>
    %dma_wait3A_102 = tpu.memref_squeeze %dma_wait3A_101 : memref<1x128xi32, #tpu.memory_space<vmem>> -> memref<128xi32, #tpu.memory_space<vmem>>
    %dma_wait3A_103 = arith.constant 0 : i32
    %dma_wait3A_104 = arith.constant 0 : i32
    %dma_wait3A_105 = tpu.memref_slice %arg15[%dma_wait3A_103, %dma_wait3A_104] : memref<16000x64xf32, #tpu.memory_space<vmem_shared>> -> memref<16000x64xf32, #tpu.memory_space<vmem_shared>>
    tpu.wait_indirect_dma semaphore(%arg17 : memref<!tpu.dma_semaphore, #tpu.memory_space<semaphore_mem>>) src(%arg11 : memref<128x64xf32, #tpu.memory_space<vmem>>) dst(%dma_wait3A_105 : memref<16000x64xf32, #tpu.memory_space<vmem_shared>>)
    %eq3A_106 = arith.constant 0 : i32
    %eq3A_107 = arith.cmpi eq, %arg0, %eq3A_106 : i32
    %convert_element_type3A_108 = arith.extui %eq3A_107 : i1 to i32
    %cond3A_109 = arith.constant 0 : i32
    %cond3A_110 = arith.cmpi ne, %convert_element_type3A_108, %cond3A_109 : i32
    scf.if %cond3A_110 {
      %dma_start3A_295 = arith.constant 5 : i32
      %dma_start3A_296 = arith.constant 0 : i32
      %dma_start3A_297 = tpu.memref_slice %arg9[%dma_start3A_295, %dma_start3A_296] : memref<125x128xi32, #tpu.memory_space<vmem>> -> memref<1x128xi32, #tpu.memory_space<vmem>>
      %dma_start3A_298 = tpu.memref_squeeze %dma_start3A_297 : memref<1x128xi32, #tpu.memory_space<vmem>> -> memref<128xi32, #tpu.memory_space<vmem>>
      %dma_start3A_299 = arith.constant 0 : i32
      %dma_start3A_300 = arith.constant 0 : i32
      %dma_start3A_301 = tpu.memref_slice %arg5[%dma_start3A_299, %dma_start3A_300] : memref<16000x64xf32, #tpu.memory_space<hbm>> -> memref<16000x64xf32, #tpu.memory_space<hbm>>
      tpu.enqueue_indirect_dma source(%dma_start3A_301 : memref<16000x64xf32, #tpu.memory_space<hbm>>) target(%arg12 : memref<128x64xf32, #tpu.memory_space<vmem>>) offsets(%dma_start3A_298 : memref<128xi32, #tpu.memory_space<vmem>>) semaphore(%arg16 : memref<!tpu.dma_semaphore, #tpu.memory_space<semaphore_mem>>)
    } else {
    }
    %eq3A_111 = arith.constant 1 : i32
    %eq3A_112 = arith.cmpi eq, %arg0, %eq3A_111 : i32
    %convert_element_type3A_113 = arith.extui %eq3A_112 : i1 to i32
    %cond3A_114 = arith.constant 0 : i32
    %cond3A_115 = arith.cmpi ne, %convert_element_type3A_113, %cond3A_114 : i32
    scf.if %cond3A_115 {
      %dma_start3A_295 = arith.constant 5 : i32
      %dma_start3A_296 = arith.constant 0 : i32
      %dma_start3A_297 = tpu.memref_slice %arg9[%dma_start3A_295, %dma_start3A_296] : memref<125x128xi32, #tpu.memory_space<vmem>> -> memref<1x128xi32, #tpu.memory_space<vmem>>
      %dma_start3A_298 = tpu.memref_squeeze %dma_start3A_297 : memref<1x128xi32, #tpu.memory_space<vmem>> -> memref<128xi32, #tpu.memory_space<vmem>>
      %dma_start3A_299 = arith.constant 0 : i32
      %dma_start3A_300 = arith.constant 0 : i32
      %dma_start3A_301 = tpu.memref_slice %arg6[%dma_start3A_299, %dma_start3A_300] : memref<16000x64xf32, #tpu.memory_space<hbm>> -> memref<16000x64xf32, #tpu.memory_space<hbm>>
      tpu.enqueue_indirect_dma source(%dma_start3A_301 : memref<16000x64xf32, #tpu.memory_space<hbm>>) target(%arg12 : memref<128x64xf32, #tpu.memory_space<vmem>>) offsets(%dma_start3A_298 : memref<128xi32, #tpu.memory_space<vmem>>) semaphore(%arg16 : memref<!tpu.dma_semaphore, #tpu.memory_space<semaphore_mem>>)
    } else {
    }
    %dma_wait3A_116 = arith.constant 0 : i32
    %dma_wait3A_117 = arith.constant 0 : i32
    %dma_wait3A_118 = tpu.memref_slice %arg9[%dma_wait3A_116, %dma_wait3A_117] : memref<125x128xi32, #tpu.memory_space<vmem>> -> memref<1x128xi32, #tpu.memory_space<vmem>>
    %dma_wait3A_119 = tpu.memref_squeeze %dma_wait3A_118 : memref<1x128xi32, #tpu.memory_space<vmem>> -> memref<128xi32, #tpu.memory_space<vmem>>
    %dma_wait3A_120 = arith.constant 0 : i32
    %dma_wait3A_121 = arith.constant 0 : i32
    %dma_wait3A_122 = tpu.memref_slice %arg5[%dma_wait3A_120, %dma_wait3A_121] : memref<16000x64xf32, #tpu.memory_space<hbm>> -> memref<16000x64xf32, #tpu.memory_space<hbm>>
    tpu.wait_indirect_dma semaphore(%arg16 : memref<!tpu.dma_semaphore, #tpu.memory_space<semaphore_mem>>) src(%dma_wait3A_122 : memref<16000x64xf32, #tpu.memory_space<hbm>>) dst(%arg14 : memref<128x64xf32, #tpu.memory_space<vmem>>)
    %dma_start3A_123 = arith.constant 3 : i32
    %dma_start3A_124 = arith.constant 0 : i32
    %dma_start3A_125 = tpu.memref_slice %arg10[%dma_start3A_123, %dma_start3A_124] : memref<125x128xi32, #tpu.memory_space<vmem>> -> memref<1x128xi32, #tpu.memory_space<vmem>>
    %dma_start3A_126 = tpu.memref_squeeze %dma_start3A_125 : memref<1x128xi32, #tpu.memory_space<vmem>> -> memref<128xi32, #tpu.memory_space<vmem>>
    %dma_start3A_127 = arith.constant 0 : i32
    %dma_start3A_128 = arith.constant 0 : i32
    %dma_start3A_129 = tpu.memref_slice %arg15[%dma_start3A_127, %dma_start3A_128] : memref<16000x64xf32, #tpu.memory_space<vmem_shared>> -> memref<16000x64xf32, #tpu.memory_space<vmem_shared>>
    tpu.enqueue_indirect_dma source(%arg14 : memref<128x64xf32, #tpu.memory_space<vmem>>) target(%dma_start3A_129 : memref<16000x64xf32, #tpu.memory_space<vmem_shared>>) offsets(%dma_start3A_126 : memref<128xi32, #tpu.memory_space<vmem>>) semaphore(%arg17 : memref<!tpu.dma_semaphore, #tpu.memory_space<semaphore_mem>>) {add = true}
    %dma_wait3A_130 = arith.constant 0 : i32
    %dma_wait3A_131 = arith.constant 0 : i32
    %dma_wait3A_132 = tpu.memref_slice %arg10[%dma_wait3A_130, %dma_wait3A_131] : memref<125x128xi32, #tpu.memory_space<vmem>> -> memref<1x128xi32, #tpu.memory_space<vmem>>
    %dma_wait3A_133 = tpu.memref_squeeze %dma_wait3A_132 : memref<1x128xi32, #tpu.memory_space<vmem>> -> memref<128xi32, #tpu.memory_space<vmem>>
    %dma_wait3A_134 = arith.constant 0 : i32
    %dma_wait3A_135 = arith.constant 0 : i32
    %dma_wait3A_136 = tpu.memref_slice %arg15[%dma_wait3A_134, %dma_wait3A_135] : memref<16000x64xf32, #tpu.memory_space<vmem_shared>> -> memref<16000x64xf32, #tpu.memory_space<vmem_shared>>
    tpu.wait_indirect_dma semaphore(%arg17 : memref<!tpu.dma_semaphore, #tpu.memory_space<semaphore_mem>>) src(%arg11 : memref<128x64xf32, #tpu.memory_space<vmem>>) dst(%dma_wait3A_136 : memref<16000x64xf32, #tpu.memory_space<vmem_shared>>)
    %eq3A_137 = arith.constant 0 : i32
    %eq3A_138 = arith.cmpi eq, %arg0, %eq3A_137 : i32
    %convert_element_type3A_139 = arith.extui %eq3A_138 : i1 to i32
    %cond3A_140 = arith.constant 0 : i32
    %cond3A_141 = arith.cmpi ne, %convert_element_type3A_139, %cond3A_140 : i32
    scf.if %cond3A_141 {
      %dma_start3A_295 = arith.constant 6 : i32
      %dma_start3A_296 = arith.constant 0 : i32
      %dma_start3A_297 = tpu.memref_slice %arg9[%dma_start3A_295, %dma_start3A_296] : memref<125x128xi32, #tpu.memory_space<vmem>> -> memref<1x128xi32, #tpu.memory_space<vmem>>
      %dma_start3A_298 = tpu.memref_squeeze %dma_start3A_297 : memref<1x128xi32, #tpu.memory_space<vmem>> -> memref<128xi32, #tpu.memory_space<vmem>>
      %dma_start3A_299 = arith.constant 0 : i32
      %dma_start3A_300 = arith.constant 0 : i32
      %dma_start3A_301 = tpu.memref_slice %arg5[%dma_start3A_299, %dma_start3A_300] : memref<16000x64xf32, #tpu.memory_space<hbm>> -> memref<16000x64xf32, #tpu.memory_space<hbm>>
      tpu.enqueue_indirect_dma source(%dma_start3A_301 : memref<16000x64xf32, #tpu.memory_space<hbm>>) target(%arg13 : memref<128x64xf32, #tpu.memory_space<vmem>>) offsets(%dma_start3A_298 : memref<128xi32, #tpu.memory_space<vmem>>) semaphore(%arg16 : memref<!tpu.dma_semaphore, #tpu.memory_space<semaphore_mem>>)
    } else {
    }
    %eq3A_142 = arith.constant 1 : i32
    %eq3A_143 = arith.cmpi eq, %arg0, %eq3A_142 : i32
    %convert_element_type3A_144 = arith.extui %eq3A_143 : i1 to i32
    %cond3A_145 = arith.constant 0 : i32
    %cond3A_146 = arith.cmpi ne, %convert_element_type3A_144, %cond3A_145 : i32
    scf.if %cond3A_146 {
      %dma_start3A_295 = arith.constant 6 : i32
      %dma_start3A_296 = arith.constant 0 : i32
      %dma_start3A_297 = tpu.memref_slice %arg9[%dma_start3A_295, %dma_start3A_296] : memref<125x128xi32, #tpu.memory_space<vmem>> -> memref<1x128xi32, #tpu.memory_space<vmem>>
      %dma_start3A_298 = tpu.memref_squeeze %dma_start3A_297 : memref<1x128xi32, #tpu.memory_space<vmem>> -> memref<128xi32, #tpu.memory_space<vmem>>
      %dma_start3A_299 = arith.constant 0 : i32
      %dma_start3A_300 = arith.constant 0 : i32
      %dma_start3A_301 = tpu.memref_slice %arg6[%dma_start3A_299, %dma_start3A_300] : memref<16000x64xf32, #tpu.memory_space<hbm>> -> memref<16000x64xf32, #tpu.memory_space<hbm>>
      tpu.enqueue_indirect_dma source(%dma_start3A_301 : memref<16000x64xf32, #tpu.memory_space<hbm>>) target(%arg13 : memref<128x64xf32, #tpu.memory_space<vmem>>) offsets(%dma_start3A_298 : memref<128xi32, #tpu.memory_space<vmem>>) semaphore(%arg16 : memref<!tpu.dma_semaphore, #tpu.memory_space<semaphore_mem>>)
    } else {
    }
    %scan3A = arith.constant 0 : i32
    %scan3A_147 = arith.constant 29 : i32
    %scan3A_148 = arith.addi %scan3A, %scan3A_147 : i32
    %scan3A_149 = arith.constant 1 : i32
    scf.for %scan3A_295 = %scan3A to %scan3A_148 step %scan3A_149  : i32 {
      %mul3A_296 = arith.constant 1 : i32
      %mul3A_297 = arith.muli %scan3A_295, %mul3A_296 : i32
      %add3A = arith.constant 0 : i32
      %add3A_298 = arith.addi %add3A, %mul3A_297 : i32
      %mul3A_299 = arith.constant 4 : i32
      %mul3A_300 = arith.muli %mul3A_299, %add3A_298 : i32
      %add3A_301 = arith.constant 4 : i32
      %add3A_302 = arith.addi %add3A_301, %mul3A_300 : i32
      %dma_wait3A_303 = arith.constant 0 : i32
      %dma_wait3A_304 = arith.constant 0 : i32
      %dma_wait3A_305 = tpu.memref_slice %arg9[%dma_wait3A_303, %dma_wait3A_304] : memref<125x128xi32, #tpu.memory_space<vmem>> -> memref<1x128xi32, #tpu.memory_space<vmem>>
      %dma_wait3A_306 = tpu.memref_squeeze %dma_wait3A_305 : memref<1x128xi32, #tpu.memory_space<vmem>> -> memref<128xi32, #tpu.memory_space<vmem>>
      %dma_wait3A_307 = arith.constant 0 : i32
      %dma_wait3A_308 = arith.constant 0 : i32
      %dma_wait3A_309 = tpu.memref_slice %arg5[%dma_wait3A_307, %dma_wait3A_308] : memref<16000x64xf32, #tpu.memory_space<hbm>> -> memref<16000x64xf32, #tpu.memory_space<hbm>>
      tpu.wait_indirect_dma semaphore(%arg16 : memref<!tpu.dma_semaphore, #tpu.memory_space<semaphore_mem>>) src(%dma_wait3A_309 : memref<16000x64xf32, #tpu.memory_space<hbm>>) dst(%arg11 : memref<128x64xf32, #tpu.memory_space<vmem>>)
      %dma_start3A_310 = arith.constant 0 : i32
      %dma_start3A_311 = tpu.memref_slice %arg10[%add3A_302, %dma_start3A_310] : memref<125x128xi32, #tpu.memory_space<vmem>> -> memref<1x128xi32, #tpu.memory_space<vmem>>
      %dma_start3A_312 = tpu.memref_squeeze %dma_start3A_311 : memref<1x128xi32, #tpu.memory_space<vmem>> -> memref<128xi32, #tpu.memory_space<vmem>>
      %dma_start3A_313 = arith.constant 0 : i32
      %dma_start3A_314 = arith.constant 0 : i32
      %dma_start3A_315 = tpu.memref_slice %arg15[%dma_start3A_313, %dma_start3A_314] : memref<16000x64xf32, #tpu.memory_space<vmem_shared>> -> memref<16000x64xf32, #tpu.memory_space<vmem_shared>>
      tpu.enqueue_indirect_dma source(%arg11 : memref<128x64xf32, #tpu.memory_space<vmem>>) target(%dma_start3A_315 : memref<16000x64xf32, #tpu.memory_space<vmem_shared>>) offsets(%dma_start3A_312 : memref<128xi32, #tpu.memory_space<vmem>>) semaphore(%arg17 : memref<!tpu.dma_semaphore, #tpu.memory_space<semaphore_mem>>) {add = true}
      %dma_wait3A_316 = arith.constant 0 : i32
      %dma_wait3A_317 = arith.constant 0 : i32
      %dma_wait3A_318 = tpu.memref_slice %arg10[%dma_wait3A_316, %dma_wait3A_317] : memref<125x128xi32, #tpu.memory_space<vmem>> -> memref<1x128xi32, #tpu.memory_space<vmem>>
      %dma_wait3A_319 = tpu.memref_squeeze %dma_wait3A_318 : memref<1x128xi32, #tpu.memory_space<vmem>> -> memref<128xi32, #tpu.memory_space<vmem>>
      %dma_wait3A_320 = arith.constant 0 : i32
      %dma_wait3A_321 = arith.constant 0 : i32
      %dma_wait3A_322 = tpu.memref_slice %arg15[%dma_wait3A_320, %dma_wait3A_321] : memref<16000x64xf32, #tpu.memory_space<vmem_shared>> -> memref<16000x64xf32, #tpu.memory_space<vmem_shared>>
      tpu.wait_indirect_dma semaphore(%arg17 : memref<!tpu.dma_semaphore, #tpu.memory_space<semaphore_mem>>) src(%arg11 : memref<128x64xf32, #tpu.memory_space<vmem>>) dst(%dma_wait3A_322 : memref<16000x64xf32, #tpu.memory_space<vmem_shared>>)
      %add3A_323 = arith.constant 3 : i32
      %add3A_324 = arith.addi %add3A_302, %add3A_323 : i32
      %eq3A_325 = arith.constant 0 : i32
      %eq3A_326 = arith.cmpi eq, %arg0, %eq3A_325 : i32
      %convert_element_type3A_327 = arith.extui %eq3A_326 : i1 to i32
      %cond3A_328 = arith.constant 0 : i32
      %cond3A_329 = arith.cmpi ne, %convert_element_type3A_327, %cond3A_328 : i32
      scf.if %cond3A_329 {
        %dma_start3A_437 = arith.constant 0 : i32
        %dma_start3A_438 = tpu.memref_slice %arg9[%add3A_324, %dma_start3A_437] : memref<125x128xi32, #tpu.memory_space<vmem>> -> memref<1x128xi32, #tpu.memory_space<vmem>>
        %dma_start3A_439 = tpu.memref_squeeze %dma_start3A_438 : memref<1x128xi32, #tpu.memory_space<vmem>> -> memref<128xi32, #tpu.memory_space<vmem>>
        %dma_start3A_440 = arith.constant 0 : i32
        %dma_start3A_441 = arith.constant 0 : i32
        %dma_start3A_442 = tpu.memref_slice %arg5[%dma_start3A_440, %dma_start3A_441] : memref<16000x64xf32, #tpu.memory_space<hbm>> -> memref<16000x64xf32, #tpu.memory_space<hbm>>
        tpu.enqueue_indirect_dma source(%dma_start3A_442 : memref<16000x64xf32, #tpu.memory_space<hbm>>) target(%arg14 : memref<128x64xf32, #tpu.memory_space<vmem>>) offsets(%dma_start3A_439 : memref<128xi32, #tpu.memory_space<vmem>>) semaphore(%arg16 : memref<!tpu.dma_semaphore, #tpu.memory_space<semaphore_mem>>)
      } else {
      }
      %eq3A_330 = arith.constant 1 : i32
      %eq3A_331 = arith.cmpi eq, %arg0, %eq3A_330 : i32
      %convert_element_type3A_332 = arith.extui %eq3A_331 : i1 to i32
      %cond3A_333 = arith.constant 0 : i32
      %cond3A_334 = arith.cmpi ne, %convert_element_type3A_332, %cond3A_333 : i32
      scf.if %cond3A_334 {
        %dma_start3A_437 = arith.constant 0 : i32
        %dma_start3A_438 = tpu.memref_slice %arg9[%add3A_324, %dma_start3A_437] : memref<125x128xi32, #tpu.memory_space<vmem>> -> memref<1x128xi32, #tpu.memory_space<vmem>>
        %dma_start3A_439 = tpu.memref_squeeze %dma_start3A_438 : memref<1x128xi32, #tpu.memory_space<vmem>> -> memref<128xi32, #tpu.memory_space<vmem>>
        %dma_start3A_440 = arith.constant 0 : i32
        %dma_start3A_441 = arith.constant 0 : i32
        %dma_start3A_442 = tpu.memref_slice %arg6[%dma_start3A_440, %dma_start3A_441] : memref<16000x64xf32, #tpu.memory_space<hbm>> -> memref<16000x64xf32, #tpu.memory_space<hbm>>
        tpu.enqueue_indirect_dma source(%dma_start3A_442 : memref<16000x64xf32, #tpu.memory_space<hbm>>) target(%arg14 : memref<128x64xf32, #tpu.memory_space<vmem>>) offsets(%dma_start3A_439 : memref<128xi32, #tpu.memory_space<vmem>>) semaphore(%arg16 : memref<!tpu.dma_semaphore, #tpu.memory_space<semaphore_mem>>)
      } else {
      }
      %dma_wait3A_335 = arith.constant 0 : i32
      %dma_wait3A_336 = arith.constant 0 : i32
      %dma_wait3A_337 = tpu.memref_slice %arg9[%dma_wait3A_335, %dma_wait3A_336] : memref<125x128xi32, #tpu.memory_space<vmem>> -> memref<1x128xi32, #tpu.memory_space<vmem>>
      %dma_wait3A_338 = tpu.memref_squeeze %dma_wait3A_337 : memref<1x128xi32, #tpu.memory_space<vmem>> -> memref<128xi32, #tpu.memory_space<vmem>>
      %dma_wait3A_339 = arith.constant 0 : i32
      %dma_wait3A_340 = arith.constant 0 : i32
      %dma_wait3A_341 = tpu.memref_slice %arg5[%dma_wait3A_339, %dma_wait3A_340] : memref<16000x64xf32, #tpu.memory_space<hbm>> -> memref<16000x64xf32, #tpu.memory_space<hbm>>
      tpu.wait_indirect_dma semaphore(%arg16 : memref<!tpu.dma_semaphore, #tpu.memory_space<semaphore_mem>>) src(%dma_wait3A_341 : memref<16000x64xf32, #tpu.memory_space<hbm>>) dst(%arg12 : memref<128x64xf32, #tpu.memory_space<vmem>>)
      %add3A_342 = arith.constant 1 : i32
      %add3A_343 = arith.addi %add3A_302, %add3A_342 : i32
      %dma_start3A_344 = arith.constant 0 : i32
      %dma_start3A_345 = tpu.memref_slice %arg10[%add3A_343, %dma_start3A_344] : memref<125x128xi32, #tpu.memory_space<vmem>> -> memref<1x128xi32, #tpu.memory_space<vmem>>
      %dma_start3A_346 = tpu.memref_squeeze %dma_start3A_345 : memref<1x128xi32, #tpu.memory_space<vmem>> -> memref<128xi32, #tpu.memory_space<vmem>>
      %dma_start3A_347 = arith.constant 0 : i32
      %dma_start3A_348 = arith.constant 0 : i32
      %dma_start3A_349 = tpu.memref_slice %arg15[%dma_start3A_347, %dma_start3A_348] : memref<16000x64xf32, #tpu.memory_space<vmem_shared>> -> memref<16000x64xf32, #tpu.memory_space<vmem_shared>>
      tpu.enqueue_indirect_dma source(%arg12 : memref<128x64xf32, #tpu.memory_space<vmem>>) target(%dma_start3A_349 : memref<16000x64xf32, #tpu.memory_space<vmem_shared>>) offsets(%dma_start3A_346 : memref<128xi32, #tpu.memory_space<vmem>>) semaphore(%arg17 : memref<!tpu.dma_semaphore, #tpu.memory_space<semaphore_mem>>) {add = true}
      %dma_wait3A_350 = arith.constant 0 : i32
      %dma_wait3A_351 = arith.constant 0 : i32
      %dma_wait3A_352 = tpu.memref_slice %arg10[%dma_wait3A_350, %dma_wait3A_351] : memref<125x128xi32, #tpu.memory_space<vmem>> -> memref<1x128xi32, #tpu.memory_space<vmem>>
      %dma_wait3A_353 = tpu.memref_squeeze %dma_wait3A_352 : memref<1x128xi32, #tpu.memory_space<vmem>> -> memref<128xi32, #tpu.memory_space<vmem>>
      %dma_wait3A_354 = arith.constant 0 : i32
      %dma_wait3A_355 = arith.constant 0 : i32
      %dma_wait3A_356 = tpu.memref_slice %arg15[%dma_wait3A_354, %dma_wait3A_355] : memref<16000x64xf32, #tpu.memory_space<vmem_shared>> -> memref<16000x64xf32, #tpu.memory_space<vmem_shared>>
      tpu.wait_indirect_dma semaphore(%arg17 : memref<!tpu.dma_semaphore, #tpu.memory_space<semaphore_mem>>) src(%arg11 : memref<128x64xf32, #tpu.memory_space<vmem>>) dst(%dma_wait3A_356 : memref<16000x64xf32, #tpu.memory_space<vmem_shared>>)
      %add3A_357 = arith.constant 4 : i32
      %add3A_358 = arith.addi %add3A_302, %add3A_357 : i32
      %eq3A_359 = arith.constant 0 : i32
      %eq3A_360 = arith.cmpi eq, %arg0, %eq3A_359 : i32
      %convert_element_type3A_361 = arith.extui %eq3A_360 : i1 to i32
      %cond3A_362 = arith.constant 0 : i32
      %cond3A_363 = arith.cmpi ne, %convert_element_type3A_361, %cond3A_362 : i32
      scf.if %cond3A_363 {
        %dma_start3A_437 = arith.constant 0 : i32
        %dma_start3A_438 = tpu.memref_slice %arg9[%add3A_358, %dma_start3A_437] : memref<125x128xi32, #tpu.memory_space<vmem>> -> memref<1x128xi32, #tpu.memory_space<vmem>>
        %dma_start3A_439 = tpu.memref_squeeze %dma_start3A_438 : memref<1x128xi32, #tpu.memory_space<vmem>> -> memref<128xi32, #tpu.memory_space<vmem>>
        %dma_start3A_440 = arith.constant 0 : i32
        %dma_start3A_441 = arith.constant 0 : i32
        %dma_start3A_442 = tpu.memref_slice %arg5[%dma_start3A_440, %dma_start3A_441] : memref<16000x64xf32, #tpu.memory_space<hbm>> -> memref<16000x64xf32, #tpu.memory_space<hbm>>
        tpu.enqueue_indirect_dma source(%dma_start3A_442 : memref<16000x64xf32, #tpu.memory_space<hbm>>) target(%arg11 : memref<128x64xf32, #tpu.memory_space<vmem>>) offsets(%dma_start3A_439 : memref<128xi32, #tpu.memory_space<vmem>>) semaphore(%arg16 : memref<!tpu.dma_semaphore, #tpu.memory_space<semaphore_mem>>)
      } else {
      }
      %eq3A_364 = arith.constant 1 : i32
      %eq3A_365 = arith.cmpi eq, %arg0, %eq3A_364 : i32
      %convert_element_type3A_366 = arith.extui %eq3A_365 : i1 to i32
      %cond3A_367 = arith.constant 0 : i32
      %cond3A_368 = arith.cmpi ne, %convert_element_type3A_366, %cond3A_367 : i32
      scf.if %cond3A_368 {
        %dma_start3A_437 = arith.constant 0 : i32
        %dma_start3A_438 = tpu.memref_slice %arg9[%add3A_358, %dma_start3A_437] : memref<125x128xi32, #tpu.memory_space<vmem>> -> memref<1x128xi32, #tpu.memory_space<vmem>>
        %dma_start3A_439 = tpu.memref_squeeze %dma_start3A_438 : memref<1x128xi32, #tpu.memory_space<vmem>> -> memref<128xi32, #tpu.memory_space<vmem>>
        %dma_start3A_440 = arith.constant 0 : i32
        %dma_start3A_441 = arith.constant 0 : i32
        %dma_start3A_442 = tpu.memref_slice %arg6[%dma_start3A_440, %dma_start3A_441] : memref<16000x64xf32, #tpu.memory_space<hbm>> -> memref<16000x64xf32, #tpu.memory_space<hbm>>
        tpu.enqueue_indirect_dma source(%dma_start3A_442 : memref<16000x64xf32, #tpu.memory_space<hbm>>) target(%arg11 : memref<128x64xf32, #tpu.memory_space<vmem>>) offsets(%dma_start3A_439 : memref<128xi32, #tpu.memory_space<vmem>>) semaphore(%arg16 : memref<!tpu.dma_semaphore, #tpu.memory_space<semaphore_mem>>)
      } else {
      }
      %dma_wait3A_369 = arith.constant 0 : i32
      %dma_wait3A_370 = arith.constant 0 : i32
      %dma_wait3A_371 = tpu.memref_slice %arg9[%dma_wait3A_369, %dma_wait3A_370] : memref<125x128xi32, #tpu.memory_space<vmem>> -> memref<1x128xi32, #tpu.memory_space<vmem>>
      %dma_wait3A_372 = tpu.memref_squeeze %dma_wait3A_371 : memref<1x128xi32, #tpu.memory_space<vmem>> -> memref<128xi32, #tpu.memory_space<vmem>>
      %dma_wait3A_373 = arith.constant 0 : i32
      %dma_wait3A_374 = arith.constant 0 : i32
      %dma_wait3A_375 = tpu.memref_slice %arg5[%dma_wait3A_373, %dma_wait3A_374] : memref<16000x64xf32, #tpu.memory_space<hbm>> -> memref<16000x64xf32, #tpu.memory_space<hbm>>
      tpu.wait_indirect_dma semaphore(%arg16 : memref<!tpu.dma_semaphore, #tpu.memory_space<semaphore_mem>>) src(%dma_wait3A_375 : memref<16000x64xf32, #tpu.memory_space<hbm>>) dst(%arg13 : memref<128x64xf32, #tpu.memory_space<vmem>>)
      %add3A_376 = arith.constant 2 : i32
      %add3A_377 = arith.addi %add3A_302, %add3A_376 : i32
      %dma_start3A_378 = arith.constant 0 : i32
      %dma_start3A_379 = tpu.memref_slice %arg10[%add3A_377, %dma_start3A_378] : memref<125x128xi32, #tpu.memory_space<vmem>> -> memref<1x128xi32, #tpu.memory_space<vmem>>
      %dma_start3A_380 = tpu.memref_squeeze %dma_start3A_379 : memref<1x128xi32, #tpu.memory_space<vmem>> -> memref<128xi32, #tpu.memory_space<vmem>>
      %dma_start3A_381 = arith.constant 0 : i32
      %dma_start3A_382 = arith.constant 0 : i32
      %dma_start3A_383 = tpu.memref_slice %arg15[%dma_start3A_381, %dma_start3A_382] : memref<16000x64xf32, #tpu.memory_space<vmem_shared>> -> memref<16000x64xf32, #tpu.memory_space<vmem_shared>>
      tpu.enqueue_indirect_dma source(%arg13 : memref<128x64xf32, #tpu.memory_space<vmem>>) target(%dma_start3A_383 : memref<16000x64xf32, #tpu.memory_space<vmem_shared>>) offsets(%dma_start3A_380 : memref<128xi32, #tpu.memory_space<vmem>>) semaphore(%arg17 : memref<!tpu.dma_semaphore, #tpu.memory_space<semaphore_mem>>) {add = true}
      %dma_wait3A_384 = arith.constant 0 : i32
      %dma_wait3A_385 = arith.constant 0 : i32
      %dma_wait3A_386 = tpu.memref_slice %arg10[%dma_wait3A_384, %dma_wait3A_385] : memref<125x128xi32, #tpu.memory_space<vmem>> -> memref<1x128xi32, #tpu.memory_space<vmem>>
      %dma_wait3A_387 = tpu.memref_squeeze %dma_wait3A_386 : memref<1x128xi32, #tpu.memory_space<vmem>> -> memref<128xi32, #tpu.memory_space<vmem>>
      %dma_wait3A_388 = arith.constant 0 : i32
      %dma_wait3A_389 = arith.constant 0 : i32
      %dma_wait3A_390 = tpu.memref_slice %arg15[%dma_wait3A_388, %dma_wait3A_389] : memref<16000x64xf32, #tpu.memory_space<vmem_shared>> -> memref<16000x64xf32, #tpu.memory_space<vmem_shared>>
      tpu.wait_indirect_dma semaphore(%arg17 : memref<!tpu.dma_semaphore, #tpu.memory_space<semaphore_mem>>) src(%arg11 : memref<128x64xf32, #tpu.memory_space<vmem>>) dst(%dma_wait3A_390 : memref<16000x64xf32, #tpu.memory_space<vmem_shared>>)
      %add3A_391 = arith.constant 5 : i32
      %add3A_392 = arith.addi %add3A_302, %add3A_391 : i32
      %eq3A_393 = arith.constant 0 : i32
      %eq3A_394 = arith.cmpi eq, %arg0, %eq3A_393 : i32
      %convert_element_type3A_395 = arith.extui %eq3A_394 : i1 to i32
      %cond3A_396 = arith.constant 0 : i32
      %cond3A_397 = arith.cmpi ne, %convert_element_type3A_395, %cond3A_396 : i32
      scf.if %cond3A_397 {
        %dma_start3A_437 = arith.constant 0 : i32
        %dma_start3A_438 = tpu.memref_slice %arg9[%add3A_392, %dma_start3A_437] : memref<125x128xi32, #tpu.memory_space<vmem>> -> memref<1x128xi32, #tpu.memory_space<vmem>>
        %dma_start3A_439 = tpu.memref_squeeze %dma_start3A_438 : memref<1x128xi32, #tpu.memory_space<vmem>> -> memref<128xi32, #tpu.memory_space<vmem>>
        %dma_start3A_440 = arith.constant 0 : i32
        %dma_start3A_441 = arith.constant 0 : i32
        %dma_start3A_442 = tpu.memref_slice %arg5[%dma_start3A_440, %dma_start3A_441] : memref<16000x64xf32, #tpu.memory_space<hbm>> -> memref<16000x64xf32, #tpu.memory_space<hbm>>
        tpu.enqueue_indirect_dma source(%dma_start3A_442 : memref<16000x64xf32, #tpu.memory_space<hbm>>) target(%arg12 : memref<128x64xf32, #tpu.memory_space<vmem>>) offsets(%dma_start3A_439 : memref<128xi32, #tpu.memory_space<vmem>>) semaphore(%arg16 : memref<!tpu.dma_semaphore, #tpu.memory_space<semaphore_mem>>)
      } else {
      }
      %eq3A_398 = arith.constant 1 : i32
      %eq3A_399 = arith.cmpi eq, %arg0, %eq3A_398 : i32
      %convert_element_type3A_400 = arith.extui %eq3A_399 : i1 to i32
      %cond3A_401 = arith.constant 0 : i32
      %cond3A_402 = arith.cmpi ne, %convert_element_type3A_400, %cond3A_401 : i32
      scf.if %cond3A_402 {
        %dma_start3A_437 = arith.constant 0 : i32
        %dma_start3A_438 = tpu.memref_slice %arg9[%add3A_392, %dma_start3A_437] : memref<125x128xi32, #tpu.memory_space<vmem>> -> memref<1x128xi32, #tpu.memory_space<vmem>>
        %dma_start3A_439 = tpu.memref_squeeze %dma_start3A_438 : memref<1x128xi32, #tpu.memory_space<vmem>> -> memref<128xi32, #tpu.memory_space<vmem>>
        %dma_start3A_440 = arith.constant 0 : i32
        %dma_start3A_441 = arith.constant 0 : i32
        %dma_start3A_442 = tpu.memref_slice %arg6[%dma_start3A_440, %dma_start3A_441] : memref<16000x64xf32, #tpu.memory_space<hbm>> -> memref<16000x64xf32, #tpu.memory_space<hbm>>
        tpu.enqueue_indirect_dma source(%dma_start3A_442 : memref<16000x64xf32, #tpu.memory_space<hbm>>) target(%arg12 : memref<128x64xf32, #tpu.memory_space<vmem>>) offsets(%dma_start3A_439 : memref<128xi32, #tpu.memory_space<vmem>>) semaphore(%arg16 : memref<!tpu.dma_semaphore, #tpu.memory_space<semaphore_mem>>)
      } else {
      }
      %dma_wait3A_403 = arith.constant 0 : i32
      %dma_wait3A_404 = arith.constant 0 : i32
      %dma_wait3A_405 = tpu.memref_slice %arg9[%dma_wait3A_403, %dma_wait3A_404] : memref<125x128xi32, #tpu.memory_space<vmem>> -> memref<1x128xi32, #tpu.memory_space<vmem>>
      %dma_wait3A_406 = tpu.memref_squeeze %dma_wait3A_405 : memref<1x128xi32, #tpu.memory_space<vmem>> -> memref<128xi32, #tpu.memory_space<vmem>>
      %dma_wait3A_407 = arith.constant 0 : i32
      %dma_wait3A_408 = arith.constant 0 : i32
      %dma_wait3A_409 = tpu.memref_slice %arg5[%dma_wait3A_407, %dma_wait3A_408] : memref<16000x64xf32, #tpu.memory_space<hbm>> -> memref<16000x64xf32, #tpu.memory_space<hbm>>
      tpu.wait_indirect_dma semaphore(%arg16 : memref<!tpu.dma_semaphore, #tpu.memory_space<semaphore_mem>>) src(%dma_wait3A_409 : memref<16000x64xf32, #tpu.memory_space<hbm>>) dst(%arg14 : memref<128x64xf32, #tpu.memory_space<vmem>>)
      %add3A_410 = arith.constant 3 : i32
      %add3A_411 = arith.addi %add3A_302, %add3A_410 : i32
      %dma_start3A_412 = arith.constant 0 : i32
      %dma_start3A_413 = tpu.memref_slice %arg10[%add3A_411, %dma_start3A_412] : memref<125x128xi32, #tpu.memory_space<vmem>> -> memref<1x128xi32, #tpu.memory_space<vmem>>
      %dma_start3A_414 = tpu.memref_squeeze %dma_start3A_413 : memref<1x128xi32, #tpu.memory_space<vmem>> -> memref<128xi32, #tpu.memory_space<vmem>>
      %dma_start3A_415 = arith.constant 0 : i32
      %dma_start3A_416 = arith.constant 0 : i32
      %dma_start3A_417 = tpu.memref_slice %arg15[%dma_start3A_415, %dma_start3A_416] : memref<16000x64xf32, #tpu.memory_space<vmem_shared>> -> memref<16000x64xf32, #tpu.memory_space<vmem_shared>>
      tpu.enqueue_indirect_dma source(%arg14 : memref<128x64xf32, #tpu.memory_space<vmem>>) target(%dma_start3A_417 : memref<16000x64xf32, #tpu.memory_space<vmem_shared>>) offsets(%dma_start3A_414 : memref<128xi32, #tpu.memory_space<vmem>>) semaphore(%arg17 : memref<!tpu.dma_semaphore, #tpu.memory_space<semaphore_mem>>) {add = true}
      %dma_wait3A_418 = arith.constant 0 : i32
      %dma_wait3A_419 = arith.constant 0 : i32
      %dma_wait3A_420 = tpu.memref_slice %arg10[%dma_wait3A_418, %dma_wait3A_419] : memref<125x128xi32, #tpu.memory_space<vmem>> -> memref<1x128xi32, #tpu.memory_space<vmem>>
      %dma_wait3A_421 = tpu.memref_squeeze %dma_wait3A_420 : memref<1x128xi32, #tpu.memory_space<vmem>> -> memref<128xi32, #tpu.memory_space<vmem>>
      %dma_wait3A_422 = arith.constant 0 : i32
      %dma_wait3A_423 = arith.constant 0 : i32
      %dma_wait3A_424 = tpu.memref_slice %arg15[%dma_wait3A_422, %dma_wait3A_423] : memref<16000x64xf32, #tpu.memory_space<vmem_shared>> -> memref<16000x64xf32, #tpu.memory_space<vmem_shared>>
      tpu.wait_indirect_dma semaphore(%arg17 : memref<!tpu.dma_semaphore, #tpu.memory_space<semaphore_mem>>) src(%arg11 : memref<128x64xf32, #tpu.memory_space<vmem>>) dst(%dma_wait3A_424 : memref<16000x64xf32, #tpu.memory_space<vmem_shared>>)
      %add3A_425 = arith.constant 6 : i32
      %add3A_426 = arith.addi %add3A_302, %add3A_425 : i32
      %eq3A_427 = arith.constant 0 : i32
      %eq3A_428 = arith.cmpi eq, %arg0, %eq3A_427 : i32
      %convert_element_type3A_429 = arith.extui %eq3A_428 : i1 to i32
      %cond3A_430 = arith.constant 0 : i32
      %cond3A_431 = arith.cmpi ne, %convert_element_type3A_429, %cond3A_430 : i32
      scf.if %cond3A_431 {
        %dma_start3A_437 = arith.constant 0 : i32
        %dma_start3A_438 = tpu.memref_slice %arg9[%add3A_426, %dma_start3A_437] : memref<125x128xi32, #tpu.memory_space<vmem>> -> memref<1x128xi32, #tpu.memory_space<vmem>>
        %dma_start3A_439 = tpu.memref_squeeze %dma_start3A_438 : memref<1x128xi32, #tpu.memory_space<vmem>> -> memref<128xi32, #tpu.memory_space<vmem>>
        %dma_start3A_440 = arith.constant 0 : i32
        %dma_start3A_441 = arith.constant 0 : i32
        %dma_start3A_442 = tpu.memref_slice %arg5[%dma_start3A_440, %dma_start3A_441] : memref<16000x64xf32, #tpu.memory_space<hbm>> -> memref<16000x64xf32, #tpu.memory_space<hbm>>
        tpu.enqueue_indirect_dma source(%dma_start3A_442 : memref<16000x64xf32, #tpu.memory_space<hbm>>) target(%arg13 : memref<128x64xf32, #tpu.memory_space<vmem>>) offsets(%dma_start3A_439 : memref<128xi32, #tpu.memory_space<vmem>>) semaphore(%arg16 : memref<!tpu.dma_semaphore, #tpu.memory_space<semaphore_mem>>)
      } else {
      }
      %eq3A_432 = arith.constant 1 : i32
      %eq3A_433 = arith.cmpi eq, %arg0, %eq3A_432 : i32
      %convert_element_type3A_434 = arith.extui %eq3A_433 : i1 to i32
      %cond3A_435 = arith.constant 0 : i32
      %cond3A_436 = arith.cmpi ne, %convert_element_type3A_434, %cond3A_435 : i32
      scf.if %cond3A_436 {
        %dma_start3A_437 = arith.constant 0 : i32
        %dma_start3A_438 = tpu.memref_slice %arg9[%add3A_426, %dma_start3A_437] : memref<125x128xi32, #tpu.memory_space<vmem>> -> memref<1x128xi32, #tpu.memory_space<vmem>>
        %dma_start3A_439 = tpu.memref_squeeze %dma_start3A_438 : memref<1x128xi32, #tpu.memory_space<vmem>> -> memref<128xi32, #tpu.memory_space<vmem>>
        %dma_start3A_440 = arith.constant 0 : i32
        %dma_start3A_441 = arith.constant 0 : i32
        %dma_start3A_442 = tpu.memref_slice %arg6[%dma_start3A_440, %dma_start3A_441] : memref<16000x64xf32, #tpu.memory_space<hbm>> -> memref<16000x64xf32, #tpu.memory_space<hbm>>
        tpu.enqueue_indirect_dma source(%dma_start3A_442 : memref<16000x64xf32, #tpu.memory_space<hbm>>) target(%arg13 : memref<128x64xf32, #tpu.memory_space<vmem>>) offsets(%dma_start3A_439 : memref<128xi32, #tpu.memory_space<vmem>>) semaphore(%arg16 : memref<!tpu.dma_semaphore, #tpu.memory_space<semaphore_mem>>)
      } else {
      }
    }
    %scan3A_150 = arith.constant 29 : i32
    %dma_wait3A_151 = arith.constant 0 : i32
    %dma_wait3A_152 = arith.constant 0 : i32
    %dma_wait3A_153 = tpu.memref_slice %arg9[%dma_wait3A_151, %dma_wait3A_152] : memref<125x128xi32, #tpu.memory_space<vmem>> -> memref<1x128xi32, #tpu.memory_space<vmem>>
    %dma_wait3A_154 = tpu.memref_squeeze %dma_wait3A_153 : memref<1x128xi32, #tpu.memory_space<vmem>> -> memref<128xi32, #tpu.memory_space<vmem>>
    %dma_wait3A_155 = arith.constant 0 : i32
    %dma_wait3A_156 = arith.constant 0 : i32
    %dma_wait3A_157 = tpu.memref_slice %arg5[%dma_wait3A_155, %dma_wait3A_156] : memref<16000x64xf32, #tpu.memory_space<hbm>> -> memref<16000x64xf32, #tpu.memory_space<hbm>>
    tpu.wait_indirect_dma semaphore(%arg16 : memref<!tpu.dma_semaphore, #tpu.memory_space<semaphore_mem>>) src(%dma_wait3A_157 : memref<16000x64xf32, #tpu.memory_space<hbm>>) dst(%arg11 : memref<128x64xf32, #tpu.memory_space<vmem>>)
    %dma_start3A_158 = arith.constant 120 : i32
    %dma_start3A_159 = arith.constant 0 : i32
    %dma_start3A_160 = tpu.memref_slice %arg10[%dma_start3A_158, %dma_start3A_159] : memref<125x128xi32, #tpu.memory_space<vmem>> -> memref<1x128xi32, #tpu.memory_space<vmem>>
    %dma_start3A_161 = tpu.memref_squeeze %dma_start3A_160 : memref<1x128xi32, #tpu.memory_space<vmem>> -> memref<128xi32, #tpu.memory_space<vmem>>
    %dma_start3A_162 = arith.constant 0 : i32
    %dma_start3A_163 = arith.constant 0 : i32
    %dma_start3A_164 = tpu.memref_slice %arg15[%dma_start3A_162, %dma_start3A_163] : memref<16000x64xf32, #tpu.memory_space<vmem_shared>> -> memref<16000x64xf32, #tpu.memory_space<vmem_shared>>
    tpu.enqueue_indirect_dma source(%arg11 : memref<128x64xf32, #tpu.memory_space<vmem>>) target(%dma_start3A_164 : memref<16000x64xf32, #tpu.memory_space<vmem_shared>>) offsets(%dma_start3A_161 : memref<128xi32, #tpu.memory_space<vmem>>) semaphore(%arg17 : memref<!tpu.dma_semaphore, #tpu.memory_space<semaphore_mem>>) {add = true}
    %dma_wait3A_165 = arith.constant 0 : i32
    %dma_wait3A_166 = arith.constant 0 : i32
    %dma_wait3A_167 = tpu.memref_slice %arg10[%dma_wait3A_165, %dma_wait3A_166] : memref<125x128xi32, #tpu.memory_space<vmem>> -> memref<1x128xi32, #tpu.memory_space<vmem>>
    %dma_wait3A_168 = tpu.memref_squeeze %dma_wait3A_167 : memref<1x128xi32, #tpu.memory_space<vmem>> -> memref<128xi32, #tpu.memory_space<vmem>>
    %dma_wait3A_169 = arith.constant 0 : i32
    %dma_wait3A_170 = arith.constant 0 : i32
    %dma_wait3A_171 = tpu.memref_slice %arg15[%dma_wait3A_169, %dma_wait3A_170] : memref<16000x64xf32, #tpu.memory_space<vmem_shared>> -> memref<16000x64xf32, #tpu.memory_space<vmem_shared>>
    tpu.wait_indirect_dma semaphore(%arg17 : memref<!tpu.dma_semaphore, #tpu.memory_space<semaphore_mem>>) src(%arg11 : memref<128x64xf32, #tpu.memory_space<vmem>>) dst(%dma_wait3A_171 : memref<16000x64xf32, #tpu.memory_space<vmem_shared>>)
    %eq3A_172 = arith.constant 0 : i32
    %eq3A_173 = arith.cmpi eq, %arg0, %eq3A_172 : i32
    %convert_element_type3A_174 = arith.extui %eq3A_173 : i1 to i32
    %cond3A_175 = arith.constant 0 : i32
    %cond3A_176 = arith.cmpi ne, %convert_element_type3A_174, %cond3A_175 : i32
    scf.if %cond3A_176 {
      %dma_start3A_295 = arith.constant 123 : i32
      %dma_start3A_296 = arith.constant 0 : i32
      %dma_start3A_297 = tpu.memref_slice %arg9[%dma_start3A_295, %dma_start3A_296] : memref<125x128xi32, #tpu.memory_space<vmem>> -> memref<1x128xi32, #tpu.memory_space<vmem>>
      %dma_start3A_298 = tpu.memref_squeeze %dma_start3A_297 : memref<1x128xi32, #tpu.memory_space<vmem>> -> memref<128xi32, #tpu.memory_space<vmem>>
      %dma_start3A_299 = arith.constant 0 : i32
      %dma_start3A_300 = arith.constant 0 : i32
      %dma_start3A_301 = tpu.memref_slice %arg5[%dma_start3A_299, %dma_start3A_300] : memref<16000x64xf32, #tpu.memory_space<hbm>> -> memref<16000x64xf32, #tpu.memory_space<hbm>>
      tpu.enqueue_indirect_dma source(%dma_start3A_301 : memref<16000x64xf32, #tpu.memory_space<hbm>>) target(%arg14 : memref<128x64xf32, #tpu.memory_space<vmem>>) offsets(%dma_start3A_298 : memref<128xi32, #tpu.memory_space<vmem>>) semaphore(%arg16 : memref<!tpu.dma_semaphore, #tpu.memory_space<semaphore_mem>>)
    } else {
    }
    %eq3A_177 = arith.constant 1 : i32
    %eq3A_178 = arith.cmpi eq, %arg0, %eq3A_177 : i32
    %convert_element_type3A_179 = arith.extui %eq3A_178 : i1 to i32
    %cond3A_180 = arith.constant 0 : i32
    %cond3A_181 = arith.cmpi ne, %convert_element_type3A_179, %cond3A_180 : i32
    scf.if %cond3A_181 {
      %dma_start3A_295 = arith.constant 123 : i32
      %dma_start3A_296 = arith.constant 0 : i32
      %dma_start3A_297 = tpu.memref_slice %arg9[%dma_start3A_295, %dma_start3A_296] : memref<125x128xi32, #tpu.memory_space<vmem>> -> memref<1x128xi32, #tpu.memory_space<vmem>>
      %dma_start3A_298 = tpu.memref_squeeze %dma_start3A_297 : memref<1x128xi32, #tpu.memory_space<vmem>> -> memref<128xi32, #tpu.memory_space<vmem>>
      %dma_start3A_299 = arith.constant 0 : i32
      %dma_start3A_300 = arith.constant 0 : i32
      %dma_start3A_301 = tpu.memref_slice %arg6[%dma_start3A_299, %dma_start3A_300] : memref<16000x64xf32, #tpu.memory_space<hbm>> -> memref<16000x64xf32, #tpu.memory_space<hbm>>
      tpu.enqueue_indirect_dma source(%dma_start3A_301 : memref<16000x64xf32, #tpu.memory_space<hbm>>) target(%arg14 : memref<128x64xf32, #tpu.memory_space<vmem>>) offsets(%dma_start3A_298 : memref<128xi32, #tpu.memory_space<vmem>>) semaphore(%arg16 : memref<!tpu.dma_semaphore, #tpu.memory_space<semaphore_mem>>)
    } else {
    }
    %dma_wait3A_182 = arith.constant 0 : i32
    %dma_wait3A_183 = arith.constant 0 : i32
    %dma_wait3A_184 = tpu.memref_slice %arg9[%dma_wait3A_182, %dma_wait3A_183] : memref<125x128xi32, #tpu.memory_space<vmem>> -> memref<1x128xi32, #tpu.memory_space<vmem>>
    %dma_wait3A_185 = tpu.memref_squeeze %dma_wait3A_184 : memref<1x128xi32, #tpu.memory_space<vmem>> -> memref<128xi32, #tpu.memory_space<vmem>>
    %dma_wait3A_186 = arith.constant 0 : i32
    %dma_wait3A_187 = arith.constant 0 : i32
    %dma_wait3A_188 = tpu.memref_slice %arg5[%dma_wait3A_186, %dma_wait3A_187] : memref<16000x64xf32, #tpu.memory_space<hbm>> -> memref<16000x64xf32, #tpu.memory_space<hbm>>
    tpu.wait_indirect_dma semaphore(%arg16 : memref<!tpu.dma_semaphore, #tpu.memory_space<semaphore_mem>>) src(%dma_wait3A_188 : memref<16000x64xf32, #tpu.memory_space<hbm>>) dst(%arg12 : memref<128x64xf32, #tpu.memory_space<vmem>>)
    %dma_start3A_189 = arith.constant 121 : i32
    %dma_start3A_190 = arith.constant 0 : i32
    %dma_start3A_191 = tpu.memref_slice %arg10[%dma_start3A_189, %dma_start3A_190] : memref<125x128xi32, #tpu.memory_space<vmem>> -> memref<1x128xi32, #tpu.memory_space<vmem>>
    %dma_start3A_192 = tpu.memref_squeeze %dma_start3A_191 : memref<1x128xi32, #tpu.memory_space<vmem>> -> memref<128xi32, #tpu.memory_space<vmem>>
    %dma_start3A_193 = arith.constant 0 : i32
    %dma_start3A_194 = arith.constant 0 : i32
    %dma_start3A_195 = tpu.memref_slice %arg15[%dma_start3A_193, %dma_start3A_194] : memref<16000x64xf32, #tpu.memory_space<vmem_shared>> -> memref<16000x64xf32, #tpu.memory_space<vmem_shared>>
    tpu.enqueue_indirect_dma source(%arg12 : memref<128x64xf32, #tpu.memory_space<vmem>>) target(%dma_start3A_195 : memref<16000x64xf32, #tpu.memory_space<vmem_shared>>) offsets(%dma_start3A_192 : memref<128xi32, #tpu.memory_space<vmem>>) semaphore(%arg17 : memref<!tpu.dma_semaphore, #tpu.memory_space<semaphore_mem>>) {add = true}
    %dma_wait3A_196 = arith.constant 0 : i32
    %dma_wait3A_197 = arith.constant 0 : i32
    %dma_wait3A_198 = tpu.memref_slice %arg10[%dma_wait3A_196, %dma_wait3A_197] : memref<125x128xi32, #tpu.memory_space<vmem>> -> memref<1x128xi32, #tpu.memory_space<vmem>>
    %dma_wait3A_199 = tpu.memref_squeeze %dma_wait3A_198 : memref<1x128xi32, #tpu.memory_space<vmem>> -> memref<128xi32, #tpu.memory_space<vmem>>
    %dma_wait3A_200 = arith.constant 0 : i32
    %dma_wait3A_201 = arith.constant 0 : i32
    %dma_wait3A_202 = tpu.memref_slice %arg15[%dma_wait3A_200, %dma_wait3A_201] : memref<16000x64xf32, #tpu.memory_space<vmem_shared>> -> memref<16000x64xf32, #tpu.memory_space<vmem_shared>>
    tpu.wait_indirect_dma semaphore(%arg17 : memref<!tpu.dma_semaphore, #tpu.memory_space<semaphore_mem>>) src(%arg11 : memref<128x64xf32, #tpu.memory_space<vmem>>) dst(%dma_wait3A_202 : memref<16000x64xf32, #tpu.memory_space<vmem_shared>>)
    %eq3A_203 = arith.constant 0 : i32
    %eq3A_204 = arith.cmpi eq, %arg0, %eq3A_203 : i32
    %convert_element_type3A_205 = arith.extui %eq3A_204 : i1 to i32
    %cond3A_206 = arith.constant 0 : i32
    %cond3A_207 = arith.cmpi ne, %convert_element_type3A_205, %cond3A_206 : i32
    scf.if %cond3A_207 {
      %dma_start3A_295 = arith.constant 124 : i32
      %dma_start3A_296 = arith.constant 0 : i32
      %dma_start3A_297 = tpu.memref_slice %arg9[%dma_start3A_295, %dma_start3A_296] : memref<125x128xi32, #tpu.memory_space<vmem>> -> memref<1x128xi32, #tpu.memory_space<vmem>>
      %dma_start3A_298 = tpu.memref_squeeze %dma_start3A_297 : memref<1x128xi32, #tpu.memory_space<vmem>> -> memref<128xi32, #tpu.memory_space<vmem>>
      %dma_start3A_299 = arith.constant 0 : i32
      %dma_start3A_300 = arith.constant 0 : i32
      %dma_start3A_301 = tpu.memref_slice %arg5[%dma_start3A_299, %dma_start3A_300] : memref<16000x64xf32, #tpu.memory_space<hbm>> -> memref<16000x64xf32, #tpu.memory_space<hbm>>
      tpu.enqueue_indirect_dma source(%dma_start3A_301 : memref<16000x64xf32, #tpu.memory_space<hbm>>) target(%arg11 : memref<128x64xf32, #tpu.memory_space<vmem>>) offsets(%dma_start3A_298 : memref<128xi32, #tpu.memory_space<vmem>>) semaphore(%arg16 : memref<!tpu.dma_semaphore, #tpu.memory_space<semaphore_mem>>)
    } else {
    }
    %eq3A_208 = arith.constant 1 : i32
    %eq3A_209 = arith.cmpi eq, %arg0, %eq3A_208 : i32
    %convert_element_type3A_210 = arith.extui %eq3A_209 : i1 to i32
    %cond3A_211 = arith.constant 0 : i32
    %cond3A_212 = arith.cmpi ne, %convert_element_type3A_210, %cond3A_211 : i32
    scf.if %cond3A_212 {
      %dma_start3A_295 = arith.constant 124 : i32
      %dma_start3A_296 = arith.constant 0 : i32
      %dma_start3A_297 = tpu.memref_slice %arg9[%dma_start3A_295, %dma_start3A_296] : memref<125x128xi32, #tpu.memory_space<vmem>> -> memref<1x128xi32, #tpu.memory_space<vmem>>
      %dma_start3A_298 = tpu.memref_squeeze %dma_start3A_297 : memref<1x128xi32, #tpu.memory_space<vmem>> -> memref<128xi32, #tpu.memory_space<vmem>>
      %dma_start3A_299 = arith.constant 0 : i32
      %dma_start3A_300 = arith.constant 0 : i32
      %dma_start3A_301 = tpu.memref_slice %arg6[%dma_start3A_299, %dma_start3A_300] : memref<16000x64xf32, #tpu.memory_space<hbm>> -> memref<16000x64xf32, #tpu.memory_space<hbm>>
      tpu.enqueue_indirect_dma source(%dma_start3A_301 : memref<16000x64xf32, #tpu.memory_space<hbm>>) target(%arg11 : memref<128x64xf32, #tpu.memory_space<vmem>>) offsets(%dma_start3A_298 : memref<128xi32, #tpu.memory_space<vmem>>) semaphore(%arg16 : memref<!tpu.dma_semaphore, #tpu.memory_space<semaphore_mem>>)
    } else {
    }
    %dma_wait3A_213 = arith.constant 0 : i32
    %dma_wait3A_214 = arith.constant 0 : i32
    %dma_wait3A_215 = tpu.memref_slice %arg9[%dma_wait3A_213, %dma_wait3A_214] : memref<125x128xi32, #tpu.memory_space<vmem>> -> memref<1x128xi32, #tpu.memory_space<vmem>>
    %dma_wait3A_216 = tpu.memref_squeeze %dma_wait3A_215 : memref<1x128xi32, #tpu.memory_space<vmem>> -> memref<128xi32, #tpu.memory_space<vmem>>
    %dma_wait3A_217 = arith.constant 0 : i32
    %dma_wait3A_218 = arith.constant 0 : i32
    %dma_wait3A_219 = tpu.memref_slice %arg5[%dma_wait3A_217, %dma_wait3A_218] : memref<16000x64xf32, #tpu.memory_space<hbm>> -> memref<16000x64xf32, #tpu.memory_space<hbm>>
    tpu.wait_indirect_dma semaphore(%arg16 : memref<!tpu.dma_semaphore, #tpu.memory_space<semaphore_mem>>) src(%dma_wait3A_219 : memref<16000x64xf32, #tpu.memory_space<hbm>>) dst(%arg13 : memref<128x64xf32, #tpu.memory_space<vmem>>)
    %dma_start3A_220 = arith.constant 122 : i32
    %dma_start3A_221 = arith.constant 0 : i32
    %dma_start3A_222 = tpu.memref_slice %arg10[%dma_start3A_220, %dma_start3A_221] : memref<125x128xi32, #tpu.memory_space<vmem>> -> memref<1x128xi32, #tpu.memory_space<vmem>>
    %dma_start3A_223 = tpu.memref_squeeze %dma_start3A_222 : memref<1x128xi32, #tpu.memory_space<vmem>> -> memref<128xi32, #tpu.memory_space<vmem>>
    %dma_start3A_224 = arith.constant 0 : i32
    %dma_start3A_225 = arith.constant 0 : i32
    %dma_start3A_226 = tpu.memref_slice %arg15[%dma_start3A_224, %dma_start3A_225] : memref<16000x64xf32, #tpu.memory_space<vmem_shared>> -> memref<16000x64xf32, #tpu.memory_space<vmem_shared>>
    tpu.enqueue_indirect_dma source(%arg13 : memref<128x64xf32, #tpu.memory_space<vmem>>) target(%dma_start3A_226 : memref<16000x64xf32, #tpu.memory_space<vmem_shared>>) offsets(%dma_start3A_223 : memref<128xi32, #tpu.memory_space<vmem>>) semaphore(%arg17 : memref<!tpu.dma_semaphore, #tpu.memory_space<semaphore_mem>>) {add = true}
    %dma_wait3A_227 = arith.constant 0 : i32
    %dma_wait3A_228 = arith.constant 0 : i32
    %dma_wait3A_229 = tpu.memref_slice %arg10[%dma_wait3A_227, %dma_wait3A_228] : memref<125x128xi32, #tpu.memory_space<vmem>> -> memref<1x128xi32, #tpu.memory_space<vmem>>
    %dma_wait3A_230 = tpu.memref_squeeze %dma_wait3A_229 : memref<1x128xi32, #tpu.memory_space<vmem>> -> memref<128xi32, #tpu.memory_space<vmem>>
    %dma_wait3A_231 = arith.constant 0 : i32
    %dma_wait3A_232 = arith.constant 0 : i32
    %dma_wait3A_233 = tpu.memref_slice %arg15[%dma_wait3A_231, %dma_wait3A_232] : memref<16000x64xf32, #tpu.memory_space<vmem_shared>> -> memref<16000x64xf32, #tpu.memory_space<vmem_shared>>
    tpu.wait_indirect_dma semaphore(%arg17 : memref<!tpu.dma_semaphore, #tpu.memory_space<semaphore_mem>>) src(%arg11 : memref<128x64xf32, #tpu.memory_space<vmem>>) dst(%dma_wait3A_233 : memref<16000x64xf32, #tpu.memory_space<vmem_shared>>)
    %dma_wait3A_234 = arith.constant 0 : i32
    %dma_wait3A_235 = arith.constant 0 : i32
    %dma_wait3A_236 = tpu.memref_slice %arg9[%dma_wait3A_234, %dma_wait3A_235] : memref<125x128xi32, #tpu.memory_space<vmem>> -> memref<1x128xi32, #tpu.memory_space<vmem>>
    %dma_wait3A_237 = tpu.memref_squeeze %dma_wait3A_236 : memref<1x128xi32, #tpu.memory_space<vmem>> -> memref<128xi32, #tpu.memory_space<vmem>>
    %dma_wait3A_238 = arith.constant 0 : i32
    %dma_wait3A_239 = arith.constant 0 : i32
    %dma_wait3A_240 = tpu.memref_slice %arg5[%dma_wait3A_238, %dma_wait3A_239] : memref<16000x64xf32, #tpu.memory_space<hbm>> -> memref<16000x64xf32, #tpu.memory_space<hbm>>
    tpu.wait_indirect_dma semaphore(%arg16 : memref<!tpu.dma_semaphore, #tpu.memory_space<semaphore_mem>>) src(%dma_wait3A_240 : memref<16000x64xf32, #tpu.memory_space<hbm>>) dst(%arg14 : memref<128x64xf32, #tpu.memory_space<vmem>>)
    %dma_start3A_241 = arith.constant 123 : i32
    %dma_start3A_242 = arith.constant 0 : i32
    %dma_start3A_243 = tpu.memref_slice %arg10[%dma_start3A_241, %dma_start3A_242] : memref<125x128xi32, #tpu.memory_space<vmem>> -> memref<1x128xi32, #tpu.memory_space<vmem>>
    %dma_start3A_244 = tpu.memref_squeeze %dma_start3A_243 : memref<1x128xi32, #tpu.memory_space<vmem>> -> memref<128xi32, #tpu.memory_space<vmem>>
    %dma_start3A_245 = arith.constant 0 : i32
    %dma_start3A_246 = arith.constant 0 : i32
    %dma_start3A_247 = tpu.memref_slice %arg15[%dma_start3A_245, %dma_start3A_246] : memref<16000x64xf32, #tpu.memory_space<vmem_shared>> -> memref<16000x64xf32, #tpu.memory_space<vmem_shared>>
    tpu.enqueue_indirect_dma source(%arg14 : memref<128x64xf32, #tpu.memory_space<vmem>>) target(%dma_start3A_247 : memref<16000x64xf32, #tpu.memory_space<vmem_shared>>) offsets(%dma_start3A_244 : memref<128xi32, #tpu.memory_space<vmem>>) semaphore(%arg17 : memref<!tpu.dma_semaphore, #tpu.memory_space<semaphore_mem>>) {add = true}
    %dma_wait3A_248 = arith.constant 0 : i32
    %dma_wait3A_249 = arith.constant 0 : i32
    %dma_wait3A_250 = tpu.memref_slice %arg10[%dma_wait3A_248, %dma_wait3A_249] : memref<125x128xi32, #tpu.memory_space<vmem>> -> memref<1x128xi32, #tpu.memory_space<vmem>>
    %dma_wait3A_251 = tpu.memref_squeeze %dma_wait3A_250 : memref<1x128xi32, #tpu.memory_space<vmem>> -> memref<128xi32, #tpu.memory_space<vmem>>
    %dma_wait3A_252 = arith.constant 0 : i32
    %dma_wait3A_253 = arith.constant 0 : i32
    %dma_wait3A_254 = tpu.memref_slice %arg15[%dma_wait3A_252, %dma_wait3A_253] : memref<16000x64xf32, #tpu.memory_space<vmem_shared>> -> memref<16000x64xf32, #tpu.memory_space<vmem_shared>>
    tpu.wait_indirect_dma semaphore(%arg17 : memref<!tpu.dma_semaphore, #tpu.memory_space<semaphore_mem>>) src(%arg11 : memref<128x64xf32, #tpu.memory_space<vmem>>) dst(%dma_wait3A_254 : memref<16000x64xf32, #tpu.memory_space<vmem_shared>>)
    %dma_wait3A_255 = arith.constant 0 : i32
    %dma_wait3A_256 = arith.constant 0 : i32
    %dma_wait3A_257 = tpu.memref_slice %arg9[%dma_wait3A_255, %dma_wait3A_256] : memref<125x128xi32, #tpu.memory_space<vmem>> -> memref<1x128xi32, #tpu.memory_space<vmem>>
    %dma_wait3A_258 = tpu.memref_squeeze %dma_wait3A_257 : memref<1x128xi32, #tpu.memory_space<vmem>> -> memref<128xi32, #tpu.memory_space<vmem>>
    %dma_wait3A_259 = arith.constant 0 : i32
    %dma_wait3A_260 = arith.constant 0 : i32
    %dma_wait3A_261 = tpu.memref_slice %arg5[%dma_wait3A_259, %dma_wait3A_260] : memref<16000x64xf32, #tpu.memory_space<hbm>> -> memref<16000x64xf32, #tpu.memory_space<hbm>>
    tpu.wait_indirect_dma semaphore(%arg16 : memref<!tpu.dma_semaphore, #tpu.memory_space<semaphore_mem>>) src(%dma_wait3A_261 : memref<16000x64xf32, #tpu.memory_space<hbm>>) dst(%arg11 : memref<128x64xf32, #tpu.memory_space<vmem>>)
    %dma_start3A_262 = arith.constant 124 : i32
    %dma_start3A_263 = arith.constant 0 : i32
    %dma_start3A_264 = tpu.memref_slice %arg10[%dma_start3A_262, %dma_start3A_263] : memref<125x128xi32, #tpu.memory_space<vmem>> -> memref<1x128xi32, #tpu.memory_space<vmem>>
    %dma_start3A_265 = tpu.memref_squeeze %dma_start3A_264 : memref<1x128xi32, #tpu.memory_space<vmem>> -> memref<128xi32, #tpu.memory_space<vmem>>
    %dma_start3A_266 = arith.constant 0 : i32
    %dma_start3A_267 = arith.constant 0 : i32
    %dma_start3A_268 = tpu.memref_slice %arg15[%dma_start3A_266, %dma_start3A_267] : memref<16000x64xf32, #tpu.memory_space<vmem_shared>> -> memref<16000x64xf32, #tpu.memory_space<vmem_shared>>
    tpu.enqueue_indirect_dma source(%arg11 : memref<128x64xf32, #tpu.memory_space<vmem>>) target(%dma_start3A_268 : memref<16000x64xf32, #tpu.memory_space<vmem_shared>>) offsets(%dma_start3A_265 : memref<128xi32, #tpu.memory_space<vmem>>) semaphore(%arg17 : memref<!tpu.dma_semaphore, #tpu.memory_space<semaphore_mem>>) {add = true}
    %dma_wait3A_269 = arith.constant 0 : i32
    %dma_wait3A_270 = arith.constant 0 : i32
    %dma_wait3A_271 = tpu.memref_slice %arg10[%dma_wait3A_269, %dma_wait3A_270] : memref<125x128xi32, #tpu.memory_space<vmem>> -> memref<1x128xi32, #tpu.memory_space<vmem>>
    %dma_wait3A_272 = tpu.memref_squeeze %dma_wait3A_271 : memref<1x128xi32, #tpu.memory_space<vmem>> -> memref<128xi32, #tpu.memory_space<vmem>>
    %dma_wait3A_273 = arith.constant 0 : i32
    %dma_wait3A_274 = arith.constant 0 : i32
    %dma_wait3A_275 = tpu.memref_slice %arg15[%dma_wait3A_273, %dma_wait3A_274] : memref<16000x64xf32, #tpu.memory_space<vmem_shared>> -> memref<16000x64xf32, #tpu.memory_space<vmem_shared>>
    tpu.wait_indirect_dma semaphore(%arg17 : memref<!tpu.dma_semaphore, #tpu.memory_space<semaphore_mem>>) src(%arg11 : memref<128x64xf32, #tpu.memory_space<vmem>>) dst(%dma_wait3A_275 : memref<16000x64xf32, #tpu.memory_space<vmem_shared>>)
    %dma_wait3A_276 = arith.constant 0 : i32
    %dma_wait3A_277 = arith.constant 0 : i32
    %dma_wait3A_278 = tpu.memref_slice %arg10[%dma_wait3A_276, %dma_wait3A_277] : memref<125x128xi32, #tpu.memory_space<vmem>> -> memref<1x128xi32, #tpu.memory_space<vmem>>
    %dma_wait3A_279 = tpu.memref_squeeze %dma_wait3A_278 : memref<1x128xi32, #tpu.memory_space<vmem>> -> memref<128xi32, #tpu.memory_space<vmem>>
    %dma_wait3A_280 = arith.constant 0 : i32
    %dma_wait3A_281 = arith.constant 0 : i32
    %dma_wait3A_282 = tpu.memref_slice %arg15[%dma_wait3A_280, %dma_wait3A_281] : memref<16000x64xf32, #tpu.memory_space<vmem_shared>> -> memref<16000x64xf32, #tpu.memory_space<vmem_shared>>
    tpu.wait_indirect_dma semaphore(%arg17 : memref<!tpu.dma_semaphore, #tpu.memory_space<semaphore_mem>>) src(%arg11 : memref<128x64xf32, #tpu.memory_space<vmem>>) dst(%dma_wait3A_282 : memref<16000x64xf32, #tpu.memory_space<vmem_shared>>)
    %barrier3A_283 = arith.constant 0 : index
    tpu.barrier barrier_id(%barrier3A_283)
    %eq3A_284 = arith.constant 0 : i32
    %eq3A_285 = arith.cmpi eq, %arg0, %eq3A_284 : i32
    %convert_element_type3A_286 = arith.extui %eq3A_285 : i1 to i32
    %cond3A_287 = arith.constant 0 : i32
    %cond3A_288 = arith.cmpi ne, %convert_element_type3A_286, %cond3A_287 : i32
    scf.if %cond3A_288 {
      "tpu.region"() ({
        %run_scoped3A = tpu.sem_alloc : memref<!tpu.dma_semaphore, #tpu.memory_space<semaphore_mem>>
        %dma_start3A_295 = arith.constant 0 : i32
        %dma_start3A_296 = tpu.memref_slice %arg7[%mul3A_4, %dma_start3A_295] : memref<16000x64xf32, #tpu.memory_space<hbm>> -> memref<1000x64xf32, #tpu.memory_space<hbm>>
        %dma_start3A_297 = arith.constant 0 : i32
        %dma_start3A_298 = tpu.memref_slice %arg15[%mul3A_4, %dma_start3A_297] : memref<16000x64xf32, #tpu.memory_space<vmem_shared>> -> memref<1000x64xf32, #tpu.memory_space<vmem_shared>>
        tpu.enqueue_dma source(%dma_start3A_298 : memref<1000x64xf32, #tpu.memory_space<vmem_shared>>) target(%dma_start3A_296 : memref<1000x64xf32, #tpu.memory_space<hbm>>) target_semaphore(%run_scoped3A : memref<!tpu.dma_semaphore, #tpu.memory_space<semaphore_mem>>)
        %dma_wait3A_299 = arith.constant 0 : i32
        %dma_wait3A_300 = tpu.memref_slice %arg7[%mul3A_4, %dma_wait3A_299] : memref<16000x64xf32, #tpu.memory_space<hbm>> -> memref<1000x64xf32, #tpu.memory_space<hbm>>
        %dma_wait3A_301 = arith.constant 0 : i32
        %dma_wait3A_302 = tpu.memref_slice %arg15[%mul3A_4, %dma_wait3A_301] : memref<16000x64xf32, #tpu.memory_space<vmem_shared>> -> memref<1000x64xf32, #tpu.memory_space<vmem_shared>>
        tpu.wait_dma2 semaphore(%run_scoped3A : memref<!tpu.dma_semaphore, #tpu.memory_space<semaphore_mem>>) src(%dma_wait3A_302 : memref<1000x64xf32, #tpu.memory_space<vmem_shared>>) dst(%dma_wait3A_300 : memref<1000x64xf32, #tpu.memory_space<hbm>>)
        tpu.yield
      }) : () -> ()
    } else {
    }
    %eq3A_289 = arith.constant 1 : i32
    %eq3A_290 = arith.cmpi eq, %arg0, %eq3A_289 : i32
    %convert_element_type3A_291 = arith.extui %eq3A_290 : i1 to i32
    %cond3A_292 = arith.constant 0 : i32
    %cond3A_293 = arith.cmpi ne, %convert_element_type3A_291, %cond3A_292 : i32
    scf.if %cond3A_293 {
      "tpu.region"() ({
        %run_scoped3A = tpu.sem_alloc : memref<!tpu.dma_semaphore, #tpu.memory_space<semaphore_mem>>
        %dma_start3A_295 = arith.constant 0 : i32
        %dma_start3A_296 = tpu.memref_slice %arg8[%mul3A_4, %dma_start3A_295] : memref<16000x64xf32, #tpu.memory_space<hbm>> -> memref<1000x64xf32, #tpu.memory_space<hbm>>
        %dma_start3A_297 = arith.constant 0 : i32
        %dma_start3A_298 = tpu.memref_slice %arg15[%mul3A_4, %dma_start3A_297] : memref<16000x64xf32, #tpu.memory_space<vmem_shared>> -> memref<1000x64xf32, #tpu.memory_space<vmem_shared>>
        tpu.enqueue_dma source(%dma_start3A_298 : memref<1000x64xf32, #tpu.memory_space<vmem_shared>>) target(%dma_start3A_296 : memref<1000x64xf32, #tpu.memory_space<hbm>>) target_semaphore(%run_scoped3A : memref<!tpu.dma_semaphore, #tpu.memory_space<semaphore_mem>>)
        %dma_wait3A_299 = arith.constant 0 : i32
        %dma_wait3A_300 = tpu.memref_slice %arg8[%mul3A_4, %dma_wait3A_299] : memref<16000x64xf32, #tpu.memory_space<hbm>> -> memref<1000x64xf32, #tpu.memory_space<hbm>>
        %dma_wait3A_301 = arith.constant 0 : i32
        %dma_wait3A_302 = tpu.memref_slice %arg15[%mul3A_4, %dma_wait3A_301] : memref<16000x64xf32, #tpu.memory_space<vmem_shared>> -> memref<1000x64xf32, #tpu.memory_space<vmem_shared>>
        tpu.wait_dma2 semaphore(%run_scoped3A : memref<!tpu.dma_semaphore, #tpu.memory_space<semaphore_mem>>) src(%dma_wait3A_302 : memref<1000x64xf32, #tpu.memory_space<vmem_shared>>) dst(%dma_wait3A_300 : memref<1000x64xf32, #tpu.memory_space<hbm>>)
        tpu.yield
      }) : () -> ()
    } else {
    }
    %barrier3A_294 = arith.constant 0 : index
    tpu.barrier barrier_id(%barrier3A_294)
    return
  }
}

module attributes {stable_mosaic.version = 14 : i64} {
  func.func @_gc1_body(%arg0: i32, %arg1: memref<1000x64xf32, #tpu.memory_space<vmem>>, %arg2: memref<1000x64xf32, #tpu.memory_space<vmem>>, %arg3: memref<1000x128xf32, #tpu.memory_space<vmem>>, %arg4: memref<128x256xf32, #tpu.memory_space<vmem>>, %arg5: memref<128x256xf32, #tpu.memory_space<vmem>>, %arg6: memref<1x256xf32, #tpu.memory_space<vmem>>, %arg7: memref<1000x256xf32, #tpu.memory_space<vmem>>, %arg8: memref<1000x64xf32, #tpu.memory_space<vmem>>, %arg9: memref<1000x64xf32, #tpu.memory_space<vmem>>, %arg10: memref<1000x64xf32, #tpu.memory_space<vmem>>, %arg11: memref<1000x64xf32, #tpu.memory_space<vmem>>) attributes {dimension_semantics = [#tpu.dimension_semantics<arbitrary>], iteration_bounds = array<i64: 16>, scalar_prefetch = 0 : i64, scratch_operands = 0 : i64, tpu.core_type = #tpu.core_type<tc>, window_params = [{transform_indices = @transform_0, window_bounds = array<i64: 1000, 64>}, {transform_indices = @transform_1, window_bounds = array<i64: 1000, 64>}, {transform_indices = @transform_2, window_bounds = array<i64: 1000, 128>}, {pipeline_mode = #tpu.pipeline_mode<synchronous>, transform_indices = @transform_3, window_bounds = array<i64: 128, 256>}, {pipeline_mode = #tpu.pipeline_mode<synchronous>, transform_indices = @transform_4, window_bounds = array<i64: 128, 256>}, {pipeline_mode = #tpu.pipeline_mode<synchronous>, transform_indices = @transform_5, window_bounds = array<i64: 1, 256>}, {transform_indices = @transform_6, window_bounds = array<i64: 1000, 256>}, {transform_indices = @transform_7, window_bounds = array<i64: 1000, 64>}, {transform_indices = @transform_8, window_bounds = array<i64: 1000, 64>}, {transform_indices = @transform_9, window_bounds = array<i64: 1000, 64>}, {transform_indices = @transform_10, window_bounds = array<i64: 1000, 64>}]} {
    %get3A = arith.constant 0 : index
    %get3A_0 = arith.constant 0 : index
    %get3A_1 = vector.load %arg1[%get3A, %get3A_0] : memref<1000x64xf32, #tpu.memory_space<vmem>>, vector<1000x64xf32>
    %get3A_2 = arith.constant 0 : index
    %get3A_3 = arith.constant 0 : index
    %get3A_4 = vector.load %arg2[%get3A_2, %get3A_3] : memref<1000x64xf32, #tpu.memory_space<vmem>>, vector<1000x64xf32>
    %concatenate3A = tpu.concatenate %get3A_1, %get3A_4 in 1 : vector<1000x64xf32>, vector<1000x64xf32> -> vector<1000x128xf32>
    %get3A_5 = arith.constant 0 : index
    %get3A_6 = arith.constant 0 : index
    %get3A_7 = vector.load %arg4[%get3A_5, %get3A_6] : memref<128x256xf32, #tpu.memory_space<vmem>>, vector<128x256xf32>
    %dot_general3A = arith.constant dense<0.000000e+00> : vector<1000x256xf32>
    %dot_general3A_8 = tpu.matmul %concatenate3A, %get3A_7, %dot_general3A {dimension_numbers = #tpu.dot_dimension_numbers<[1], [0], [0], [1], [0, 0, 1, 1], [], []>, transpose_lhs_hint = false} : vector<1000x128xf32>, vector<128x256xf32>, vector<1000x256xf32> -> vector<1000x256xf32>
    %get3A_9 = arith.constant 0 : index
    %get3A_10 = arith.constant 0 : index
    %get3A_11 = vector.load %arg3[%get3A_9, %get3A_10] : memref<1000x128xf32, #tpu.memory_space<vmem>>, vector<1000x128xf32>
    %get3A_12 = arith.constant 0 : index
    %get3A_13 = arith.constant 0 : index
    %get3A_14 = vector.load %arg5[%get3A_12, %get3A_13] : memref<128x256xf32, #tpu.memory_space<vmem>>, vector<128x256xf32>
    %dot_general3A_15 = arith.constant dense<0.000000e+00> : vector<1000x256xf32>
    %dot_general3A_16 = tpu.matmul %get3A_11, %get3A_14, %dot_general3A_15 {dimension_numbers = #tpu.dot_dimension_numbers<[1], [0], [0], [1], [0, 0, 1, 1], [], []>, transpose_lhs_hint = false} : vector<1000x128xf32>, vector<128x256xf32>, vector<1000x256xf32> -> vector<1000x256xf32>
    %add3A = arith.addf %dot_general3A_8, %dot_general3A_16 : vector<1000x256xf32>
    %get3A_17 = arith.constant 0 : index
    %get3A_18 = arith.constant 0 : index
    %get3A_19 = vector.load %arg6[%get3A_17, %get3A_18] : memref<1x256xf32, #tpu.memory_space<vmem>>, vector<1x256xf32>
    %add3A_20 = vector.broadcast %get3A_19 : vector<1x256xf32> to vector<1000x256xf32>
    %add3A_21 = arith.addf %add3A, %add3A_20 : vector<1000x256xf32>
    %max3A = arith.constant 0.000000e+00 : f32
    %max3A_22 = vector.broadcast %max3A : f32 to vector<1000x256xf32>
    %max3A_23 = arith.maximumf %add3A_21, %max3A_22 : vector<1000x256xf32>
    %swap3A = arith.constant 0 : index
    %swap3A_24 = arith.constant 0 : index
    %swap3A_25 = vector.load %arg7[%swap3A, %swap3A_24] : memref<1000x256xf32, #tpu.memory_space<vmem>>, vector<1000x256xf32>
    tpu.vector_store %arg7[%swap3A, %swap3A_24], %max3A_23 {strides = array<i32>} : memref<1000x256xf32, #tpu.memory_space<vmem>>, vector<1000x256xf32>,
    %slice3A = vector.extract_strided_slice %max3A_23 {offsets = [0, 0], sizes = [1000, 64], strides = [1, 1]} : vector<1000x256xf32> to vector<1000x64xf32>
    %swap3A_26 = arith.constant 0 : index
    %swap3A_27 = arith.constant 0 : index
    %swap3A_28 = vector.load %arg8[%swap3A_26, %swap3A_27] : memref<1000x64xf32, #tpu.memory_space<vmem>>, vector<1000x64xf32>
    tpu.vector_store %arg8[%swap3A_26, %swap3A_27], %slice3A {strides = array<i32>} : memref<1000x64xf32, #tpu.memory_space<vmem>>, vector<1000x64xf32>,
    %slice3A_29 = vector.extract_strided_slice %max3A_23 {offsets = [0, 64], sizes = [1000, 64], strides = [1, 1]} : vector<1000x256xf32> to vector<1000x64xf32>
    %swap3A_30 = arith.constant 0 : index
    %swap3A_31 = arith.constant 0 : index
    %swap3A_32 = vector.load %arg9[%swap3A_30, %swap3A_31] : memref<1000x64xf32, #tpu.memory_space<vmem>>, vector<1000x64xf32>
    tpu.vector_store %arg9[%swap3A_30, %swap3A_31], %slice3A_29 {strides = array<i32>} : memref<1000x64xf32, #tpu.memory_space<vmem>>, vector<1000x64xf32>,
    %slice3A_33 = vector.extract_strided_slice %max3A_23 {offsets = [0, 128], sizes = [1000, 64], strides = [1, 1]} : vector<1000x256xf32> to vector<1000x64xf32>
    %swap3A_34 = arith.constant 0 : index
    %swap3A_35 = arith.constant 0 : index
    %swap3A_36 = vector.load %arg10[%swap3A_34, %swap3A_35] : memref<1000x64xf32, #tpu.memory_space<vmem>>, vector<1000x64xf32>
    tpu.vector_store %arg10[%swap3A_34, %swap3A_35], %slice3A_33 {strides = array<i32>} : memref<1000x64xf32, #tpu.memory_space<vmem>>, vector<1000x64xf32>,
    %slice3A_37 = vector.extract_strided_slice %max3A_23 {offsets = [0, 192], sizes = [1000, 64], strides = [1, 1]} : vector<1000x256xf32> to vector<1000x64xf32>
    %swap3A_38 = arith.constant 0 : index
    %swap3A_39 = arith.constant 0 : index
    %swap3A_40 = vector.load %arg11[%swap3A_38, %swap3A_39] : memref<1000x64xf32, #tpu.memory_space<vmem>>, vector<1000x64xf32>
    tpu.vector_store %arg11[%swap3A_38, %swap3A_39], %slice3A_37 {strides = array<i32>} : memref<1000x64xf32, #tpu.memory_space<vmem>>, vector<1000x64xf32>,
    return
  }
  func.func @transform_0(%arg0: i32) -> (i32, i32) {
    %c0_i32 = arith.constant 0 : i32
    %c0_i32_0 = arith.constant 0 : i32
    return %arg0, %c0_i32 : i32, i32
  }
  func.func @transform_1(%arg0: i32) -> (i32, i32) {
    %c0_i32 = arith.constant 0 : i32
    %c0_i32_0 = arith.constant 0 : i32
    return %arg0, %c0_i32 : i32, i32
  }
  func.func @transform_2(%arg0: i32) -> (i32, i32) {
    %c0_i32 = arith.constant 0 : i32
    %c0_i32_0 = arith.constant 0 : i32
    return %arg0, %c0_i32 : i32, i32
  }
  func.func @transform_3(%arg0: i32) -> (i32, i32) {
    %c0_i32 = arith.constant 0 : i32
    %c0_i32_0 = arith.constant 0 : i32
    %c0_i32_1 = arith.constant 0 : i32
    return %c0_i32, %c0_i32_0 : i32, i32
  }
  func.func @transform_4(%arg0: i32) -> (i32, i32) {
    %c0_i32 = arith.constant 0 : i32
    %c0_i32_0 = arith.constant 0 : i32
    %c0_i32_1 = arith.constant 0 : i32
    return %c0_i32, %c0_i32_0 : i32, i32
  }
  func.func @transform_5(%arg0: i32) -> (i32, i32) {
    %c0_i32 = arith.constant 0 : i32
    %c0_i32_0 = arith.constant 0 : i32
    %c0_i32_1 = arith.constant 0 : i32
    return %c0_i32, %c0_i32_0 : i32, i32
  }
  func.func @transform_6(%arg0: i32) -> (i32, i32) {
    %c0_i32 = arith.constant 0 : i32
    %c0_i32_0 = arith.constant 0 : i32
    return %arg0, %c0_i32 : i32, i32
  }
  func.func @transform_7(%arg0: i32) -> (i32, i32) {
    %c0_i32 = arith.constant 0 : i32
    %c0_i32_0 = arith.constant 0 : i32
    return %arg0, %c0_i32 : i32, i32
  }
  func.func @transform_8(%arg0: i32) -> (i32, i32) {
    %c0_i32 = arith.constant 0 : i32
    %c0_i32_0 = arith.constant 0 : i32
    return %arg0, %c0_i32 : i32, i32
  }
  func.func @transform_9(%arg0: i32) -> (i32, i32) {
    %c0_i32 = arith.constant 0 : i32
    %c0_i32_0 = arith.constant 0 : i32
    return %arg0, %c0_i32 : i32, i32
  }
  func.func @transform_10(%arg0: i32) -> (i32, i32) {
    %c0_i32 = arith.constant 0 : i32
    %c0_i32_0 = arith.constant 0 : i32
    return %arg0, %c0_i32 : i32, i32
  }
}

module attributes {stable_mosaic.version = 14 : i64} {
  func.func @_gc2_heads_body(%arg0: i32, %arg1: memref<16x40x64xf32, #tpu.memory_space<vmem>>, %arg2: memref<16x40x64xf32, #tpu.memory_space<vmem>>, %arg3: memref<16x40x64xf32, #tpu.memory_space<vmem>>, %arg4: memref<16x40x64xf32, #tpu.memory_space<vmem>>, %arg5: memref<16x40x256xf32, #tpu.memory_space<vmem>>, %arg6: memref<256x256xf32, #tpu.memory_space<vmem>>, %arg7: memref<256x256xf32, #tpu.memory_space<vmem>>, %arg8: memref<1x256xf32, #tpu.memory_space<vmem>>, %arg9: memref<40x256x64xf32, #tpu.memory_space<vmem>>, %arg10: memref<40x256x64xf32, #tpu.memory_space<vmem>>, %arg11: memref<1x64xf32, #tpu.memory_space<vmem>>, %arg12: memref<1x64xf32, #tpu.memory_space<vmem>>, %arg13: memref<16x64xf32, #tpu.memory_space<vmem>>, %arg14: memref<16x64xf32, #tpu.memory_space<vmem>>) attributes {dimension_semantics = [#tpu.dimension_semantics<arbitrary>], iteration_bounds = array<i64: 25>, scalar_prefetch = 0 : i64, scratch_operands = 0 : i64, tpu.core_type = #tpu.core_type<tc>, window_params = [{transform_indices = @transform_0, window_bounds = array<i64: 16, 40, 64>}, {transform_indices = @transform_1, window_bounds = array<i64: 16, 40, 64>}, {transform_indices = @transform_2, window_bounds = array<i64: 16, 40, 64>}, {transform_indices = @transform_3, window_bounds = array<i64: 16, 40, 64>}, {transform_indices = @transform_4, window_bounds = array<i64: 16, 40, 256>}, {pipeline_mode = #tpu.pipeline_mode<synchronous>, transform_indices = @transform_5, window_bounds = array<i64: 256, 256>}, {pipeline_mode = #tpu.pipeline_mode<synchronous>, transform_indices = @transform_6, window_bounds = array<i64: 256, 256>}, {pipeline_mode = #tpu.pipeline_mode<synchronous>, transform_indices = @transform_7, window_bounds = array<i64: 1, 256>}, {transform_indices = @transform_8, window_bounds = array<i64: 40, 256, 64>}, {transform_indices = @transform_9, window_bounds = array<i64: 40, 256, 64>}, {pipeline_mode = #tpu.pipeline_mode<synchronous>, transform_indices = @transform_10, window_bounds = array<i64: 1, 64>}, {pipeline_mode = #tpu.pipeline_mode<synchronous>, transform_indices = @transform_11, window_bounds = array<i64: 1, 64>}, {pipeline_mode = #tpu.pipeline_mode<synchronous>, transform_indices = @transform_12, window_bounds = array<i64: 16, 64>}, {pipeline_mode = #tpu.pipeline_mode<synchronous>, transform_indices = @transform_13, window_bounds = array<i64: 16, 64>}]} {
    %get3A = arith.constant 0 : index
    %get3A_0 = arith.constant 0 : index
    %get3A_1 = arith.constant 0 : index
    %get3A_2 = vector.load %arg1[%get3A, %get3A_0, %get3A_1] : memref<16x40x64xf32, #tpu.memory_space<vmem>>, vector<16x40x64xf32>
    %get3A_3 = arith.constant 0 : index
    %get3A_4 = arith.constant 0 : index
    %get3A_5 = arith.constant 0 : index
    %get3A_6 = vector.load %arg2[%get3A_3, %get3A_4, %get3A_5] : memref<16x40x64xf32, #tpu.memory_space<vmem>>, vector<16x40x64xf32>
    %get3A_7 = arith.constant 0 : index
    %get3A_8 = arith.constant 0 : index
    %get3A_9 = arith.constant 0 : index
    %get3A_10 = vector.load %arg3[%get3A_7, %get3A_8, %get3A_9] : memref<16x40x64xf32, #tpu.memory_space<vmem>>, vector<16x40x64xf32>
    %get3A_11 = arith.constant 0 : index
    %get3A_12 = arith.constant 0 : index
    %get3A_13 = arith.constant 0 : index
    %get3A_14 = vector.load %arg4[%get3A_11, %get3A_12, %get3A_13] : memref<16x40x64xf32, #tpu.memory_space<vmem>>, vector<16x40x64xf32>
    %concatenate3A = tpu.concatenate %get3A_2, %get3A_6, %get3A_10, %get3A_14 in 2 : vector<16x40x64xf32>, vector<16x40x64xf32>, vector<16x40x64xf32>, vector<16x40x64xf32> -> vector<16x40x256xf32>
    %reshape3A = vector.shape_cast %concatenate3A : vector<16x40x256xf32> to vector<640x256xf32>
    %get3A_15 = arith.constant 0 : index
    %get3A_16 = arith.constant 0 : index
    %get3A_17 = vector.load %arg6[%get3A_15, %get3A_16] : memref<256x256xf32, #tpu.memory_space<vmem>>, vector<256x256xf32>
    %dot_general3A = arith.constant dense<0.000000e+00> : vector<640x256xf32>
    %dot_general3A_18 = tpu.matmul %reshape3A, %get3A_17, %dot_general3A {dimension_numbers = #tpu.dot_dimension_numbers<[1], [0], [0], [1], [0, 0, 1, 1], [], []>, transpose_lhs_hint = false} : vector<640x256xf32>, vector<256x256xf32>, vector<640x256xf32> -> vector<640x256xf32>
    %get3A_19 = arith.constant 0 : index
    %get3A_20 = arith.constant 0 : index
    %get3A_21 = arith.constant 0 : index
    %get3A_22 = vector.load %arg5[%get3A_19, %get3A_20, %get3A_21] : memref<16x40x256xf32, #tpu.memory_space<vmem>>, vector<16x40x256xf32>
    %reshape3A_23 = vector.shape_cast %get3A_22 : vector<16x40x256xf32> to vector<640x256xf32>
    %get3A_24 = arith.constant 0 : index
    %get3A_25 = arith.constant 0 : index
    %get3A_26 = vector.load %arg7[%get3A_24, %get3A_25] : memref<256x256xf32, #tpu.memory_space<vmem>>, vector<256x256xf32>
    %dot_general3A_27 = arith.constant dense<0.000000e+00> : vector<640x256xf32>
    %dot_general3A_28 = tpu.matmul %reshape3A_23, %get3A_26, %dot_general3A_27 {dimension_numbers = #tpu.dot_dimension_numbers<[1], [0], [0], [1], [0, 0, 1, 1], [], []>, transpose_lhs_hint = false} : vector<640x256xf32>, vector<256x256xf32>, vector<640x256xf32> -> vector<640x256xf32>
    %add3A = arith.addf %dot_general3A_18, %dot_general3A_28 : vector<640x256xf32>
    %get3A_29 = arith.constant 0 : index
    %get3A_30 = arith.constant 0 : index
    %get3A_31 = vector.load %arg8[%get3A_29, %get3A_30] : memref<1x256xf32, #tpu.memory_space<vmem>>, vector<1x256xf32>
    %add3A_32 = vector.broadcast %get3A_31 : vector<1x256xf32> to vector<640x256xf32>
    %add3A_33 = arith.addf %add3A, %add3A_32 : vector<640x256xf32>
    %max3A = arith.constant 0.000000e+00 : f32
    %max3A_34 = vector.broadcast %max3A : f32 to vector<640x256xf32>
    %max3A_35 = arith.maximumf %add3A_33, %max3A_34 : vector<640x256xf32>
    %reshape3A_36 = vector.shape_cast %max3A_35 : vector<640x256xf32> to vector<16x10240xf32>
    %eq3A = arith.constant 0 : i32
    %eq3A_37 = arith.cmpi eq, %arg0, %eq3A : i32
    %convert_element_type3A = arith.extui %eq3A_37 : i1 to i32
    %cond3A = arith.constant 0 : i32
    %cond3A_38 = arith.cmpi ne, %convert_element_type3A, %cond3A : i32
    scf.if %cond3A_38 {
      %get3A_66 = arith.constant 0 : index
      %get3A_67 = arith.constant 0 : index
      %get3A_68 = vector.load %arg11[%get3A_66, %get3A_67] : memref<1x64xf32, #tpu.memory_space<vmem>>, vector<1x64xf32>
      %broadcast_in_dim3A = vector.shape_cast %get3A_68 : vector<1x64xf32> to vector<1x64xf32>
      %broadcast_in_dim3A_69 = vector.broadcast %broadcast_in_dim3A : vector<1x64xf32> to vector<16x64xf32>
      %swap3A_70 = arith.constant 0 : index
      %swap3A_71 = arith.constant 0 : index
      %swap3A_72 = vector.load %arg13[%swap3A_70, %swap3A_71] : memref<16x64xf32, #tpu.memory_space<vmem>>, vector<16x64xf32>
      tpu.vector_store %arg13[%swap3A_70, %swap3A_71], %broadcast_in_dim3A_69 {strides = array<i32>} : memref<16x64xf32, #tpu.memory_space<vmem>>, vector<16x64xf32>,
      %get3A_73 = arith.constant 0 : index
      %get3A_74 = arith.constant 0 : index
      %get3A_75 = vector.load %arg12[%get3A_73, %get3A_74] : memref<1x64xf32, #tpu.memory_space<vmem>>, vector<1x64xf32>
      %broadcast_in_dim3A_76 = vector.shape_cast %get3A_75 : vector<1x64xf32> to vector<1x64xf32>
      %broadcast_in_dim3A_77 = vector.broadcast %broadcast_in_dim3A_76 : vector<1x64xf32> to vector<16x64xf32>
      %swap3A_78 = arith.constant 0 : index
      %swap3A_79 = arith.constant 0 : index
      %swap3A_80 = vector.load %arg14[%swap3A_78, %swap3A_79] : memref<16x64xf32, #tpu.memory_space<vmem>>, vector<16x64xf32>
      tpu.vector_store %arg14[%swap3A_78, %swap3A_79], %broadcast_in_dim3A_77 {strides = array<i32>} : memref<16x64xf32, #tpu.memory_space<vmem>>, vector<16x64xf32>,
    } else {
    }
    %get3A_39 = arith.constant 0 : index
    %get3A_40 = arith.constant 0 : index
    %get3A_41 = vector.load %arg13[%get3A_39, %get3A_40] : memref<16x64xf32, #tpu.memory_space<vmem>>, vector<16x64xf32>
    %get3A_42 = arith.constant 0 : index
    %get3A_43 = arith.constant 0 : index
    %get3A_44 = arith.constant 0 : index
    %get3A_45 = vector.load %arg9[%get3A_42, %get3A_43, %get3A_44] : memref<40x256x64xf32, #tpu.memory_space<vmem>>, vector<40x256x64xf32>
    %reshape3A_46 = vector.shape_cast %get3A_45 : vector<40x256x64xf32> to vector<10240x64xf32>
    %dot_general3A_47 = arith.constant dense<0.000000e+00> : vector<16x64xf32>
    %dot_general3A_48 = tpu.matmul %reshape3A_36, %reshape3A_46, %dot_general3A_47 {dimension_numbers = #tpu.dot_dimension_numbers<[1], [0], [0], [1], [0, 0, 1, 1], [], []>, transpose_lhs_hint = false} : vector<16x10240xf32>, vector<10240x64xf32>, vector<16x64xf32> -> vector<16x64xf32>
    %add3A_49 = arith.addf %get3A_41, %dot_general3A_48 : vector<16x64xf32>
    %swap3A = arith.constant 0 : index
    %swap3A_50 = arith.constant 0 : index
    %swap3A_51 = vector.load %arg13[%swap3A, %swap3A_50] : memref<16x64xf32, #tpu.memory_space<vmem>>, vector<16x64xf32>
    tpu.vector_store %arg13[%swap3A, %swap3A_50], %add3A_49 {strides = array<i32>} : memref<16x64xf32, #tpu.memory_space<vmem>>, vector<16x64xf32>,
    %get3A_52 = arith.constant 0 : index
    %get3A_53 = arith.constant 0 : index
    %get3A_54 = vector.load %arg14[%get3A_52, %get3A_53] : memref<16x64xf32, #tpu.memory_space<vmem>>, vector<16x64xf32>
    %get3A_55 = arith.constant 0 : index
    %get3A_56 = arith.constant 0 : index
    %get3A_57 = arith.constant 0 : index
    %get3A_58 = vector.load %arg10[%get3A_55, %get3A_56, %get3A_57] : memref<40x256x64xf32, #tpu.memory_space<vmem>>, vector<40x256x64xf32>
    %reshape3A_59 = vector.shape_cast %get3A_58 : vector<40x256x64xf32> to vector<10240x64xf32>
    %dot_general3A_60 = arith.constant dense<0.000000e+00> : vector<16x64xf32>
    %dot_general3A_61 = tpu.matmul %reshape3A_36, %reshape3A_59, %dot_general3A_60 {dimension_numbers = #tpu.dot_dimension_numbers<[1], [0], [0], [1], [0, 0, 1, 1], [], []>, transpose_lhs_hint = false} : vector<16x10240xf32>, vector<10240x64xf32>, vector<16x64xf32> -> vector<16x64xf32>
    %add3A_62 = arith.addf %get3A_54, %dot_general3A_61 : vector<16x64xf32>
    %swap3A_63 = arith.constant 0 : index
    %swap3A_64 = arith.constant 0 : index
    %swap3A_65 = vector.load %arg14[%swap3A_63, %swap3A_64] : memref<16x64xf32, #tpu.memory_space<vmem>>, vector<16x64xf32>
    tpu.vector_store %arg14[%swap3A_63, %swap3A_64], %add3A_62 {strides = array<i32>} : memref<16x64xf32, #tpu.memory_space<vmem>>, vector<16x64xf32>,
    return
  }
  func.func @transform_0(%arg0: i32) -> (i32, i32, i32) {
    %c0_i32 = arith.constant 0 : i32
    %c0_i32_0 = arith.constant 0 : i32
    %c0_i32_1 = arith.constant 0 : i32
    return %c0_i32, %arg0, %c0_i32_0 : i32, i32, i32
  }
  func.func @transform_1(%arg0: i32) -> (i32, i32, i32) {
    %c0_i32 = arith.constant 0 : i32
    %c0_i32_0 = arith.constant 0 : i32
    %c0_i32_1 = arith.constant 0 : i32
    return %c0_i32, %arg0, %c0_i32_0 : i32, i32, i32
  }
  func.func @transform_2(%arg0: i32) -> (i32, i32, i32) {
    %c0_i32 = arith.constant 0 : i32
    %c0_i32_0 = arith.constant 0 : i32
    %c0_i32_1 = arith.constant 0 : i32
    return %c0_i32, %arg0, %c0_i32_0 : i32, i32, i32
  }
  func.func @transform_3(%arg0: i32) -> (i32, i32, i32) {
    %c0_i32 = arith.constant 0 : i32
    %c0_i32_0 = arith.constant 0 : i32
    %c0_i32_1 = arith.constant 0 : i32
    return %c0_i32, %arg0, %c0_i32_0 : i32, i32, i32
  }
  func.func @transform_4(%arg0: i32) -> (i32, i32, i32) {
    %c0_i32 = arith.constant 0 : i32
    %c0_i32_0 = arith.constant 0 : i32
    %c0_i32_1 = arith.constant 0 : i32
    return %c0_i32, %arg0, %c0_i32_0 : i32, i32, i32
  }
  func.func @transform_5(%arg0: i32) -> (i32, i32) {
    %c0_i32 = arith.constant 0 : i32
    %c0_i32_0 = arith.constant 0 : i32
    %c0_i32_1 = arith.constant 0 : i32
    return %c0_i32, %c0_i32_0 : i32, i32
  }
  func.func @transform_6(%arg0: i32) -> (i32, i32) {
    %c0_i32 = arith.constant 0 : i32
    %c0_i32_0 = arith.constant 0 : i32
    %c0_i32_1 = arith.constant 0 : i32
    return %c0_i32, %c0_i32_0 : i32, i32
  }
  func.func @transform_7(%arg0: i32) -> (i32, i32) {
    %c0_i32 = arith.constant 0 : i32
    %c0_i32_0 = arith.constant 0 : i32
    %c0_i32_1 = arith.constant 0 : i32
    return %c0_i32, %c0_i32_0 : i32, i32
  }
  func.func @transform_8(%arg0: i32) -> (i32, i32, i32) {
    %c0_i32 = arith.constant 0 : i32
    %c0_i32_0 = arith.constant 0 : i32
    %c0_i32_1 = arith.constant 0 : i32
    return %arg0, %c0_i32, %c0_i32_0 : i32, i32, i32
  }
  func.func @transform_9(%arg0: i32) -> (i32, i32, i32) {
    %c0_i32 = arith.constant 0 : i32
    %c0_i32_0 = arith.constant 0 : i32
    %c0_i32_1 = arith.constant 0 : i32
    return %arg0, %c0_i32, %c0_i32_0 : i32, i32, i32
  }
  func.func @transform_10(%arg0: i32) -> (i32, i32) {
    %c0_i32 = arith.constant 0 : i32
    %c0_i32_0 = arith.constant 0 : i32
    %c0_i32_1 = arith.constant 0 : i32
    return %c0_i32, %c0_i32_0 : i32, i32
  }
  func.func @transform_11(%arg0: i32) -> (i32, i32) {
    %c0_i32 = arith.constant 0 : i32
    %c0_i32_0 = arith.constant 0 : i32
    %c0_i32_1 = arith.constant 0 : i32
    return %c0_i32, %c0_i32_0 : i32, i32
  }
  func.func @transform_12(%arg0: i32) -> (i32, i32) {
    %c0_i32 = arith.constant 0 : i32
    %c0_i32_0 = arith.constant 0 : i32
    %c0_i32_1 = arith.constant 0 : i32
    return %c0_i32, %c0_i32_0 : i32, i32
  }
  func.func @transform_13(%arg0: i32) -> (i32, i32) {
    %c0_i32 = arith.constant 0 : i32
    %c0_i32_0 = arith.constant 0 : i32
    %c0_i32_1 = arith.constant 0 : i32
    return %c0_i32, %c0_i32_0 : i32, i32
  }
}

</mosaic_0001>

<sc_bundles>
// kernel: kernel.6.cloned.1.call-start
scs
__scs_entry_jumppad:
0x0: {  	(pc) =	sbr.rel $0x88, $3  }
0x1: {  	(tag) =	ssettag $0x0;
	lr =	simm.s32 $0x1  }
0x2: {  	[smem:$0x3F95] =	sst lr;
	_ =	strace $0xD0000000  }
0x3: {  	_ = 	snop  }
0x4: {  	_ = 	snop  }
0x5: {  	_ = 	snop  }
0x6: {  	_ = 	snop  }
0x7: {  	_ = 	snop  }
__scs_overlays_trampoline_lowered:
0x8: {  	[smem:$0x3FA4] =	sst s0  }
0x9: {  	[smem:$0x3FA5] =	sst s1  }
0xa: {  	[smem:$0x3FA6] =	sst s2  }
0xb: {  	[smem:$0x3FA7] =	sst s3  }
0xc: {  	[smem:$0x3FA8] =	sst s4  }
0xd: {  	[smem:$0x3FA9] =	sst s5  }
0xe: {  	[smem:$0x3FAA] =	sst s6  }
0xf: {  	[smem:$0x3FAB] =	sst s7  }
0x10: {  	[smem:$0x3FAC] =	sst s8  }
0x11: {  	[smem:$0x3FAD] =	sst s9;
	s0 =	simm.s32 @!p0 $0x0  }
0x12: {  	s1 =	sld [smem:$0x3F93];
	s0 =	simm.s32 @p0 $0x1  }
0x13: {  	[smem:$0x3FAE] =	sst s0;
	s0 =	simm.s32 @!p1 $0x0  }
0x14: {  	s2 =	sld [smem:$0x3F92];
	s0 =	simm.s32 @p1 $0x1  }
0x15: {  	[smem:$0x3FAF] =	sst s0;
	s0 =	simm.s32 @!p2 $0x0  }
0x16: {  	s3 =	sld [smem:$0x3FDB];
	s0 =	simm.s32 @p2 $0x1  }
0x17: {  	s4 =	simm.s32 $0x1BF5;
	[smem:$0x3FB1] =	sst s0  }
0x18: {  	s0 =	sld [smem:$0x3F94];
	_ =	swait.ge [sflag:s4], $0x0  }
0x19: {  	s7 =	sld [smem:$0x3F95]  }
0x1a: {  	s8 =	sadd.s32 $0xFFFFE003, lr  }
0x1b: {  	s9 =	sadd.s32 $0xFFFFFEF7, lr;
	s5 =	simm.s32 $0xFFFFFFFF;
	p2 =	slt.u32 s8, $0xFFFFF086  }
0x1c: {  	p1 =	slt.u32 s9, $0xF7A;
	s5 =	simm.s32 @!p2 $0x0  }
0x1d: {  	s5 =	simm.s32 @p1 $0x1;
	p0 =	seq.s32 s7, s2  }
0x1e: {  	s7 =	smul.u32 @!p0 $0xF7A, s2;
	p2 =	seq.s32 @!p0 s5, $0x0  }
0x1f: {  	s9 =	smul.u32 $0xF7A, s1;
	s8 =	simm.s32 @!p0 $0x1BF5;
	p2 =	por !p2, p0  }
0x20: {  	[sflag:s8] =	ssyncset.s32 @!p0 $0xFFFFF086;
	s6 =	sadd.s32 @!p0 s3, s7;
	s7 =	simm.s32 @!p0 $0x108  }
0x21: {  	s3 =	sadd.s32 s3, s9;
	s6 =	sadd.s32 @!p0 $0x88, s6;
	s7 =	simm.s32 @p2 $0x1082  }
0x22: {  	[simem:s7], [sflag:s8] =	dma.local @!p0 [hbm:s6], $0xF7A  }
0x23: {  	s9 =	sor.u32 $0xD0000000, s2;
	s6 =	simm.s32 $0x108;
	_ =	swait.ge @!p0 [sflag:s8], $0x0  }
0x24: {  	s3 =	sadd.s32 $0x88, s3;
	s6 =	simm.s32 @!p1 $0x1082;
	[sflag:s4] =	ssyncset.s32 $0xFFFFF086  }
0x25: {  	[simem:s6], [sflag:s4] =	dma.local [hbm:s3], $0xF7A  }
0x26: {  	[smem:$0x3F95] =	sst s1;
	(tag) =	ssettag s2;
	_ =	strace s9  }
0x27: {  	s1 =	sld [smem:$0x3FA5]  }
0x28: {  	s2 =	sld [smem:$0x3FA6]  }
0x29: {  	s4 =	sld [smem:$0x3FA8]  }
0x2a: {  	p0 =	seq.s32 s5, $0x0;
	s5 =	sld [smem:$0x3FA9]  }
0x2b: {  	s6 =	sld [smem:$0x3FAA]  }
0x2c: {  	s7 =	sld [smem:$0x3FAB]  }
0x2d: {  	s3 =	simm.s32 $0x108;
	s8 =	sld [smem:$0x3FAC]  }
0x2e: {  	s3 =	simm.s32 @!p0 $0x1082;
	s9 =	sld [smem:$0x3FAD]  }
0x2f: {  	lr =	sadd.s32 s0, s3;
	s0 =	sld [smem:$0x3FA4]  }
0x30: {  	s3 =	sld [smem:$0x3FA7]  }
0x31: {  	[smem:$0x3FB0] =	sst s10  }
0x32: {  	s10 =	sld [smem:$0x3FAE];
	_ =	sdelay $0x3  }
0x33: {  	p0 =	seq.s32 s10, $0x1;
	s10 =	sld [smem:$0x3FB0];
	_ =	sdelay $0x3  }
0x34: {  	[smem:$0x3FB0] =	sst s10  }
0x35: {  	s10 =	sld [smem:$0x3FAF];
	_ =	sdelay $0x3  }
0x36: {  	p1 =	seq.s32 s10, $0x1;
	s10 =	sld [smem:$0x3FB0];
	_ =	sdelay $0x3  }
0x37: {  	[smem:$0x3FB0] =	sst s10  }
0x38: {  	s10 =	sld [smem:$0x3FB1]  }
0x39: {  	_ = 	snop;
	(pc) =	sbr.ind lr, $3  }
0x3a: {  	_ = 	snop  }
0x3b: {  	_ = 	snop  }
0x3c: {  	p2 =	seq.s32 s10, $0x1;
	s10 =	sld [smem:$0x3FB0]  }
0x3d: {  	_ =	shalt  }
0x3e: {  	_ =	shalt  }
0x3f: {  	_ =	shalt  }
0x40: {  	_ =	shalt  }
0x41: {  	_ =	shalt  }
0x42: {  	_ =	shalt  }
0x43: {  	_ =	shalt  }
0x44: {  	_ =	shalt  }
0x45: {  	_ =	shalt  }
0x46: {  	_ =	shalt  }
0x47: {  	_ =	shalt  }
0x48: {  	_ =	shalt  }
0x49: {  	_ =	shalt  }
0x4a: {  	_ =	shalt  }
0x4b: {  	_ =	shalt  }
0x4c: {  	_ =	shalt  }
0x4d: {  	_ =	shalt  }
0x4e: {  	_ =	shalt  }
0x4f: {  	_ =	shalt  }
0x50: {  	_ =	shalt  }
0x51: {  	_ =	shalt  }
0x52: {  	_ =	shalt  }
0x53: {  	_ =	shalt  }
0x54: {  	_ =	shalt  }
0x55: {  	_ =	shalt  }
0x56: {  	_ =	shalt  }
0x57: {  	_ =	shalt  }
0x58: {  	_ =	shalt  }
0x59: {  	_ =	shalt  }
0x5a: {  	_ =	shalt  }
0x5b: {  	_ =	shalt  }
0x5c: {  	_ =	shalt  }
0x5d: {  	_ =	shalt  }
0x5e: {  	_ =	shalt  }
0x5f: {  	_ =	shalt  }
0x60: {  	_ =	shalt  }
0x61: {  	_ =	shalt  }
0x62: {  	_ =	shalt  }
0x63: {  	_ =	shalt  }
0x64: {  	_ =	shalt  }
0x65: {  	_ =	shalt  }
0x66: {  	_ =	shalt  }
0x67: {  	_ =	shalt  }
0x68: {  	_ =	shalt  }
0x69: {  	_ =	shalt  }
0x6a: {  	_ =	shalt  }
0x6b: {  	_ =	shalt  }
0x6c: {  	_ =	shalt  }
0x6d: {  	_ =	shalt  }
0x6e: {  	_ =	shalt  }
0x6f: {  	_ =	shalt  }
0x70: {  	_ =	shalt  }
0x71: {  	_ =	shalt  }
0x72: {  	_ =	shalt  }
0x73: {  	_ =	shalt  }
0x74: {  	_ =	shalt  }
0x75: {  	_ =	shalt  }
0x76: {  	_ =	shalt  }
0x77: {  	_ =	shalt  }
0x78: {  	_ =	shalt  }
0x79: {  	_ =	shalt  }
0x7a: {  	_ =	shalt  }
0x7b: {  	_ =	shalt  }
0x7c: {  	_ =	shalt  }
0x7d: {  	_ =	shalt  }
0x7e: {  	_ =	shalt  }
0x7f: {  	_ =	shalt  }
0x80: {  	_ =	shalt  }
0x81: {  	_ =	shalt  }
0x82: {  	_ =	shalt  }
0x83: {  	_ =	shalt  }
0x84: {  	_ =	shalt  }
0x85: {  	_ =	shalt  }
0x86: {  	_ =	shalt  }
0x87: {  	_ =	shalt  }
.Lfunc_end0:
.L_simem_size_0:
called_computation_lowered:
.L_overlay_start_0:
0x88: {  	s2 =	sld [smem:$0x3FD9]  }
0x89: {  	s3 =	sld [smem:$0x3FFE];
	_ =	sdelay $0x1  }
0x8a: {  	s1 =	srdreg.scid  }
0x8b: {  	s0 =	sand.u32 $0x1, s1  }
0x8c: {  	s16 =	sshll.u32 s0, $0xA;
	s2 =	sadd.s32 s3, s2  }
0x8d: {  	s2 =	sadd.s32 s2, s16  }
0x8e: {  	[smem:$0x3FBC] =	sst s2  }
0x8f: {  	_ = 	snop  }
0x90: {  	(tm) =	ssettm $0x1  }
0x91: {  	s17 =	sld [smem:$0x3FFB];
	_ =	sdelay $0x3  }
0x92: {  	_ =	strace s17  }
0x93: {  	s2 =	sld [smem:$0x3FFC];
	_ =	sdelay $0x3  }
0x94: {  	_ =	strace s2  }
0x95: {  	s2 =	sld [smem:$0x3FFD];
	_ =	sdelay $0x3  }
0x96: {  	_ =	strace s2  }
0x97: {  	_ =	strace $0x8FFFFFFF  }
0x98: {  	s18 =	sld [smem:$0x3FDB];
	_ =	sdelay $0x1  }
0x99: {  	s19 =	simm.s32 $_scs_section_size  }
0x9a: {  	s4 =	simm.s32 $_size__tile_overlayer_lowered;
	s5 =	simm.s32 $_tile_overlayer_lowered  }
0x9b: {  	s22 =	simm.s32 $0x1BFF;
	s21 =	sshll.u32 s5, $0x1;
	s2 =	sadd.s32 s19, s18  }
0x9c: {  	s6 =	simm.s32 $0x0;
	s20 =	sshll.u32 s4, $0x1;
	s4 =	sadd.s32 s21, s2  }
0x9d: {  	[timem:s6], [sflag:s22] =	dma.local [hbm:s4], s20  }
0x9e: {  	_ =	swait.ge [sflag:s22], s20  }
0x9f: {  	s3 =	ssub.s32 $0x0, s20;
	[sflag:s22] =	ssyncset.done $0x0  }
0xa0: {  	[sflag:s22] =	ssyncadd.s32 s3;
	_ =	sdelay $0x1  }
0xa1: {  	s23 =	simm.s32 $0x1B8B  }
0xa2: {  	_ =	swait.ge [sflag:s23], $0x1  }
0xa3: {  	[sflag:s23] =	ssyncset.done $0x0  }
0xa4: {  	s25 =	simm.s32 $0x1B8E;
	s24 =	sld [smem:$0x3FFE];
	[sflag:s23] =	ssyncadd.s32 $0xFFFFFFFF  }
0xa5: {  	s26 =	simm.s32 $execute0_lowered;
	[smem:$0x3FD2] =	sst s25  }
0xa6: {  	s4 =	sshll.u32 s26, $0x1;
	_ =	strace $0x80000046;
	[dreg:$0x1] =	wrdreg $0xFFFFFFFF  }
0xa7: {  	s28 =	simm.s32 $_size_execute0_lowered;
	s2 =	sadd.s32 s2, s4;
	[dreg:$0x0] =	wrdreg $0x0  }
0xa8: {  	s4 =	sshll.u32 s28, $0x1;
	[dreg:$0x2] =	wrdreg s2  }
0xa9: {  	[dreg:$0x3] =	wrdreg s4  }
0xaa: {  	[dreg:$0x4] =	wrdreg $0xC0  }
0xab: {  	_ =	task [dreg:s6], $0x5FFFF  }
0xac: {  	[dreg:$0x1] =	wrdreg $0xFFFFFFFF  }
0xad: {  	[dreg:$0x0] =	wrdreg $0x60  }
0xae: {  	[dreg:$0x2] =	wrdreg s24  }
0xaf: {  	[dreg:$0x3] =	wrdreg $0xFD000  }
0xb0: {  	[dreg:$0x4] =	wrdreg $0x9  }
0xb1: {  	_ =	task.clear_ibuf [dreg:s6], $0x5FFFF;
	_ =	strace $0x90000046  }
0xb2: {  	s29 =	simm.s32 $0x9;
	_ =	strace $0x80000048  }
0xb3: {  	_ =	swait.ge [sflag:s29], $0x1  }
0xb4: {  	[sflag:s29] =	ssyncadd.s32 $0xFFFFFFFF  }
0xb5: {  	_ =	strace $0x90000048  }
0xb6: {  	_ =	sfence  }
0xb7: {  	s30 =	sld [smem:$0x0];
	_ =	sdelay $0x2  }
0xb8: {  	s31 =	sshll.u32 s1, $0xD;
	s1 =	sshrl.u32 s1, $0x2  }
0xb9: {  	s3 =	sand.u32 $0x4000, s31;
	s1 =	sadd.s32 s1, s30  }
0xba: {  	s0 =	sor.u32 s3, s0;
	s1 =	sshll.u32 s1, $0x11  }
0xbb: {  	s0 =	sor.u32 s1, s0  }
0xbc: {  	s0 =	sadd.s32 $0x8F2B, s0  }
0xbd: {  	[sflag:s0] =	ssyncadd.remote.s32 $0x1  }
0xbe: {  	_ =	sfence.sel $0xFFFF  }
0xbf: {  	[dreg:$0x0] =	wrdreg $0xFFFFFFFF;
	(pc) =	sbr.abs _section_cstart, $3  }
0xc0: {  	[dreg:$0x1] =	wrdreg $0xFFFFFFFF  }
0xc1: {  	_ =	task.clear_ibuf [dreg:s6], $0x2FFFF;
	_ =	strace $0x9FFFFFFF  }
0xc2: {  	(tm) =	ssettm $0x7FFFFFFF  }
0xc3: {  	_ =	shalt  }
tec
execute0_lowered:
.L_overlay_start_1:
0x0: {  	(tag) =	ssettag $0x1  }
0x1: {  	s0 =	rddreg [dreg:$0x0]  }
0x2: {  	s2 =	rddreg [dreg:$0x1];
	s3 =	simm.s32 $0x0;
	s13 =	stileid.u32  }
0x3: {  	s5 =	srdreg.scid;
	s14 =	simm.s32 $0x80;
	s15 =	simm.s32 $0x7D00  }
0x4: {  	s16 =	simm.s32 $0x9D00;
	s18 =	simm.s32 $0xBD00;
	s19 =	simm.s32 $0x1  }
0x5: {  	s21 =	simm.s32 $0xDD00;
	s23 =	simm.s32 $0x2;
	s29 =	simm.s32 $0x300  }
0x6: {  	s30 =	simm.s32 $0x7A80;
	s31 =	simm.s32 $0x3D80;
	s17 =	simm.s32 $0x7B80  }
0x7: {  	s20 =	simm.s32 $0x7C00;
	s22 =	simm.s32 $0x7C80;
	s24 =	simm.s32 $0x0  }
0x8: {  	[smem:$0x7FF] =	sst s3;
	s1 =	smul.u32 $0x7D0, s13;
	s4 =	sadd.s32 $0x52200, s0  }
0x9: {  	s8 =	sand.u32 $0x1, s5;
	s9 =	sadd.s32 $0x32E00, s0;
	s5 =	sadd.s32 $0x13A00, s0  }
0xa: {  	s10 =	sadd.s32 $0x73600, s0;
	s11 =	smul.u32 $0xFA00, s13;
	s28 =	sshll.u32 s13, $0x6  }
0xb: {  	_ =	strace $0x80000047;
	s6 =	ssub.s32 $0x2, s8;
	p0 =	seq.s32 s8, $0x0  }
0xc: {  	s1 =	sadd.s32 s1, s0;
	s7 =	sshrl.u32 s6, $0x1;
	s0 =	sadd.s32 $0x54200, s0  }
0xd: {  	s26 =	sadd.s32 s11, s2;
	s11 =	sshrl.u32 s11, $0x3;
	s5 =	smov.u32 @p0 s9  }
0xe: {  	s12 =	ssub.s32 s6, s7;
	s6 =	sadd.s32 $0xBC00, s1;
	s7 =	sadd.s32 $0x3E00, s1  }
0xf: {  	s0 =	smov.u32 @p0 s10;
	s10 =	simm.s32 $0x3;
	s13 =	sshrl.u32 s26, $0x3  }
0x10: {  	s1 =	simm.s32 $0x3E00;
	s8 =	smax.u32 s12, $0x1;
	s9 =	sadd.s32 s0, s11  }
0x11: {  	s11 =	simm.s32 $0x3E80;
	s12 =	sor.u32 $0x1C03, s28;
	s0 =	simm.s32 $0x7B00  }
.LBB2_1:
0x12: {  	[tilespmem:s3], [sflag:$0x3] =	stream.linear.gather [hbm4b:s6+s3], $0x3E80, $0x38;
	[tilespmem:$0x1F700] =	vst v63  }
0x13: {  	_ =	swait.ge [sflag:s10], $0x3E80  }
0x14: {  	[sflag:s10] =	ssyncset.done $0x0  }
0x15: {  	[sflag:s10] =	ssyncadd.s32 $0xFFFFC180  }
0x16: {  	[tilespmem:s11], [sflag:$0x3] =	stream.linear.gather [hbm4b:s7+s3], $0x3E80, $0x38;
	[tilespmem:$0x1F700] =	vst v63  }
0x17: {  	_ =	swait.ge [sflag:s10], $0x3E80  }
0x18: {  	[sflag:s10] =	ssyncset.done $0x0  }
0x19: {  	[sflag:s10] =	ssyncadd.s32 $0xFFFFC180  }
0x1a: {  	[spmem:s13], [sflag:s12] =	dma.local [hbm:s4], $0x1F40  }
0x1b: {  	_ =	swait.ge [sflag:s10], $0x1F40  }
0x1c: {  	[sflag:s10] =	ssyncset.done $0x0  }
0x1d: {  	[sflag:s10] =	ssyncadd.s32 $0xFFFFE0C0  }
0x1e: {  	[bflag:$0x0] =	sbarrier.arrive $0xFFFF  }
0x1f: {  	[tilespmem:s15], [sflag:$0x1] =	stream.indirect.gather [hbm4b:s5+s14], $0x40, s3, s14, $0xb8;
	[tilespmem:$0x1F700] =	vst v63  }
0x20: {  	_ = 	snop  }
0x21: {  	[tilespmem:s16], [sflag:$0x1] =	stream.indirect.gather [hbm4b:s5+s14], $0x40, s14, s14, $0xb8;
	[tilespmem:$0x1F700] =	vst v63  }
0x22: {  	s25 =	simm.s32 $0x100  }
0x23: {  	[tilespmem:s18], [sflag:$0x1] =	stream.indirect.gather [hbm4b:s5+s14], $0x40, s25, s14, $0xb8;
	[tilespmem:$0x1F700] =	vst v63  }
0x24: {  	_ =	swait.ge [sflag:s19], $0x2000  }
0x25: {  	[sflag:s19] =	ssyncset.done $0x0  }
0x26: {  	[sflag:s19] =	ssyncadd.s32 $0xFFFFE000  }
0x27: {  	[spmem:s2] =	stream.indirect.scatter.add.f32 [tilespmem:s15], [sflag:$0x2], $0x40, s11, s14, $0xb8;
	[tilespmem:$0x1F700] =	vst v63  }
0x28: {  	s28 =	simm.s32 $0x180  }
0x29: {  	[tilespmem:s21], [sflag:$0x1] =	stream.indirect.gather [hbm4b:s5+s14], $0x40, s28, s14, $0xb8;
	[tilespmem:$0x1F700] =	vst v63  }
0x2a: {  	_ =	swait.ge [sflag:s19], $0x2000  }
0x2b: {  	[sflag:s19] =	ssyncset.done $0x0  }
0x2c: {  	s26 =	simm.s32 $0x3F00;
	[sflag:s19] =	ssyncadd.s32 $0xFFFFE000  }
0x2d: {  	[spmem:s2] =	stream.indirect.scatter.add.f32 [tilespmem:s16], [sflag:$0x2], $0x40, s26, s14, $0xb8;
	[tilespmem:$0x1F700] =	vst v63  }
0x2e: {  	_ =	swait.ge [sflag:s23], $0x2000  }
0x2f: {  	[sflag:s23] =	ssyncset.done $0x0  }
0x30: {  	s28 =	simm.s32 $0x200;
	[sflag:s23] =	ssyncadd.s32 $0xFFFFE000  }
0x31: {  	[tilespmem:s15], [sflag:$0x1] =	stream.indirect.gather [hbm4b:s5+s14], $0x40, s28, s14, $0xb8;
	[tilespmem:$0x1F700] =	vst v63  }
0x32: {  	_ =	swait.ge [sflag:s19], $0x2000  }
0x33: {  	[sflag:s19] =	ssyncset.done $0x0  }
0x34: {  	s26 =	simm.s32 $0x3F80;
	[sflag:s19] =	ssyncadd.s32 $0xFFFFE000  }
0x35: {  	[spmem:s2] =	stream.indirect.scatter.add.f32 [tilespmem:s18], [sflag:$0x2], $0x40, s26, s14, $0xb8;
	[tilespmem:$0x1F700] =	vst v63  }
0x36: {  	_ =	swait.ge [sflag:s23], $0x2000  }
0x37: {  	[sflag:s23] =	ssyncset.done $0x0  }
0x38: {  	s28 =	simm.s32 $0x280;
	[sflag:s23] =	ssyncadd.s32 $0xFFFFE000  }
0x39: {  	[tilespmem:s16], [sflag:$0x1] =	stream.indirect.gather [hbm4b:s5+s14], $0x40, s28, s14, $0xb8;
	[tilespmem:$0x1F700] =	vst v63  }
0x3a: {  	_ =	swait.ge [sflag:s19], $0x2000  }
0x3b: {  	[sflag:s19] =	ssyncset.done $0x0  }
0x3c: {  	s26 =	simm.s32 $0x4000;
	[sflag:s19] =	ssyncadd.s32 $0xFFFFE000  }
0x3d: {  	[spmem:s2] =	stream.indirect.scatter.add.f32 [tilespmem:s21], [sflag:$0x2], $0x40, s26, s14, $0xb8;
	[tilespmem:$0x1F700] =	vst v63  }
0x3e: {  	_ =	swait.ge [sflag:s23], $0x2000  }
0x3f: {  	[sflag:s23] =	ssyncset.done $0x0  }
0x40: {  	[sflag:s23] =	ssyncadd.s32 $0xFFFFE000  }
0x41: {  	[tilespmem:s18], [sflag:$0x1] =	stream.indirect.gather [hbm4b:s5+s14], $0x40, s29, s14, $0xb8;
	[tilespmem:$0x1F700] =	vst v63  }
0x42: {  	_ =	swait.ge [sflag:s19], $0x2000  }
0x43: {  	[sflag:s19] =	ssyncset.done $0x0  }
0x44: {  	s28 =	simm.s32 $0x4080;
	[sflag:s19] =	ssyncadd.s32 $0xFFFFE000  }
0x45: {  	[spmem:s2] =	stream.indirect.scatter.add.f32 [tilespmem:s15], [sflag:$0x2], $0x40, s28, s14, $0xb8;
	[tilespmem:$0x1F700] =	vst v63  }
0x46: {  	_ =	swait.ge [sflag:s23], $0x2000  }
0x47: {  	[sflag:s23] =	ssyncset.done $0x0  }
0x48: {  	s26 =	simm.s32 $0x380;
	[sflag:s23] =	ssyncadd.s32 $0xFFFFE000  }
0x49: {  	[tilespmem:s21], [sflag:$0x1] =	stream.indirect.gather [hbm4b:s5+s14], $0x40, s26, s14, $0xb8;
	[tilespmem:$0x1F700] =	vst v63  }
0x4a: {  	_ =	swait.ge [sflag:s19], $0x2000  }
0x4b: {  	[sflag:s19] =	ssyncset.done $0x0  }
0x4c: {  	s28 =	simm.s32 $0x4100;
	[sflag:s19] =	ssyncadd.s32 $0xFFFFE000  }
0x4d: {  	[spmem:s2] =	stream.indirect.scatter.add.f32 [tilespmem:s16], [sflag:$0x2], $0x40, s28, s14, $0xb8;
	[tilespmem:$0x1F700] =	vst v63  }
0x4e: {  	_ =	swait.ge [sflag:s23], $0x2000  }
0x4f: {  	[sflag:s23] =	ssyncset.done $0x0  }
0x50: {  	s26 =	simm.s32 $0x400;
	[sflag:s23] =	ssyncadd.s32 $0xFFFFE000  }
0x51: {  	[tilespmem:s15], [sflag:$0x1] =	stream.indirect.gather [hbm4b:s5+s14], $0x40, s26, s14, $0xb8;
	[tilespmem:$0x1F700] =	vst v63  }
0x52: {  	_ =	swait.ge [sflag:s19], $0x2000  }
0x53: {  	[sflag:s19] =	ssyncset.done $0x0  }
0x54: {  	s28 =	simm.s32 $0x4180;
	[sflag:s19] =	ssyncadd.s32 $0xFFFFE000  }
0x55: {  	[spmem:s2] =	stream.indirect.scatter.add.f32 [tilespmem:s18], [sflag:$0x2], $0x40, s28, s14, $0xb8;
	[tilespmem:$0x1F700] =	vst v63  }
0x56: {  	_ =	swait.ge [sflag:s23], $0x2000  }
0x57: {  	[sflag:s23] =	ssyncset.done $0x0  }
0x58: {  	s26 =	simm.s32 $0x480;
	[sflag:s23] =	ssyncadd.s32 $0xFFFFE000  }
0x59: {  	[tilespmem:s16], [sflag:$0x1] =	stream.indirect.gather [hbm4b:s5+s14], $0x40, s26, s14, $0xb8;
	[tilespmem:$0x1F700] =	vst v63  }
0x5a: {  	_ =	swait.ge [sflag:s19], $0x2000  }
0x5b: {  	[sflag:s19] =	ssyncset.done $0x0  }
0x5c: {  	s28 =	simm.s32 $0x4200;
	[sflag:s19] =	ssyncadd.s32 $0xFFFFE000  }
0x5d: {  	[spmem:s2] =	stream.indirect.scatter.add.f32 [tilespmem:s21], [sflag:$0x2], $0x40, s28, s14, $0xb8;
	[tilespmem:$0x1F700] =	vst v63  }
0x5e: {  	_ =	swait.ge [sflag:s23], $0x2000  }
0x5f: {  	[sflag:s23] =	ssyncset.done $0x0  }
0x60: {  	s25 =	simm.s32 $0x800;
	s26 =	simm.s32 $0x500;
	[sflag:s23] =	ssyncadd.s32 $0xFFFFE000  }
.LBB2_2:
0x61: {  	[tilespmem:s18], [sflag:$0x1] =	stream.indirect.gather [hbm4b:s5+s14], $0x40, s26, s14, $0xb8;
	[tilespmem:$0x1F700] =	vst v63  }
0x62: {  	s26 =	smov.u32 s25  }
0x63: {  	p0 =	sne.s32 s25, $0xE000;
	s25 =	sadd.s32 $0x800, s25;
	_ =	swait.ge [sflag:s19], $0x2000  }
0x64: {  	s26 =	sshra.s32 s26, $0x2;
	[sflag:s19] =	ssyncset.done $0x0  }
0x65: {  	s28 =	sadd.s32 $0x4080, s26;
	[sflag:s19] =	ssyncadd.s32 $0xFFFFE000  }
0x66: {  	[spmem:s2] =	stream.indirect.scatter.add.f32 [tilespmem:s15], [sflag:$0x2], $0x40, s28, s14, $0xb8;
	[tilespmem:$0x1F700] =	vst v63  }
0x67: {  	_ =	swait.ge [sflag:s23], $0x2000  }
0x68: {  	[sflag:s23] =	ssyncset.done $0x0  }
0x69: {  	s28 =	sadd.s32 $0x380, s26;
	[sflag:s23] =	ssyncadd.s32 $0xFFFFE000  }
0x6a: {  	[tilespmem:s21], [sflag:$0x1] =	stream.indirect.gather [hbm4b:s5+s14], $0x40, s28, s14, $0xb8;
	[tilespmem:$0x1F700] =	vst v63  }
0x6b: {  	_ =	swait.ge [sflag:s19], $0x2000  }
0x6c: {  	[sflag:s19] =	ssyncset.done $0x0  }
0x6d: {  	s28 =	sadd.s32 $0x4100, s26;
	[sflag:s19] =	ssyncadd.s32 $0xFFFFE000  }
0x6e: {  	[spmem:s2] =	stream.indirect.scatter.add.f32 [tilespmem:s16], [sflag:$0x2], $0x40, s28, s14, $0xb8;
	[tilespmem:$0x1F700] =	vst v63  }
0x6f: {  	_ =	swait.ge [sflag:s23], $0x2000  }
0x70: {  	[sflag:s23] =	ssyncset.done $0x0  }
0x71: {  	s28 =	sadd.s32 $0x400, s26;
	[sflag:s23] =	ssyncadd.s32 $0xFFFFE000  }
0x72: {  	[tilespmem:s15], [sflag:$0x1] =	stream.indirect.gather [hbm4b:s5+s14], $0x40, s28, s14, $0xb8;
	[tilespmem:$0x1F700] =	vst v63  }
0x73: {  	_ =	swait.ge [sflag:s19], $0x2000  }
0x74: {  	[sflag:s19] =	ssyncset.done $0x0  }
0x75: {  	s28 =	sadd.s32 $0x4180, s26;
	[sflag:s19] =	ssyncadd.s32 $0xFFFFE000  }
0x76: {  	[spmem:s2] =	stream.indirect.scatter.add.f32 [tilespmem:s18], [sflag:$0x2], $0x40, s28, s14, $0xb8;
	[tilespmem:$0x1F700] =	vst v63  }
0x77: {  	_ =	swait.ge [sflag:s23], $0x2000  }
0x78: {  	[sflag:s23] =	ssyncset.done $0x0  }
0x79: {  	s28 =	sadd.s32 $0x480, s26;
	[sflag:s23] =	ssyncadd.s32 $0xFFFFE000  }
0x7a: {  	[tilespmem:s16], [sflag:$0x1] =	stream.indirect.gather [hbm4b:s5+s14], $0x40, s28, s14, $0xb8;
	[tilespmem:$0x1F700] =	vst v63  }
0x7b: {  	_ =	swait.ge [sflag:s19], $0x2000  }
0x7c: {  	[sflag:s19] =	ssyncset.done $0x0  }
.Ltmp0:
0x7d: {  	s28 =	sadd.s32 $0x4200, s26;
	[sflag:s19] =	ssyncadd.s32 $0xFFFFE000;
	(pc) =	sbr.rel @p0 .LBB2_2-.Ltmp0, $4  }
0x7e: {  	[spmem:s2] =	stream.indirect.scatter.add.f32 [tilespmem:s21], [sflag:$0x2], $0x40, s28, s14, $0xb8;
	[tilespmem:$0x1F700] =	vst v63  }
0x7f: {  	_ =	swait.ge [sflag:s23], $0x2000  }
0x80: {  	[sflag:s23] =	ssyncset.done $0x0  }
0x81: {  	s26 =	sadd.s32 $0x500, s26;
	[sflag:s23] =	ssyncadd.s32 $0xFFFFE000  }
0x82: {  	[tilespmem:s18], [sflag:$0x1] =	stream.indirect.gather [hbm4b:s5+s14], $0x40, s26, s14, $0xb8;
	[tilespmem:$0x1F700] =	vst v63  }
0x83: {  	_ =	swait.ge [sflag:s19], $0x2000  }
0x84: {  	[sflag:s19] =	ssyncset.done $0x0  }
0x85: {  	[sflag:s19] =	ssyncadd.s32 $0xFFFFE000  }
0x86: {  	[spmem:s2] =	stream.indirect.scatter.add.f32 [tilespmem:s15], [sflag:$0x2], $0x40, s30, s14, $0xb8;
	[tilespmem:$0x1F700] =	vst v63  }
0x87: {  	_ =	swait.ge [sflag:s23], $0x2000  }
0x88: {  	[sflag:s23] =	ssyncset.done $0x0  }
0x89: {  	[sflag:s23] =	ssyncadd.s32 $0xFFFFE000  }
0x8a: {  	[tilespmem:s21], [sflag:$0x1] =	stream.indirect.gather [hbm4b:s5+s14], $0x40, s31, s14, $0xb8;
	[tilespmem:$0x1F700] =	vst v63  }
0x8b: {  	_ =	swait.ge [sflag:s19], $0x2000  }
0x8c: {  	[sflag:s19] =	ssyncset.done $0x0  }
0x8d: {  	[sflag:s19] =	ssyncadd.s32 $0xFFFFE000  }
0x8e: {  	[spmem:s2] =	stream.indirect.scatter.add.f32 [tilespmem:s16], [sflag:$0x2], $0x40, s0, s14, $0xb8;
	[tilespmem:$0x1F700] =	vst v63  }
0x8f: {  	_ =	swait.ge [sflag:s23], $0x2000  }
0x90: {  	[sflag:s23] =	ssyncset.done $0x0  }
0x91: {  	[sflag:s23] =	ssyncadd.s32 $0xFFFFE000  }
0x92: {  	[tilespmem:s15], [sflag:$0x1] =	stream.indirect.gather [hbm4b:s5+s14], $0x40, s1, s14, $0xb8;
	[tilespmem:$0x1F700] =	vst v63  }
0x93: {  	_ =	swait.ge [sflag:s19], $0x2000  }
0x94: {  	[sflag:s19] =	ssyncset.done $0x0  }
0x95: {  	[sflag:s19] =	ssyncadd.s32 $0xFFFFE000  }
0x96: {  	[spmem:s2] =	stream.indirect.scatter.add.f32 [tilespmem:s18], [sflag:$0x2], $0x40, s17, s14, $0xb8;
	[tilespmem:$0x1F700] =	vst v63  }
0x97: {  	_ =	swait.ge [sflag:s23], $0x2000  }
0x98: {  	[sflag:s23] =	ssyncset.done $0x0  }
0x99: {  	[sflag:s23] =	ssyncadd.s32 $0xFFFFE000  }
0x9a: {  	_ =	swait.ge [sflag:s19], $0x2000  }
0x9b: {  	[sflag:s19] =	ssyncset.done $0x0  }
0x9c: {  	[sflag:s19] =	ssyncadd.s32 $0xFFFFE000  }
0x9d: {  	[spmem:s2] =	stream.indirect.scatter.add.f32 [tilespmem:s21], [sflag:$0x2], $0x40, s20, s14, $0xb8;
	[tilespmem:$0x1F700] =	vst v63  }
0x9e: {  	_ =	swait.ge [sflag:s23], $0x2000  }
0x9f: {  	[sflag:s23] =	ssyncset.done $0x0  }
0xa0: {  	[sflag:s23] =	ssyncadd.s32 $0xFFFFE000  }
0xa1: {  	_ =	swait.ge [sflag:s19], $0x2000  }
0xa2: {  	[sflag:s19] =	ssyncset.done $0x0  }
0xa3: {  	[sflag:s19] =	ssyncadd.s32 $0xFFFFE000  }
0xa4: {  	[spmem:s2] =	stream.indirect.scatter.add.f32 [tilespmem:s15], [sflag:$0x2], $0x40, s22, s14, $0xb8;
	[tilespmem:$0x1F700] =	vst v63  }
0xa5: {  	_ =	swait.ge [sflag:s23], $0x2000  }
0xa6: {  	[sflag:s23] =	ssyncset.done $0x0  }
0xa7: {  	[sflag:s23] =	ssyncadd.s32 $0xFFFFE000  }
0xa8: {  	_ =	swait.ge [sflag:s23], $0x2000  }
0xa9: {  	[sflag:s23] =	ssyncset.done $0x0  }
0xaa: {  	s24 =	sadd.s32 $0x1, s24;
	[sflag:s23] =	ssyncadd.s32 $0xFFFFE000  }
0xab: {  	p0 =	sne.s32 s24, s8;
	[bflag:$0x0] =	sbarrier.arrive $0xFFFF  }
0xac: {  	[hbm:s9], [sflag:s12] =	dma.local [spmem:s13], $0x1F40  }
.Ltmp1:
0xad: {  	_ =	swait.ge [sflag:s10], $0x1F40;
	(pc) =	sbr.rel @p0 .LBB2_1-.Ltmp1, $3  }
0xae: {  	[sflag:s10] =	ssyncset.done $0x0  }
0xaf: {  	[sflag:s10] =	ssyncadd.s32 $0xFFFFE0C0  }
0xb0: {  	[bflag:$0x0] =	sbarrier.arrive $0xFFFF;
	_ =	sdelay $0x1  }
0xb1: {  	_ =	sfence.sel $0x180000  }
0xb2: {  	[bflag:$0x0] =	sbarrier.arrive $0xFFFF  }
0xb3: {  	_ =	strace $0x90000047  }
0xb4: {  	s0 =	stileid.u32;
	[bflag:$0x2] =	sbarrier.arrive $0xFFFF  }
0xb5: {  	p0 =	sne.s32 s0, $0x0;
	s0 =	rddreg [dreg:$0x2]  }
0xb6: {  	s0 =	sadd.s32 @!p0 $0x100000, s0  }
0xb7: {  	[sflag:s0] =	ssyncadd.tile.s32 @!p0 $0x1;
	_ =	shalt  }
.Lfunc_end2:
_tile_overlayer_lowered:
.L_overlay_start_2:
0xb8: {  	(tag) =	ssettag $0x2  }
0xb9: {  	s0 =	rddreg [dreg:$0x0];
	s2 =	stileid.u32  }
0xba: {  	s1 =	rddreg [dreg:$0x1];
	p0 =	sne.s32 s2, $0x0  }
0xbb: {  	s3 =	rddreg [dreg:$0x2];
	[bflag:$0x3] =	sbarrier.arrive $0xFFFF;
	s2 =	simm.s32 @!p0 $0x1C03  }
0xbc: {  	[timem:s3], [sflag:s2] =	dma.local @!p0 [hbm:s0], s1  }
0xbd: {  	s0 =	simm.s32 @!p0 $0x3  }
0xbe: {  	_ =	swait.ge @!p0 [sflag:s0], s1  }
0xbf: {  	s1 =	ssub.s32 @!p0 $0x0, s1;
	[sflag:s0] =	ssyncset.done @!p0 $0x0  }
0xc0: {  	[sflag:s0] =	ssyncadd.s32 @!p0 s1  }
0xc1: {  	[bflag:$0x3] =	sbarrier.arrive $0xFFFF  }
0xc2: {  	_ =	shalt  }

// kernel: kernel.9.cloned.1.call-start
scs
__scs_entry_jumppad:
0x0: {  	(pc) =	sbr.rel $0x88, $3  }
0x1: {  	(tag) =	ssettag $0x0;
	lr =	simm.s32 $0x1  }
0x2: {  	[smem:$0x3F95] =	sst lr;
	_ =	strace $0xD0000000  }
0x3: {  	_ = 	snop  }
0x4: {  	_ = 	snop  }
0x5: {  	_ = 	snop  }
0x6: {  	_ = 	snop  }
0x7: {  	_ = 	snop  }
__scs_overlays_trampoline_lowered:
0x8: {  	[smem:$0x3FA4] =	sst s0  }
0x9: {  	[smem:$0x3FA5] =	sst s1  }
0xa: {  	[smem:$0x3FA6] =	sst s2  }
0xb: {  	[smem:$0x3FA7] =	sst s3  }
0xc: {  	[smem:$0x3FA8] =	sst s4  }
0xd: {  	[smem:$0x3FA9] =	sst s5  }
0xe: {  	[smem:$0x3FAA] =	sst s6  }
0xf: {  	[smem:$0x3FAB] =	sst s7  }
0x10: {  	[smem:$0x3FAC] =	sst s8  }
0x11: {  	[smem:$0x3FAD] =	sst s9;
	s0 =	simm.s32 @!p0 $0x0  }
0x12: {  	s1 =	sld [smem:$0x3F93];
	s0 =	simm.s32 @p0 $0x1  }
0x13: {  	[smem:$0x3FAE] =	sst s0;
	s0 =	simm.s32 @!p1 $0x0  }
0x14: {  	s2 =	sld [smem:$0x3F92];
	s0 =	simm.s32 @p1 $0x1  }
0x15: {  	[smem:$0x3FAF] =	sst s0;
	s0 =	simm.s32 @!p2 $0x0  }
0x16: {  	s3 =	sld [smem:$0x3FDB];
	s0 =	simm.s32 @p2 $0x1  }
0x17: {  	s4 =	simm.s32 $0x1BF5;
	[smem:$0x3FB1] =	sst s0  }
0x18: {  	s0 =	sld [smem:$0x3F94];
	_ =	swait.ge [sflag:s4], $0x0  }
0x19: {  	s7 =	sld [smem:$0x3F95]  }
0x1a: {  	s8 =	sadd.s32 $0xFFFFE003, lr  }
0x1b: {  	s9 =	sadd.s32 $0xFFFFFEF7, lr;
	s5 =	simm.s32 $0xFFFFFFFF;
	p2 =	slt.u32 s8, $0xFFFFF086  }
0x1c: {  	p1 =	slt.u32 s9, $0xF7A;
	s5 =	simm.s32 @!p2 $0x0  }
0x1d: {  	s5 =	simm.s32 @p1 $0x1;
	p0 =	seq.s32 s7, s2  }
0x1e: {  	s7 =	smul.u32 @!p0 $0xF7A, s2;
	p2 =	seq.s32 @!p0 s5, $0x0  }
0x1f: {  	s9 =	smul.u32 $0xF7A, s1;
	s8 =	simm.s32 @!p0 $0x1BF5;
	p2 =	por !p2, p0  }
0x20: {  	[sflag:s8] =	ssyncset.s32 @!p0 $0xFFFFF086;
	s6 =	sadd.s32 @!p0 s3, s7;
	s7 =	simm.s32 @!p0 $0x108  }
0x21: {  	s3 =	sadd.s32 s3, s9;
	s6 =	sadd.s32 @!p0 $0x88, s6;
	s7 =	simm.s32 @p2 $0x1082  }
0x22: {  	[simem:s7], [sflag:s8] =	dma.local @!p0 [hbm:s6], $0xF7A  }
0x23: {  	s9 =	sor.u32 $0xD0000000, s2;
	s6 =	simm.s32 $0x108;
	_ =	swait.ge @!p0 [sflag:s8], $0x0  }
0x24: {  	s3 =	sadd.s32 $0x88, s3;
	s6 =	simm.s32 @!p1 $0x1082;
	[sflag:s4] =	ssyncset.s32 $0xFFFFF086  }
0x25: {  	[simem:s6], [sflag:s4] =	dma.local [hbm:s3], $0xF7A  }
0x26: {  	[smem:$0x3F95] =	sst s1;
	(tag) =	ssettag s2;
	_ =	strace s9  }
0x27: {  	s1 =	sld [smem:$0x3FA5]  }
0x28: {  	s2 =	sld [smem:$0x3FA6]  }
0x29: {  	s4 =	sld [smem:$0x3FA8]  }
0x2a: {  	p0 =	seq.s32 s5, $0x0;
	s5 =	sld [smem:$0x3FA9]  }
0x2b: {  	s6 =	sld [smem:$0x3FAA]  }
0x2c: {  	s7 =	sld [smem:$0x3FAB]  }
0x2d: {  	s3 =	simm.s32 $0x108;
	s8 =	sld [smem:$0x3FAC]  }
0x2e: {  	s3 =	simm.s32 @!p0 $0x1082;
	s9 =	sld [smem:$0x3FAD]  }
0x2f: {  	lr =	sadd.s32 s0, s3;
	s0 =	sld [smem:$0x3FA4]  }
0x30: {  	s3 =	sld [smem:$0x3FA7]  }
0x31: {  	[smem:$0x3FB0] =	sst s10  }
0x32: {  	s10 =	sld [smem:$0x3FAE];
	_ =	sdelay $0x3  }
0x33: {  	p0 =	seq.s32 s10, $0x1;
	s10 =	sld [smem:$0x3FB0];
	_ =	sdelay $0x3  }
0x34: {  	[smem:$0x3FB0] =	sst s10  }
0x35: {  	s10 =	sld [smem:$0x3FAF];
	_ =	sdelay $0x3  }
0x36: {  	p1 =	seq.s32 s10, $0x1;
	s10 =	sld [smem:$0x3FB0];
	_ =	sdelay $0x3  }
0x37: {  	[smem:$0x3FB0] =	sst s10  }
0x38: {  	s10 =	sld [smem:$0x3FB1]  }
0x39: {  	_ = 	snop;
	(pc) =	sbr.ind lr, $3  }
0x3a: {  	_ = 	snop  }
0x3b: {  	_ = 	snop  }
0x3c: {  	p2 =	seq.s32 s10, $0x1;
	s10 =	sld [smem:$0x3FB0]  }
0x3d: {  	_ =	shalt  }
0x3e: {  	_ =	shalt  }
0x3f: {  	_ =	shalt  }
0x40: {  	_ =	shalt  }
0x41: {  	_ =	shalt  }
0x42: {  	_ =	shalt  }
0x43: {  	_ =	shalt  }
0x44: {  	_ =	shalt  }
0x45: {  	_ =	shalt  }
0x46: {  	_ =	shalt  }
0x47: {  	_ =	shalt  }
0x48: {  	_ =	shalt  }
0x49: {  	_ =	shalt  }
0x4a: {  	_ =	shalt  }
0x4b: {  	_ =	shalt  }
0x4c: {  	_ =	shalt  }
0x4d: {  	_ =	shalt  }
0x4e: {  	_ =	shalt  }
0x4f: {  	_ =	shalt  }
0x50: {  	_ =	shalt  }
0x51: {  	_ =	shalt  }
0x52: {  	_ =	shalt  }
0x53: {  	_ =	shalt  }
0x54: {  	_ =	shalt  }
0x55: {  	_ =	shalt  }
0x56: {  	_ =	shalt  }
0x57: {  	_ =	shalt  }
0x58: {  	_ =	shalt  }
0x59: {  	_ =	shalt  }
0x5a: {  	_ =	shalt  }
0x5b: {  	_ =	shalt  }
0x5c: {  	_ =	shalt  }
0x5d: {  	_ =	shalt  }
0x5e: {  	_ =	shalt  }
0x5f: {  	_ =	shalt  }
0x60: {  	_ =	shalt  }
0x61: {  	_ =	shalt  }
0x62: {  	_ =	shalt  }
0x63: {  	_ =	shalt  }
0x64: {  	_ =	shalt  }
0x65: {  	_ =	shalt  }
0x66: {  	_ =	shalt  }
0x67: {  	_ =	shalt  }
0x68: {  	_ =	shalt  }
0x69: {  	_ =	shalt  }
0x6a: {  	_ =	shalt  }
0x6b: {  	_ =	shalt  }
0x6c: {  	_ =	shalt  }
0x6d: {  	_ =	shalt  }
0x6e: {  	_ =	shalt  }
0x6f: {  	_ =	shalt  }
0x70: {  	_ =	shalt  }
0x71: {  	_ =	shalt  }
0x72: {  	_ =	shalt  }
0x73: {  	_ =	shalt  }
0x74: {  	_ =	shalt  }
0x75: {  	_ =	shalt  }
0x76: {  	_ =	shalt  }
0x77: {  	_ =	shalt  }
0x78: {  	_ =	shalt  }
0x79: {  	_ =	shalt  }
0x7a: {  	_ =	shalt  }
0x7b: {  	_ =	shalt  }
0x7c: {  	_ =	shalt  }
0x7d: {  	_ =	shalt  }
0x7e: {  	_ =	shalt  }
0x7f: {  	_ =	shalt  }
0x80: {  	_ =	shalt  }
0x81: {  	_ =	shalt  }
0x82: {  	_ =	shalt  }
0x83: {  	_ =	shalt  }
0x84: {  	_ =	shalt  }
0x85: {  	_ =	shalt  }
0x86: {  	_ =	shalt  }
0x87: {  	_ =	shalt  }
.Lfunc_end0:
.L_simem_size_0:
called_computation.1_lowered:
.L_overlay_start_0:
0x88: {  	s2 =	sld [smem:$0x3FD9]  }
0x89: {  	s3 =	sld [smem:$0x3FFE];
	_ =	sdelay $0x1  }
0x8a: {  	s1 =	srdreg.scid  }
0x8b: {  	s0 =	sand.u32 $0x1, s1  }
0x8c: {  	s16 =	sshll.u32 s0, $0xA;
	s2 =	sadd.s32 s3, s2  }
0x8d: {  	s2 =	sadd.s32 s2, s16  }
0x8e: {  	[smem:$0x3FBC] =	sst s2  }
0x8f: {  	_ = 	snop  }
0x90: {  	(tm) =	ssettm $0x1  }
0x91: {  	s17 =	sld [smem:$0x3FFB];
	_ =	sdelay $0x3  }
0x92: {  	_ =	strace s17  }
0x93: {  	s2 =	sld [smem:$0x3FFC];
	_ =	sdelay $0x3  }
0x94: {  	_ =	strace s2  }
0x95: {  	s2 =	sld [smem:$0x3FFD];
	_ =	sdelay $0x3  }
0x96: {  	_ =	strace s2  }
0x97: {  	_ =	strace $0x8FFFFFFF  }
0x98: {  	s18 =	sld [smem:$0x3FDB];
	_ =	sdelay $0x1  }
0x99: {  	s19 =	simm.s32 $_scs_section_size  }
0x9a: {  	s4 =	simm.s32 $_size__tile_overlayer_lowered;
	s5 =	simm.s32 $_tile_overlayer_lowered  }
0x9b: {  	s22 =	simm.s32 $0x1BFF;
	s21 =	sshll.u32 s5, $0x1;
	s2 =	sadd.s32 s19, s18  }
0x9c: {  	s6 =	simm.s32 $0x0;
	s20 =	sshll.u32 s4, $0x1;
	s4 =	sadd.s32 s21, s2  }
0x9d: {  	[timem:s6], [sflag:s22] =	dma.local [hbm:s4], s20  }
0x9e: {  	_ =	swait.ge [sflag:s22], s20  }
0x9f: {  	s3 =	ssub.s32 $0x0, s20;
	[sflag:s22] =	ssyncset.done $0x0  }
0xa0: {  	[sflag:s22] =	ssyncadd.s32 s3;
	_ =	sdelay $0x1  }
0xa1: {  	s23 =	simm.s32 $0x1B8B  }
0xa2: {  	_ =	swait.ge [sflag:s23], $0x1  }
0xa3: {  	[sflag:s23] =	ssyncset.done $0x0  }
0xa4: {  	s25 =	simm.s32 $0x1B8E;
	s24 =	sld [smem:$0x3FFE];
	[sflag:s23] =	ssyncadd.s32 $0xFFFFFFFF  }
0xa5: {  	s26 =	simm.s32 $execute0_lowered;
	[smem:$0x3FD2] =	sst s25  }
0xa6: {  	s4 =	sshll.u32 s26, $0x1;
	_ =	strace $0x80000049;
	[dreg:$0x1] =	wrdreg $0xFFFFFFFF  }
0xa7: {  	s28 =	simm.s32 $_size_execute0_lowered;
	s2 =	sadd.s32 s2, s4;
	[dreg:$0x0] =	wrdreg $0x0  }
0xa8: {  	s4 =	sshll.u32 s28, $0x1;
	[dreg:$0x2] =	wrdreg s2  }
0xa9: {  	[dreg:$0x3] =	wrdreg s4  }
0xaa: {  	[dreg:$0x4] =	wrdreg $0xC0  }
0xab: {  	_ =	task [dreg:s6], $0x5FFFF  }
0xac: {  	[dreg:$0x1] =	wrdreg $0xFFFFFFFF  }
0xad: {  	[dreg:$0x0] =	wrdreg $0x60  }
0xae: {  	[dreg:$0x2] =	wrdreg s24  }
0xaf: {  	[dreg:$0x3] =	wrdreg $0xFD000  }
0xb0: {  	[dreg:$0x4] =	wrdreg $0x9  }
0xb1: {  	_ =	task.clear_ibuf [dreg:s6], $0x5FFFF;
	_ =	strace $0x90000049  }
0xb2: {  	s29 =	simm.s32 $0x9;
	_ =	strace $0x8000004B  }
0xb3: {  	_ =	swait.ge [sflag:s29], $0x1  }
0xb4: {  	[sflag:s29] =	ssyncadd.s32 $0xFFFFFFFF  }
0xb5: {  	_ =	strace $0x9000004B  }
0xb6: {  	_ =	sfence  }
0xb7: {  	s30 =	sld [smem:$0x0];
	_ =	sdelay $0x2  }
0xb8: {  	s31 =	sshll.u32 s1, $0xD;
	s1 =	sshrl.u32 s1, $0x2  }
0xb9: {  	s3 =	sand.u32 $0x4000, s31;
	s1 =	sadd.s32 s1, s30  }
0xba: {  	s0 =	sor.u32 s3, s0;
	s1 =	sshll.u32 s1, $0x11  }
0xbb: {  	s0 =	sor.u32 s1, s0  }
0xbc: {  	s0 =	sadd.s32 $0x8F2B, s0  }
0xbd: {  	[sflag:s0] =	ssyncadd.remote.s32 $0x1  }
0xbe: {  	_ =	sfence.sel $0xFFFF  }
0xbf: {  	[dreg:$0x0] =	wrdreg $0xFFFFFFFF;
	(pc) =	sbr.abs _section_cstart, $3  }
0xc0: {  	[dreg:$0x1] =	wrdreg $0xFFFFFFFF  }
0xc1: {  	_ =	task.clear_ibuf [dreg:s6], $0x2FFFF;
	_ =	strace $0x9FFFFFFF  }
0xc2: {  	(tm) =	ssettm $0x7FFFFFFF  }
0xc3: {  	_ =	shalt  }
tec
execute0_lowered:
.L_overlay_start_1:
0x0: {  	(tag) =	ssettag $0x1  }
0x1: {  	s0 =	rddreg [dreg:$0x0]  }
0x2: {  	s2 =	rddreg [dreg:$0x1];
	s16 =	stileid.u32;
	s3 =	simm.s32 $0x0  }
0x3: {  	s9 =	srdreg.scid;
	s17 =	simm.s32 $0x7D00;
	s18 =	simm.s32 $0x9D00  }
0x4: {  	s20 =	simm.s32 $0xBD00;
	s21 =	simm.s32 $0x1;
	s28 =	simm.s32 $0x3F80  }
0x5: {  	s29 =	simm.s32 $0x280;
	s30 =	simm.s32 $0x4000;
	s31 =	simm.s32 $0x300  }
0x6: {  	s19 =	simm.s32 $0x0;
	s1 =	smul.u32 $0x7D0, s16;
	[smem:$0x7FF] =	sst s3  }
0x7: {  	s4 =	sadd.s32 $0x52200, s0;
	s7 =	sadd.s32 $0x13A00, s0;
	s8 =	sadd.s32 $0x32E00, s0  }
0x8: {  	s5 =	sadd.s32 $0x54200, s0;
	s6 =	sadd.s32 $0x73600, s0;
	s9 =	sand.u32 $0x1, s9  }
0x9: {  	s10 =	sadd.s32 $0xB1E00, s0;
	s11 =	sadd.s32 $0x92A00, s0;
	s13 =	sadd.s32 $0xD1200, s0  }
0xa: {  	s15 =	smul.u32 $0xFA00, s16;
	s26 =	sshll.u32 s16, $0x6;
	s16 =	simm.s32 $0x80  }
0xb: {  	_ =	strace $0x8000004A;
	s12 =	ssub.s32 $0x2, s9;
	p0 =	seq.s32 s9, $0x0  }
0xc: {  	s9 =	simm.s32 $0x7B80;
	s1 =	sadd.s32 s1, s0;
	s14 =	sshrl.u32 s12, $0x1  }
0xd: {  	s0 =	sadd.s32 $0xF0600, s0;
	s23 =	sadd.s32 s15, s2;
	s24 =	sshrl.u32 s15, $0x3  }
0xe: {  	s13 =	smov.u32 @p0 s10;
	s5 =	smov.u32 @p0 s7;
	s6 =	smov.u32 @p0 s8  }
0xf: {  	s7 =	simm.s32 $0x7B00;
	s8 =	simm.s32 $0x3E00;
	s10 =	simm.s32 $0x7C00  }
0x10: {  	s12 =	ssub.s32 s12, s14;
	s22 =	sadd.s32 $0xBC00, s1;
	s1 =	sadd.s32 $0x3E00, s1  }
0x11: {  	s25 =	sadd.s32 s13, s24;
	s0 =	smov.u32 @p0 s11;
	s13 =	simm.s32 $0x3E80  }
0x12: {  	s14 =	sor.u32 $0x1C03, s26;
	s15 =	sshrl.u32 s23, $0x3;
	[dreg:$0x3] =	wrdreg s22  }
0x13: {  	s23 =	simm.s32 $0xDD00;
	s11 =	simm.s32 $0x7C80;
	[dreg:$0x4] =	wrdreg s1  }
0x14: {  	s12 =	smax.u32 s12, $0x1;
	[dreg:$0x6] =	wrdreg s25;
	s0 =	sadd.s32 s0, s24  }
0x15: {  	s25 =	simm.s32 $0x2;
	s1 =	simm.s32 $0x3D80;
	[dreg:$0x5] =	wrdreg s12  }
0x16: {  	[dreg:$0x7] =	wrdreg s0;
	s12 =	simm.s32 $0x3;
	s0 =	simm.s32 $0x7A80  }
.LBB2_1:
0x17: {  	s22 =	rddreg [dreg:$0x3]  }
0x18: {  	[tilespmem:s3], [sflag:$0x3] =	stream.linear.gather [hbm4b:s22+s3], $0x3E80, $0x38;
	[tilespmem:$0x1F700] =	vst v63  }
0x19: {  	_ =	swait.ge [sflag:s12], $0x3E80  }
0x1a: {  	[sflag:s12] =	ssyncset.done $0x0  }
0x1b: {  	s24 =	rddreg [dreg:$0x4];
	[sflag:s12] =	ssyncadd.s32 $0xFFFFC180  }
0x1c: {  	[tilespmem:s13], [sflag:$0x3] =	stream.linear.gather [hbm4b:s24+s3], $0x3E80, $0x38;
	[tilespmem:$0x1F700] =	vst v63  }
0x1d: {  	_ =	swait.ge [sflag:s12], $0x3E80  }
0x1e: {  	[sflag:s12] =	ssyncset.done $0x0  }
0x1f: {  	[sflag:s12] =	ssyncadd.s32 $0xFFFFC180  }
0x20: {  	[spmem:s15], [sflag:s14] =	dma.local [hbm:s4], $0x1F40  }
0x21: {  	_ =	swait.ge [sflag:s12], $0x1F40  }
0x22: {  	[sflag:s12] =	ssyncset.done $0x0  }
0x23: {  	[sflag:s12] =	ssyncadd.s32 $0xFFFFE0C0  }
0x24: {  	[bflag:$0x0] =	sbarrier.arrive $0xFFFF  }
0x25: {  	[tilespmem:s17], [sflag:$0x1] =	stream.indirect.gather [hbm4b:s5+s16], $0x40, s3, s16, $0xb8;
	[tilespmem:$0x1F700] =	vst v63  }
0x26: {  	_ = 	snop  }
0x27: {  	[tilespmem:s18], [sflag:$0x1] =	stream.indirect.gather [hbm4b:s5+s16], $0x40, s16, s16, $0xb8;
	[tilespmem:$0x1F700] =	vst v63  }
0x28: {  	s26 =	simm.s32 $0x100  }
0x29: {  	[tilespmem:s20], [sflag:$0x1] =	stream.indirect.gather [hbm4b:s5+s16], $0x40, s26, s16, $0xb8;
	[tilespmem:$0x1F700] =	vst v63  }
0x2a: {  	_ =	swait.ge [sflag:s21], $0x2000  }
0x2b: {  	[sflag:s21] =	ssyncset.done $0x0  }
0x2c: {  	[sflag:s21] =	ssyncadd.s32 $0xFFFFE000  }
0x2d: {  	[spmem:s2] =	stream.indirect.scatter.add.f32 [tilespmem:s17], [sflag:$0x2], $0x40, s13, s16, $0xb8;
	[tilespmem:$0x1F700] =	vst v63  }
0x2e: {  	s24 =	simm.s32 $0x180  }
0x2f: {  	[tilespmem:s23], [sflag:$0x1] =	stream.indirect.gather [hbm4b:s5+s16], $0x40, s24, s16, $0xb8;
	[tilespmem:$0x1F700] =	vst v63  }
0x30: {  	_ =	swait.ge [sflag:s21], $0x2000  }
0x31: {  	[sflag:s21] =	ssyncset.done $0x0  }
0x32: {  	s26 =	simm.s32 $0x3F00;
	[sflag:s21] =	ssyncadd.s32 $0xFFFFE000  }
0x33: {  	[spmem:s2] =	stream.indirect.scatter.add.f32 [tilespmem:s18], [sflag:$0x2], $0x40, s26, s16, $0xb8;
	[tilespmem:$0x1F700] =	vst v63  }
0x34: {  	_ =	swait.ge [sflag:s25], $0x2000  }
0x35: {  	[sflag:s25] =	ssyncset.done $0x0  }
0x36: {  	s24 =	simm.s32 $0x200;
	[sflag:s25] =	ssyncadd.s32 $0xFFFFE000  }
0x37: {  	[tilespmem:s17], [sflag:$0x1] =	stream.indirect.gather [hbm4b:s5+s16], $0x40, s24, s16, $0xb8;
	[tilespmem:$0x1F700] =	vst v63  }
0x38: {  	_ =	swait.ge [sflag:s21], $0x2000  }
0x39: {  	[sflag:s21] =	ssyncset.done $0x0  }
0x3a: {  	[sflag:s21] =	ssyncadd.s32 $0xFFFFE000  }
0x3b: {  	[spmem:s2] =	stream.indirect.scatter.add.f32 [tilespmem:s20], [sflag:$0x2], $0x40, s28, s16, $0xb8;
	[tilespmem:$0x1F700] =	vst v63  }
0x3c: {  	_ =	swait.ge [sflag:s25], $0x2000  }
0x3d: {  	[sflag:s25] =	ssyncset.done $0x0  }
0x3e: {  	[sflag:s25] =	ssyncadd.s32 $0xFFFFE000  }
0x3f: {  	[tilespmem:s18], [sflag:$0x1] =	stream.indirect.gather [hbm4b:s5+s16], $0x40, s29, s16, $0xb8;
	[tilespmem:$0x1F700] =	vst v63  }
0x40: {  	_ =	swait.ge [sflag:s21], $0x2000  }
0x41: {  	[sflag:s21] =	ssyncset.done $0x0  }
0x42: {  	[sflag:s21] =	ssyncadd.s32 $0xFFFFE000  }
0x43: {  	[spmem:s2] =	stream.indirect.scatter.add.f32 [tilespmem:s23], [sflag:$0x2], $0x40, s30, s16, $0xb8;
	[tilespmem:$0x1F700] =	vst v63  }
0x44: {  	_ =	swait.ge [sflag:s25], $0x2000  }
0x45: {  	[sflag:s25] =	ssyncset.done $0x0  }
0x46: {  	[sflag:s25] =	ssyncadd.s32 $0xFFFFE000  }
0x47: {  	[tilespmem:s20], [sflag:$0x1] =	stream.indirect.gather [hbm4b:s5+s16], $0x40, s31, s16, $0xb8;
	[tilespmem:$0x1F700] =	vst v63  }
0x48: {  	_ =	swait.ge [sflag:s21], $0x2000  }
0x49: {  	[sflag:s21] =	ssyncset.done $0x0  }
0x4a: {  	s26 =	simm.s32 $0x4080;
	[sflag:s21] =	ssyncadd.s32 $0xFFFFE000  }
0x4b: {  	[spmem:s2] =	stream.indirect.scatter.add.f32 [tilespmem:s17], [sflag:$0x2], $0x40, s26, s16, $0xb8;
	[tilespmem:$0x1F700] =	vst v63  }
0x4c: {  	_ =	swait.ge [sflag:s25], $0x2000  }
0x4d: {  	[sflag:s25] =	ssyncset.done $0x0  }
0x4e: {  	s24 =	simm.s32 $0x380;
	[sflag:s25] =	ssyncadd.s32 $0xFFFFE000  }
0x4f: {  	[tilespmem:s23], [sflag:$0x1] =	stream.indirect.gather [hbm4b:s5+s16], $0x40, s24, s16, $0xb8;
	[tilespmem:$0x1F700] =	vst v63  }
0x50: {  	_ =	swait.ge [sflag:s21], $0x2000  }
0x51: {  	[sflag:s21] =	ssyncset.done $0x0  }
0x52: {  	s26 =	simm.s32 $0x4100;
	[sflag:s21] =	ssyncadd.s32 $0xFFFFE000  }
0x53: {  	[spmem:s2] =	stream.indirect.scatter.add.f32 [tilespmem:s18], [sflag:$0x2], $0x40, s26, s16, $0xb8;
	[tilespmem:$0x1F700] =	vst v63  }
0x54: {  	_ =	swait.ge [sflag:s25], $0x2000  }
0x55: {  	[sflag:s25] =	ssyncset.done $0x0  }
0x56: {  	s24 =	simm.s32 $0x400;
	[sflag:s25] =	ssyncadd.s32 $0xFFFFE000  }
0x57: {  	[tilespmem:s17], [sflag:$0x1] =	stream.indirect.gather [hbm4b:s5+s16], $0x40, s24, s16, $0xb8;
	[tilespmem:$0x1F700] =	vst v63  }
0x58: {  	_ =	swait.ge [sflag:s21], $0x2000  }
0x59: {  	[sflag:s21] =	ssyncset.done $0x0  }
0x5a: {  	s26 =	simm.s32 $0x4180;
	[sflag:s21] =	ssyncadd.s32 $0xFFFFE000  }
0x5b: {  	[spmem:s2] =	stream.indirect.scatter.add.f32 [tilespmem:s20], [sflag:$0x2], $0x40, s26, s16, $0xb8;
	[tilespmem:$0x1F700] =	vst v63  }
0x5c: {  	_ =	swait.ge [sflag:s25], $0x2000  }
0x5d: {  	[sflag:s25] =	ssyncset.done $0x0  }
0x5e: {  	s24 =	simm.s32 $0x480;
	[sflag:s25] =	ssyncadd.s32 $0xFFFFE000  }
0x5f: {  	[tilespmem:s18], [sflag:$0x1] =	stream.indirect.gather [hbm4b:s5+s16], $0x40, s24, s16, $0xb8;
	[tilespmem:$0x1F700] =	vst v63  }
0x60: {  	_ =	swait.ge [sflag:s21], $0x2000  }
0x61: {  	[sflag:s21] =	ssyncset.done $0x0  }
0x62: {  	s26 =	simm.s32 $0x4200;
	[sflag:s21] =	ssyncadd.s32 $0xFFFFE000  }
0x63: {  	[spmem:s2] =	stream.indirect.scatter.add.f32 [tilespmem:s23], [sflag:$0x2], $0x40, s26, s16, $0xb8;
	[tilespmem:$0x1F700] =	vst v63  }
0x64: {  	_ =	swait.ge [sflag:s25], $0x2000  }
0x65: {  	[sflag:s25] =	ssyncset.done $0x0  }
0x66: {  	s22 =	simm.s32 $0x800;
	s24 =	simm.s32 $0x500;
	[sflag:s25] =	ssyncadd.s32 $0xFFFFE000  }
.LBB2_2:
0x67: {  	[tilespmem:s20], [sflag:$0x1] =	stream.indirect.gather [hbm4b:s5+s16], $0x40, s24, s16, $0xb8;
	[tilespmem:$0x1F700] =	vst v63  }
0x68: {  	s24 =	smov.u32 s22  }
0x69: {  	p0 =	sne.s32 s22, $0xE000;
	s22 =	sadd.s32 $0x800, s22;
	_ =	swait.ge [sflag:s21], $0x2000  }
0x6a: {  	s24 =	sshra.s32 s24, $0x2;
	[sflag:s21] =	ssyncset.done $0x0  }
0x6b: {  	s26 =	sadd.s32 $0x4080, s24;
	[sflag:s21] =	ssyncadd.s32 $0xFFFFE000  }
0x6c: {  	[spmem:s2] =	stream.indirect.scatter.add.f32 [tilespmem:s17], [sflag:$0x2], $0x40, s26, s16, $0xb8;
	[tilespmem:$0x1F700] =	vst v63  }
0x6d: {  	_ =	swait.ge [sflag:s25], $0x2000  }
0x6e: {  	[sflag:s25] =	ssyncset.done $0x0  }
0x6f: {  	s26 =	sadd.s32 $0x380, s24;
	[sflag:s25] =	ssyncadd.s32 $0xFFFFE000  }
0x70: {  	[tilespmem:s23], [sflag:$0x1] =	stream.indirect.gather [hbm4b:s5+s16], $0x40, s26, s16, $0xb8;
	[tilespmem:$0x1F700] =	vst v63  }
0x71: {  	_ =	swait.ge [sflag:s21], $0x2000  }
0x72: {  	[sflag:s21] =	ssyncset.done $0x0  }
0x73: {  	s26 =	sadd.s32 $0x4100, s24;
	[sflag:s21] =	ssyncadd.s32 $0xFFFFE000  }
0x74: {  	[spmem:s2] =	stream.indirect.scatter.add.f32 [tilespmem:s18], [sflag:$0x2], $0x40, s26, s16, $0xb8;
	[tilespmem:$0x1F700] =	vst v63  }
0x75: {  	_ =	swait.ge [sflag:s25], $0x2000  }
0x76: {  	[sflag:s25] =	ssyncset.done $0x0  }
0x77: {  	s26 =	sadd.s32 $0x400, s24;
	[sflag:s25] =	ssyncadd.s32 $0xFFFFE000  }
0x78: {  	[tilespmem:s17], [sflag:$0x1] =	stream.indirect.gather [hbm4b:s5+s16], $0x40, s26, s16, $0xb8;
	[tilespmem:$0x1F700] =	vst v63  }
0x79: {  	_ =	swait.ge [sflag:s21], $0x2000  }
0x7a: {  	[sflag:s21] =	ssyncset.done $0x0  }
0x7b: {  	s26 =	sadd.s32 $0x4180, s24;
	[sflag:s21] =	ssyncadd.s32 $0xFFFFE000  }
0x7c: {  	[spmem:s2] =	stream.indirect.scatter.add.f32 [tilespmem:s20], [sflag:$0x2], $0x40, s26, s16, $0xb8;
	[tilespmem:$0x1F700] =	vst v63  }
0x7d: {  	_ =	swait.ge [sflag:s25], $0x2000  }
0x7e: {  	[sflag:s25] =	ssyncset.done $0x0  }
0x7f: {  	s26 =	sadd.s32 $0x480, s24;
	[sflag:s25] =	ssyncadd.s32 $0xFFFFE000  }
0x80: {  	[tilespmem:s18], [sflag:$0x1] =	stream.indirect.gather [hbm4b:s5+s16], $0x40, s26, s16, $0xb8;
	[tilespmem:$0x1F700] =	vst v63  }
0x81: {  	_ =	swait.ge [sflag:s21], $0x2000  }
0x82: {  	[sflag:s21] =	ssyncset.done $0x0  }
.Ltmp0:
0x83: {  	s26 =	sadd.s32 $0x4200, s24;
	[sflag:s21] =	ssyncadd.s32 $0xFFFFE000;
	(pc) =	sbr.rel @p0 .LBB2_2-.Ltmp0, $4  }
0x84: {  	[spmem:s2] =	stream.indirect.scatter.add.f32 [tilespmem:s23], [sflag:$0x2], $0x40, s26, s16, $0xb8;
	[tilespmem:$0x1F700] =	vst v63  }
0x85: {  	_ =	swait.ge [sflag:s25], $0x2000  }
0x86: {  	[sflag:s25] =	ssyncset.done $0x0  }
0x87: {  	s24 =	sadd.s32 $0x500, s24;
	[sflag:s25] =	ssyncadd.s32 $0xFFFFE000  }
0x88: {  	[tilespmem:s20], [sflag:$0x1] =	stream.indirect.gather [hbm4b:s5+s16], $0x40, s24, s16, $0xb8;
	[tilespmem:$0x1F700] =	vst v63  }
0x89: {  	_ =	swait.ge [sflag:s21], $0x2000  }
0x8a: {  	[sflag:s21] =	ssyncset.done $0x0  }
0x8b: {  	[sflag:s21] =	ssyncadd.s32 $0xFFFFE000  }
0x8c: {  	[spmem:s2] =	stream.indirect.scatter.add.f32 [tilespmem:s17], [sflag:$0x2], $0x40, s0, s16, $0xb8;
	[tilespmem:$0x1F700] =	vst v63  }
0x8d: {  	_ =	swait.ge [sflag:s25], $0x2000  }
0x8e: {  	[sflag:s25] =	ssyncset.done $0x0  }
0x8f: {  	[sflag:s25] =	ssyncadd.s32 $0xFFFFE000  }
0x90: {  	[tilespmem:s23], [sflag:$0x1] =	stream.indirect.gather [hbm4b:s5+s16], $0x40, s1, s16, $0xb8;
	[tilespmem:$0x1F700] =	vst v63  }
0x91: {  	_ =	swait.ge [sflag:s21], $0x2000  }
0x92: {  	[sflag:s21] =	ssyncset.done $0x0  }
0x93: {  	[sflag:s21] =	ssyncadd.s32 $0xFFFFE000  }
0x94: {  	[spmem:s2] =	stream.indirect.scatter.add.f32 [tilespmem:s18], [sflag:$0x2], $0x40, s7, s16, $0xb8;
	[tilespmem:$0x1F700] =	vst v63  }
0x95: {  	_ =	swait.ge [sflag:s25], $0x2000  }
0x96: {  	[sflag:s25] =	ssyncset.done $0x0  }
0x97: {  	[sflag:s25] =	ssyncadd.s32 $0xFFFFE000  }
0x98: {  	[tilespmem:s17], [sflag:$0x1] =	stream.indirect.gather [hbm4b:s5+s16], $0x40, s8, s16, $0xb8;
	[tilespmem:$0x1F700] =	vst v63  }
0x99: {  	_ =	swait.ge [sflag:s21], $0x2000  }
0x9a: {  	[sflag:s21] =	ssyncset.done $0x0  }
0x9b: {  	[sflag:s21] =	ssyncadd.s32 $0xFFFFE000  }
0x9c: {  	[spmem:s2] =	stream.indirect.scatter.add.f32 [tilespmem:s20], [sflag:$0x2], $0x40, s9, s16, $0xb8;
	[tilespmem:$0x1F700] =	vst v63  }
0x9d: {  	_ =	swait.ge [sflag:s25], $0x2000  }
0x9e: {  	[sflag:s25] =	ssyncset.done $0x0  }
0x9f: {  	[sflag:s25] =	ssyncadd.s32 $0xFFFFE000  }
0xa0: {  	_ =	swait.ge [sflag:s21], $0x2000  }
0xa1: {  	[sflag:s21] =	ssyncset.done $0x0  }
0xa2: {  	[sflag:s21] =	ssyncadd.s32 $0xFFFFE000  }
0xa3: {  	[spmem:s2] =	stream.indirect.scatter.add.f32 [tilespmem:s23], [sflag:$0x2], $0x40, s10, s16, $0xb8;
	[tilespmem:$0x1F700] =	vst v63  }
0xa4: {  	_ =	swait.ge [sflag:s25], $0x2000  }
0xa5: {  	[sflag:s25] =	ssyncset.done $0x0  }
0xa6: {  	[sflag:s25] =	ssyncadd.s32 $0xFFFFE000  }
0xa7: {  	_ =	swait.ge [sflag:s21], $0x2000  }
0xa8: {  	[sflag:s21] =	ssyncset.done $0x0  }
0xa9: {  	[sflag:s21] =	ssyncadd.s32 $0xFFFFE000  }
0xaa: {  	[spmem:s2] =	stream.indirect.scatter.add.f32 [tilespmem:s17], [sflag:$0x2], $0x40, s11, s16, $0xb8;
	[tilespmem:$0x1F700] =	vst v63  }
0xab: {  	_ =	swait.ge [sflag:s25], $0x2000  }
0xac: {  	[sflag:s25] =	ssyncset.done $0x0  }
0xad: {  	[sflag:s25] =	ssyncadd.s32 $0xFFFFE000  }
0xae: {  	_ =	swait.ge [sflag:s25], $0x2000  }
0xaf: {  	[sflag:s25] =	ssyncset.done $0x0  }
0xb0: {  	[sflag:s25] =	ssyncadd.s32 $0xFFFFE000  }
0xb1: {  	[bflag:$0x0] =	sbarrier.arrive $0xFFFF  }
0xb2: {  	s22 =	rddreg [dreg:$0x6]  }
0xb3: {  	[hbm:s22], [sflag:s14] =	dma.local [spmem:s15], $0x1F40  }
0xb4: {  	_ =	swait.ge [sflag:s12], $0x1F40  }
0xb5: {  	[sflag:s12] =	ssyncset.done $0x0  }
0xb6: {  	[sflag:s12] =	ssyncadd.s32 $0xFFFFE0C0  }
0xb7: {  	[bflag:$0x0] =	sbarrier.arrive $0xFFFF  }
0xb8: {  	[spmem:s15], [sflag:s14] =	dma.local [hbm:s4], $0x1F40  }
0xb9: {  	_ =	swait.ge [sflag:s12], $0x1F40  }
0xba: {  	[sflag:s12] =	ssyncset.done $0x0  }
0xbb: {  	[sflag:s12] =	ssyncadd.s32 $0xFFFFE0C0  }
0xbc: {  	s24 =	simm.s32 $0x0;
	[bflag:$0x0] =	sbarrier.arrive $0xFFFF  }
0xbd: {  	[tilespmem:s17], [sflag:$0x1] =	stream.indirect.gather [hbm4b:s6+s16], $0x40, s24, s16, $0xb8;
	[tilespmem:$0x1F700] =	vst v63  }
0xbe: {  	_ = 	snop  }
0xbf: {  	[tilespmem:s18], [sflag:$0x1] =	stream.indirect.gather [hbm4b:s6+s16], $0x40, s16, s16, $0xb8;
	[tilespmem:$0x1F700] =	vst v63  }
0xc0: {  	s26 =	simm.s32 $0x100  }
0xc1: {  	[tilespmem:s20], [sflag:$0x1] =	stream.indirect.gather [hbm4b:s6+s16], $0x40, s26, s16, $0xb8;
	[tilespmem:$0x1F700] =	vst v63  }
0xc2: {  	_ =	swait.ge [sflag:s21], $0x2000  }
0xc3: {  	[sflag:s21] =	ssyncset.done $0x0  }
0xc4: {  	[sflag:s21] =	ssyncadd.s32 $0xFFFFE000  }
0xc5: {  	[spmem:s2] =	stream.indirect.scatter.add.f32 [tilespmem:s17], [sflag:$0x2], $0x40, s13, s16, $0xb8;
	[tilespmem:$0x1F700] =	vst v63  }
0xc6: {  	s24 =	simm.s32 $0x180  }
0xc7: {  	[tilespmem:s23], [sflag:$0x1] =	stream.indirect.gather [hbm4b:s6+s16], $0x40, s24, s16, $0xb8;
	[tilespmem:$0x1F700] =	vst v63  }
0xc8: {  	_ =	swait.ge [sflag:s21], $0x2000  }
0xc9: {  	[sflag:s21] =	ssyncset.done $0x0  }
0xca: {  	s26 =	simm.s32 $0x3F00;
	[sflag:s21] =	ssyncadd.s32 $0xFFFFE000  }
0xcb: {  	[spmem:s2] =	stream.indirect.scatter.add.f32 [tilespmem:s18], [sflag:$0x2], $0x40, s26, s16, $0xb8;
	[tilespmem:$0x1F700] =	vst v63  }
0xcc: {  	_ =	swait.ge [sflag:s25], $0x2000  }
0xcd: {  	[sflag:s25] =	ssyncset.done $0x0  }
0xce: {  	s24 =	simm.s32 $0x200;
	[sflag:s25] =	ssyncadd.s32 $0xFFFFE000  }
0xcf: {  	[tilespmem:s17], [sflag:$0x1] =	stream.indirect.gather [hbm4b:s6+s16], $0x40, s24, s16, $0xb8;
	[tilespmem:$0x1F700] =	vst v63  }
0xd0: {  	_ =	swait.ge [sflag:s21], $0x2000  }
0xd1: {  	[sflag:s21] =	ssyncset.done $0x0  }
0xd2: {  	[sflag:s21] =	ssyncadd.s32 $0xFFFFE000  }
0xd3: {  	[spmem:s2] =	stream.indirect.scatter.add.f32 [tilespmem:s20], [sflag:$0x2], $0x40, s28, s16, $0xb8;
	[tilespmem:$0x1F700] =	vst v63  }
0xd4: {  	_ =	swait.ge [sflag:s25], $0x2000  }
0xd5: {  	[sflag:s25] =	ssyncset.done $0x0  }
0xd6: {  	[sflag:s25] =	ssyncadd.s32 $0xFFFFE000  }
0xd7: {  	[tilespmem:s18], [sflag:$0x1] =	stream.indirect.gather [hbm4b:s6+s16], $0x40, s29, s16, $0xb8;
	[tilespmem:$0x1F700] =	vst v63  }
0xd8: {  	_ =	swait.ge [sflag:s21], $0x2000  }
0xd9: {  	[sflag:s21] =	ssyncset.done $0x0  }
0xda: {  	[sflag:s21] =	ssyncadd.s32 $0xFFFFE000  }
0xdb: {  	[spmem:s2] =	stream.indirect.scatter.add.f32 [tilespmem:s23], [sflag:$0x2], $0x40, s30, s16, $0xb8;
	[tilespmem:$0x1F700] =	vst v63  }
0xdc: {  	_ =	swait.ge [sflag:s25], $0x2000  }
0xdd: {  	[sflag:s25] =	ssyncset.done $0x0  }
0xde: {  	[sflag:s25] =	ssyncadd.s32 $0xFFFFE000  }
0xdf: {  	[tilespmem:s20], [sflag:$0x1] =	stream.indirect.gather [hbm4b:s6+s16], $0x40, s31, s16, $0xb8;
	[tilespmem:$0x1F700] =	vst v63  }
0xe0: {  	_ =	swait.ge [sflag:s21], $0x2000  }
0xe1: {  	[sflag:s21] =	ssyncset.done $0x0  }
0xe2: {  	s26 =	simm.s32 $0x4080;
	[sflag:s21] =	ssyncadd.s32 $0xFFFFE000  }
0xe3: {  	[spmem:s2] =	stream.indirect.scatter.add.f32 [tilespmem:s17], [sflag:$0x2], $0x40, s26, s16, $0xb8;
	[tilespmem:$0x1F700] =	vst v63  }
0xe4: {  	_ =	swait.ge [sflag:s25], $0x2000  }
0xe5: {  	[sflag:s25] =	ssyncset.done $0x0  }
0xe6: {  	s24 =	simm.s32 $0x380;
	[sflag:s25] =	ssyncadd.s32 $0xFFFFE000  }
0xe7: {  	[tilespmem:s23], [sflag:$0x1] =	stream.indirect.gather [hbm4b:s6+s16], $0x40, s24, s16, $0xb8;
	[tilespmem:$0x1F700] =	vst v63  }
0xe8: {  	_ =	swait.ge [sflag:s21], $0x2000  }
0xe9: {  	[sflag:s21] =	ssyncset.done $0x0  }
0xea: {  	s26 =	simm.s32 $0x4100;
	[sflag:s21] =	ssyncadd.s32 $0xFFFFE000  }
0xeb: {  	[spmem:s2] =	stream.indirect.scatter.add.f32 [tilespmem:s18], [sflag:$0x2], $0x40, s26, s16, $0xb8;
	[tilespmem:$0x1F700] =	vst v63  }
0xec: {  	_ =	swait.ge [sflag:s25], $0x2000  }
0xed: {  	[sflag:s25] =	ssyncset.done $0x0  }
0xee: {  	s24 =	simm.s32 $0x400;
	[sflag:s25] =	ssyncadd.s32 $0xFFFFE000  }
0xef: {  	[tilespmem:s17], [sflag:$0x1] =	stream.indirect.gather [hbm4b:s6+s16], $0x40, s24, s16, $0xb8;
	[tilespmem:$0x1F700] =	vst v63  }
0xf0: {  	_ =	swait.ge [sflag:s21], $0x2000  }
0xf1: {  	[sflag:s21] =	ssyncset.done $0x0  }
0xf2: {  	s26 =	simm.s32 $0x4180;
	[sflag:s21] =	ssyncadd.s32 $0xFFFFE000  }
0xf3: {  	[spmem:s2] =	stream.indirect.scatter.add.f32 [tilespmem:s20], [sflag:$0x2], $0x40, s26, s16, $0xb8;
	[tilespmem:$0x1F700] =	vst v63  }
0xf4: {  	_ =	swait.ge [sflag:s25], $0x2000  }
0xf5: {  	[sflag:s25] =	ssyncset.done $0x0  }
0xf6: {  	s24 =	simm.s32 $0x480;
	[sflag:s25] =	ssyncadd.s32 $0xFFFFE000  }
0xf7: {  	[tilespmem:s18], [sflag:$0x1] =	stream.indirect.gather [hbm4b:s6+s16], $0x40, s24, s16, $0xb8;
	[tilespmem:$0x1F700] =	vst v63  }
0xf8: {  	_ =	swait.ge [sflag:s21], $0x2000  }
0xf9: {  	[sflag:s21] =	ssyncset.done $0x0  }
0xfa: {  	s26 =	simm.s32 $0x4200;
	[sflag:s21] =	ssyncadd.s32 $0xFFFFE000  }
0xfb: {  	[spmem:s2] =	stream.indirect.scatter.add.f32 [tilespmem:s23], [sflag:$0x2], $0x40, s26, s16, $0xb8;
	[tilespmem:$0x1F700] =	vst v63  }
0xfc: {  	_ =	swait.ge [sflag:s25], $0x2000  }
0xfd: {  	[sflag:s25] =	ssyncset.done $0x0  }
0xfe: {  	s22 =	simm.s32 $0x800;
	s24 =	simm.s32 $0x500;
	[sflag:s25] =	ssyncadd.s32 $0xFFFFE000  }
.LBB2_4:
0xff: {  	[tilespmem:s20], [sflag:$0x1] =	stream.indirect.gather [hbm4b:s6+s16], $0x40, s24, s16, $0xb8;
	[tilespmem:$0x1F700] =	vst v63  }
0x100: {  	s24 =	smov.u32 s22  }
0x101: {  	p0 =	sne.s32 s22, $0xE000;
	s22 =	sadd.s32 $0x800, s22;
	_ =	swait.ge [sflag:s21], $0x2000  }
0x102: {  	s24 =	sshra.s32 s24, $0x2;
	[sflag:s21] =	ssyncset.done $0x0  }
0x103: {  	s26 =	sadd.s32 $0x4080, s24;
	[sflag:s21] =	ssyncadd.s32 $0xFFFFE000  }
0x104: {  	[spmem:s2] =	stream.indirect.scatter.add.f32 [tilespmem:s17], [sflag:$0x2], $0x40, s26, s16, $0xb8;
	[tilespmem:$0x1F700] =	vst v63  }
0x105: {  	_ =	swait.ge [sflag:s25], $0x2000  }
0x106: {  	[sflag:s25] =	ssyncset.done $0x0  }
0x107: {  	s26 =	sadd.s32 $0x380, s24;
	[sflag:s25] =	ssyncadd.s32 $0xFFFFE000  }
0x108: {  	[tilespmem:s23], [sflag:$0x1] =	stream.indirect.gather [hbm4b:s6+s16], $0x40, s26, s16, $0xb8;
	[tilespmem:$0x1F700] =	vst v63  }
0x109: {  	_ =	swait.ge [sflag:s21], $0x2000  }
0x10a: {  	[sflag:s21] =	ssyncset.done $0x0  }
0x10b: {  	s26 =	sadd.s32 $0x4100, s24;
	[sflag:s21] =	ssyncadd.s32 $0xFFFFE000  }
0x10c: {  	[spmem:s2] =	stream.indirect.scatter.add.f32 [tilespmem:s18], [sflag:$0x2], $0x40, s26, s16, $0xb8;
	[tilespmem:$0x1F700] =	vst v63  }
0x10d: {  	_ =	swait.ge [sflag:s25], $0x2000  }
0x10e: {  	[sflag:s25] =	ssyncset.done $0x0  }
0x10f: {  	s26 =	sadd.s32 $0x400, s24;
	[sflag:s25] =	ssyncadd.s32 $0xFFFFE000  }
0x110: {  	[tilespmem:s17], [sflag:$0x1] =	stream.indirect.gather [hbm4b:s6+s16], $0x40, s26, s16, $0xb8;
	[tilespmem:$0x1F700] =	vst v63  }
0x111: {  	_ =	swait.ge [sflag:s21], $0x2000  }
0x112: {  	[sflag:s21] =	ssyncset.done $0x0  }
0x113: {  	s26 =	sadd.s32 $0x4180, s24;
	[sflag:s21] =	ssyncadd.s32 $0xFFFFE000  }
0x114: {  	[spmem:s2] =	stream.indirect.scatter.add.f32 [tilespmem:s20], [sflag:$0x2], $0x40, s26, s16, $0xb8;
	[tilespmem:$0x1F700] =	vst v63  }
0x115: {  	_ =	swait.ge [sflag:s25], $0x2000  }
0x116: {  	[sflag:s25] =	ssyncset.done $0x0  }
0x117: {  	s26 =	sadd.s32 $0x480, s24;
	[sflag:s25] =	ssyncadd.s32 $0xFFFFE000  }
0x118: {  	[tilespmem:s18], [sflag:$0x1] =	stream.indirect.gather [hbm4b:s6+s16], $0x40, s26, s16, $0xb8;
	[tilespmem:$0x1F700] =	vst v63  }
0x119: {  	_ =	swait.ge [sflag:s21], $0x2000  }
0x11a: {  	[sflag:s21] =	ssyncset.done $0x0  }
.Ltmp1:
0x11b: {  	s26 =	sadd.s32 $0x4200, s24;
	[sflag:s21] =	ssyncadd.s32 $0xFFFFE000;
	(pc) =	sbr.rel @p0 .LBB2_4-.Ltmp1, $4  }
0x11c: {  	[spmem:s2] =	stream.indirect.scatter.add.f32 [tilespmem:s23], [sflag:$0x2], $0x40, s26, s16, $0xb8;
	[tilespmem:$0x1F700] =	vst v63  }
0x11d: {  	_ =	swait.ge [sflag:s25], $0x2000  }
0x11e: {  	[sflag:s25] =	ssyncset.done $0x0  }
0x11f: {  	s24 =	sadd.s32 $0x500, s24;
	[sflag:s25] =	ssyncadd.s32 $0xFFFFE000  }
0x120: {  	[tilespmem:s20], [sflag:$0x1] =	stream.indirect.gather [hbm4b:s6+s16], $0x40, s24, s16, $0xb8;
	[tilespmem:$0x1F700] =	vst v63  }
0x121: {  	_ =	swait.ge [sflag:s21], $0x2000  }
0x122: {  	[sflag:s21] =	ssyncset.done $0x0  }
0x123: {  	[sflag:s21] =	ssyncadd.s32 $0xFFFFE000  }
0x124: {  	[spmem:s2] =	stream.indirect.scatter.add.f32 [tilespmem:s17], [sflag:$0x2], $0x40, s0, s16, $0xb8;
	[tilespmem:$0x1F700] =	vst v63  }
0x125: {  	_ =	swait.ge [sflag:s25], $0x2000  }
0x126: {  	[sflag:s25] =	ssyncset.done $0x0  }
0x127: {  	[sflag:s25] =	ssyncadd.s32 $0xFFFFE000  }
0x128: {  	[tilespmem:s23], [sflag:$0x1] =	stream.indirect.gather [hbm4b:s6+s16], $0x40, s1, s16, $0xb8;
	[tilespmem:$0x1F700] =	vst v63  }
0x129: {  	_ =	swait.ge [sflag:s21], $0x2000  }
0x12a: {  	[sflag:s21] =	ssyncset.done $0x0  }
0x12b: {  	[sflag:s21] =	ssyncadd.s32 $0xFFFFE000  }
0x12c: {  	[spmem:s2] =	stream.indirect.scatter.add.f32 [tilespmem:s18], [sflag:$0x2], $0x40, s7, s16, $0xb8;
	[tilespmem:$0x1F700] =	vst v63  }
0x12d: {  	_ =	swait.ge [sflag:s25], $0x2000  }
0x12e: {  	[sflag:s25] =	ssyncset.done $0x0  }
0x12f: {  	[sflag:s25] =	ssyncadd.s32 $0xFFFFE000  }
0x130: {  	[tilespmem:s17], [sflag:$0x1] =	stream.indirect.gather [hbm4b:s6+s16], $0x40, s8, s16, $0xb8;
	[tilespmem:$0x1F700] =	vst v63  }
0x131: {  	_ =	swait.ge [sflag:s21], $0x2000  }
0x132: {  	[sflag:s21] =	ssyncset.done $0x0  }
0x133: {  	[sflag:s21] =	ssyncadd.s32 $0xFFFFE000  }
0x134: {  	[spmem:s2] =	stream.indirect.scatter.add.f32 [tilespmem:s20], [sflag:$0x2], $0x40, s9, s16, $0xb8;
	[tilespmem:$0x1F700] =	vst v63  }
0x135: {  	_ =	swait.ge [sflag:s25], $0x2000  }
0x136: {  	[sflag:s25] =	ssyncset.done $0x0  }
0x137: {  	[sflag:s25] =	ssyncadd.s32 $0xFFFFE000  }
0x138: {  	_ =	swait.ge [sflag:s21], $0x2000  }
0x139: {  	[sflag:s21] =	ssyncset.done $0x0  }
0x13a: {  	[sflag:s21] =	ssyncadd.s32 $0xFFFFE000  }
0x13b: {  	[spmem:s2] =	stream.indirect.scatter.add.f32 [tilespmem:s23], [sflag:$0x2], $0x40, s10, s16, $0xb8;
	[tilespmem:$0x1F700] =	vst v63  }
0x13c: {  	_ =	swait.ge [sflag:s25], $0x2000  }
0x13d: {  	[sflag:s25] =	ssyncset.done $0x0  }
0x13e: {  	[sflag:s25] =	ssyncadd.s32 $0xFFFFE000  }
0x13f: {  	_ =	swait.ge [sflag:s21], $0x2000  }
0x140: {  	[sflag:s21] =	ssyncset.done $0x0  }
0x141: {  	[sflag:s21] =	ssyncadd.s32 $0xFFFFE000  }
0x142: {  	[spmem:s2] =	stream.indirect.scatter.add.f32 [tilespmem:s17], [sflag:$0x2], $0x40, s11, s16, $0xb8;
	[tilespmem:$0x1F700] =	vst v63  }
0x143: {  	_ =	swait.ge [sflag:s25], $0x2000  }
0x144: {  	[sflag:s25] =	ssyncset.done $0x0  }
0x145: {  	[sflag:s25] =	ssyncadd.s32 $0xFFFFE000  }
0x146: {  	_ =	swait.ge [sflag:s25], $0x2000  }
0x147: {  	[sflag:s25] =	ssyncset.done $0x0  }
0x148: {  	[sflag:s25] =	ssyncadd.s32 $0xFFFFE000  }
0x149: {  	[bflag:$0x0] =	sbarrier.arrive $0xFFFF  }
0x14a: {  	s22 =	rddreg [dreg:$0x7]  }
0x14b: {  	[hbm:s22], [sflag:s14] =	dma.local [spmem:s15], $0x1F40  }
0x14c: {  	_ =	swait.ge [sflag:s12], $0x1F40  }
0x14d: {  	s19 =	sadd.s32 $0x1, s19;
	s26 =	rddreg [dreg:$0x5]  }
0x14e: {  	p0 =	sne.s32 s19, s26  }
.Ltmp2:
0x14f: {  	_ = 	snop;
	(pc) =	sbr.rel @p0 .LBB2_1-.Ltmp2, $3  }
0x150: {  	[sflag:s12] =	ssyncset.done $0x0  }
0x151: {  	[sflag:s12] =	ssyncadd.s32 $0xFFFFE0C0  }
0x152: {  	[bflag:$0x0] =	sbarrier.arrive $0xFFFF;
	_ =	sdelay $0x1  }
0x153: {  	_ =	sfence.sel $0x180000  }
0x154: {  	[bflag:$0x0] =	sbarrier.arrive $0xFFFF  }
0x155: {  	_ =	strace $0x9000004A  }
0x156: {  	s0 =	stileid.u32;
	[bflag:$0x2] =	sbarrier.arrive $0xFFFF  }
0x157: {  	p0 =	sne.s32 s0, $0x0;
	s0 =	rddreg [dreg:$0x2]  }
0x158: {  	s0 =	sadd.s32 @!p0 $0x100000, s0  }
0x159: {  	[sflag:s0] =	ssyncadd.tile.s32 @!p0 $0x1;
	_ =	shalt  }
.Lfunc_end2:
_tile_overlayer_lowered:
.L_overlay_start_2:
0x15a: {  	(tag) =	ssettag $0x2  }
0x15b: {  	s0 =	rddreg [dreg:$0x0];
	s2 =	stileid.u32  }
0x15c: {  	s1 =	rddreg [dreg:$0x1];
	p0 =	sne.s32 s2, $0x0  }
0x15d: {  	s3 =	rddreg [dreg:$0x2];
	[bflag:$0x3] =	sbarrier.arrive $0xFFFF;
	s2 =	simm.s32 @!p0 $0x1C03  }
0x15e: {  	[timem:s3], [sflag:s2] =	dma.local @!p0 [hbm:s0], s1  }
0x15f: {  	s0 =	simm.s32 @!p0 $0x3  }
0x160: {  	_ =	swait.ge @!p0 [sflag:s0], s1  }
0x161: {  	s1 =	ssub.s32 @!p0 $0x0, s1;
	[sflag:s0] =	ssyncset.done @!p0 $0x0  }
0x162: {  	[sflag:s0] =	ssyncadd.s32 @!p0 s1  }
0x163: {  	[bflag:$0x3] =	sbarrier.arrive $0xFFFF  }
0x164: {  	_ =	shalt  }

</sc_bundles>
